<compile_context>
chip_gen: v7x
topology: tpu7x:2x2x1
jax: 0.10.2.dev20260603
libtpu: 0.0.44.dev20260713+nightly
codegen_flags: <defaults>
</compile_context>

<pallas_src>
import jax
import jax.numpy as jnp
from jax import lax
from jax.experimental import pallas as pl
from jax.experimental.pallas import tpu as pltpu
from jax.experimental.pallas import tpu_sc as plsc

N_FIELDS = 26
VOCAB = 100000
EMBED_DIM = 16
BATCH = 16384
D_CON = 13
D_OUT = D_CON + N_FIELDS * EMBED_DIM

NC, NS, L = 2, 16, 16
F_PER_SC = N_FIELDS // NC
BW = BATCH // NS
STRIPE = 6256
V0_CAP = VOCAB - STRIPE
GSUB = 128
EQ = 4
N_Q = EMBED_DIM // EQ


def _body(x_con_hbm, x_cat_hbm, tables_hbm, out_hbm,
          idx_v, fidx_v, outb_v, slab_a, slab_b,
          sem_a, sem_b, idx_sem, g_sem, wr_sem):
    sc = lax.axis_index("c")
    t = lax.axis_index("s")
    col0 = t * BW
    stripe_v0 = pl.multiple_of(jnp.minimum(t * STRIPE, V0_CAP), 8)
    f0 = sc * F_PER_SC

    pltpu.sync_copy(x_con_hbm.at[:, pl.ds(col0, BW)],
                    outb_v.at[pl.ds(0, D_CON)])
    pltpu.sync_copy(outb_v.at[pl.ds(0, D_CON)],
                    out_hbm.at[pl.ds(0, D_CON), pl.ds(col0, BW)])

    def stage_quarter(i, q, slot, sem):
        for e in range(EQ):
            pltpu.async_copy(
                tables_hbm.at[i, q * EQ + e, pl.ds(stripe_v0, STRIPE)],
                slot.at[pl.ds(e * VOCAB + stripe_v0, STRIPE)],
                sem)

    def wait_quarter(slot, sem):
        for e in range(EQ):
            pltpu.make_async_copy(
                tables_hbm.at[0, 0, pl.ds(0, STRIPE)],
                slot.at[pl.ds(0, STRIPE)], sem).wait()

    def fetch_idx(i):
        pltpu.async_copy(
            x_cat_hbm.at[pl.ds(i * BATCH + col0, BW)], idx_v, idx_sem)

    def wait_idx():
        pltpu.make_async_copy(
            x_cat_hbm.at[pl.ds(0, BW)], idx_v, idx_sem).wait()

    def gather_quarter(slot, q):
        copies = []
        for c in range(EQ * BW // GSUB):
            e = c // (BW // GSUB)
            cc = c % (BW // GSUB)
            copies.append(pltpu.async_copy(
                slot.at[fidx_v.at[pl.ds(e * BW + cc * GSUB, GSUB)]],
                outb_v.at[q * EQ + e, pl.ds(cc * GSUB, GSUB)],
                g_sem))
        for cp in copies:
            cp.wait()

    def drain_write():
        pltpu.make_async_copy(
            tables_hbm.at[0, :, pl.ds(0, BW)], outb_v, wr_sem).wait()

    stage_quarter(f0, 0, slab_a, sem_a)
    stage_quarter(f0, 1, slab_b, sem_b)
    fetch_idx(f0)
    pltpu.async_copy(
        outb_v, out_hbm.at[pl.ds(D_CON + f0 * EMBED_DIM, EMBED_DIM),
                           pl.ds(col0, BW)], wr_sem)

    def do_field(j, carry):
        i = f0 + j
        nxt = jnp.minimum(i + 1, f0 + F_PER_SC - 1)
        wait_idx()

        def build(w, c2):
            v16 = idx_v[pl.ds(w * L, L)]
            for e in range(EQ):
                fidx_v[pl.ds(e * BW + w * L, L)] = v16 + e * VOCAB
            return c2

        lax.fori_loop(0, BW // L, build, 0)
        fetch_idx(nxt)

        drain_write()

        for q in range(N_Q):
            slot = slab_a if q % 2 == 0 else slab_b
            sem = sem_a if q % 2 == 0 else sem_b
            wait_quarter(slot, sem)
            plsc.subcore_barrier()
            gather_quarter(slot, q)
            plsc.subcore_barrier()
            if q < N_Q - 2:
                stage_quarter(i, q + 2, slot, sem)
            else:
                stage_quarter(nxt, q + 2 - N_Q, slot, sem)

        pltpu.async_copy(
            outb_v, out_hbm.at[pl.ds(D_CON + i * EMBED_DIM, EMBED_DIM),
                               pl.ds(col0, BW)], wr_sem)
        return carry

    lax.fori_loop(0, F_PER_SC, do_field, 0)

    drain_write()
    wait_idx()
    wait_quarter(slab_a, sem_a)
    wait_quarter(slab_b, sem_b)


@jax.jit
def _run(x_con_t, x_cat_flat, tables_t):
    kern = pl.kernel(
        _body,
        out_type=jax.ShapeDtypeStruct((D_OUT, BATCH), jnp.float32),
        mesh=plsc.VectorSubcoreMesh(core_axis_name="c", subcore_axis_name="s"),
        scratch_types=[
            pltpu.VMEM((BW,), jnp.int32),
            pltpu.VMEM((EQ * BW,), jnp.int32),
            pltpu.VMEM((EMBED_DIM, BW), jnp.float32),
            pltpu.VMEM_SHARED((EQ * VOCAB,), jnp.float32),
            pltpu.VMEM_SHARED((EQ * VOCAB,), jnp.float32),
            pltpu.SemaphoreType.DMA,
            pltpu.SemaphoreType.DMA,
            pltpu.SemaphoreType.DMA,
            pltpu.SemaphoreType.DMA,
            pltpu.SemaphoreType.DMA,
        ],
        compiler_params=pltpu.CompilerParams(use_tc_tiling_on_sc=False),
    )
    return kern(x_con_t, x_cat_flat, tables_t)


def kernel(x_con, x_cat, tables):
    x_con_t = x_con.T
    x_cat_flat = x_cat.reshape(N_FIELDS * BATCH)
    tables_t = tables.transpose(0, 2, 1)
    return _run(x_con_t, x_cat_flat, tables_t).T

# --- scband reference (transcript-rebuilt; emitter-appended) ---
"""Pipeline reference for scband-qmodel-10067403342293 (READ-ONLY COPY).

The authoritative reference and input builder live on the scoring server;
editing this copy changes nothing except your own understanding.
"""

import jax, jax.numpy as jnp
import numpy as np

N_FIELDS = 26
VOCAB = 100000
EMBED_DIM = 16
BATCH = 16384
D_CON = 13

def setup_inputs(seed: int = 0) -> dict:
    key = jax.random.key(seed)
    k1, k2, k3 = jax.random.split(key, 3)
    x_con = jax.random.normal(k1, (BATCH, D_CON), dtype=jnp.float32)
    x_cat = jax.random.randint(k2, (N_FIELDS, BATCH), 0, VOCAB, dtype=jnp.int32)
    # Learned embedding tables (one per categorical field), stacked: [N_FIELDS, VOCAB, EMBED_DIM]
    tables = jax.random.normal(k3, (N_FIELDS, VOCAB, EMBED_DIM), dtype=jnp.float32)
    return {"x_con": x_con, "x_cat": x_cat, "tables": tables}

def reference(x_con, x_cat, tables):
    # QModel.forward: per-field embedding lookup -> flatten(start_dim=1) -> concat -> concat with x_con.
    # Base class defines no self.layers contents, so the layer loop is a no-op (identity).
    emb = []
    for i in range(N_FIELDS):
        out = jnp.take(tables[i], x_cat[i], axis=0)  # [BATCH, EMBED_DIM]
        emb.append(out.reshape(out.shape[0], -1))
    emb = jnp.concatenate(emb, axis=1)  # [BATCH, N_FIELDS*EMBED_DIM]
    x = jnp.concatenate([x_con, emb], axis=1)  # [BATCH, D_CON + N_FIELDS*EMBED_DIM]
    return x

if __name__ == "__main__":
    import jax
    _d = setup_inputs()
    print(jax.jit(kernel)(*tuple(_d.values())))

</pallas_src>

<mosaic_0001>
#map = affine_map<(d0, d1) -> (0, 0)>
#map1 = affine_map<(d0, d1) -> (0)>
#map2 = affine_map<(d0, d1) -> (0, 0, 0)>
module attributes {stable_mosaic.version = 14 : i64} {
  func.func @_body(%arg0: i32, %arg1: i32, %arg2: memref<13x16384xf32, #tpu.memory_space<hbm>>, %arg3: memref<425984xi32, #tpu.memory_space<hbm>>, %arg4: memref<26x16x100000xf32, #tpu.memory_space<hbm>>, %arg5: memref<429x16384xf32, #tpu.memory_space<hbm>>, %arg6: memref<1024xi32, #tpu.memory_space<vmem>>, %arg7: memref<4096xi32, #tpu.memory_space<vmem>>, %arg8: memref<16x1024xf32, #tpu.memory_space<vmem>>, %arg9: memref<400000xf32, #tpu.memory_space<vmem_shared>>, %arg10: memref<400000xf32, #tpu.memory_space<vmem_shared>>, %arg11: memref<!tpu.dma_semaphore, #tpu.memory_space<semaphore_mem>>, %arg12: memref<!tpu.dma_semaphore, #tpu.memory_space<semaphore_mem>>, %arg13: memref<!tpu.dma_semaphore, #tpu.memory_space<semaphore_mem>>, %arg14: memref<!tpu.dma_semaphore, #tpu.memory_space<semaphore_mem>>, %arg15: memref<!tpu.dma_semaphore, #tpu.memory_space<semaphore_mem>>) attributes {dimension_semantics = [#tpu.dimension_semantics<core_parallel>, #tpu.dimension_semantics<subcore_parallel>], iteration_bounds = array<i64: 2, 16>, scalar_prefetch = 0 : i64, scratch_operands = 10 : i64, tpu.core_type = #tpu.core_type<sc_vector_subcore>, window_params = [{transform_indices = #map}, {transform_indices = #map1}, {transform_indices = #map2}, {transform_indices = #map}]} {
    %mul3A = arith.constant 1024 : i32
    %mul3A_0 = arith.muli %arg1, %mul3A : i32
    %mul3A_1 = arith.constant 6256 : i32
    %mul3A_2 = arith.muli %arg1, %mul3A_1 : i32
    %min3A = arith.constant 93744 : i32
    %min3A_3 = arith.minsi %mul3A_2, %min3A : i32
    %multiple_of3A = tpu.assume_multiple %min3A_3, 8 : i32
    %mul3A_4 = arith.constant 13 : i32
    %mul3A_5 = arith.muli %arg0, %mul3A_4 : i32
    "tpu.region"() ({
      %run_scoped3A = tpu.sem_alloc : memref<!tpu.dma_semaphore, #tpu.memory_space<semaphore_mem>>
      %dma_start3A_136 = arith.constant 0 : i32
      %dma_start3A_137 = arith.constant 0 : i32
      %dma_start3A_138 = tpu.memref_slice %arg8[%dma_start3A_136, %dma_start3A_137] : memref<16x1024xf32, #tpu.memory_space<vmem>> -> memref<13x1024xf32, #tpu.memory_space<vmem>>
      %dma_start3A_139 = arith.constant 0 : i32
      %dma_start3A_140 = tpu.memref_slice %arg2[%dma_start3A_139, %mul3A_0] : memref<13x16384xf32, #tpu.memory_space<hbm>> -> memref<13x1024xf32, #tpu.memory_space<hbm>>
      %dma_start3A_141 = arith.constant 0 : i32
      %dma_start3A_142 = arith.constant 0 : i32
      %dma_start3A_143 = tpu.memref_slice %arg8[%dma_start3A_141, %dma_start3A_142] : memref<16x1024xf32, #tpu.memory_space<vmem>> -> memref<13x1024xf32, #tpu.memory_space<vmem>>
      %dma_start3A_144 = arith.constant 0 : i32
      %dma_start3A_145 = tpu.memref_slice %arg2[%dma_start3A_144, %mul3A_0] : memref<13x16384xf32, #tpu.memory_space<hbm>> -> memref<13x1024xf32, #tpu.memory_space<hbm>>
      tpu.enqueue_dma source(%dma_start3A_145 : memref<13x1024xf32, #tpu.memory_space<hbm>>) target(%dma_start3A_143 : memref<13x1024xf32, #tpu.memory_space<vmem>>) target_semaphore(%run_scoped3A : memref<!tpu.dma_semaphore, #tpu.memory_space<semaphore_mem>>)
      %dma_wait3A_146 = arith.constant 0 : i32
      %dma_wait3A_147 = arith.constant 0 : i32
      %dma_wait3A_148 = tpu.memref_slice %arg8[%dma_wait3A_146, %dma_wait3A_147] : memref<16x1024xf32, #tpu.memory_space<vmem>> -> memref<13x1024xf32, #tpu.memory_space<vmem>>
      %dma_wait3A_149 = arith.constant 0 : i32
      %dma_wait3A_150 = tpu.memref_slice %arg2[%dma_wait3A_149, %mul3A_0] : memref<13x16384xf32, #tpu.memory_space<hbm>> -> memref<13x1024xf32, #tpu.memory_space<hbm>>
      %dma_wait3A_151 = arith.constant 0 : i32
      %dma_wait3A_152 = arith.constant 0 : i32
      %dma_wait3A_153 = tpu.memref_slice %arg8[%dma_wait3A_151, %dma_wait3A_152] : memref<16x1024xf32, #tpu.memory_space<vmem>> -> memref<13x1024xf32, #tpu.memory_space<vmem>>
      %dma_wait3A_154 = arith.constant 0 : i32
      %dma_wait3A_155 = tpu.memref_slice %arg2[%dma_wait3A_154, %mul3A_0] : memref<13x16384xf32, #tpu.memory_space<hbm>> -> memref<13x1024xf32, #tpu.memory_space<hbm>>
      tpu.wait_dma2 semaphore(%run_scoped3A : memref<!tpu.dma_semaphore, #tpu.memory_space<semaphore_mem>>) src(%dma_wait3A_155 : memref<13x1024xf32, #tpu.memory_space<hbm>>) dst(%dma_wait3A_153 : memref<13x1024xf32, #tpu.memory_space<vmem>>)
      tpu.yield
    }) : () -> ()
    "tpu.region"() ({
      %run_scoped3A = tpu.sem_alloc : memref<!tpu.dma_semaphore, #tpu.memory_space<semaphore_mem>>
      %dma_start3A_136 = arith.constant 0 : i32
      %dma_start3A_137 = arith.constant 0 : i32
      %dma_start3A_138 = tpu.memref_slice %arg8[%dma_start3A_136, %dma_start3A_137] : memref<16x1024xf32, #tpu.memory_space<vmem>> -> memref<13x1024xf32, #tpu.memory_space<vmem>>
      %dma_start3A_139 = arith.constant 0 : i32
      %dma_start3A_140 = tpu.memref_slice %arg5[%dma_start3A_139, %mul3A_0] : memref<429x16384xf32, #tpu.memory_space<hbm>> -> memref<13x1024xf32, #tpu.memory_space<hbm>>
      %dma_start3A_141 = arith.constant 0 : i32
      %dma_start3A_142 = tpu.memref_slice %arg5[%dma_start3A_141, %mul3A_0] : memref<429x16384xf32, #tpu.memory_space<hbm>> -> memref<13x1024xf32, #tpu.memory_space<hbm>>
      %dma_start3A_143 = arith.constant 0 : i32
      %dma_start3A_144 = arith.constant 0 : i32
      %dma_start3A_145 = tpu.memref_slice %arg8[%dma_start3A_143, %dma_start3A_144] : memref<16x1024xf32, #tpu.memory_space<vmem>> -> memref<13x1024xf32, #tpu.memory_space<vmem>>
      tpu.enqueue_dma source(%dma_start3A_145 : memref<13x1024xf32, #tpu.memory_space<vmem>>) target(%dma_start3A_142 : memref<13x1024xf32, #tpu.memory_space<hbm>>) target_semaphore(%run_scoped3A : memref<!tpu.dma_semaphore, #tpu.memory_space<semaphore_mem>>)
      %dma_wait3A_146 = arith.constant 0 : i32
      %dma_wait3A_147 = arith.constant 0 : i32
      %dma_wait3A_148 = tpu.memref_slice %arg8[%dma_wait3A_146, %dma_wait3A_147] : memref<16x1024xf32, #tpu.memory_space<vmem>> -> memref<13x1024xf32, #tpu.memory_space<vmem>>
      %dma_wait3A_149 = arith.constant 0 : i32
      %dma_wait3A_150 = tpu.memref_slice %arg5[%dma_wait3A_149, %mul3A_0] : memref<429x16384xf32, #tpu.memory_space<hbm>> -> memref<13x1024xf32, #tpu.memory_space<hbm>>
      %dma_wait3A_151 = arith.constant 0 : i32
      %dma_wait3A_152 = tpu.memref_slice %arg5[%dma_wait3A_151, %mul3A_0] : memref<429x16384xf32, #tpu.memory_space<hbm>> -> memref<13x1024xf32, #tpu.memory_space<hbm>>
      %dma_wait3A_153 = arith.constant 0 : i32
      %dma_wait3A_154 = arith.constant 0 : i32
      %dma_wait3A_155 = tpu.memref_slice %arg8[%dma_wait3A_153, %dma_wait3A_154] : memref<16x1024xf32, #tpu.memory_space<vmem>> -> memref<13x1024xf32, #tpu.memory_space<vmem>>
      tpu.wait_dma2 semaphore(%run_scoped3A : memref<!tpu.dma_semaphore, #tpu.memory_space<semaphore_mem>>) src(%dma_wait3A_155 : memref<13x1024xf32, #tpu.memory_space<vmem>>) dst(%dma_wait3A_152 : memref<13x1024xf32, #tpu.memory_space<hbm>>)
      tpu.yield
    }) : () -> ()
    %add3A = arith.constant 0 : i32
    %add3A_6 = arith.addi %add3A, %multiple_of3A : i32
    %dma_start3A = arith.constant 0 : i32
    %dma_start3A_7 = tpu.memref_slice %arg9[%add3A_6] : memref<400000xf32, #tpu.memory_space<vmem_shared>> -> memref<6256xf32, #tpu.memory_space<vmem_shared>>
    %dma_start3A_8 = tpu.memref_slice %arg4[%mul3A_5, %dma_start3A, %multiple_of3A] : memref<26x16x100000xf32, #tpu.memory_space<hbm>> -> memref<1x1x6256xf32, #tpu.memory_space<hbm>>
    %dma_start3A_9 = tpu.memref_squeeze %dma_start3A_8 : memref<1x1x6256xf32, #tpu.memory_space<hbm>> -> memref<6256xf32, #tpu.memory_space<hbm>>
    tpu.enqueue_dma source(%dma_start3A_9 : memref<6256xf32, #tpu.memory_space<hbm>>) target(%dma_start3A_7 : memref<6256xf32, #tpu.memory_space<vmem_shared>>) target_semaphore(%arg11 : memref<!tpu.dma_semaphore, #tpu.memory_space<semaphore_mem>>)
    %add3A_10 = arith.constant 100000 : i32
    %add3A_11 = arith.addi %add3A_10, %multiple_of3A : i32
    %dma_start3A_12 = arith.constant 1 : i32
    %dma_start3A_13 = tpu.memref_slice %arg9[%add3A_11] : memref<400000xf32, #tpu.memory_space<vmem_shared>> -> memref<6256xf32, #tpu.memory_space<vmem_shared>>
    %dma_start3A_14 = tpu.memref_slice %arg4[%mul3A_5, %dma_start3A_12, %multiple_of3A] : memref<26x16x100000xf32, #tpu.memory_space<hbm>> -> memref<1x1x6256xf32, #tpu.memory_space<hbm>>
    %dma_start3A_15 = tpu.memref_squeeze %dma_start3A_14 : memref<1x1x6256xf32, #tpu.memory_space<hbm>> -> memref<6256xf32, #tpu.memory_space<hbm>>
    tpu.enqueue_dma source(%dma_start3A_15 : memref<6256xf32, #tpu.memory_space<hbm>>) target(%dma_start3A_13 : memref<6256xf32, #tpu.memory_space<vmem_shared>>) target_semaphore(%arg11 : memref<!tpu.dma_semaphore, #tpu.memory_space<semaphore_mem>>)
    %add3A_16 = arith.constant 200000 : i32
    %add3A_17 = arith.addi %add3A_16, %multiple_of3A : i32
    %dma_start3A_18 = arith.constant 2 : i32
    %dma_start3A_19 = tpu.memref_slice %arg9[%add3A_17] : memref<400000xf32, #tpu.memory_space<vmem_shared>> -> memref<6256xf32, #tpu.memory_space<vmem_shared>>
    %dma_start3A_20 = tpu.memref_slice %arg4[%mul3A_5, %dma_start3A_18, %multiple_of3A] : memref<26x16x100000xf32, #tpu.memory_space<hbm>> -> memref<1x1x6256xf32, #tpu.memory_space<hbm>>
    %dma_start3A_21 = tpu.memref_squeeze %dma_start3A_20 : memref<1x1x6256xf32, #tpu.memory_space<hbm>> -> memref<6256xf32, #tpu.memory_space<hbm>>
    tpu.enqueue_dma source(%dma_start3A_21 : memref<6256xf32, #tpu.memory_space<hbm>>) target(%dma_start3A_19 : memref<6256xf32, #tpu.memory_space<vmem_shared>>) target_semaphore(%arg11 : memref<!tpu.dma_semaphore, #tpu.memory_space<semaphore_mem>>)
    %add3A_22 = arith.constant 300000 : i32
    %add3A_23 = arith.addi %add3A_22, %multiple_of3A : i32
    %dma_start3A_24 = arith.constant 3 : i32
    %dma_start3A_25 = tpu.memref_slice %arg9[%add3A_23] : memref<400000xf32, #tpu.memory_space<vmem_shared>> -> memref<6256xf32, #tpu.memory_space<vmem_shared>>
    %dma_start3A_26 = tpu.memref_slice %arg4[%mul3A_5, %dma_start3A_24, %multiple_of3A] : memref<26x16x100000xf32, #tpu.memory_space<hbm>> -> memref<1x1x6256xf32, #tpu.memory_space<hbm>>
    %dma_start3A_27 = tpu.memref_squeeze %dma_start3A_26 : memref<1x1x6256xf32, #tpu.memory_space<hbm>> -> memref<6256xf32, #tpu.memory_space<hbm>>
    tpu.enqueue_dma source(%dma_start3A_27 : memref<6256xf32, #tpu.memory_space<hbm>>) target(%dma_start3A_25 : memref<6256xf32, #tpu.memory_space<vmem_shared>>) target_semaphore(%arg11 : memref<!tpu.dma_semaphore, #tpu.memory_space<semaphore_mem>>)
    %add3A_28 = arith.constant 0 : i32
    %add3A_29 = arith.addi %add3A_28, %multiple_of3A : i32
    %dma_start3A_30 = arith.constant 4 : i32
    %dma_start3A_31 = tpu.memref_slice %arg10[%add3A_29] : memref<400000xf32, #tpu.memory_space<vmem_shared>> -> memref<6256xf32, #tpu.memory_space<vmem_shared>>
    %dma_start3A_32 = tpu.memref_slice %arg4[%mul3A_5, %dma_start3A_30, %multiple_of3A] : memref<26x16x100000xf32, #tpu.memory_space<hbm>> -> memref<1x1x6256xf32, #tpu.memory_space<hbm>>
    %dma_start3A_33 = tpu.memref_squeeze %dma_start3A_32 : memref<1x1x6256xf32, #tpu.memory_space<hbm>> -> memref<6256xf32, #tpu.memory_space<hbm>>
    tpu.enqueue_dma source(%dma_start3A_33 : memref<6256xf32, #tpu.memory_space<hbm>>) target(%dma_start3A_31 : memref<6256xf32, #tpu.memory_space<vmem_shared>>) target_semaphore(%arg12 : memref<!tpu.dma_semaphore, #tpu.memory_space<semaphore_mem>>)
    %add3A_34 = arith.constant 100000 : i32
    %add3A_35 = arith.addi %add3A_34, %multiple_of3A : i32
    %dma_start3A_36 = arith.constant 5 : i32
    %dma_start3A_37 = tpu.memref_slice %arg10[%add3A_35] : memref<400000xf32, #tpu.memory_space<vmem_shared>> -> memref<6256xf32, #tpu.memory_space<vmem_shared>>
    %dma_start3A_38 = tpu.memref_slice %arg4[%mul3A_5, %dma_start3A_36, %multiple_of3A] : memref<26x16x100000xf32, #tpu.memory_space<hbm>> -> memref<1x1x6256xf32, #tpu.memory_space<hbm>>
    %dma_start3A_39 = tpu.memref_squeeze %dma_start3A_38 : memref<1x1x6256xf32, #tpu.memory_space<hbm>> -> memref<6256xf32, #tpu.memory_space<hbm>>
    tpu.enqueue_dma source(%dma_start3A_39 : memref<6256xf32, #tpu.memory_space<hbm>>) target(%dma_start3A_37 : memref<6256xf32, #tpu.memory_space<vmem_shared>>) target_semaphore(%arg12 : memref<!tpu.dma_semaphore, #tpu.memory_space<semaphore_mem>>)
    %add3A_40 = arith.constant 200000 : i32
    %add3A_41 = arith.addi %add3A_40, %multiple_of3A : i32
    %dma_start3A_42 = arith.constant 6 : i32
    %dma_start3A_43 = tpu.memref_slice %arg10[%add3A_41] : memref<400000xf32, #tpu.memory_space<vmem_shared>> -> memref<6256xf32, #tpu.memory_space<vmem_shared>>
    %dma_start3A_44 = tpu.memref_slice %arg4[%mul3A_5, %dma_start3A_42, %multiple_of3A] : memref<26x16x100000xf32, #tpu.memory_space<hbm>> -> memref<1x1x6256xf32, #tpu.memory_space<hbm>>
    %dma_start3A_45 = tpu.memref_squeeze %dma_start3A_44 : memref<1x1x6256xf32, #tpu.memory_space<hbm>> -> memref<6256xf32, #tpu.memory_space<hbm>>
    tpu.enqueue_dma source(%dma_start3A_45 : memref<6256xf32, #tpu.memory_space<hbm>>) target(%dma_start3A_43 : memref<6256xf32, #tpu.memory_space<vmem_shared>>) target_semaphore(%arg12 : memref<!tpu.dma_semaphore, #tpu.memory_space<semaphore_mem>>)
    %add3A_46 = arith.constant 300000 : i32
    %add3A_47 = arith.addi %add3A_46, %multiple_of3A : i32
    %dma_start3A_48 = arith.constant 7 : i32
    %dma_start3A_49 = tpu.memref_slice %arg10[%add3A_47] : memref<400000xf32, #tpu.memory_space<vmem_shared>> -> memref<6256xf32, #tpu.memory_space<vmem_shared>>
    %dma_start3A_50 = tpu.memref_slice %arg4[%mul3A_5, %dma_start3A_48, %multiple_of3A] : memref<26x16x100000xf32, #tpu.memory_space<hbm>> -> memref<1x1x6256xf32, #tpu.memory_space<hbm>>
    %dma_start3A_51 = tpu.memref_squeeze %dma_start3A_50 : memref<1x1x6256xf32, #tpu.memory_space<hbm>> -> memref<6256xf32, #tpu.memory_space<hbm>>
    tpu.enqueue_dma source(%dma_start3A_51 : memref<6256xf32, #tpu.memory_space<hbm>>) target(%dma_start3A_49 : memref<6256xf32, #tpu.memory_space<vmem_shared>>) target_semaphore(%arg12 : memref<!tpu.dma_semaphore, #tpu.memory_space<semaphore_mem>>)
    %mul3A_52 = arith.constant 16384 : i32
    %mul3A_53 = arith.muli %mul3A_5, %mul3A_52 : i32
    %add3A_54 = arith.addi %mul3A_53, %mul3A_0 : i32
    %dma_start3A_55 = tpu.memref_slice %arg3[%add3A_54] : memref<425984xi32, #tpu.memory_space<hbm>> -> memref<1024xi32, #tpu.memory_space<hbm>>
    %dma_start3A_56 = tpu.memref_slice %arg3[%add3A_54] : memref<425984xi32, #tpu.memory_space<hbm>> -> memref<1024xi32, #tpu.memory_space<hbm>>
    tpu.enqueue_dma source(%dma_start3A_56 : memref<1024xi32, #tpu.memory_space<hbm>>) target(%arg6 : memref<1024xi32, #tpu.memory_space<vmem>>) target_semaphore(%arg13 : memref<!tpu.dma_semaphore, #tpu.memory_space<semaphore_mem>>)
    %mul3A_57 = arith.constant 16 : i32
    %mul3A_58 = arith.muli %mul3A_5, %mul3A_57 : i32
    %add3A_59 = arith.constant 13 : i32
    %add3A_60 = arith.addi %add3A_59, %mul3A_58 : i32
    %dma_start3A_61 = tpu.memref_slice %arg5[%add3A_60, %mul3A_0] : memref<429x16384xf32, #tpu.memory_space<hbm>> -> memref<16x1024xf32, #tpu.memory_space<hbm>>
    %dma_start3A_62 = tpu.memref_slice %arg5[%add3A_60, %mul3A_0] : memref<429x16384xf32, #tpu.memory_space<hbm>> -> memref<16x1024xf32, #tpu.memory_space<hbm>>
    tpu.enqueue_dma source(%arg8 : memref<16x1024xf32, #tpu.memory_space<vmem>>) target(%dma_start3A_62 : memref<16x1024xf32, #tpu.memory_space<hbm>>) target_semaphore(%arg15 : memref<!tpu.dma_semaphore, #tpu.memory_space<semaphore_mem>>)
    %scan3A = arith.constant 0 : i32
    %scan3A_63 = arith.constant 0 : i32
    %scan3A_64 = arith.constant 13 : i32
    %scan3A_65 = arith.addi %scan3A_63, %scan3A_64 : i32
    %scan3A_66 = arith.constant 1 : i32
    scf.for %scan3A_136 = %scan3A_63 to %scan3A_65 step %scan3A_66  : i32 {
      %add3A_137 = arith.addi %mul3A_5, %scan3A_136 : i32
      %add3A_138 = arith.constant 1 : i32
      %add3A_139 = arith.addi %add3A_137, %add3A_138 : i32
      %add3A_140 = arith.constant 13 : i32
      %add3A_141 = arith.addi %mul3A_5, %add3A_140 : i32
      %sub3A = arith.constant 1 : i32
      %sub3A_142 = arith.subi %add3A_141, %sub3A : i32
      %min3A_143 = arith.minsi %add3A_139, %sub3A_142 : i32
      %dma_wait3A_144 = arith.constant 0 : i32
      %dma_wait3A_145 = tpu.memref_slice %arg3[%dma_wait3A_144] : memref<425984xi32, #tpu.memory_space<hbm>> -> memref<1024xi32, #tpu.memory_space<hbm>>
      %dma_wait3A_146 = arith.constant 0 : i32
      %dma_wait3A_147 = tpu.memref_slice %arg3[%dma_wait3A_146] : memref<425984xi32, #tpu.memory_space<hbm>> -> memref<1024xi32, #tpu.memory_space<hbm>>
      tpu.wait_dma2 semaphore(%arg13 : memref<!tpu.dma_semaphore, #tpu.memory_space<semaphore_mem>>) src(%dma_wait3A_147 : memref<1024xi32, #tpu.memory_space<hbm>>) dst(%arg6 : memref<1024xi32, #tpu.memory_space<vmem>>)
      %scan3A_148 = arith.constant 0 : i32
      %scan3A_149 = arith.constant 0 : i32
      %scan3A_150 = arith.constant 64 : i32
      %scan3A_151 = arith.addi %scan3A_149, %scan3A_150 : i32
      %scan3A_152 = arith.constant 1 : i32
      scf.for %scan3A_2437 = %scan3A_149 to %scan3A_151 step %scan3A_152  : i32 {
        %mul3A_2438 = arith.constant 16 : i32
        %mul3A_2439 = arith.muli %scan3A_2437, %mul3A_2438 : i32
        %get3A = arith.index_cast %mul3A_2439 : i32 to index
        %get3A_2440 = tpu.vector_load %arg6[%get3A] {strides = array<i32>} : memref<1024xi32, #tpu.memory_space<vmem>>, vector<16xi32>,
        %get3A_2441 = vector.shape_cast %get3A_2440 : vector<16xi32> to vector<16xi32>
        %add3A_2442 = arith.constant 0 : i32
        %add3A_2443 = vector.broadcast %add3A_2442 : i32 to vector<16xi32>
        %add3A_2444 = arith.addi %get3A_2441, %add3A_2443 : vector<16xi32>
        %mul3A_2445 = arith.constant 16 : i32
        %mul3A_2446 = arith.muli %scan3A_2437, %mul3A_2445 : i32
        %add3A_2447 = arith.constant 0 : i32
        %add3A_2448 = arith.addi %add3A_2447, %mul3A_2446 : i32
        %swap3A = arith.index_cast %add3A_2448 : i32 to index
        %swap3A_2449 = tpu.vector_load %arg7[%swap3A] {strides = array<i32>} : memref<4096xi32, #tpu.memory_space<vmem>>, vector<16xi32>,
        %swap3A_2450 = vector.shape_cast %swap3A_2449 : vector<16xi32> to vector<16xi32>
        %swap3A_2451 = vector.shape_cast %add3A_2444 : vector<16xi32> to vector<16xi32>
        tpu.vector_store %arg7[%swap3A], %swap3A_2451 {strides = array<i32>} : memref<4096xi32, #tpu.memory_space<vmem>>, vector<16xi32>,
        %add3A_2452 = arith.constant 100000 : i32
        %add3A_2453 = vector.broadcast %add3A_2452 : i32 to vector<16xi32>
        %add3A_2454 = arith.addi %get3A_2441, %add3A_2453 : vector<16xi32>
        %mul3A_2455 = arith.constant 16 : i32
        %mul3A_2456 = arith.muli %scan3A_2437, %mul3A_2455 : i32
        %add3A_2457 = arith.constant 1024 : i32
        %add3A_2458 = arith.addi %add3A_2457, %mul3A_2456 : i32
        %swap3A_2459 = arith.index_cast %add3A_2458 : i32 to index
        %swap3A_2460 = tpu.vector_load %arg7[%swap3A_2459] {strides = array<i32>} : memref<4096xi32, #tpu.memory_space<vmem>>, vector<16xi32>,
        %swap3A_2461 = vector.shape_cast %swap3A_2460 : vector<16xi32> to vector<16xi32>
        %swap3A_2462 = vector.shape_cast %add3A_2454 : vector<16xi32> to vector<16xi32>
        tpu.vector_store %arg7[%swap3A_2459], %swap3A_2462 {strides = array<i32>} : memref<4096xi32, #tpu.memory_space<vmem>>, vector<16xi32>,
        %add3A_2463 = arith.constant 200000 : i32
        %add3A_2464 = vector.broadcast %add3A_2463 : i32 to vector<16xi32>
        %add3A_2465 = arith.addi %get3A_2441, %add3A_2464 : vector<16xi32>
        %mul3A_2466 = arith.constant 16 : i32
        %mul3A_2467 = arith.muli %scan3A_2437, %mul3A_2466 : i32
        %add3A_2468 = arith.constant 2048 : i32
        %add3A_2469 = arith.addi %add3A_2468, %mul3A_2467 : i32
        %swap3A_2470 = arith.index_cast %add3A_2469 : i32 to index
        %swap3A_2471 = tpu.vector_load %arg7[%swap3A_2470] {strides = array<i32>} : memref<4096xi32, #tpu.memory_space<vmem>>, vector<16xi32>,
        %swap3A_2472 = vector.shape_cast %swap3A_2471 : vector<16xi32> to vector<16xi32>
        %swap3A_2473 = vector.shape_cast %add3A_2465 : vector<16xi32> to vector<16xi32>
        tpu.vector_store %arg7[%swap3A_2470], %swap3A_2473 {strides = array<i32>} : memref<4096xi32, #tpu.memory_space<vmem>>, vector<16xi32>,
        %add3A_2474 = arith.constant 300000 : i32
        %add3A_2475 = vector.broadcast %add3A_2474 : i32 to vector<16xi32>
        %add3A_2476 = arith.addi %get3A_2441, %add3A_2475 : vector<16xi32>
        %mul3A_2477 = arith.constant 16 : i32
        %mul3A_2478 = arith.muli %scan3A_2437, %mul3A_2477 : i32
        %add3A_2479 = arith.constant 3072 : i32
        %add3A_2480 = arith.addi %add3A_2479, %mul3A_2478 : i32
        %swap3A_2481 = arith.index_cast %add3A_2480 : i32 to index
        %swap3A_2482 = tpu.vector_load %arg7[%swap3A_2481] {strides = array<i32>} : memref<4096xi32, #tpu.memory_space<vmem>>, vector<16xi32>,
        %swap3A_2483 = vector.shape_cast %swap3A_2482 : vector<16xi32> to vector<16xi32>
        %swap3A_2484 = vector.shape_cast %add3A_2476 : vector<16xi32> to vector<16xi32>
        tpu.vector_store %arg7[%swap3A_2481], %swap3A_2484 {strides = array<i32>} : memref<4096xi32, #tpu.memory_space<vmem>>, vector<16xi32>,
      }
      %scan3A_153 = arith.constant 64 : i32
      %mul3A_154 = arith.constant 16384 : i32
      %mul3A_155 = arith.muli %min3A_143, %mul3A_154 : i32
      %add3A_156 = arith.addi %mul3A_155, %mul3A_0 : i32
      %dma_start3A_157 = tpu.memref_slice %arg3[%add3A_156] : memref<425984xi32, #tpu.memory_space<hbm>> -> memref<1024xi32, #tpu.memory_space<hbm>>
      %dma_start3A_158 = tpu.memref_slice %arg3[%add3A_156] : memref<425984xi32, #tpu.memory_space<hbm>> -> memref<1024xi32, #tpu.memory_space<hbm>>
      tpu.enqueue_dma source(%dma_start3A_158 : memref<1024xi32, #tpu.memory_space<hbm>>) target(%arg6 : memref<1024xi32, #tpu.memory_space<vmem>>) target_semaphore(%arg13 : memref<!tpu.dma_semaphore, #tpu.memory_space<semaphore_mem>>)
      %dma_wait3A_159 = arith.constant 0 : i32
      %dma_wait3A_160 = arith.constant 0 : i32
      %dma_wait3A_161 = arith.constant 0 : i32
      %dma_wait3A_162 = tpu.memref_slice %arg4[%dma_wait3A_159, %dma_wait3A_160, %dma_wait3A_161] : memref<26x16x100000xf32, #tpu.memory_space<hbm>> -> memref<1x16x1024xf32, #tpu.memory_space<hbm>>
      %dma_wait3A_163 = tpu.memref_squeeze %dma_wait3A_162 : memref<1x16x1024xf32, #tpu.memory_space<hbm>> -> memref<16x1024xf32, #tpu.memory_space<hbm>>
      %dma_wait3A_164 = arith.constant 0 : i32
      %dma_wait3A_165 = arith.constant 0 : i32
      %dma_wait3A_166 = tpu.memref_slice %arg4[%dma_wait3A_159, %dma_wait3A_164, %dma_wait3A_165] : memref<26x16x100000xf32, #tpu.memory_space<hbm>> -> memref<1x16x1024xf32, #tpu.memory_space<hbm>>
      %dma_wait3A_167 = tpu.memref_squeeze %dma_wait3A_166 : memref<1x16x1024xf32, #tpu.memory_space<hbm>> -> memref<16x1024xf32, #tpu.memory_space<hbm>>
      tpu.wait_dma2 semaphore(%arg15 : memref<!tpu.dma_semaphore, #tpu.memory_space<semaphore_mem>>) src(%dma_wait3A_167 : memref<16x1024xf32, #tpu.memory_space<hbm>>) dst(%arg8 : memref<16x1024xf32, #tpu.memory_space<vmem>>)
      %dma_wait3A_168 = arith.constant 0 : i32
      %dma_wait3A_169 = arith.constant 0 : i32
      %dma_wait3A_170 = arith.constant 0 : i32
      %dma_wait3A_171 = tpu.memref_slice %arg9[%dma_wait3A_170] : memref<400000xf32, #tpu.memory_space<vmem_shared>> -> memref<6256xf32, #tpu.memory_space<vmem_shared>>
      %dma_wait3A_172 = arith.constant 0 : i32
      %dma_wait3A_173 = tpu.memref_slice %arg4[%dma_wait3A_168, %dma_wait3A_169, %dma_wait3A_172] : memref<26x16x100000xf32, #tpu.memory_space<hbm>> -> memref<1x1x6256xf32, #tpu.memory_space<hbm>>
      %dma_wait3A_174 = tpu.memref_squeeze %dma_wait3A_173 : memref<1x1x6256xf32, #tpu.memory_space<hbm>> -> memref<6256xf32, #tpu.memory_space<hbm>>
      tpu.wait_dma2 semaphore(%arg11 : memref<!tpu.dma_semaphore, #tpu.memory_space<semaphore_mem>>) src(%dma_wait3A_174 : memref<6256xf32, #tpu.memory_space<hbm>>) dst(%dma_wait3A_171 : memref<6256xf32, #tpu.memory_space<vmem_shared>>)
      %dma_wait3A_175 = arith.constant 0 : i32
      %dma_wait3A_176 = arith.constant 0 : i32
      %dma_wait3A_177 = arith.constant 0 : i32
      %dma_wait3A_178 = tpu.memref_slice %arg9[%dma_wait3A_177] : memref<400000xf32, #tpu.memory_space<vmem_shared>> -> memref<6256xf32, #tpu.memory_space<vmem_shared>>
      %dma_wait3A_179 = arith.constant 0 : i32
      %dma_wait3A_180 = tpu.memref_slice %arg4[%dma_wait3A_175, %dma_wait3A_176, %dma_wait3A_179] : memref<26x16x100000xf32, #tpu.memory_space<hbm>> -> memref<1x1x6256xf32, #tpu.memory_space<hbm>>
      %dma_wait3A_181 = tpu.memref_squeeze %dma_wait3A_180 : memref<1x1x6256xf32, #tpu.memory_space<hbm>> -> memref<6256xf32, #tpu.memory_space<hbm>>
      tpu.wait_dma2 semaphore(%arg11 : memref<!tpu.dma_semaphore, #tpu.memory_space<semaphore_mem>>) src(%dma_wait3A_181 : memref<6256xf32, #tpu.memory_space<hbm>>) dst(%dma_wait3A_178 : memref<6256xf32, #tpu.memory_space<vmem_shared>>)
      %dma_wait3A_182 = arith.constant 0 : i32
      %dma_wait3A_183 = arith.constant 0 : i32
      %dma_wait3A_184 = arith.constant 0 : i32
      %dma_wait3A_185 = tpu.memref_slice %arg9[%dma_wait3A_184] : memref<400000xf32, #tpu.memory_space<vmem_shared>> -> memref<6256xf32, #tpu.memory_space<vmem_shared>>
      %dma_wait3A_186 = arith.constant 0 : i32
      %dma_wait3A_187 = tpu.memref_slice %arg4[%dma_wait3A_182, %dma_wait3A_183, %dma_wait3A_186] : memref<26x16x100000xf32, #tpu.memory_space<hbm>> -> memref<1x1x6256xf32, #tpu.memory_space<hbm>>
      %dma_wait3A_188 = tpu.memref_squeeze %dma_wait3A_187 : memref<1x1x6256xf32, #tpu.memory_space<hbm>> -> memref<6256xf32, #tpu.memory_space<hbm>>
      tpu.wait_dma2 semaphore(%arg11 : memref<!tpu.dma_semaphore, #tpu.memory_space<semaphore_mem>>) src(%dma_wait3A_188 : memref<6256xf32, #tpu.memory_space<hbm>>) dst(%dma_wait3A_185 : memref<6256xf32, #tpu.memory_space<vmem_shared>>)
      %dma_wait3A_189 = arith.constant 0 : i32
      %dma_wait3A_190 = arith.constant 0 : i32
      %dma_wait3A_191 = arith.constant 0 : i32
      %dma_wait3A_192 = tpu.memref_slice %arg9[%dma_wait3A_191] : memref<400000xf32, #tpu.memory_space<vmem_shared>> -> memref<6256xf32, #tpu.memory_space<vmem_shared>>
      %dma_wait3A_193 = arith.constant 0 : i32
      %dma_wait3A_194 = tpu.memref_slice %arg4[%dma_wait3A_189, %dma_wait3A_190, %dma_wait3A_193] : memref<26x16x100000xf32, #tpu.memory_space<hbm>> -> memref<1x1x6256xf32, #tpu.memory_space<hbm>>
      %dma_wait3A_195 = tpu.memref_squeeze %dma_wait3A_194 : memref<1x1x6256xf32, #tpu.memory_space<hbm>> -> memref<6256xf32, #tpu.memory_space<hbm>>
      tpu.wait_dma2 semaphore(%arg11 : memref<!tpu.dma_semaphore, #tpu.memory_space<semaphore_mem>>) src(%dma_wait3A_195 : memref<6256xf32, #tpu.memory_space<hbm>>) dst(%dma_wait3A_192 : memref<6256xf32, #tpu.memory_space<vmem_shared>>)
      %barrier3A = arith.constant 0 : index
      tpu.barrier barrier_id(%barrier3A)
      %dma_start3A_196 = arith.constant 0 : i32
      %dma_start3A_197 = arith.constant 0 : i32
      %dma_start3A_198 = tpu.memref_slice %arg8[%dma_start3A_196, %dma_start3A_197] : memref<16x1024xf32, #tpu.memory_space<vmem>> -> memref<1x128xf32, #tpu.memory_space<vmem>>
      %dma_start3A_199 = tpu.memref_squeeze %dma_start3A_198 : memref<1x128xf32, #tpu.memory_space<vmem>> -> memref<128xf32, #tpu.memory_space<vmem>>
      %dma_start3A_200 = arith.constant 0 : i32
      %dma_start3A_201 = tpu.memref_slice %arg7[%dma_start3A_200] : memref<4096xi32, #tpu.memory_space<vmem>> -> memref<128xi32, #tpu.memory_space<vmem>>
      %dma_start3A_202 = arith.constant 0 : i32
      %dma_start3A_203 = tpu.memref_slice %arg9[%dma_start3A_202] : memref<400000xf32, #tpu.memory_space<vmem_shared>> -> memref<400000xf32, #tpu.memory_space<vmem_shared>>
      tpu.enqueue_indirect_dma source(%dma_start3A_203 : memref<400000xf32, #tpu.memory_space<vmem_shared>>) target(%dma_start3A_199 : memref<128xf32, #tpu.memory_space<vmem>>) offsets(%dma_start3A_201 : memref<128xi32, #tpu.memory_space<vmem>>) semaphore(%arg14 : memref<!tpu.dma_semaphore, #tpu.memory_space<semaphore_mem>>)
      %dma_start3A_204 = arith.constant 0 : i32
      %dma_start3A_205 = arith.constant 128 : i32
      %dma_start3A_206 = tpu.memref_slice %arg8[%dma_start3A_204, %dma_start3A_205] : memref<16x1024xf32, #tpu.memory_space<vmem>> -> memref<1x128xf32, #tpu.memory_space<vmem>>
      %dma_start3A_207 = tpu.memref_squeeze %dma_start3A_206 : memref<1x128xf32, #tpu.memory_space<vmem>> -> memref<128xf32, #tpu.memory_space<vmem>>
      %dma_start3A_208 = arith.constant 128 : i32
      %dma_start3A_209 = tpu.memref_slice %arg7[%dma_start3A_208] : memref<4096xi32, #tpu.memory_space<vmem>> -> memref<128xi32, #tpu.memory_space<vmem>>
      %dma_start3A_210 = arith.constant 0 : i32
      %dma_start3A_211 = tpu.memref_slice %arg9[%dma_start3A_210] : memref<400000xf32, #tpu.memory_space<vmem_shared>> -> memref<400000xf32, #tpu.memory_space<vmem_shared>>
      tpu.enqueue_indirect_dma source(%dma_start3A_211 : memref<400000xf32, #tpu.memory_space<vmem_shared>>) target(%dma_start3A_207 : memref<128xf32, #tpu.memory_space<vmem>>) offsets(%dma_start3A_209 : memref<128xi32, #tpu.memory_space<vmem>>) semaphore(%arg14 : memref<!tpu.dma_semaphore, #tpu.memory_space<semaphore_mem>>)
      %dma_start3A_212 = arith.constant 0 : i32
      %dma_start3A_213 = arith.constant 256 : i32
      %dma_start3A_214 = tpu.memref_slice %arg8[%dma_start3A_212, %dma_start3A_213] : memref<16x1024xf32, #tpu.memory_space<vmem>> -> memref<1x128xf32, #tpu.memory_space<vmem>>
      %dma_start3A_215 = tpu.memref_squeeze %dma_start3A_214 : memref<1x128xf32, #tpu.memory_space<vmem>> -> memref<128xf32, #tpu.memory_space<vmem>>
      %dma_start3A_216 = arith.constant 256 : i32
      %dma_start3A_217 = tpu.memref_slice %arg7[%dma_start3A_216] : memref<4096xi32, #tpu.memory_space<vmem>> -> memref<128xi32, #tpu.memory_space<vmem>>
      %dma_start3A_218 = arith.constant 0 : i32
      %dma_start3A_219 = tpu.memref_slice %arg9[%dma_start3A_218] : memref<400000xf32, #tpu.memory_space<vmem_shared>> -> memref<400000xf32, #tpu.memory_space<vmem_shared>>
      tpu.enqueue_indirect_dma source(%dma_start3A_219 : memref<400000xf32, #tpu.memory_space<vmem_shared>>) target(%dma_start3A_215 : memref<128xf32, #tpu.memory_space<vmem>>) offsets(%dma_start3A_217 : memref<128xi32, #tpu.memory_space<vmem>>) semaphore(%arg14 : memref<!tpu.dma_semaphore, #tpu.memory_space<semaphore_mem>>)
      %dma_start3A_220 = arith.constant 0 : i32
      %dma_start3A_221 = arith.constant 384 : i32
      %dma_start3A_222 = tpu.memref_slice %arg8[%dma_start3A_220, %dma_start3A_221] : memref<16x1024xf32, #tpu.memory_space<vmem>> -> memref<1x128xf32, #tpu.memory_space<vmem>>
      %dma_start3A_223 = tpu.memref_squeeze %dma_start3A_222 : memref<1x128xf32, #tpu.memory_space<vmem>> -> memref<128xf32, #tpu.memory_space<vmem>>
      %dma_start3A_224 = arith.constant 384 : i32
      %dma_start3A_225 = tpu.memref_slice %arg7[%dma_start3A_224] : memref<4096xi32, #tpu.memory_space<vmem>> -> memref<128xi32, #tpu.memory_space<vmem>>
      %dma_start3A_226 = arith.constant 0 : i32
      %dma_start3A_227 = tpu.memref_slice %arg9[%dma_start3A_226] : memref<400000xf32, #tpu.memory_space<vmem_shared>> -> memref<400000xf32, #tpu.memory_space<vmem_shared>>
      tpu.enqueue_indirect_dma source(%dma_start3A_227 : memref<400000xf32, #tpu.memory_space<vmem_shared>>) target(%dma_start3A_223 : memref<128xf32, #tpu.memory_space<vmem>>) offsets(%dma_start3A_225 : memref<128xi32, #tpu.memory_space<vmem>>) semaphore(%arg14 : memref<!tpu.dma_semaphore, #tpu.memory_space<semaphore_mem>>)
      %dma_start3A_228 = arith.constant 0 : i32
      %dma_start3A_229 = arith.constant 512 : i32
      %dma_start3A_230 = tpu.memref_slice %arg8[%dma_start3A_228, %dma_start3A_229] : memref<16x1024xf32, #tpu.memory_space<vmem>> -> memref<1x128xf32, #tpu.memory_space<vmem>>
      %dma_start3A_231 = tpu.memref_squeeze %dma_start3A_230 : memref<1x128xf32, #tpu.memory_space<vmem>> -> memref<128xf32, #tpu.memory_space<vmem>>
      %dma_start3A_232 = arith.constant 512 : i32
      %dma_start3A_233 = tpu.memref_slice %arg7[%dma_start3A_232] : memref<4096xi32, #tpu.memory_space<vmem>> -> memref<128xi32, #tpu.memory_space<vmem>>
      %dma_start3A_234 = arith.constant 0 : i32
      %dma_start3A_235 = tpu.memref_slice %arg9[%dma_start3A_234] : memref<400000xf32, #tpu.memory_space<vmem_shared>> -> memref<400000xf32, #tpu.memory_space<vmem_shared>>
      tpu.enqueue_indirect_dma source(%dma_start3A_235 : memref<400000xf32, #tpu.memory_space<vmem_shared>>) target(%dma_start3A_231 : memref<128xf32, #tpu.memory_space<vmem>>) offsets(%dma_start3A_233 : memref<128xi32, #tpu.memory_space<vmem>>) semaphore(%arg14 : memref<!tpu.dma_semaphore, #tpu.memory_space<semaphore_mem>>)
      %dma_start3A_236 = arith.constant 0 : i32
      %dma_start3A_237 = arith.constant 640 : i32
      %dma_start3A_238 = tpu.memref_slice %arg8[%dma_start3A_236, %dma_start3A_237] : memref<16x1024xf32, #tpu.memory_space<vmem>> -> memref<1x128xf32, #tpu.memory_space<vmem>>
      %dma_start3A_239 = tpu.memref_squeeze %dma_start3A_238 : memref<1x128xf32, #tpu.memory_space<vmem>> -> memref<128xf32, #tpu.memory_space<vmem>>
      %dma_start3A_240 = arith.constant 640 : i32
      %dma_start3A_241 = tpu.memref_slice %arg7[%dma_start3A_240] : memref<4096xi32, #tpu.memory_space<vmem>> -> memref<128xi32, #tpu.memory_space<vmem>>
      %dma_start3A_242 = arith.constant 0 : i32
      %dma_start3A_243 = tpu.memref_slice %arg9[%dma_start3A_242] : memref<400000xf32, #tpu.memory_space<vmem_shared>> -> memref<400000xf32, #tpu.memory_space<vmem_shared>>
      tpu.enqueue_indirect_dma source(%dma_start3A_243 : memref<400000xf32, #tpu.memory_space<vmem_shared>>) target(%dma_start3A_239 : memref<128xf32, #tpu.memory_space<vmem>>) offsets(%dma_start3A_241 : memref<128xi32, #tpu.memory_space<vmem>>) semaphore(%arg14 : memref<!tpu.dma_semaphore, #tpu.memory_space<semaphore_mem>>)
      %dma_start3A_244 = arith.constant 0 : i32
      %dma_start3A_245 = arith.constant 768 : i32
      %dma_start3A_246 = tpu.memref_slice %arg8[%dma_start3A_244, %dma_start3A_245] : memref<16x1024xf32, #tpu.memory_space<vmem>> -> memref<1x128xf32, #tpu.memory_space<vmem>>
      %dma_start3A_247 = tpu.memref_squeeze %dma_start3A_246 : memref<1x128xf32, #tpu.memory_space<vmem>> -> memref<128xf32, #tpu.memory_space<vmem>>
      %dma_start3A_248 = arith.constant 768 : i32
      %dma_start3A_249 = tpu.memref_slice %arg7[%dma_start3A_248] : memref<4096xi32, #tpu.memory_space<vmem>> -> memref<128xi32, #tpu.memory_space<vmem>>
      %dma_start3A_250 = arith.constant 0 : i32
      %dma_start3A_251 = tpu.memref_slice %arg9[%dma_start3A_250] : memref<400000xf32, #tpu.memory_space<vmem_shared>> -> memref<400000xf32, #tpu.memory_space<vmem_shared>>
      tpu.enqueue_indirect_dma source(%dma_start3A_251 : memref<400000xf32, #tpu.memory_space<vmem_shared>>) target(%dma_start3A_247 : memref<128xf32, #tpu.memory_space<vmem>>) offsets(%dma_start3A_249 : memref<128xi32, #tpu.memory_space<vmem>>) semaphore(%arg14 : memref<!tpu.dma_semaphore, #tpu.memory_space<semaphore_mem>>)
      %dma_start3A_252 = arith.constant 0 : i32
      %dma_start3A_253 = arith.constant 896 : i32
      %dma_start3A_254 = tpu.memref_slice %arg8[%dma_start3A_252, %dma_start3A_253] : memref<16x1024xf32, #tpu.memory_space<vmem>> -> memref<1x128xf32, #tpu.memory_space<vmem>>
      %dma_start3A_255 = tpu.memref_squeeze %dma_start3A_254 : memref<1x128xf32, #tpu.memory_space<vmem>> -> memref<128xf32, #tpu.memory_space<vmem>>
      %dma_start3A_256 = arith.constant 896 : i32
      %dma_start3A_257 = tpu.memref_slice %arg7[%dma_start3A_256] : memref<4096xi32, #tpu.memory_space<vmem>> -> memref<128xi32, #tpu.memory_space<vmem>>
      %dma_start3A_258 = arith.constant 0 : i32
      %dma_start3A_259 = tpu.memref_slice %arg9[%dma_start3A_258] : memref<400000xf32, #tpu.memory_space<vmem_shared>> -> memref<400000xf32, #tpu.memory_space<vmem_shared>>
      tpu.enqueue_indirect_dma source(%dma_start3A_259 : memref<400000xf32, #tpu.memory_space<vmem_shared>>) target(%dma_start3A_255 : memref<128xf32, #tpu.memory_space<vmem>>) offsets(%dma_start3A_257 : memref<128xi32, #tpu.memory_space<vmem>>) semaphore(%arg14 : memref<!tpu.dma_semaphore, #tpu.memory_space<semaphore_mem>>)
      %dma_start3A_260 = arith.constant 1 : i32
      %dma_start3A_261 = arith.constant 0 : i32
      %dma_start3A_262 = tpu.memref_slice %arg8[%dma_start3A_260, %dma_start3A_261] : memref<16x1024xf32, #tpu.memory_space<vmem>> -> memref<1x128xf32, #tpu.memory_space<vmem>>
      %dma_start3A_263 = tpu.memref_squeeze %dma_start3A_262 : memref<1x128xf32, #tpu.memory_space<vmem>> -> memref<128xf32, #tpu.memory_space<vmem>>
      %dma_start3A_264 = arith.constant 1024 : i32
      %dma_start3A_265 = tpu.memref_slice %arg7[%dma_start3A_264] : memref<4096xi32, #tpu.memory_space<vmem>> -> memref<128xi32, #tpu.memory_space<vmem>>
      %dma_start3A_266 = arith.constant 0 : i32
      %dma_start3A_267 = tpu.memref_slice %arg9[%dma_start3A_266] : memref<400000xf32, #tpu.memory_space<vmem_shared>> -> memref<400000xf32, #tpu.memory_space<vmem_shared>>
      tpu.enqueue_indirect_dma source(%dma_start3A_267 : memref<400000xf32, #tpu.memory_space<vmem_shared>>) target(%dma_start3A_263 : memref<128xf32, #tpu.memory_space<vmem>>) offsets(%dma_start3A_265 : memref<128xi32, #tpu.memory_space<vmem>>) semaphore(%arg14 : memref<!tpu.dma_semaphore, #tpu.memory_space<semaphore_mem>>)
      %dma_start3A_268 = arith.constant 1 : i32
      %dma_start3A_269 = arith.constant 128 : i32
      %dma_start3A_270 = tpu.memref_slice %arg8[%dma_start3A_268, %dma_start3A_269] : memref<16x1024xf32, #tpu.memory_space<vmem>> -> memref<1x128xf32, #tpu.memory_space<vmem>>
      %dma_start3A_271 = tpu.memref_squeeze %dma_start3A_270 : memref<1x128xf32, #tpu.memory_space<vmem>> -> memref<128xf32, #tpu.memory_space<vmem>>
      %dma_start3A_272 = arith.constant 1152 : i32
      %dma_start3A_273 = tpu.memref_slice %arg7[%dma_start3A_272] : memref<4096xi32, #tpu.memory_space<vmem>> -> memref<128xi32, #tpu.memory_space<vmem>>
      %dma_start3A_274 = arith.constant 0 : i32
      %dma_start3A_275 = tpu.memref_slice %arg9[%dma_start3A_274] : memref<400000xf32, #tpu.memory_space<vmem_shared>> -> memref<400000xf32, #tpu.memory_space<vmem_shared>>
      tpu.enqueue_indirect_dma source(%dma_start3A_275 : memref<400000xf32, #tpu.memory_space<vmem_shared>>) target(%dma_start3A_271 : memref<128xf32, #tpu.memory_space<vmem>>) offsets(%dma_start3A_273 : memref<128xi32, #tpu.memory_space<vmem>>) semaphore(%arg14 : memref<!tpu.dma_semaphore, #tpu.memory_space<semaphore_mem>>)
      %dma_start3A_276 = arith.constant 1 : i32
      %dma_start3A_277 = arith.constant 256 : i32
      %dma_start3A_278 = tpu.memref_slice %arg8[%dma_start3A_276, %dma_start3A_277] : memref<16x1024xf32, #tpu.memory_space<vmem>> -> memref<1x128xf32, #tpu.memory_space<vmem>>
      %dma_start3A_279 = tpu.memref_squeeze %dma_start3A_278 : memref<1x128xf32, #tpu.memory_space<vmem>> -> memref<128xf32, #tpu.memory_space<vmem>>
      %dma_start3A_280 = arith.constant 1280 : i32
      %dma_start3A_281 = tpu.memref_slice %arg7[%dma_start3A_280] : memref<4096xi32, #tpu.memory_space<vmem>> -> memref<128xi32, #tpu.memory_space<vmem>>
      %dma_start3A_282 = arith.constant 0 : i32
      %dma_start3A_283 = tpu.memref_slice %arg9[%dma_start3A_282] : memref<400000xf32, #tpu.memory_space<vmem_shared>> -> memref<400000xf32, #tpu.memory_space<vmem_shared>>
      tpu.enqueue_indirect_dma source(%dma_start3A_283 : memref<400000xf32, #tpu.memory_space<vmem_shared>>) target(%dma_start3A_279 : memref<128xf32, #tpu.memory_space<vmem>>) offsets(%dma_start3A_281 : memref<128xi32, #tpu.memory_space<vmem>>) semaphore(%arg14 : memref<!tpu.dma_semaphore, #tpu.memory_space<semaphore_mem>>)
      %dma_start3A_284 = arith.constant 1 : i32
      %dma_start3A_285 = arith.constant 384 : i32
      %dma_start3A_286 = tpu.memref_slice %arg8[%dma_start3A_284, %dma_start3A_285] : memref<16x1024xf32, #tpu.memory_space<vmem>> -> memref<1x128xf32, #tpu.memory_space<vmem>>
      %dma_start3A_287 = tpu.memref_squeeze %dma_start3A_286 : memref<1x128xf32, #tpu.memory_space<vmem>> -> memref<128xf32, #tpu.memory_space<vmem>>
      %dma_start3A_288 = arith.constant 1408 : i32
      %dma_start3A_289 = tpu.memref_slice %arg7[%dma_start3A_288] : memref<4096xi32, #tpu.memory_space<vmem>> -> memref<128xi32, #tpu.memory_space<vmem>>
      %dma_start3A_290 = arith.constant 0 : i32
      %dma_start3A_291 = tpu.memref_slice %arg9[%dma_start3A_290] : memref<400000xf32, #tpu.memory_space<vmem_shared>> -> memref<400000xf32, #tpu.memory_space<vmem_shared>>
      tpu.enqueue_indirect_dma source(%dma_start3A_291 : memref<400000xf32, #tpu.memory_space<vmem_shared>>) target(%dma_start3A_287 : memref<128xf32, #tpu.memory_space<vmem>>) offsets(%dma_start3A_289 : memref<128xi32, #tpu.memory_space<vmem>>) semaphore(%arg14 : memref<!tpu.dma_semaphore, #tpu.memory_space<semaphore_mem>>)
      %dma_start3A_292 = arith.constant 1 : i32
      %dma_start3A_293 = arith.constant 512 : i32
      %dma_start3A_294 = tpu.memref_slice %arg8[%dma_start3A_292, %dma_start3A_293] : memref<16x1024xf32, #tpu.memory_space<vmem>> -> memref<1x128xf32, #tpu.memory_space<vmem>>
      %dma_start3A_295 = tpu.memref_squeeze %dma_start3A_294 : memref<1x128xf32, #tpu.memory_space<vmem>> -> memref<128xf32, #tpu.memory_space<vmem>>
      %dma_start3A_296 = arith.constant 1536 : i32
      %dma_start3A_297 = tpu.memref_slice %arg7[%dma_start3A_296] : memref<4096xi32, #tpu.memory_space<vmem>> -> memref<128xi32, #tpu.memory_space<vmem>>
      %dma_start3A_298 = arith.constant 0 : i32
      %dma_start3A_299 = tpu.memref_slice %arg9[%dma_start3A_298] : memref<400000xf32, #tpu.memory_space<vmem_shared>> -> memref<400000xf32, #tpu.memory_space<vmem_shared>>
      tpu.enqueue_indirect_dma source(%dma_start3A_299 : memref<400000xf32, #tpu.memory_space<vmem_shared>>) target(%dma_start3A_295 : memref<128xf32, #tpu.memory_space<vmem>>) offsets(%dma_start3A_297 : memref<128xi32, #tpu.memory_space<vmem>>) semaphore(%arg14 : memref<!tpu.dma_semaphore, #tpu.memory_space<semaphore_mem>>)
      %dma_start3A_300 = arith.constant 1 : i32
      %dma_start3A_301 = arith.constant 640 : i32
      %dma_start3A_302 = tpu.memref_slice %arg8[%dma_start3A_300, %dma_start3A_301] : memref<16x1024xf32, #tpu.memory_space<vmem>> -> memref<1x128xf32, #tpu.memory_space<vmem>>
      %dma_start3A_303 = tpu.memref_squeeze %dma_start3A_302 : memref<1x128xf32, #tpu.memory_space<vmem>> -> memref<128xf32, #tpu.memory_space<vmem>>
      %dma_start3A_304 = arith.constant 1664 : i32
      %dma_start3A_305 = tpu.memref_slice %arg7[%dma_start3A_304] : memref<4096xi32, #tpu.memory_space<vmem>> -> memref<128xi32, #tpu.memory_space<vmem>>
      %dma_start3A_306 = arith.constant 0 : i32
      %dma_start3A_307 = tpu.memref_slice %arg9[%dma_start3A_306] : memref<400000xf32, #tpu.memory_space<vmem_shared>> -> memref<400000xf32, #tpu.memory_space<vmem_shared>>
      tpu.enqueue_indirect_dma source(%dma_start3A_307 : memref<400000xf32, #tpu.memory_space<vmem_shared>>) target(%dma_start3A_303 : memref<128xf32, #tpu.memory_space<vmem>>) offsets(%dma_start3A_305 : memref<128xi32, #tpu.memory_space<vmem>>) semaphore(%arg14 : memref<!tpu.dma_semaphore, #tpu.memory_space<semaphore_mem>>)
      %dma_start3A_308 = arith.constant 1 : i32
      %dma_start3A_309 = arith.constant 768 : i32
      %dma_start3A_310 = tpu.memref_slice %arg8[%dma_start3A_308, %dma_start3A_309] : memref<16x1024xf32, #tpu.memory_space<vmem>> -> memref<1x128xf32, #tpu.memory_space<vmem>>
      %dma_start3A_311 = tpu.memref_squeeze %dma_start3A_310 : memref<1x128xf32, #tpu.memory_space<vmem>> -> memref<128xf32, #tpu.memory_space<vmem>>
      %dma_start3A_312 = arith.constant 1792 : i32
      %dma_start3A_313 = tpu.memref_slice %arg7[%dma_start3A_312] : memref<4096xi32, #tpu.memory_space<vmem>> -> memref<128xi32, #tpu.memory_space<vmem>>
      %dma_start3A_314 = arith.constant 0 : i32
      %dma_start3A_315 = tpu.memref_slice %arg9[%dma_start3A_314] : memref<400000xf32, #tpu.memory_space<vmem_shared>> -> memref<400000xf32, #tpu.memory_space<vmem_shared>>
      tpu.enqueue_indirect_dma source(%dma_start3A_315 : memref<400000xf32, #tpu.memory_space<vmem_shared>>) target(%dma_start3A_311 : memref<128xf32, #tpu.memory_space<vmem>>) offsets(%dma_start3A_313 : memref<128xi32, #tpu.memory_space<vmem>>) semaphore(%arg14 : memref<!tpu.dma_semaphore, #tpu.memory_space<semaphore_mem>>)
      %dma_start3A_316 = arith.constant 1 : i32
      %dma_start3A_317 = arith.constant 896 : i32
      %dma_start3A_318 = tpu.memref_slice %arg8[%dma_start3A_316, %dma_start3A_317] : memref<16x1024xf32, #tpu.memory_space<vmem>> -> memref<1x128xf32, #tpu.memory_space<vmem>>
      %dma_start3A_319 = tpu.memref_squeeze %dma_start3A_318 : memref<1x128xf32, #tpu.memory_space<vmem>> -> memref<128xf32, #tpu.memory_space<vmem>>
      %dma_start3A_320 = arith.constant 1920 : i32
      %dma_start3A_321 = tpu.memref_slice %arg7[%dma_start3A_320] : memref<4096xi32, #tpu.memory_space<vmem>> -> memref<128xi32, #tpu.memory_space<vmem>>
      %dma_start3A_322 = arith.constant 0 : i32
      %dma_start3A_323 = tpu.memref_slice %arg9[%dma_start3A_322] : memref<400000xf32, #tpu.memory_space<vmem_shared>> -> memref<400000xf32, #tpu.memory_space<vmem_shared>>
      tpu.enqueue_indirect_dma source(%dma_start3A_323 : memref<400000xf32, #tpu.memory_space<vmem_shared>>) target(%dma_start3A_319 : memref<128xf32, #tpu.memory_space<vmem>>) offsets(%dma_start3A_321 : memref<128xi32, #tpu.memory_space<vmem>>) semaphore(%arg14 : memref<!tpu.dma_semaphore, #tpu.memory_space<semaphore_mem>>)
      %dma_start3A_324 = arith.constant 2 : i32
      %dma_start3A_325 = arith.constant 0 : i32
      %dma_start3A_326 = tpu.memref_slice %arg8[%dma_start3A_324, %dma_start3A_325] : memref<16x1024xf32, #tpu.memory_space<vmem>> -> memref<1x128xf32, #tpu.memory_space<vmem>>
      %dma_start3A_327 = tpu.memref_squeeze %dma_start3A_326 : memref<1x128xf32, #tpu.memory_space<vmem>> -> memref<128xf32, #tpu.memory_space<vmem>>
      %dma_start3A_328 = arith.constant 2048 : i32
      %dma_start3A_329 = tpu.memref_slice %arg7[%dma_start3A_328] : memref<4096xi32, #tpu.memory_space<vmem>> -> memref<128xi32, #tpu.memory_space<vmem>>
      %dma_start3A_330 = arith.constant 0 : i32
      %dma_start3A_331 = tpu.memref_slice %arg9[%dma_start3A_330] : memref<400000xf32, #tpu.memory_space<vmem_shared>> -> memref<400000xf32, #tpu.memory_space<vmem_shared>>
      tpu.enqueue_indirect_dma source(%dma_start3A_331 : memref<400000xf32, #tpu.memory_space<vmem_shared>>) target(%dma_start3A_327 : memref<128xf32, #tpu.memory_space<vmem>>) offsets(%dma_start3A_329 : memref<128xi32, #tpu.memory_space<vmem>>) semaphore(%arg14 : memref<!tpu.dma_semaphore, #tpu.memory_space<semaphore_mem>>)
      %dma_start3A_332 = arith.constant 2 : i32
      %dma_start3A_333 = arith.constant 128 : i32
      %dma_start3A_334 = tpu.memref_slice %arg8[%dma_start3A_332, %dma_start3A_333] : memref<16x1024xf32, #tpu.memory_space<vmem>> -> memref<1x128xf32, #tpu.memory_space<vmem>>
      %dma_start3A_335 = tpu.memref_squeeze %dma_start3A_334 : memref<1x128xf32, #tpu.memory_space<vmem>> -> memref<128xf32, #tpu.memory_space<vmem>>
      %dma_start3A_336 = arith.constant 2176 : i32
      %dma_start3A_337 = tpu.memref_slice %arg7[%dma_start3A_336] : memref<4096xi32, #tpu.memory_space<vmem>> -> memref<128xi32, #tpu.memory_space<vmem>>
      %dma_start3A_338 = arith.constant 0 : i32
      %dma_start3A_339 = tpu.memref_slice %arg9[%dma_start3A_338] : memref<400000xf32, #tpu.memory_space<vmem_shared>> -> memref<400000xf32, #tpu.memory_space<vmem_shared>>
      tpu.enqueue_indirect_dma source(%dma_start3A_339 : memref<400000xf32, #tpu.memory_space<vmem_shared>>) target(%dma_start3A_335 : memref<128xf32, #tpu.memory_space<vmem>>) offsets(%dma_start3A_337 : memref<128xi32, #tpu.memory_space<vmem>>) semaphore(%arg14 : memref<!tpu.dma_semaphore, #tpu.memory_space<semaphore_mem>>)
      %dma_start3A_340 = arith.constant 2 : i32
      %dma_start3A_341 = arith.constant 256 : i32
      %dma_start3A_342 = tpu.memref_slice %arg8[%dma_start3A_340, %dma_start3A_341] : memref<16x1024xf32, #tpu.memory_space<vmem>> -> memref<1x128xf32, #tpu.memory_space<vmem>>
      %dma_start3A_343 = tpu.memref_squeeze %dma_start3A_342 : memref<1x128xf32, #tpu.memory_space<vmem>> -> memref<128xf32, #tpu.memory_space<vmem>>
      %dma_start3A_344 = arith.constant 2304 : i32
      %dma_start3A_345 = tpu.memref_slice %arg7[%dma_start3A_344] : memref<4096xi32, #tpu.memory_space<vmem>> -> memref<128xi32, #tpu.memory_space<vmem>>
      %dma_start3A_346 = arith.constant 0 : i32
      %dma_start3A_347 = tpu.memref_slice %arg9[%dma_start3A_346] : memref<400000xf32, #tpu.memory_space<vmem_shared>> -> memref<400000xf32, #tpu.memory_space<vmem_shared>>
      tpu.enqueue_indirect_dma source(%dma_start3A_347 : memref<400000xf32, #tpu.memory_space<vmem_shared>>) target(%dma_start3A_343 : memref<128xf32, #tpu.memory_space<vmem>>) offsets(%dma_start3A_345 : memref<128xi32, #tpu.memory_space<vmem>>) semaphore(%arg14 : memref<!tpu.dma_semaphore, #tpu.memory_space<semaphore_mem>>)
      %dma_start3A_348 = arith.constant 2 : i32
      %dma_start3A_349 = arith.constant 384 : i32
      %dma_start3A_350 = tpu.memref_slice %arg8[%dma_start3A_348, %dma_start3A_349] : memref<16x1024xf32, #tpu.memory_space<vmem>> -> memref<1x128xf32, #tpu.memory_space<vmem>>
      %dma_start3A_351 = tpu.memref_squeeze %dma_start3A_350 : memref<1x128xf32, #tpu.memory_space<vmem>> -> memref<128xf32, #tpu.memory_space<vmem>>
      %dma_start3A_352 = arith.constant 2432 : i32
      %dma_start3A_353 = tpu.memref_slice %arg7[%dma_start3A_352] : memref<4096xi32, #tpu.memory_space<vmem>> -> memref<128xi32, #tpu.memory_space<vmem>>
      %dma_start3A_354 = arith.constant 0 : i32
      %dma_start3A_355 = tpu.memref_slice %arg9[%dma_start3A_354] : memref<400000xf32, #tpu.memory_space<vmem_shared>> -> memref<400000xf32, #tpu.memory_space<vmem_shared>>
      tpu.enqueue_indirect_dma source(%dma_start3A_355 : memref<400000xf32, #tpu.memory_space<vmem_shared>>) target(%dma_start3A_351 : memref<128xf32, #tpu.memory_space<vmem>>) offsets(%dma_start3A_353 : memref<128xi32, #tpu.memory_space<vmem>>) semaphore(%arg14 : memref<!tpu.dma_semaphore, #tpu.memory_space<semaphore_mem>>)
      %dma_start3A_356 = arith.constant 2 : i32
      %dma_start3A_357 = arith.constant 512 : i32
      %dma_start3A_358 = tpu.memref_slice %arg8[%dma_start3A_356, %dma_start3A_357] : memref<16x1024xf32, #tpu.memory_space<vmem>> -> memref<1x128xf32, #tpu.memory_space<vmem>>
      %dma_start3A_359 = tpu.memref_squeeze %dma_start3A_358 : memref<1x128xf32, #tpu.memory_space<vmem>> -> memref<128xf32, #tpu.memory_space<vmem>>
      %dma_start3A_360 = arith.constant 2560 : i32
      %dma_start3A_361 = tpu.memref_slice %arg7[%dma_start3A_360] : memref<4096xi32, #tpu.memory_space<vmem>> -> memref<128xi32, #tpu.memory_space<vmem>>
      %dma_start3A_362 = arith.constant 0 : i32
      %dma_start3A_363 = tpu.memref_slice %arg9[%dma_start3A_362] : memref<400000xf32, #tpu.memory_space<vmem_shared>> -> memref<400000xf32, #tpu.memory_space<vmem_shared>>
      tpu.enqueue_indirect_dma source(%dma_start3A_363 : memref<400000xf32, #tpu.memory_space<vmem_shared>>) target(%dma_start3A_359 : memref<128xf32, #tpu.memory_space<vmem>>) offsets(%dma_start3A_361 : memref<128xi32, #tpu.memory_space<vmem>>) semaphore(%arg14 : memref<!tpu.dma_semaphore, #tpu.memory_space<semaphore_mem>>)
      %dma_start3A_364 = arith.constant 2 : i32
      %dma_start3A_365 = arith.constant 640 : i32
      %dma_start3A_366 = tpu.memref_slice %arg8[%dma_start3A_364, %dma_start3A_365] : memref<16x1024xf32, #tpu.memory_space<vmem>> -> memref<1x128xf32, #tpu.memory_space<vmem>>
      %dma_start3A_367 = tpu.memref_squeeze %dma_start3A_366 : memref<1x128xf32, #tpu.memory_space<vmem>> -> memref<128xf32, #tpu.memory_space<vmem>>
      %dma_start3A_368 = arith.constant 2688 : i32
      %dma_start3A_369 = tpu.memref_slice %arg7[%dma_start3A_368] : memref<4096xi32, #tpu.memory_space<vmem>> -> memref<128xi32, #tpu.memory_space<vmem>>
      %dma_start3A_370 = arith.constant 0 : i32
      %dma_start3A_371 = tpu.memref_slice %arg9[%dma_start3A_370] : memref<400000xf32, #tpu.memory_space<vmem_shared>> -> memref<400000xf32, #tpu.memory_space<vmem_shared>>
      tpu.enqueue_indirect_dma source(%dma_start3A_371 : memref<400000xf32, #tpu.memory_space<vmem_shared>>) target(%dma_start3A_367 : memref<128xf32, #tpu.memory_space<vmem>>) offsets(%dma_start3A_369 : memref<128xi32, #tpu.memory_space<vmem>>) semaphore(%arg14 : memref<!tpu.dma_semaphore, #tpu.memory_space<semaphore_mem>>)
      %dma_start3A_372 = arith.constant 2 : i32
      %dma_start3A_373 = arith.constant 768 : i32
      %dma_start3A_374 = tpu.memref_slice %arg8[%dma_start3A_372, %dma_start3A_373] : memref<16x1024xf32, #tpu.memory_space<vmem>> -> memref<1x128xf32, #tpu.memory_space<vmem>>
      %dma_start3A_375 = tpu.memref_squeeze %dma_start3A_374 : memref<1x128xf32, #tpu.memory_space<vmem>> -> memref<128xf32, #tpu.memory_space<vmem>>
      %dma_start3A_376 = arith.constant 2816 : i32
      %dma_start3A_377 = tpu.memref_slice %arg7[%dma_start3A_376] : memref<4096xi32, #tpu.memory_space<vmem>> -> memref<128xi32, #tpu.memory_space<vmem>>
      %dma_start3A_378 = arith.constant 0 : i32
      %dma_start3A_379 = tpu.memref_slice %arg9[%dma_start3A_378] : memref<400000xf32, #tpu.memory_space<vmem_shared>> -> memref<400000xf32, #tpu.memory_space<vmem_shared>>
      tpu.enqueue_indirect_dma source(%dma_start3A_379 : memref<400000xf32, #tpu.memory_space<vmem_shared>>) target(%dma_start3A_375 : memref<128xf32, #tpu.memory_space<vmem>>) offsets(%dma_start3A_377 : memref<128xi32, #tpu.memory_space<vmem>>) semaphore(%arg14 : memref<!tpu.dma_semaphore, #tpu.memory_space<semaphore_mem>>)
      %dma_start3A_380 = arith.constant 2 : i32
      %dma_start3A_381 = arith.constant 896 : i32
      %dma_start3A_382 = tpu.memref_slice %arg8[%dma_start3A_380, %dma_start3A_381] : memref<16x1024xf32, #tpu.memory_space<vmem>> -> memref<1x128xf32, #tpu.memory_space<vmem>>
      %dma_start3A_383 = tpu.memref_squeeze %dma_start3A_382 : memref<1x128xf32, #tpu.memory_space<vmem>> -> memref<128xf32, #tpu.memory_space<vmem>>
      %dma_start3A_384 = arith.constant 2944 : i32
      %dma_start3A_385 = tpu.memref_slice %arg7[%dma_start3A_384] : memref<4096xi32, #tpu.memory_space<vmem>> -> memref<128xi32, #tpu.memory_space<vmem>>
      %dma_start3A_386 = arith.constant 0 : i32
      %dma_start3A_387 = tpu.memref_slice %arg9[%dma_start3A_386] : memref<400000xf32, #tpu.memory_space<vmem_shared>> -> memref<400000xf32, #tpu.memory_space<vmem_shared>>
      tpu.enqueue_indirect_dma source(%dma_start3A_387 : memref<400000xf32, #tpu.memory_space<vmem_shared>>) target(%dma_start3A_383 : memref<128xf32, #tpu.memory_space<vmem>>) offsets(%dma_start3A_385 : memref<128xi32, #tpu.memory_space<vmem>>) semaphore(%arg14 : memref<!tpu.dma_semaphore, #tpu.memory_space<semaphore_mem>>)
      %dma_start3A_388 = arith.constant 3 : i32
      %dma_start3A_389 = arith.constant 0 : i32
      %dma_start3A_390 = tpu.memref_slice %arg8[%dma_start3A_388, %dma_start3A_389] : memref<16x1024xf32, #tpu.memory_space<vmem>> -> memref<1x128xf32, #tpu.memory_space<vmem>>
      %dma_start3A_391 = tpu.memref_squeeze %dma_start3A_390 : memref<1x128xf32, #tpu.memory_space<vmem>> -> memref<128xf32, #tpu.memory_space<vmem>>
      %dma_start3A_392 = arith.constant 3072 : i32
      %dma_start3A_393 = tpu.memref_slice %arg7[%dma_start3A_392] : memref<4096xi32, #tpu.memory_space<vmem>> -> memref<128xi32, #tpu.memory_space<vmem>>
      %dma_start3A_394 = arith.constant 0 : i32
      %dma_start3A_395 = tpu.memref_slice %arg9[%dma_start3A_394] : memref<400000xf32, #tpu.memory_space<vmem_shared>> -> memref<400000xf32, #tpu.memory_space<vmem_shared>>
      tpu.enqueue_indirect_dma source(%dma_start3A_395 : memref<400000xf32, #tpu.memory_space<vmem_shared>>) target(%dma_start3A_391 : memref<128xf32, #tpu.memory_space<vmem>>) offsets(%dma_start3A_393 : memref<128xi32, #tpu.memory_space<vmem>>) semaphore(%arg14 : memref<!tpu.dma_semaphore, #tpu.memory_space<semaphore_mem>>)
      %dma_start3A_396 = arith.constant 3 : i32
      %dma_start3A_397 = arith.constant 128 : i32
      %dma_start3A_398 = tpu.memref_slice %arg8[%dma_start3A_396, %dma_start3A_397] : memref<16x1024xf32, #tpu.memory_space<vmem>> -> memref<1x128xf32, #tpu.memory_space<vmem>>
      %dma_start3A_399 = tpu.memref_squeeze %dma_start3A_398 : memref<1x128xf32, #tpu.memory_space<vmem>> -> memref<128xf32, #tpu.memory_space<vmem>>
      %dma_start3A_400 = arith.constant 3200 : i32
      %dma_start3A_401 = tpu.memref_slice %arg7[%dma_start3A_400] : memref<4096xi32, #tpu.memory_space<vmem>> -> memref<128xi32, #tpu.memory_space<vmem>>
      %dma_start3A_402 = arith.constant 0 : i32
      %dma_start3A_403 = tpu.memref_slice %arg9[%dma_start3A_402] : memref<400000xf32, #tpu.memory_space<vmem_shared>> -> memref<400000xf32, #tpu.memory_space<vmem_shared>>
      tpu.enqueue_indirect_dma source(%dma_start3A_403 : memref<400000xf32, #tpu.memory_space<vmem_shared>>) target(%dma_start3A_399 : memref<128xf32, #tpu.memory_space<vmem>>) offsets(%dma_start3A_401 : memref<128xi32, #tpu.memory_space<vmem>>) semaphore(%arg14 : memref<!tpu.dma_semaphore, #tpu.memory_space<semaphore_mem>>)
      %dma_start3A_404 = arith.constant 3 : i32
      %dma_start3A_405 = arith.constant 256 : i32
      %dma_start3A_406 = tpu.memref_slice %arg8[%dma_start3A_404, %dma_start3A_405] : memref<16x1024xf32, #tpu.memory_space<vmem>> -> memref<1x128xf32, #tpu.memory_space<vmem>>
      %dma_start3A_407 = tpu.memref_squeeze %dma_start3A_406 : memref<1x128xf32, #tpu.memory_space<vmem>> -> memref<128xf32, #tpu.memory_space<vmem>>
      %dma_start3A_408 = arith.constant 3328 : i32
      %dma_start3A_409 = tpu.memref_slice %arg7[%dma_start3A_408] : memref<4096xi32, #tpu.memory_space<vmem>> -> memref<128xi32, #tpu.memory_space<vmem>>
      %dma_start3A_410 = arith.constant 0 : i32
      %dma_start3A_411 = tpu.memref_slice %arg9[%dma_start3A_410] : memref<400000xf32, #tpu.memory_space<vmem_shared>> -> memref<400000xf32, #tpu.memory_space<vmem_shared>>
      tpu.enqueue_indirect_dma source(%dma_start3A_411 : memref<400000xf32, #tpu.memory_space<vmem_shared>>) target(%dma_start3A_407 : memref<128xf32, #tpu.memory_space<vmem>>) offsets(%dma_start3A_409 : memref<128xi32, #tpu.memory_space<vmem>>) semaphore(%arg14 : memref<!tpu.dma_semaphore, #tpu.memory_space<semaphore_mem>>)
      %dma_start3A_412 = arith.constant 3 : i32
      %dma_start3A_413 = arith.constant 384 : i32
      %dma_start3A_414 = tpu.memref_slice %arg8[%dma_start3A_412, %dma_start3A_413] : memref<16x1024xf32, #tpu.memory_space<vmem>> -> memref<1x128xf32, #tpu.memory_space<vmem>>
      %dma_start3A_415 = tpu.memref_squeeze %dma_start3A_414 : memref<1x128xf32, #tpu.memory_space<vmem>> -> memref<128xf32, #tpu.memory_space<vmem>>
      %dma_start3A_416 = arith.constant 3456 : i32
      %dma_start3A_417 = tpu.memref_slice %arg7[%dma_start3A_416] : memref<4096xi32, #tpu.memory_space<vmem>> -> memref<128xi32, #tpu.memory_space<vmem>>
      %dma_start3A_418 = arith.constant 0 : i32
      %dma_start3A_419 = tpu.memref_slice %arg9[%dma_start3A_418] : memref<400000xf32, #tpu.memory_space<vmem_shared>> -> memref<400000xf32, #tpu.memory_space<vmem_shared>>
      tpu.enqueue_indirect_dma source(%dma_start3A_419 : memref<400000xf32, #tpu.memory_space<vmem_shared>>) target(%dma_start3A_415 : memref<128xf32, #tpu.memory_space<vmem>>) offsets(%dma_start3A_417 : memref<128xi32, #tpu.memory_space<vmem>>) semaphore(%arg14 : memref<!tpu.dma_semaphore, #tpu.memory_space<semaphore_mem>>)
      %dma_start3A_420 = arith.constant 3 : i32
      %dma_start3A_421 = arith.constant 512 : i32
      %dma_start3A_422 = tpu.memref_slice %arg8[%dma_start3A_420, %dma_start3A_421] : memref<16x1024xf32, #tpu.memory_space<vmem>> -> memref<1x128xf32, #tpu.memory_space<vmem>>
      %dma_start3A_423 = tpu.memref_squeeze %dma_start3A_422 : memref<1x128xf32, #tpu.memory_space<vmem>> -> memref<128xf32, #tpu.memory_space<vmem>>
      %dma_start3A_424 = arith.constant 3584 : i32
      %dma_start3A_425 = tpu.memref_slice %arg7[%dma_start3A_424] : memref<4096xi32, #tpu.memory_space<vmem>> -> memref<128xi32, #tpu.memory_space<vmem>>
      %dma_start3A_426 = arith.constant 0 : i32
      %dma_start3A_427 = tpu.memref_slice %arg9[%dma_start3A_426] : memref<400000xf32, #tpu.memory_space<vmem_shared>> -> memref<400000xf32, #tpu.memory_space<vmem_shared>>
      tpu.enqueue_indirect_dma source(%dma_start3A_427 : memref<400000xf32, #tpu.memory_space<vmem_shared>>) target(%dma_start3A_423 : memref<128xf32, #tpu.memory_space<vmem>>) offsets(%dma_start3A_425 : memref<128xi32, #tpu.memory_space<vmem>>) semaphore(%arg14 : memref<!tpu.dma_semaphore, #tpu.memory_space<semaphore_mem>>)
      %dma_start3A_428 = arith.constant 3 : i32
      %dma_start3A_429 = arith.constant 640 : i32
      %dma_start3A_430 = tpu.memref_slice %arg8[%dma_start3A_428, %dma_start3A_429] : memref<16x1024xf32, #tpu.memory_space<vmem>> -> memref<1x128xf32, #tpu.memory_space<vmem>>
      %dma_start3A_431 = tpu.memref_squeeze %dma_start3A_430 : memref<1x128xf32, #tpu.memory_space<vmem>> -> memref<128xf32, #tpu.memory_space<vmem>>
      %dma_start3A_432 = arith.constant 3712 : i32
      %dma_start3A_433 = tpu.memref_slice %arg7[%dma_start3A_432] : memref<4096xi32, #tpu.memory_space<vmem>> -> memref<128xi32, #tpu.memory_space<vmem>>
      %dma_start3A_434 = arith.constant 0 : i32
      %dma_start3A_435 = tpu.memref_slice %arg9[%dma_start3A_434] : memref<400000xf32, #tpu.memory_space<vmem_shared>> -> memref<400000xf32, #tpu.memory_space<vmem_shared>>
      tpu.enqueue_indirect_dma source(%dma_start3A_435 : memref<400000xf32, #tpu.memory_space<vmem_shared>>) target(%dma_start3A_431 : memref<128xf32, #tpu.memory_space<vmem>>) offsets(%dma_start3A_433 : memref<128xi32, #tpu.memory_space<vmem>>) semaphore(%arg14 : memref<!tpu.dma_semaphore, #tpu.memory_space<semaphore_mem>>)
      %dma_start3A_436 = arith.constant 3 : i32
      %dma_start3A_437 = arith.constant 768 : i32
      %dma_start3A_438 = tpu.memref_slice %arg8[%dma_start3A_436, %dma_start3A_437] : memref<16x1024xf32, #tpu.memory_space<vmem>> -> memref<1x128xf32, #tpu.memory_space<vmem>>
      %dma_start3A_439 = tpu.memref_squeeze %dma_start3A_438 : memref<1x128xf32, #tpu.memory_space<vmem>> -> memref<128xf32, #tpu.memory_space<vmem>>
      %dma_start3A_440 = arith.constant 3840 : i32
      %dma_start3A_441 = tpu.memref_slice %arg7[%dma_start3A_440] : memref<4096xi32, #tpu.memory_space<vmem>> -> memref<128xi32, #tpu.memory_space<vmem>>
      %dma_start3A_442 = arith.constant 0 : i32
      %dma_start3A_443 = tpu.memref_slice %arg9[%dma_start3A_442] : memref<400000xf32, #tpu.memory_space<vmem_shared>> -> memref<400000xf32, #tpu.memory_space<vmem_shared>>
      tpu.enqueue_indirect_dma source(%dma_start3A_443 : memref<400000xf32, #tpu.memory_space<vmem_shared>>) target(%dma_start3A_439 : memref<128xf32, #tpu.memory_space<vmem>>) offsets(%dma_start3A_441 : memref<128xi32, #tpu.memory_space<vmem>>) semaphore(%arg14 : memref<!tpu.dma_semaphore, #tpu.memory_space<semaphore_mem>>)
      %dma_start3A_444 = arith.constant 3 : i32
      %dma_start3A_445 = arith.constant 896 : i32
      %dma_start3A_446 = tpu.memref_slice %arg8[%dma_start3A_444, %dma_start3A_445] : memref<16x1024xf32, #tpu.memory_space<vmem>> -> memref<1x128xf32, #tpu.memory_space<vmem>>
      %dma_start3A_447 = tpu.memref_squeeze %dma_start3A_446 : memref<1x128xf32, #tpu.memory_space<vmem>> -> memref<128xf32, #tpu.memory_space<vmem>>
      %dma_start3A_448 = arith.constant 3968 : i32
      %dma_start3A_449 = tpu.memref_slice %arg7[%dma_start3A_448] : memref<4096xi32, #tpu.memory_space<vmem>> -> memref<128xi32, #tpu.memory_space<vmem>>
      %dma_start3A_450 = arith.constant 0 : i32
      %dma_start3A_451 = tpu.memref_slice %arg9[%dma_start3A_450] : memref<400000xf32, #tpu.memory_space<vmem_shared>> -> memref<400000xf32, #tpu.memory_space<vmem_shared>>
      tpu.enqueue_indirect_dma source(%dma_start3A_451 : memref<400000xf32, #tpu.memory_space<vmem_shared>>) target(%dma_start3A_447 : memref<128xf32, #tpu.memory_space<vmem>>) offsets(%dma_start3A_449 : memref<128xi32, #tpu.memory_space<vmem>>) semaphore(%arg14 : memref<!tpu.dma_semaphore, #tpu.memory_space<semaphore_mem>>)
      %dma_wait3A_452 = arith.constant 0 : i32
      %dma_wait3A_453 = arith.constant 0 : i32
      %dma_wait3A_454 = tpu.memref_slice %arg8[%dma_wait3A_452, %dma_wait3A_453] : memref<16x1024xf32, #tpu.memory_space<vmem>> -> memref<1x128xf32, #tpu.memory_space<vmem>>
      %dma_wait3A_455 = tpu.memref_squeeze %dma_wait3A_454 : memref<1x128xf32, #tpu.memory_space<vmem>> -> memref<128xf32, #tpu.memory_space<vmem>>
      %dma_wait3A_456 = arith.constant 0 : i32
      %dma_wait3A_457 = tpu.memref_slice %arg7[%dma_wait3A_456] : memref<4096xi32, #tpu.memory_space<vmem>> -> memref<128xi32, #tpu.memory_space<vmem>>
      %dma_wait3A_458 = arith.constant 0 : i32
      %dma_wait3A_459 = tpu.memref_slice %arg9[%dma_wait3A_458] : memref<400000xf32, #tpu.memory_space<vmem_shared>> -> memref<400000xf32, #tpu.memory_space<vmem_shared>>
      tpu.wait_indirect_dma semaphore(%arg14 : memref<!tpu.dma_semaphore, #tpu.memory_space<semaphore_mem>>) src(%dma_wait3A_459 : memref<400000xf32, #tpu.memory_space<vmem_shared>>) dst(%dma_wait3A_455 : memref<128xf32, #tpu.memory_space<vmem>>)
      %dma_wait3A_460 = arith.constant 0 : i32
      %dma_wait3A_461 = arith.constant 128 : i32
      %dma_wait3A_462 = tpu.memref_slice %arg8[%dma_wait3A_460, %dma_wait3A_461] : memref<16x1024xf32, #tpu.memory_space<vmem>> -> memref<1x128xf32, #tpu.memory_space<vmem>>
      %dma_wait3A_463 = tpu.memref_squeeze %dma_wait3A_462 : memref<1x128xf32, #tpu.memory_space<vmem>> -> memref<128xf32, #tpu.memory_space<vmem>>
      %dma_wait3A_464 = arith.constant 128 : i32
      %dma_wait3A_465 = tpu.memref_slice %arg7[%dma_wait3A_464] : memref<4096xi32, #tpu.memory_space<vmem>> -> memref<128xi32, #tpu.memory_space<vmem>>
      %dma_wait3A_466 = arith.constant 0 : i32
      %dma_wait3A_467 = tpu.memref_slice %arg9[%dma_wait3A_466] : memref<400000xf32, #tpu.memory_space<vmem_shared>> -> memref<400000xf32, #tpu.memory_space<vmem_shared>>
      tpu.wait_indirect_dma semaphore(%arg14 : memref<!tpu.dma_semaphore, #tpu.memory_space<semaphore_mem>>) src(%dma_wait3A_467 : memref<400000xf32, #tpu.memory_space<vmem_shared>>) dst(%dma_wait3A_463 : memref<128xf32, #tpu.memory_space<vmem>>)
      %dma_wait3A_468 = arith.constant 0 : i32
      %dma_wait3A_469 = arith.constant 256 : i32
      %dma_wait3A_470 = tpu.memref_slice %arg8[%dma_wait3A_468, %dma_wait3A_469] : memref<16x1024xf32, #tpu.memory_space<vmem>> -> memref<1x128xf32, #tpu.memory_space<vmem>>
      %dma_wait3A_471 = tpu.memref_squeeze %dma_wait3A_470 : memref<1x128xf32, #tpu.memory_space<vmem>> -> memref<128xf32, #tpu.memory_space<vmem>>
      %dma_wait3A_472 = arith.constant 256 : i32
      %dma_wait3A_473 = tpu.memref_slice %arg7[%dma_wait3A_472] : memref<4096xi32, #tpu.memory_space<vmem>> -> memref<128xi32, #tpu.memory_space<vmem>>
      %dma_wait3A_474 = arith.constant 0 : i32
      %dma_wait3A_475 = tpu.memref_slice %arg9[%dma_wait3A_474] : memref<400000xf32, #tpu.memory_space<vmem_shared>> -> memref<400000xf32, #tpu.memory_space<vmem_shared>>
      tpu.wait_indirect_dma semaphore(%arg14 : memref<!tpu.dma_semaphore, #tpu.memory_space<semaphore_mem>>) src(%dma_wait3A_475 : memref<400000xf32, #tpu.memory_space<vmem_shared>>) dst(%dma_wait3A_471 : memref<128xf32, #tpu.memory_space<vmem>>)
      %dma_wait3A_476 = arith.constant 0 : i32
      %dma_wait3A_477 = arith.constant 384 : i32
      %dma_wait3A_478 = tpu.memref_slice %arg8[%dma_wait3A_476, %dma_wait3A_477] : memref<16x1024xf32, #tpu.memory_space<vmem>> -> memref<1x128xf32, #tpu.memory_space<vmem>>
      %dma_wait3A_479 = tpu.memref_squeeze %dma_wait3A_478 : memref<1x128xf32, #tpu.memory_space<vmem>> -> memref<128xf32, #tpu.memory_space<vmem>>
      %dma_wait3A_480 = arith.constant 384 : i32
      %dma_wait3A_481 = tpu.memref_slice %arg7[%dma_wait3A_480] : memref<4096xi32, #tpu.memory_space<vmem>> -> memref<128xi32, #tpu.memory_space<vmem>>
      %dma_wait3A_482 = arith.constant 0 : i32
      %dma_wait3A_483 = tpu.memref_slice %arg9[%dma_wait3A_482] : memref<400000xf32, #tpu.memory_space<vmem_shared>> -> memref<400000xf32, #tpu.memory_space<vmem_shared>>
      tpu.wait_indirect_dma semaphore(%arg14 : memref<!tpu.dma_semaphore, #tpu.memory_space<semaphore_mem>>) src(%dma_wait3A_483 : memref<400000xf32, #tpu.memory_space<vmem_shared>>) dst(%dma_wait3A_479 : memref<128xf32, #tpu.memory_space<vmem>>)
      %dma_wait3A_484 = arith.constant 0 : i32
      %dma_wait3A_485 = arith.constant 512 : i32
      %dma_wait3A_486 = tpu.memref_slice %arg8[%dma_wait3A_484, %dma_wait3A_485] : memref<16x1024xf32, #tpu.memory_space<vmem>> -> memref<1x128xf32, #tpu.memory_space<vmem>>
      %dma_wait3A_487 = tpu.memref_squeeze %dma_wait3A_486 : memref<1x128xf32, #tpu.memory_space<vmem>> -> memref<128xf32, #tpu.memory_space<vmem>>
      %dma_wait3A_488 = arith.constant 512 : i32
      %dma_wait3A_489 = tpu.memref_slice %arg7[%dma_wait3A_488] : memref<4096xi32, #tpu.memory_space<vmem>> -> memref<128xi32, #tpu.memory_space<vmem>>
      %dma_wait3A_490 = arith.constant 0 : i32
      %dma_wait3A_491 = tpu.memref_slice %arg9[%dma_wait3A_490] : memref<400000xf32, #tpu.memory_space<vmem_shared>> -> memref<400000xf32, #tpu.memory_space<vmem_shared>>
      tpu.wait_indirect_dma semaphore(%arg14 : memref<!tpu.dma_semaphore, #tpu.memory_space<semaphore_mem>>) src(%dma_wait3A_491 : memref<400000xf32, #tpu.memory_space<vmem_shared>>) dst(%dma_wait3A_487 : memref<128xf32, #tpu.memory_space<vmem>>)
      %dma_wait3A_492 = arith.constant 0 : i32
      %dma_wait3A_493 = arith.constant 640 : i32
      %dma_wait3A_494 = tpu.memref_slice %arg8[%dma_wait3A_492, %dma_wait3A_493] : memref<16x1024xf32, #tpu.memory_space<vmem>> -> memref<1x128xf32, #tpu.memory_space<vmem>>
      %dma_wait3A_495 = tpu.memref_squeeze %dma_wait3A_494 : memref<1x128xf32, #tpu.memory_space<vmem>> -> memref<128xf32, #tpu.memory_space<vmem>>
      %dma_wait3A_496 = arith.constant 640 : i32
      %dma_wait3A_497 = tpu.memref_slice %arg7[%dma_wait3A_496] : memref<4096xi32, #tpu.memory_space<vmem>> -> memref<128xi32, #tpu.memory_space<vmem>>
      %dma_wait3A_498 = arith.constant 0 : i32
      %dma_wait3A_499 = tpu.memref_slice %arg9[%dma_wait3A_498] : memref<400000xf32, #tpu.memory_space<vmem_shared>> -> memref<400000xf32, #tpu.memory_space<vmem_shared>>
      tpu.wait_indirect_dma semaphore(%arg14 : memref<!tpu.dma_semaphore, #tpu.memory_space<semaphore_mem>>) src(%dma_wait3A_499 : memref<400000xf32, #tpu.memory_space<vmem_shared>>) dst(%dma_wait3A_495 : memref<128xf32, #tpu.memory_space<vmem>>)
      %dma_wait3A_500 = arith.constant 0 : i32
      %dma_wait3A_501 = arith.constant 768 : i32
      %dma_wait3A_502 = tpu.memref_slice %arg8[%dma_wait3A_500, %dma_wait3A_501] : memref<16x1024xf32, #tpu.memory_space<vmem>> -> memref<1x128xf32, #tpu.memory_space<vmem>>
      %dma_wait3A_503 = tpu.memref_squeeze %dma_wait3A_502 : memref<1x128xf32, #tpu.memory_space<vmem>> -> memref<128xf32, #tpu.memory_space<vmem>>
      %dma_wait3A_504 = arith.constant 768 : i32
      %dma_wait3A_505 = tpu.memref_slice %arg7[%dma_wait3A_504] : memref<4096xi32, #tpu.memory_space<vmem>> -> memref<128xi32, #tpu.memory_space<vmem>>
      %dma_wait3A_506 = arith.constant 0 : i32
      %dma_wait3A_507 = tpu.memref_slice %arg9[%dma_wait3A_506] : memref<400000xf32, #tpu.memory_space<vmem_shared>> -> memref<400000xf32, #tpu.memory_space<vmem_shared>>
      tpu.wait_indirect_dma semaphore(%arg14 : memref<!tpu.dma_semaphore, #tpu.memory_space<semaphore_mem>>) src(%dma_wait3A_507 : memref<400000xf32, #tpu.memory_space<vmem_shared>>) dst(%dma_wait3A_503 : memref<128xf32, #tpu.memory_space<vmem>>)
      %dma_wait3A_508 = arith.constant 0 : i32
      %dma_wait3A_509 = arith.constant 896 : i32
      %dma_wait3A_510 = tpu.memref_slice %arg8[%dma_wait3A_508, %dma_wait3A_509] : memref<16x1024xf32, #tpu.memory_space<vmem>> -> memref<1x128xf32, #tpu.memory_space<vmem>>
      %dma_wait3A_511 = tpu.memref_squeeze %dma_wait3A_510 : memref<1x128xf32, #tpu.memory_space<vmem>> -> memref<128xf32, #tpu.memory_space<vmem>>
      %dma_wait3A_512 = arith.constant 896 : i32
      %dma_wait3A_513 = tpu.memref_slice %arg7[%dma_wait3A_512] : memref<4096xi32, #tpu.memory_space<vmem>> -> memref<128xi32, #tpu.memory_space<vmem>>
      %dma_wait3A_514 = arith.constant 0 : i32
      %dma_wait3A_515 = tpu.memref_slice %arg9[%dma_wait3A_514] : memref<400000xf32, #tpu.memory_space<vmem_shared>> -> memref<400000xf32, #tpu.memory_space<vmem_shared>>
      tpu.wait_indirect_dma semaphore(%arg14 : memref<!tpu.dma_semaphore, #tpu.memory_space<semaphore_mem>>) src(%dma_wait3A_515 : memref<400000xf32, #tpu.memory_space<vmem_shared>>) dst(%dma_wait3A_511 : memref<128xf32, #tpu.memory_space<vmem>>)
      %dma_wait3A_516 = arith.constant 1 : i32
      %dma_wait3A_517 = arith.constant 0 : i32
      %dma_wait3A_518 = tpu.memref_slice %arg8[%dma_wait3A_516, %dma_wait3A_517] : memref<16x1024xf32, #tpu.memory_space<vmem>> -> memref<1x128xf32, #tpu.memory_space<vmem>>
      %dma_wait3A_519 = tpu.memref_squeeze %dma_wait3A_518 : memref<1x128xf32, #tpu.memory_space<vmem>> -> memref<128xf32, #tpu.memory_space<vmem>>
      %dma_wait3A_520 = arith.constant 1024 : i32
      %dma_wait3A_521 = tpu.memref_slice %arg7[%dma_wait3A_520] : memref<4096xi32, #tpu.memory_space<vmem>> -> memref<128xi32, #tpu.memory_space<vmem>>
      %dma_wait3A_522 = arith.constant 0 : i32
      %dma_wait3A_523 = tpu.memref_slice %arg9[%dma_wait3A_522] : memref<400000xf32, #tpu.memory_space<vmem_shared>> -> memref<400000xf32, #tpu.memory_space<vmem_shared>>
      tpu.wait_indirect_dma semaphore(%arg14 : memref<!tpu.dma_semaphore, #tpu.memory_space<semaphore_mem>>) src(%dma_wait3A_523 : memref<400000xf32, #tpu.memory_space<vmem_shared>>) dst(%dma_wait3A_519 : memref<128xf32, #tpu.memory_space<vmem>>)
      %dma_wait3A_524 = arith.constant 1 : i32
      %dma_wait3A_525 = arith.constant 128 : i32
      %dma_wait3A_526 = tpu.memref_slice %arg8[%dma_wait3A_524, %dma_wait3A_525] : memref<16x1024xf32, #tpu.memory_space<vmem>> -> memref<1x128xf32, #tpu.memory_space<vmem>>
      %dma_wait3A_527 = tpu.memref_squeeze %dma_wait3A_526 : memref<1x128xf32, #tpu.memory_space<vmem>> -> memref<128xf32, #tpu.memory_space<vmem>>
      %dma_wait3A_528 = arith.constant 1152 : i32
      %dma_wait3A_529 = tpu.memref_slice %arg7[%dma_wait3A_528] : memref<4096xi32, #tpu.memory_space<vmem>> -> memref<128xi32, #tpu.memory_space<vmem>>
      %dma_wait3A_530 = arith.constant 0 : i32
      %dma_wait3A_531 = tpu.memref_slice %arg9[%dma_wait3A_530] : memref<400000xf32, #tpu.memory_space<vmem_shared>> -> memref<400000xf32, #tpu.memory_space<vmem_shared>>
      tpu.wait_indirect_dma semaphore(%arg14 : memref<!tpu.dma_semaphore, #tpu.memory_space<semaphore_mem>>) src(%dma_wait3A_531 : memref<400000xf32, #tpu.memory_space<vmem_shared>>) dst(%dma_wait3A_527 : memref<128xf32, #tpu.memory_space<vmem>>)
      %dma_wait3A_532 = arith.constant 1 : i32
      %dma_wait3A_533 = arith.constant 256 : i32
      %dma_wait3A_534 = tpu.memref_slice %arg8[%dma_wait3A_532, %dma_wait3A_533] : memref<16x1024xf32, #tpu.memory_space<vmem>> -> memref<1x128xf32, #tpu.memory_space<vmem>>
      %dma_wait3A_535 = tpu.memref_squeeze %dma_wait3A_534 : memref<1x128xf32, #tpu.memory_space<vmem>> -> memref<128xf32, #tpu.memory_space<vmem>>
      %dma_wait3A_536 = arith.constant 1280 : i32
      %dma_wait3A_537 = tpu.memref_slice %arg7[%dma_wait3A_536] : memref<4096xi32, #tpu.memory_space<vmem>> -> memref<128xi32, #tpu.memory_space<vmem>>
      %dma_wait3A_538 = arith.constant 0 : i32
      %dma_wait3A_539 = tpu.memref_slice %arg9[%dma_wait3A_538] : memref<400000xf32, #tpu.memory_space<vmem_shared>> -> memref<400000xf32, #tpu.memory_space<vmem_shared>>
      tpu.wait_indirect_dma semaphore(%arg14 : memref<!tpu.dma_semaphore, #tpu.memory_space<semaphore_mem>>) src(%dma_wait3A_539 : memref<400000xf32, #tpu.memory_space<vmem_shared>>) dst(%dma_wait3A_535 : memref<128xf32, #tpu.memory_space<vmem>>)
      %dma_wait3A_540 = arith.constant 1 : i32
      %dma_wait3A_541 = arith.constant 384 : i32
      %dma_wait3A_542 = tpu.memref_slice %arg8[%dma_wait3A_540, %dma_wait3A_541] : memref<16x1024xf32, #tpu.memory_space<vmem>> -> memref<1x128xf32, #tpu.memory_space<vmem>>
      %dma_wait3A_543 = tpu.memref_squeeze %dma_wait3A_542 : memref<1x128xf32, #tpu.memory_space<vmem>> -> memref<128xf32, #tpu.memory_space<vmem>>
      %dma_wait3A_544 = arith.constant 1408 : i32
      %dma_wait3A_545 = tpu.memref_slice %arg7[%dma_wait3A_544] : memref<4096xi32, #tpu.memory_space<vmem>> -> memref<128xi32, #tpu.memory_space<vmem>>
      %dma_wait3A_546 = arith.constant 0 : i32
      %dma_wait3A_547 = tpu.memref_slice %arg9[%dma_wait3A_546] : memref<400000xf32, #tpu.memory_space<vmem_shared>> -> memref<400000xf32, #tpu.memory_space<vmem_shared>>
      tpu.wait_indirect_dma semaphore(%arg14 : memref<!tpu.dma_semaphore, #tpu.memory_space<semaphore_mem>>) src(%dma_wait3A_547 : memref<400000xf32, #tpu.memory_space<vmem_shared>>) dst(%dma_wait3A_543 : memref<128xf32, #tpu.memory_space<vmem>>)
      %dma_wait3A_548 = arith.constant 1 : i32
      %dma_wait3A_549 = arith.constant 512 : i32
      %dma_wait3A_550 = tpu.memref_slice %arg8[%dma_wait3A_548, %dma_wait3A_549] : memref<16x1024xf32, #tpu.memory_space<vmem>> -> memref<1x128xf32, #tpu.memory_space<vmem>>
      %dma_wait3A_551 = tpu.memref_squeeze %dma_wait3A_550 : memref<1x128xf32, #tpu.memory_space<vmem>> -> memref<128xf32, #tpu.memory_space<vmem>>
      %dma_wait3A_552 = arith.constant 1536 : i32
      %dma_wait3A_553 = tpu.memref_slice %arg7[%dma_wait3A_552] : memref<4096xi32, #tpu.memory_space<vmem>> -> memref<128xi32, #tpu.memory_space<vmem>>
      %dma_wait3A_554 = arith.constant 0 : i32
      %dma_wait3A_555 = tpu.memref_slice %arg9[%dma_wait3A_554] : memref<400000xf32, #tpu.memory_space<vmem_shared>> -> memref<400000xf32, #tpu.memory_space<vmem_shared>>
      tpu.wait_indirect_dma semaphore(%arg14 : memref<!tpu.dma_semaphore, #tpu.memory_space<semaphore_mem>>) src(%dma_wait3A_555 : memref<400000xf32, #tpu.memory_space<vmem_shared>>) dst(%dma_wait3A_551 : memref<128xf32, #tpu.memory_space<vmem>>)
      %dma_wait3A_556 = arith.constant 1 : i32
      %dma_wait3A_557 = arith.constant 640 : i32
      %dma_wait3A_558 = tpu.memref_slice %arg8[%dma_wait3A_556, %dma_wait3A_557] : memref<16x1024xf32, #tpu.memory_space<vmem>> -> memref<1x128xf32, #tpu.memory_space<vmem>>
      %dma_wait3A_559 = tpu.memref_squeeze %dma_wait3A_558 : memref<1x128xf32, #tpu.memory_space<vmem>> -> memref<128xf32, #tpu.memory_space<vmem>>
      %dma_wait3A_560 = arith.constant 1664 : i32
      %dma_wait3A_561 = tpu.memref_slice %arg7[%dma_wait3A_560] : memref<4096xi32, #tpu.memory_space<vmem>> -> memref<128xi32, #tpu.memory_space<vmem>>
      %dma_wait3A_562 = arith.constant 0 : i32
      %dma_wait3A_563 = tpu.memref_slice %arg9[%dma_wait3A_562] : memref<400000xf32, #tpu.memory_space<vmem_shared>> -> memref<400000xf32, #tpu.memory_space<vmem_shared>>
      tpu.wait_indirect_dma semaphore(%arg14 : memref<!tpu.dma_semaphore, #tpu.memory_space<semaphore_mem>>) src(%dma_wait3A_563 : memref<400000xf32, #tpu.memory_space<vmem_shared>>) dst(%dma_wait3A_559 : memref<128xf32, #tpu.memory_space<vmem>>)
      %dma_wait3A_564 = arith.constant 1 : i32
      %dma_wait3A_565 = arith.constant 768 : i32
      %dma_wait3A_566 = tpu.memref_slice %arg8[%dma_wait3A_564, %dma_wait3A_565] : memref<16x1024xf32, #tpu.memory_space<vmem>> -> memref<1x128xf32, #tpu.memory_space<vmem>>
      %dma_wait3A_567 = tpu.memref_squeeze %dma_wait3A_566 : memref<1x128xf32, #tpu.memory_space<vmem>> -> memref<128xf32, #tpu.memory_space<vmem>>
      %dma_wait3A_568 = arith.constant 1792 : i32
      %dma_wait3A_569 = tpu.memref_slice %arg7[%dma_wait3A_568] : memref<4096xi32, #tpu.memory_space<vmem>> -> memref<128xi32, #tpu.memory_space<vmem>>
      %dma_wait3A_570 = arith.constant 0 : i32
      %dma_wait3A_571 = tpu.memref_slice %arg9[%dma_wait3A_570] : memref<400000xf32, #tpu.memory_space<vmem_shared>> -> memref<400000xf32, #tpu.memory_space<vmem_shared>>
      tpu.wait_indirect_dma semaphore(%arg14 : memref<!tpu.dma_semaphore, #tpu.memory_space<semaphore_mem>>) src(%dma_wait3A_571 : memref<400000xf32, #tpu.memory_space<vmem_shared>>) dst(%dma_wait3A_567 : memref<128xf32, #tpu.memory_space<vmem>>)
      %dma_wait3A_572 = arith.constant 1 : i32
      %dma_wait3A_573 = arith.constant 896 : i32
      %dma_wait3A_574 = tpu.memref_slice %arg8[%dma_wait3A_572, %dma_wait3A_573] : memref<16x1024xf32, #tpu.memory_space<vmem>> -> memref<1x128xf32, #tpu.memory_space<vmem>>
      %dma_wait3A_575 = tpu.memref_squeeze %dma_wait3A_574 : memref<1x128xf32, #tpu.memory_space<vmem>> -> memref<128xf32, #tpu.memory_space<vmem>>
      %dma_wait3A_576 = arith.constant 1920 : i32
      %dma_wait3A_577 = tpu.memref_slice %arg7[%dma_wait3A_576] : memref<4096xi32, #tpu.memory_space<vmem>> -> memref<128xi32, #tpu.memory_space<vmem>>
      %dma_wait3A_578 = arith.constant 0 : i32
      %dma_wait3A_579 = tpu.memref_slice %arg9[%dma_wait3A_578] : memref<400000xf32, #tpu.memory_space<vmem_shared>> -> memref<400000xf32, #tpu.memory_space<vmem_shared>>
      tpu.wait_indirect_dma semaphore(%arg14 : memref<!tpu.dma_semaphore, #tpu.memory_space<semaphore_mem>>) src(%dma_wait3A_579 : memref<400000xf32, #tpu.memory_space<vmem_shared>>) dst(%dma_wait3A_575 : memref<128xf32, #tpu.memory_space<vmem>>)
      %dma_wait3A_580 = arith.constant 2 : i32
      %dma_wait3A_581 = arith.constant 0 : i32
      %dma_wait3A_582 = tpu.memref_slice %arg8[%dma_wait3A_580, %dma_wait3A_581] : memref<16x1024xf32, #tpu.memory_space<vmem>> -> memref<1x128xf32, #tpu.memory_space<vmem>>
      %dma_wait3A_583 = tpu.memref_squeeze %dma_wait3A_582 : memref<1x128xf32, #tpu.memory_space<vmem>> -> memref<128xf32, #tpu.memory_space<vmem>>
      %dma_wait3A_584 = arith.constant 2048 : i32
      %dma_wait3A_585 = tpu.memref_slice %arg7[%dma_wait3A_584] : memref<4096xi32, #tpu.memory_space<vmem>> -> memref<128xi32, #tpu.memory_space<vmem>>
      %dma_wait3A_586 = arith.constant 0 : i32
      %dma_wait3A_587 = tpu.memref_slice %arg9[%dma_wait3A_586] : memref<400000xf32, #tpu.memory_space<vmem_shared>> -> memref<400000xf32, #tpu.memory_space<vmem_shared>>
      tpu.wait_indirect_dma semaphore(%arg14 : memref<!tpu.dma_semaphore, #tpu.memory_space<semaphore_mem>>) src(%dma_wait3A_587 : memref<400000xf32, #tpu.memory_space<vmem_shared>>) dst(%dma_wait3A_583 : memref<128xf32, #tpu.memory_space<vmem>>)
      %dma_wait3A_588 = arith.constant 2 : i32
      %dma_wait3A_589 = arith.constant 128 : i32
      %dma_wait3A_590 = tpu.memref_slice %arg8[%dma_wait3A_588, %dma_wait3A_589] : memref<16x1024xf32, #tpu.memory_space<vmem>> -> memref<1x128xf32, #tpu.memory_space<vmem>>
      %dma_wait3A_591 = tpu.memref_squeeze %dma_wait3A_590 : memref<1x128xf32, #tpu.memory_space<vmem>> -> memref<128xf32, #tpu.memory_space<vmem>>
      %dma_wait3A_592 = arith.constant 2176 : i32
      %dma_wait3A_593 = tpu.memref_slice %arg7[%dma_wait3A_592] : memref<4096xi32, #tpu.memory_space<vmem>> -> memref<128xi32, #tpu.memory_space<vmem>>
      %dma_wait3A_594 = arith.constant 0 : i32
      %dma_wait3A_595 = tpu.memref_slice %arg9[%dma_wait3A_594] : memref<400000xf32, #tpu.memory_space<vmem_shared>> -> memref<400000xf32, #tpu.memory_space<vmem_shared>>
      tpu.wait_indirect_dma semaphore(%arg14 : memref<!tpu.dma_semaphore, #tpu.memory_space<semaphore_mem>>) src(%dma_wait3A_595 : memref<400000xf32, #tpu.memory_space<vmem_shared>>) dst(%dma_wait3A_591 : memref<128xf32, #tpu.memory_space<vmem>>)
      %dma_wait3A_596 = arith.constant 2 : i32
      %dma_wait3A_597 = arith.constant 256 : i32
      %dma_wait3A_598 = tpu.memref_slice %arg8[%dma_wait3A_596, %dma_wait3A_597] : memref<16x1024xf32, #tpu.memory_space<vmem>> -> memref<1x128xf32, #tpu.memory_space<vmem>>
      %dma_wait3A_599 = tpu.memref_squeeze %dma_wait3A_598 : memref<1x128xf32, #tpu.memory_space<vmem>> -> memref<128xf32, #tpu.memory_space<vmem>>
      %dma_wait3A_600 = arith.constant 2304 : i32
      %dma_wait3A_601 = tpu.memref_slice %arg7[%dma_wait3A_600] : memref<4096xi32, #tpu.memory_space<vmem>> -> memref<128xi32, #tpu.memory_space<vmem>>
      %dma_wait3A_602 = arith.constant 0 : i32
      %dma_wait3A_603 = tpu.memref_slice %arg9[%dma_wait3A_602] : memref<400000xf32, #tpu.memory_space<vmem_shared>> -> memref<400000xf32, #tpu.memory_space<vmem_shared>>
      tpu.wait_indirect_dma semaphore(%arg14 : memref<!tpu.dma_semaphore, #tpu.memory_space<semaphore_mem>>) src(%dma_wait3A_603 : memref<400000xf32, #tpu.memory_space<vmem_shared>>) dst(%dma_wait3A_599 : memref<128xf32, #tpu.memory_space<vmem>>)
      %dma_wait3A_604 = arith.constant 2 : i32
      %dma_wait3A_605 = arith.constant 384 : i32
      %dma_wait3A_606 = tpu.memref_slice %arg8[%dma_wait3A_604, %dma_wait3A_605] : memref<16x1024xf32, #tpu.memory_space<vmem>> -> memref<1x128xf32, #tpu.memory_space<vmem>>
      %dma_wait3A_607 = tpu.memref_squeeze %dma_wait3A_606 : memref<1x128xf32, #tpu.memory_space<vmem>> -> memref<128xf32, #tpu.memory_space<vmem>>
      %dma_wait3A_608 = arith.constant 2432 : i32
      %dma_wait3A_609 = tpu.memref_slice %arg7[%dma_wait3A_608] : memref<4096xi32, #tpu.memory_space<vmem>> -> memref<128xi32, #tpu.memory_space<vmem>>
      %dma_wait3A_610 = arith.constant 0 : i32
      %dma_wait3A_611 = tpu.memref_slice %arg9[%dma_wait3A_610] : memref<400000xf32, #tpu.memory_space<vmem_shared>> -> memref<400000xf32, #tpu.memory_space<vmem_shared>>
      tpu.wait_indirect_dma semaphore(%arg14 : memref<!tpu.dma_semaphore, #tpu.memory_space<semaphore_mem>>) src(%dma_wait3A_611 : memref<400000xf32, #tpu.memory_space<vmem_shared>>) dst(%dma_wait3A_607 : memref<128xf32, #tpu.memory_space<vmem>>)
      %dma_wait3A_612 = arith.constant 2 : i32
      %dma_wait3A_613 = arith.constant 512 : i32
      %dma_wait3A_614 = tpu.memref_slice %arg8[%dma_wait3A_612, %dma_wait3A_613] : memref<16x1024xf32, #tpu.memory_space<vmem>> -> memref<1x128xf32, #tpu.memory_space<vmem>>
      %dma_wait3A_615 = tpu.memref_squeeze %dma_wait3A_614 : memref<1x128xf32, #tpu.memory_space<vmem>> -> memref<128xf32, #tpu.memory_space<vmem>>
      %dma_wait3A_616 = arith.constant 2560 : i32
      %dma_wait3A_617 = tpu.memref_slice %arg7[%dma_wait3A_616] : memref<4096xi32, #tpu.memory_space<vmem>> -> memref<128xi32, #tpu.memory_space<vmem>>
      %dma_wait3A_618 = arith.constant 0 : i32
      %dma_wait3A_619 = tpu.memref_slice %arg9[%dma_wait3A_618] : memref<400000xf32, #tpu.memory_space<vmem_shared>> -> memref<400000xf32, #tpu.memory_space<vmem_shared>>
      tpu.wait_indirect_dma semaphore(%arg14 : memref<!tpu.dma_semaphore, #tpu.memory_space<semaphore_mem>>) src(%dma_wait3A_619 : memref<400000xf32, #tpu.memory_space<vmem_shared>>) dst(%dma_wait3A_615 : memref<128xf32, #tpu.memory_space<vmem>>)
      %dma_wait3A_620 = arith.constant 2 : i32
      %dma_wait3A_621 = arith.constant 640 : i32
      %dma_wait3A_622 = tpu.memref_slice %arg8[%dma_wait3A_620, %dma_wait3A_621] : memref<16x1024xf32, #tpu.memory_space<vmem>> -> memref<1x128xf32, #tpu.memory_space<vmem>>
      %dma_wait3A_623 = tpu.memref_squeeze %dma_wait3A_622 : memref<1x128xf32, #tpu.memory_space<vmem>> -> memref<128xf32, #tpu.memory_space<vmem>>
      %dma_wait3A_624 = arith.constant 2688 : i32
      %dma_wait3A_625 = tpu.memref_slice %arg7[%dma_wait3A_624] : memref<4096xi32, #tpu.memory_space<vmem>> -> memref<128xi32, #tpu.memory_space<vmem>>
      %dma_wait3A_626 = arith.constant 0 : i32
      %dma_wait3A_627 = tpu.memref_slice %arg9[%dma_wait3A_626] : memref<400000xf32, #tpu.memory_space<vmem_shared>> -> memref<400000xf32, #tpu.memory_space<vmem_shared>>
      tpu.wait_indirect_dma semaphore(%arg14 : memref<!tpu.dma_semaphore, #tpu.memory_space<semaphore_mem>>) src(%dma_wait3A_627 : memref<400000xf32, #tpu.memory_space<vmem_shared>>) dst(%dma_wait3A_623 : memref<128xf32, #tpu.memory_space<vmem>>)
      %dma_wait3A_628 = arith.constant 2 : i32
      %dma_wait3A_629 = arith.constant 768 : i32
      %dma_wait3A_630 = tpu.memref_slice %arg8[%dma_wait3A_628, %dma_wait3A_629] : memref<16x1024xf32, #tpu.memory_space<vmem>> -> memref<1x128xf32, #tpu.memory_space<vmem>>
      %dma_wait3A_631 = tpu.memref_squeeze %dma_wait3A_630 : memref<1x128xf32, #tpu.memory_space<vmem>> -> memref<128xf32, #tpu.memory_space<vmem>>
      %dma_wait3A_632 = arith.constant 2816 : i32
      %dma_wait3A_633 = tpu.memref_slice %arg7[%dma_wait3A_632] : memref<4096xi32, #tpu.memory_space<vmem>> -> memref<128xi32, #tpu.memory_space<vmem>>
      %dma_wait3A_634 = arith.constant 0 : i32
      %dma_wait3A_635 = tpu.memref_slice %arg9[%dma_wait3A_634] : memref<400000xf32, #tpu.memory_space<vmem_shared>> -> memref<400000xf32, #tpu.memory_space<vmem_shared>>
      tpu.wait_indirect_dma semaphore(%arg14 : memref<!tpu.dma_semaphore, #tpu.memory_space<semaphore_mem>>) src(%dma_wait3A_635 : memref<400000xf32, #tpu.memory_space<vmem_shared>>) dst(%dma_wait3A_631 : memref<128xf32, #tpu.memory_space<vmem>>)
      %dma_wait3A_636 = arith.constant 2 : i32
      %dma_wait3A_637 = arith.constant 896 : i32
      %dma_wait3A_638 = tpu.memref_slice %arg8[%dma_wait3A_636, %dma_wait3A_637] : memref<16x1024xf32, #tpu.memory_space<vmem>> -> memref<1x128xf32, #tpu.memory_space<vmem>>
      %dma_wait3A_639 = tpu.memref_squeeze %dma_wait3A_638 : memref<1x128xf32, #tpu.memory_space<vmem>> -> memref<128xf32, #tpu.memory_space<vmem>>
      %dma_wait3A_640 = arith.constant 2944 : i32
      %dma_wait3A_641 = tpu.memref_slice %arg7[%dma_wait3A_640] : memref<4096xi32, #tpu.memory_space<vmem>> -> memref<128xi32, #tpu.memory_space<vmem>>
      %dma_wait3A_642 = arith.constant 0 : i32
      %dma_wait3A_643 = tpu.memref_slice %arg9[%dma_wait3A_642] : memref<400000xf32, #tpu.memory_space<vmem_shared>> -> memref<400000xf32, #tpu.memory_space<vmem_shared>>
      tpu.wait_indirect_dma semaphore(%arg14 : memref<!tpu.dma_semaphore, #tpu.memory_space<semaphore_mem>>) src(%dma_wait3A_643 : memref<400000xf32, #tpu.memory_space<vmem_shared>>) dst(%dma_wait3A_639 : memref<128xf32, #tpu.memory_space<vmem>>)
      %dma_wait3A_644 = arith.constant 3 : i32
      %dma_wait3A_645 = arith.constant 0 : i32
      %dma_wait3A_646 = tpu.memref_slice %arg8[%dma_wait3A_644, %dma_wait3A_645] : memref<16x1024xf32, #tpu.memory_space<vmem>> -> memref<1x128xf32, #tpu.memory_space<vmem>>
      %dma_wait3A_647 = tpu.memref_squeeze %dma_wait3A_646 : memref<1x128xf32, #tpu.memory_space<vmem>> -> memref<128xf32, #tpu.memory_space<vmem>>
      %dma_wait3A_648 = arith.constant 3072 : i32
      %dma_wait3A_649 = tpu.memref_slice %arg7[%dma_wait3A_648] : memref<4096xi32, #tpu.memory_space<vmem>> -> memref<128xi32, #tpu.memory_space<vmem>>
      %dma_wait3A_650 = arith.constant 0 : i32
      %dma_wait3A_651 = tpu.memref_slice %arg9[%dma_wait3A_650] : memref<400000xf32, #tpu.memory_space<vmem_shared>> -> memref<400000xf32, #tpu.memory_space<vmem_shared>>
      tpu.wait_indirect_dma semaphore(%arg14 : memref<!tpu.dma_semaphore, #tpu.memory_space<semaphore_mem>>) src(%dma_wait3A_651 : memref<400000xf32, #tpu.memory_space<vmem_shared>>) dst(%dma_wait3A_647 : memref<128xf32, #tpu.memory_space<vmem>>)
      %dma_wait3A_652 = arith.constant 3 : i32
      %dma_wait3A_653 = arith.constant 128 : i32
      %dma_wait3A_654 = tpu.memref_slice %arg8[%dma_wait3A_652, %dma_wait3A_653] : memref<16x1024xf32, #tpu.memory_space<vmem>> -> memref<1x128xf32, #tpu.memory_space<vmem>>
      %dma_wait3A_655 = tpu.memref_squeeze %dma_wait3A_654 : memref<1x128xf32, #tpu.memory_space<vmem>> -> memref<128xf32, #tpu.memory_space<vmem>>
      %dma_wait3A_656 = arith.constant 3200 : i32
      %dma_wait3A_657 = tpu.memref_slice %arg7[%dma_wait3A_656] : memref<4096xi32, #tpu.memory_space<vmem>> -> memref<128xi32, #tpu.memory_space<vmem>>
      %dma_wait3A_658 = arith.constant 0 : i32
      %dma_wait3A_659 = tpu.memref_slice %arg9[%dma_wait3A_658] : memref<400000xf32, #tpu.memory_space<vmem_shared>> -> memref<400000xf32, #tpu.memory_space<vmem_shared>>
      tpu.wait_indirect_dma semaphore(%arg14 : memref<!tpu.dma_semaphore, #tpu.memory_space<semaphore_mem>>) src(%dma_wait3A_659 : memref<400000xf32, #tpu.memory_space<vmem_shared>>) dst(%dma_wait3A_655 : memref<128xf32, #tpu.memory_space<vmem>>)
      %dma_wait3A_660 = arith.constant 3 : i32
      %dma_wait3A_661 = arith.constant 256 : i32
      %dma_wait3A_662 = tpu.memref_slice %arg8[%dma_wait3A_660, %dma_wait3A_661] : memref<16x1024xf32, #tpu.memory_space<vmem>> -> memref<1x128xf32, #tpu.memory_space<vmem>>
      %dma_wait3A_663 = tpu.memref_squeeze %dma_wait3A_662 : memref<1x128xf32, #tpu.memory_space<vmem>> -> memref<128xf32, #tpu.memory_space<vmem>>
      %dma_wait3A_664 = arith.constant 3328 : i32
      %dma_wait3A_665 = tpu.memref_slice %arg7[%dma_wait3A_664] : memref<4096xi32, #tpu.memory_space<vmem>> -> memref<128xi32, #tpu.memory_space<vmem>>
      %dma_wait3A_666 = arith.constant 0 : i32
      %dma_wait3A_667 = tpu.memref_slice %arg9[%dma_wait3A_666] : memref<400000xf32, #tpu.memory_space<vmem_shared>> -> memref<400000xf32, #tpu.memory_space<vmem_shared>>
      tpu.wait_indirect_dma semaphore(%arg14 : memref<!tpu.dma_semaphore, #tpu.memory_space<semaphore_mem>>) src(%dma_wait3A_667 : memref<400000xf32, #tpu.memory_space<vmem_shared>>) dst(%dma_wait3A_663 : memref<128xf32, #tpu.memory_space<vmem>>)
      %dma_wait3A_668 = arith.constant 3 : i32
      %dma_wait3A_669 = arith.constant 384 : i32
      %dma_wait3A_670 = tpu.memref_slice %arg8[%dma_wait3A_668, %dma_wait3A_669] : memref<16x1024xf32, #tpu.memory_space<vmem>> -> memref<1x128xf32, #tpu.memory_space<vmem>>
      %dma_wait3A_671 = tpu.memref_squeeze %dma_wait3A_670 : memref<1x128xf32, #tpu.memory_space<vmem>> -> memref<128xf32, #tpu.memory_space<vmem>>
      %dma_wait3A_672 = arith.constant 3456 : i32
      %dma_wait3A_673 = tpu.memref_slice %arg7[%dma_wait3A_672] : memref<4096xi32, #tpu.memory_space<vmem>> -> memref<128xi32, #tpu.memory_space<vmem>>
      %dma_wait3A_674 = arith.constant 0 : i32
      %dma_wait3A_675 = tpu.memref_slice %arg9[%dma_wait3A_674] : memref<400000xf32, #tpu.memory_space<vmem_shared>> -> memref<400000xf32, #tpu.memory_space<vmem_shared>>
      tpu.wait_indirect_dma semaphore(%arg14 : memref<!tpu.dma_semaphore, #tpu.memory_space<semaphore_mem>>) src(%dma_wait3A_675 : memref<400000xf32, #tpu.memory_space<vmem_shared>>) dst(%dma_wait3A_671 : memref<128xf32, #tpu.memory_space<vmem>>)
      %dma_wait3A_676 = arith.constant 3 : i32
      %dma_wait3A_677 = arith.constant 512 : i32
      %dma_wait3A_678 = tpu.memref_slice %arg8[%dma_wait3A_676, %dma_wait3A_677] : memref<16x1024xf32, #tpu.memory_space<vmem>> -> memref<1x128xf32, #tpu.memory_space<vmem>>
      %dma_wait3A_679 = tpu.memref_squeeze %dma_wait3A_678 : memref<1x128xf32, #tpu.memory_space<vmem>> -> memref<128xf32, #tpu.memory_space<vmem>>
      %dma_wait3A_680 = arith.constant 3584 : i32
      %dma_wait3A_681 = tpu.memref_slice %arg7[%dma_wait3A_680] : memref<4096xi32, #tpu.memory_space<vmem>> -> memref<128xi32, #tpu.memory_space<vmem>>
      %dma_wait3A_682 = arith.constant 0 : i32
      %dma_wait3A_683 = tpu.memref_slice %arg9[%dma_wait3A_682] : memref<400000xf32, #tpu.memory_space<vmem_shared>> -> memref<400000xf32, #tpu.memory_space<vmem_shared>>
      tpu.wait_indirect_dma semaphore(%arg14 : memref<!tpu.dma_semaphore, #tpu.memory_space<semaphore_mem>>) src(%dma_wait3A_683 : memref<400000xf32, #tpu.memory_space<vmem_shared>>) dst(%dma_wait3A_679 : memref<128xf32, #tpu.memory_space<vmem>>)
      %dma_wait3A_684 = arith.constant 3 : i32
      %dma_wait3A_685 = arith.constant 640 : i32
      %dma_wait3A_686 = tpu.memref_slice %arg8[%dma_wait3A_684, %dma_wait3A_685] : memref<16x1024xf32, #tpu.memory_space<vmem>> -> memref<1x128xf32, #tpu.memory_space<vmem>>
      %dma_wait3A_687 = tpu.memref_squeeze %dma_wait3A_686 : memref<1x128xf32, #tpu.memory_space<vmem>> -> memref<128xf32, #tpu.memory_space<vmem>>
      %dma_wait3A_688 = arith.constant 3712 : i32
      %dma_wait3A_689 = tpu.memref_slice %arg7[%dma_wait3A_688] : memref<4096xi32, #tpu.memory_space<vmem>> -> memref<128xi32, #tpu.memory_space<vmem>>
      %dma_wait3A_690 = arith.constant 0 : i32
      %dma_wait3A_691 = tpu.memref_slice %arg9[%dma_wait3A_690] : memref<400000xf32, #tpu.memory_space<vmem_shared>> -> memref<400000xf32, #tpu.memory_space<vmem_shared>>
      tpu.wait_indirect_dma semaphore(%arg14 : memref<!tpu.dma_semaphore, #tpu.memory_space<semaphore_mem>>) src(%dma_wait3A_691 : memref<400000xf32, #tpu.memory_space<vmem_shared>>) dst(%dma_wait3A_687 : memref<128xf32, #tpu.memory_space<vmem>>)
      %dma_wait3A_692 = arith.constant 3 : i32
      %dma_wait3A_693 = arith.constant 768 : i32
      %dma_wait3A_694 = tpu.memref_slice %arg8[%dma_wait3A_692, %dma_wait3A_693] : memref<16x1024xf32, #tpu.memory_space<vmem>> -> memref<1x128xf32, #tpu.memory_space<vmem>>
      %dma_wait3A_695 = tpu.memref_squeeze %dma_wait3A_694 : memref<1x128xf32, #tpu.memory_space<vmem>> -> memref<128xf32, #tpu.memory_space<vmem>>
      %dma_wait3A_696 = arith.constant 3840 : i32
      %dma_wait3A_697 = tpu.memref_slice %arg7[%dma_wait3A_696] : memref<4096xi32, #tpu.memory_space<vmem>> -> memref<128xi32, #tpu.memory_space<vmem>>
      %dma_wait3A_698 = arith.constant 0 : i32
      %dma_wait3A_699 = tpu.memref_slice %arg9[%dma_wait3A_698] : memref<400000xf32, #tpu.memory_space<vmem_shared>> -> memref<400000xf32, #tpu.memory_space<vmem_shared>>
      tpu.wait_indirect_dma semaphore(%arg14 : memref<!tpu.dma_semaphore, #tpu.memory_space<semaphore_mem>>) src(%dma_wait3A_699 : memref<400000xf32, #tpu.memory_space<vmem_shared>>) dst(%dma_wait3A_695 : memref<128xf32, #tpu.memory_space<vmem>>)
      %dma_wait3A_700 = arith.constant 3 : i32
      %dma_wait3A_701 = arith.constant 896 : i32
      %dma_wait3A_702 = tpu.memref_slice %arg8[%dma_wait3A_700, %dma_wait3A_701] : memref<16x1024xf32, #tpu.memory_space<vmem>> -> memref<1x128xf32, #tpu.memory_space<vmem>>
      %dma_wait3A_703 = tpu.memref_squeeze %dma_wait3A_702 : memref<1x128xf32, #tpu.memory_space<vmem>> -> memref<128xf32, #tpu.memory_space<vmem>>
      %dma_wait3A_704 = arith.constant 3968 : i32
      %dma_wait3A_705 = tpu.memref_slice %arg7[%dma_wait3A_704] : memref<4096xi32, #tpu.memory_space<vmem>> -> memref<128xi32, #tpu.memory_space<vmem>>
      %dma_wait3A_706 = arith.constant 0 : i32
      %dma_wait3A_707 = tpu.memref_slice %arg9[%dma_wait3A_706] : memref<400000xf32, #tpu.memory_space<vmem_shared>> -> memref<400000xf32, #tpu.memory_space<vmem_shared>>
      tpu.wait_indirect_dma semaphore(%arg14 : memref<!tpu.dma_semaphore, #tpu.memory_space<semaphore_mem>>) src(%dma_wait3A_707 : memref<400000xf32, #tpu.memory_space<vmem_shared>>) dst(%dma_wait3A_703 : memref<128xf32, #tpu.memory_space<vmem>>)
      %barrier3A_708 = arith.constant 0 : index
      tpu.barrier barrier_id(%barrier3A_708)
      %add3A_709 = arith.constant 0 : i32
      %add3A_710 = arith.addi %add3A_709, %multiple_of3A : i32
      %dma_start3A_711 = arith.constant 8 : i32
      %dma_start3A_712 = tpu.memref_slice %arg9[%add3A_710] : memref<400000xf32, #tpu.memory_space<vmem_shared>> -> memref<6256xf32, #tpu.memory_space<vmem_shared>>
      %dma_start3A_713 = tpu.memref_slice %arg4[%add3A_137, %dma_start3A_711, %multiple_of3A] : memref<26x16x100000xf32, #tpu.memory_space<hbm>> -> memref<1x1x6256xf32, #tpu.memory_space<hbm>>
      %dma_start3A_714 = tpu.memref_squeeze %dma_start3A_713 : memref<1x1x6256xf32, #tpu.memory_space<hbm>> -> memref<6256xf32, #tpu.memory_space<hbm>>
      tpu.enqueue_dma source(%dma_start3A_714 : memref<6256xf32, #tpu.memory_space<hbm>>) target(%dma_start3A_712 : memref<6256xf32, #tpu.memory_space<vmem_shared>>) target_semaphore(%arg11 : memref<!tpu.dma_semaphore, #tpu.memory_space<semaphore_mem>>)
      %add3A_715 = arith.constant 100000 : i32
      %add3A_716 = arith.addi %add3A_715, %multiple_of3A : i32
      %dma_start3A_717 = arith.constant 9 : i32
      %dma_start3A_718 = tpu.memref_slice %arg9[%add3A_716] : memref<400000xf32, #tpu.memory_space<vmem_shared>> -> memref<6256xf32, #tpu.memory_space<vmem_shared>>
      %dma_start3A_719 = tpu.memref_slice %arg4[%add3A_137, %dma_start3A_717, %multiple_of3A] : memref<26x16x100000xf32, #tpu.memory_space<hbm>> -> memref<1x1x6256xf32, #tpu.memory_space<hbm>>
      %dma_start3A_720 = tpu.memref_squeeze %dma_start3A_719 : memref<1x1x6256xf32, #tpu.memory_space<hbm>> -> memref<6256xf32, #tpu.memory_space<hbm>>
      tpu.enqueue_dma source(%dma_start3A_720 : memref<6256xf32, #tpu.memory_space<hbm>>) target(%dma_start3A_718 : memref<6256xf32, #tpu.memory_space<vmem_shared>>) target_semaphore(%arg11 : memref<!tpu.dma_semaphore, #tpu.memory_space<semaphore_mem>>)
      %add3A_721 = arith.constant 200000 : i32
      %add3A_722 = arith.addi %add3A_721, %multiple_of3A : i32
      %dma_start3A_723 = arith.constant 10 : i32
      %dma_start3A_724 = tpu.memref_slice %arg9[%add3A_722] : memref<400000xf32, #tpu.memory_space<vmem_shared>> -> memref<6256xf32, #tpu.memory_space<vmem_shared>>
      %dma_start3A_725 = tpu.memref_slice %arg4[%add3A_137, %dma_start3A_723, %multiple_of3A] : memref<26x16x100000xf32, #tpu.memory_space<hbm>> -> memref<1x1x6256xf32, #tpu.memory_space<hbm>>
      %dma_start3A_726 = tpu.memref_squeeze %dma_start3A_725 : memref<1x1x6256xf32, #tpu.memory_space<hbm>> -> memref<6256xf32, #tpu.memory_space<hbm>>
      tpu.enqueue_dma source(%dma_start3A_726 : memref<6256xf32, #tpu.memory_space<hbm>>) target(%dma_start3A_724 : memref<6256xf32, #tpu.memory_space<vmem_shared>>) target_semaphore(%arg11 : memref<!tpu.dma_semaphore, #tpu.memory_space<semaphore_mem>>)
      %add3A_727 = arith.constant 300000 : i32
      %add3A_728 = arith.addi %add3A_727, %multiple_of3A : i32
      %dma_start3A_729 = arith.constant 11 : i32
      %dma_start3A_730 = tpu.memref_slice %arg9[%add3A_728] : memref<400000xf32, #tpu.memory_space<vmem_shared>> -> memref<6256xf32, #tpu.memory_space<vmem_shared>>
      %dma_start3A_731 = tpu.memref_slice %arg4[%add3A_137, %dma_start3A_729, %multiple_of3A] : memref<26x16x100000xf32, #tpu.memory_space<hbm>> -> memref<1x1x6256xf32, #tpu.memory_space<hbm>>
      %dma_start3A_732 = tpu.memref_squeeze %dma_start3A_731 : memref<1x1x6256xf32, #tpu.memory_space<hbm>> -> memref<6256xf32, #tpu.memory_space<hbm>>
      tpu.enqueue_dma source(%dma_start3A_732 : memref<6256xf32, #tpu.memory_space<hbm>>) target(%dma_start3A_730 : memref<6256xf32, #tpu.memory_space<vmem_shared>>) target_semaphore(%arg11 : memref<!tpu.dma_semaphore, #tpu.memory_space<semaphore_mem>>)
      %dma_wait3A_733 = arith.constant 0 : i32
      %dma_wait3A_734 = arith.constant 0 : i32
      %dma_wait3A_735 = arith.constant 0 : i32
      %dma_wait3A_736 = tpu.memref_slice %arg10[%dma_wait3A_735] : memref<400000xf32, #tpu.memory_space<vmem_shared>> -> memref<6256xf32, #tpu.memory_space<vmem_shared>>
      %dma_wait3A_737 = arith.constant 0 : i32
      %dma_wait3A_738 = tpu.memref_slice %arg4[%dma_wait3A_733, %dma_wait3A_734, %dma_wait3A_737] : memref<26x16x100000xf32, #tpu.memory_space<hbm>> -> memref<1x1x6256xf32, #tpu.memory_space<hbm>>
      %dma_wait3A_739 = tpu.memref_squeeze %dma_wait3A_738 : memref<1x1x6256xf32, #tpu.memory_space<hbm>> -> memref<6256xf32, #tpu.memory_space<hbm>>
      tpu.wait_dma2 semaphore(%arg12 : memref<!tpu.dma_semaphore, #tpu.memory_space<semaphore_mem>>) src(%dma_wait3A_739 : memref<6256xf32, #tpu.memory_space<hbm>>) dst(%dma_wait3A_736 : memref<6256xf32, #tpu.memory_space<vmem_shared>>)
      %dma_wait3A_740 = arith.constant 0 : i32
      %dma_wait3A_741 = arith.constant 0 : i32
      %dma_wait3A_742 = arith.constant 0 : i32
      %dma_wait3A_743 = tpu.memref_slice %arg10[%dma_wait3A_742] : memref<400000xf32, #tpu.memory_space<vmem_shared>> -> memref<6256xf32, #tpu.memory_space<vmem_shared>>
      %dma_wait3A_744 = arith.constant 0 : i32
      %dma_wait3A_745 = tpu.memref_slice %arg4[%dma_wait3A_740, %dma_wait3A_741, %dma_wait3A_744] : memref<26x16x100000xf32, #tpu.memory_space<hbm>> -> memref<1x1x6256xf32, #tpu.memory_space<hbm>>
      %dma_wait3A_746 = tpu.memref_squeeze %dma_wait3A_745 : memref<1x1x6256xf32, #tpu.memory_space<hbm>> -> memref<6256xf32, #tpu.memory_space<hbm>>
      tpu.wait_dma2 semaphore(%arg12 : memref<!tpu.dma_semaphore, #tpu.memory_space<semaphore_mem>>) src(%dma_wait3A_746 : memref<6256xf32, #tpu.memory_space<hbm>>) dst(%dma_wait3A_743 : memref<6256xf32, #tpu.memory_space<vmem_shared>>)
      %dma_wait3A_747 = arith.constant 0 : i32
      %dma_wait3A_748 = arith.constant 0 : i32
      %dma_wait3A_749 = arith.constant 0 : i32
      %dma_wait3A_750 = tpu.memref_slice %arg10[%dma_wait3A_749] : memref<400000xf32, #tpu.memory_space<vmem_shared>> -> memref<6256xf32, #tpu.memory_space<vmem_shared>>
      %dma_wait3A_751 = arith.constant 0 : i32
      %dma_wait3A_752 = tpu.memref_slice %arg4[%dma_wait3A_747, %dma_wait3A_748, %dma_wait3A_751] : memref<26x16x100000xf32, #tpu.memory_space<hbm>> -> memref<1x1x6256xf32, #tpu.memory_space<hbm>>
      %dma_wait3A_753 = tpu.memref_squeeze %dma_wait3A_752 : memref<1x1x6256xf32, #tpu.memory_space<hbm>> -> memref<6256xf32, #tpu.memory_space<hbm>>
      tpu.wait_dma2 semaphore(%arg12 : memref<!tpu.dma_semaphore, #tpu.memory_space<semaphore_mem>>) src(%dma_wait3A_753 : memref<6256xf32, #tpu.memory_space<hbm>>) dst(%dma_wait3A_750 : memref<6256xf32, #tpu.memory_space<vmem_shared>>)
      %dma_wait3A_754 = arith.constant 0 : i32
      %dma_wait3A_755 = arith.constant 0 : i32
      %dma_wait3A_756 = arith.constant 0 : i32
      %dma_wait3A_757 = tpu.memref_slice %arg10[%dma_wait3A_756] : memref<400000xf32, #tpu.memory_space<vmem_shared>> -> memref<6256xf32, #tpu.memory_space<vmem_shared>>
      %dma_wait3A_758 = arith.constant 0 : i32
      %dma_wait3A_759 = tpu.memref_slice %arg4[%dma_wait3A_754, %dma_wait3A_755, %dma_wait3A_758] : memref<26x16x100000xf32, #tpu.memory_space<hbm>> -> memref<1x1x6256xf32, #tpu.memory_space<hbm>>
      %dma_wait3A_760 = tpu.memref_squeeze %dma_wait3A_759 : memref<1x1x6256xf32, #tpu.memory_space<hbm>> -> memref<6256xf32, #tpu.memory_space<hbm>>
      tpu.wait_dma2 semaphore(%arg12 : memref<!tpu.dma_semaphore, #tpu.memory_space<semaphore_mem>>) src(%dma_wait3A_760 : memref<6256xf32, #tpu.memory_space<hbm>>) dst(%dma_wait3A_757 : memref<6256xf32, #tpu.memory_space<vmem_shared>>)
      %barrier3A_761 = arith.constant 0 : index
      tpu.barrier barrier_id(%barrier3A_761)
      %dma_start3A_762 = arith.constant 4 : i32
      %dma_start3A_763 = arith.constant 0 : i32
      %dma_start3A_764 = tpu.memref_slice %arg8[%dma_start3A_762, %dma_start3A_763] : memref<16x1024xf32, #tpu.memory_space<vmem>> -> memref<1x128xf32, #tpu.memory_space<vmem>>
      %dma_start3A_765 = tpu.memref_squeeze %dma_start3A_764 : memref<1x128xf32, #tpu.memory_space<vmem>> -> memref<128xf32, #tpu.memory_space<vmem>>
      %dma_start3A_766 = arith.constant 0 : i32
      %dma_start3A_767 = tpu.memref_slice %arg7[%dma_start3A_766] : memref<4096xi32, #tpu.memory_space<vmem>> -> memref<128xi32, #tpu.memory_space<vmem>>
      %dma_start3A_768 = arith.constant 0 : i32
      %dma_start3A_769 = tpu.memref_slice %arg10[%dma_start3A_768] : memref<400000xf32, #tpu.memory_space<vmem_shared>> -> memref<400000xf32, #tpu.memory_space<vmem_shared>>
      tpu.enqueue_indirect_dma source(%dma_start3A_769 : memref<400000xf32, #tpu.memory_space<vmem_shared>>) target(%dma_start3A_765 : memref<128xf32, #tpu.memory_space<vmem>>) offsets(%dma_start3A_767 : memref<128xi32, #tpu.memory_space<vmem>>) semaphore(%arg14 : memref<!tpu.dma_semaphore, #tpu.memory_space<semaphore_mem>>)
      %dma_start3A_770 = arith.constant 4 : i32
      %dma_start3A_771 = arith.constant 128 : i32
      %dma_start3A_772 = tpu.memref_slice %arg8[%dma_start3A_770, %dma_start3A_771] : memref<16x1024xf32, #tpu.memory_space<vmem>> -> memref<1x128xf32, #tpu.memory_space<vmem>>
      %dma_start3A_773 = tpu.memref_squeeze %dma_start3A_772 : memref<1x128xf32, #tpu.memory_space<vmem>> -> memref<128xf32, #tpu.memory_space<vmem>>
      %dma_start3A_774 = arith.constant 128 : i32
      %dma_start3A_775 = tpu.memref_slice %arg7[%dma_start3A_774] : memref<4096xi32, #tpu.memory_space<vmem>> -> memref<128xi32, #tpu.memory_space<vmem>>
      %dma_start3A_776 = arith.constant 0 : i32
      %dma_start3A_777 = tpu.memref_slice %arg10[%dma_start3A_776] : memref<400000xf32, #tpu.memory_space<vmem_shared>> -> memref<400000xf32, #tpu.memory_space<vmem_shared>>
      tpu.enqueue_indirect_dma source(%dma_start3A_777 : memref<400000xf32, #tpu.memory_space<vmem_shared>>) target(%dma_start3A_773 : memref<128xf32, #tpu.memory_space<vmem>>) offsets(%dma_start3A_775 : memref<128xi32, #tpu.memory_space<vmem>>) semaphore(%arg14 : memref<!tpu.dma_semaphore, #tpu.memory_space<semaphore_mem>>)
      %dma_start3A_778 = arith.constant 4 : i32
      %dma_start3A_779 = arith.constant 256 : i32
      %dma_start3A_780 = tpu.memref_slice %arg8[%dma_start3A_778, %dma_start3A_779] : memref<16x1024xf32, #tpu.memory_space<vmem>> -> memref<1x128xf32, #tpu.memory_space<vmem>>
      %dma_start3A_781 = tpu.memref_squeeze %dma_start3A_780 : memref<1x128xf32, #tpu.memory_space<vmem>> -> memref<128xf32, #tpu.memory_space<vmem>>
      %dma_start3A_782 = arith.constant 256 : i32
      %dma_start3A_783 = tpu.memref_slice %arg7[%dma_start3A_782] : memref<4096xi32, #tpu.memory_space<vmem>> -> memref<128xi32, #tpu.memory_space<vmem>>
      %dma_start3A_784 = arith.constant 0 : i32
      %dma_start3A_785 = tpu.memref_slice %arg10[%dma_start3A_784] : memref<400000xf32, #tpu.memory_space<vmem_shared>> -> memref<400000xf32, #tpu.memory_space<vmem_shared>>
      tpu.enqueue_indirect_dma source(%dma_start3A_785 : memref<400000xf32, #tpu.memory_space<vmem_shared>>) target(%dma_start3A_781 : memref<128xf32, #tpu.memory_space<vmem>>) offsets(%dma_start3A_783 : memref<128xi32, #tpu.memory_space<vmem>>) semaphore(%arg14 : memref<!tpu.dma_semaphore, #tpu.memory_space<semaphore_mem>>)
      %dma_start3A_786 = arith.constant 4 : i32
      %dma_start3A_787 = arith.constant 384 : i32
      %dma_start3A_788 = tpu.memref_slice %arg8[%dma_start3A_786, %dma_start3A_787] : memref<16x1024xf32, #tpu.memory_space<vmem>> -> memref<1x128xf32, #tpu.memory_space<vmem>>
      %dma_start3A_789 = tpu.memref_squeeze %dma_start3A_788 : memref<1x128xf32, #tpu.memory_space<vmem>> -> memref<128xf32, #tpu.memory_space<vmem>>
      %dma_start3A_790 = arith.constant 384 : i32
      %dma_start3A_791 = tpu.memref_slice %arg7[%dma_start3A_790] : memref<4096xi32, #tpu.memory_space<vmem>> -> memref<128xi32, #tpu.memory_space<vmem>>
      %dma_start3A_792 = arith.constant 0 : i32
      %dma_start3A_793 = tpu.memref_slice %arg10[%dma_start3A_792] : memref<400000xf32, #tpu.memory_space<vmem_shared>> -> memref<400000xf32, #tpu.memory_space<vmem_shared>>
      tpu.enqueue_indirect_dma source(%dma_start3A_793 : memref<400000xf32, #tpu.memory_space<vmem_shared>>) target(%dma_start3A_789 : memref<128xf32, #tpu.memory_space<vmem>>) offsets(%dma_start3A_791 : memref<128xi32, #tpu.memory_space<vmem>>) semaphore(%arg14 : memref<!tpu.dma_semaphore, #tpu.memory_space<semaphore_mem>>)
      %dma_start3A_794 = arith.constant 4 : i32
      %dma_start3A_795 = arith.constant 512 : i32
      %dma_start3A_796 = tpu.memref_slice %arg8[%dma_start3A_794, %dma_start3A_795] : memref<16x1024xf32, #tpu.memory_space<vmem>> -> memref<1x128xf32, #tpu.memory_space<vmem>>
      %dma_start3A_797 = tpu.memref_squeeze %dma_start3A_796 : memref<1x128xf32, #tpu.memory_space<vmem>> -> memref<128xf32, #tpu.memory_space<vmem>>
      %dma_start3A_798 = arith.constant 512 : i32
      %dma_start3A_799 = tpu.memref_slice %arg7[%dma_start3A_798] : memref<4096xi32, #tpu.memory_space<vmem>> -> memref<128xi32, #tpu.memory_space<vmem>>
      %dma_start3A_800 = arith.constant 0 : i32
      %dma_start3A_801 = tpu.memref_slice %arg10[%dma_start3A_800] : memref<400000xf32, #tpu.memory_space<vmem_shared>> -> memref<400000xf32, #tpu.memory_space<vmem_shared>>
      tpu.enqueue_indirect_dma source(%dma_start3A_801 : memref<400000xf32, #tpu.memory_space<vmem_shared>>) target(%dma_start3A_797 : memref<128xf32, #tpu.memory_space<vmem>>) offsets(%dma_start3A_799 : memref<128xi32, #tpu.memory_space<vmem>>) semaphore(%arg14 : memref<!tpu.dma_semaphore, #tpu.memory_space<semaphore_mem>>)
      %dma_start3A_802 = arith.constant 4 : i32
      %dma_start3A_803 = arith.constant 640 : i32
      %dma_start3A_804 = tpu.memref_slice %arg8[%dma_start3A_802, %dma_start3A_803] : memref<16x1024xf32, #tpu.memory_space<vmem>> -> memref<1x128xf32, #tpu.memory_space<vmem>>
      %dma_start3A_805 = tpu.memref_squeeze %dma_start3A_804 : memref<1x128xf32, #tpu.memory_space<vmem>> -> memref<128xf32, #tpu.memory_space<vmem>>
      %dma_start3A_806 = arith.constant 640 : i32
      %dma_start3A_807 = tpu.memref_slice %arg7[%dma_start3A_806] : memref<4096xi32, #tpu.memory_space<vmem>> -> memref<128xi32, #tpu.memory_space<vmem>>
      %dma_start3A_808 = arith.constant 0 : i32
      %dma_start3A_809 = tpu.memref_slice %arg10[%dma_start3A_808] : memref<400000xf32, #tpu.memory_space<vmem_shared>> -> memref<400000xf32, #tpu.memory_space<vmem_shared>>
      tpu.enqueue_indirect_dma source(%dma_start3A_809 : memref<400000xf32, #tpu.memory_space<vmem_shared>>) target(%dma_start3A_805 : memref<128xf32, #tpu.memory_space<vmem>>) offsets(%dma_start3A_807 : memref<128xi32, #tpu.memory_space<vmem>>) semaphore(%arg14 : memref<!tpu.dma_semaphore, #tpu.memory_space<semaphore_mem>>)
      %dma_start3A_810 = arith.constant 4 : i32
      %dma_start3A_811 = arith.constant 768 : i32
      %dma_start3A_812 = tpu.memref_slice %arg8[%dma_start3A_810, %dma_start3A_811] : memref<16x1024xf32, #tpu.memory_space<vmem>> -> memref<1x128xf32, #tpu.memory_space<vmem>>
      %dma_start3A_813 = tpu.memref_squeeze %dma_start3A_812 : memref<1x128xf32, #tpu.memory_space<vmem>> -> memref<128xf32, #tpu.memory_space<vmem>>
      %dma_start3A_814 = arith.constant 768 : i32
      %dma_start3A_815 = tpu.memref_slice %arg7[%dma_start3A_814] : memref<4096xi32, #tpu.memory_space<vmem>> -> memref<128xi32, #tpu.memory_space<vmem>>
      %dma_start3A_816 = arith.constant 0 : i32
      %dma_start3A_817 = tpu.memref_slice %arg10[%dma_start3A_816] : memref<400000xf32, #tpu.memory_space<vmem_shared>> -> memref<400000xf32, #tpu.memory_space<vmem_shared>>
      tpu.enqueue_indirect_dma source(%dma_start3A_817 : memref<400000xf32, #tpu.memory_space<vmem_shared>>) target(%dma_start3A_813 : memref<128xf32, #tpu.memory_space<vmem>>) offsets(%dma_start3A_815 : memref<128xi32, #tpu.memory_space<vmem>>) semaphore(%arg14 : memref<!tpu.dma_semaphore, #tpu.memory_space<semaphore_mem>>)
      %dma_start3A_818 = arith.constant 4 : i32
      %dma_start3A_819 = arith.constant 896 : i32
      %dma_start3A_820 = tpu.memref_slice %arg8[%dma_start3A_818, %dma_start3A_819] : memref<16x1024xf32, #tpu.memory_space<vmem>> -> memref<1x128xf32, #tpu.memory_space<vmem>>
      %dma_start3A_821 = tpu.memref_squeeze %dma_start3A_820 : memref<1x128xf32, #tpu.memory_space<vmem>> -> memref<128xf32, #tpu.memory_space<vmem>>
      %dma_start3A_822 = arith.constant 896 : i32
      %dma_start3A_823 = tpu.memref_slice %arg7[%dma_start3A_822] : memref<4096xi32, #tpu.memory_space<vmem>> -> memref<128xi32, #tpu.memory_space<vmem>>
      %dma_start3A_824 = arith.constant 0 : i32
      %dma_start3A_825 = tpu.memref_slice %arg10[%dma_start3A_824] : memref<400000xf32, #tpu.memory_space<vmem_shared>> -> memref<400000xf32, #tpu.memory_space<vmem_shared>>
      tpu.enqueue_indirect_dma source(%dma_start3A_825 : memref<400000xf32, #tpu.memory_space<vmem_shared>>) target(%dma_start3A_821 : memref<128xf32, #tpu.memory_space<vmem>>) offsets(%dma_start3A_823 : memref<128xi32, #tpu.memory_space<vmem>>) semaphore(%arg14 : memref<!tpu.dma_semaphore, #tpu.memory_space<semaphore_mem>>)
      %dma_start3A_826 = arith.constant 5 : i32
      %dma_start3A_827 = arith.constant 0 : i32
      %dma_start3A_828 = tpu.memref_slice %arg8[%dma_start3A_826, %dma_start3A_827] : memref<16x1024xf32, #tpu.memory_space<vmem>> -> memref<1x128xf32, #tpu.memory_space<vmem>>
      %dma_start3A_829 = tpu.memref_squeeze %dma_start3A_828 : memref<1x128xf32, #tpu.memory_space<vmem>> -> memref<128xf32, #tpu.memory_space<vmem>>
      %dma_start3A_830 = arith.constant 1024 : i32
      %dma_start3A_831 = tpu.memref_slice %arg7[%dma_start3A_830] : memref<4096xi32, #tpu.memory_space<vmem>> -> memref<128xi32, #tpu.memory_space<vmem>>
      %dma_start3A_832 = arith.constant 0 : i32
      %dma_start3A_833 = tpu.memref_slice %arg10[%dma_start3A_832] : memref<400000xf32, #tpu.memory_space<vmem_shared>> -> memref<400000xf32, #tpu.memory_space<vmem_shared>>
      tpu.enqueue_indirect_dma source(%dma_start3A_833 : memref<400000xf32, #tpu.memory_space<vmem_shared>>) target(%dma_start3A_829 : memref<128xf32, #tpu.memory_space<vmem>>) offsets(%dma_start3A_831 : memref<128xi32, #tpu.memory_space<vmem>>) semaphore(%arg14 : memref<!tpu.dma_semaphore, #tpu.memory_space<semaphore_mem>>)
      %dma_start3A_834 = arith.constant 5 : i32
      %dma_start3A_835 = arith.constant 128 : i32
      %dma_start3A_836 = tpu.memref_slice %arg8[%dma_start3A_834, %dma_start3A_835] : memref<16x1024xf32, #tpu.memory_space<vmem>> -> memref<1x128xf32, #tpu.memory_space<vmem>>
      %dma_start3A_837 = tpu.memref_squeeze %dma_start3A_836 : memref<1x128xf32, #tpu.memory_space<vmem>> -> memref<128xf32, #tpu.memory_space<vmem>>
      %dma_start3A_838 = arith.constant 1152 : i32
      %dma_start3A_839 = tpu.memref_slice %arg7[%dma_start3A_838] : memref<4096xi32, #tpu.memory_space<vmem>> -> memref<128xi32, #tpu.memory_space<vmem>>
      %dma_start3A_840 = arith.constant 0 : i32
      %dma_start3A_841 = tpu.memref_slice %arg10[%dma_start3A_840] : memref<400000xf32, #tpu.memory_space<vmem_shared>> -> memref<400000xf32, #tpu.memory_space<vmem_shared>>
      tpu.enqueue_indirect_dma source(%dma_start3A_841 : memref<400000xf32, #tpu.memory_space<vmem_shared>>) target(%dma_start3A_837 : memref<128xf32, #tpu.memory_space<vmem>>) offsets(%dma_start3A_839 : memref<128xi32, #tpu.memory_space<vmem>>) semaphore(%arg14 : memref<!tpu.dma_semaphore, #tpu.memory_space<semaphore_mem>>)
      %dma_start3A_842 = arith.constant 5 : i32
      %dma_start3A_843 = arith.constant 256 : i32
      %dma_start3A_844 = tpu.memref_slice %arg8[%dma_start3A_842, %dma_start3A_843] : memref<16x1024xf32, #tpu.memory_space<vmem>> -> memref<1x128xf32, #tpu.memory_space<vmem>>
      %dma_start3A_845 = tpu.memref_squeeze %dma_start3A_844 : memref<1x128xf32, #tpu.memory_space<vmem>> -> memref<128xf32, #tpu.memory_space<vmem>>
      %dma_start3A_846 = arith.constant 1280 : i32
      %dma_start3A_847 = tpu.memref_slice %arg7[%dma_start3A_846] : memref<4096xi32, #tpu.memory_space<vmem>> -> memref<128xi32, #tpu.memory_space<vmem>>
      %dma_start3A_848 = arith.constant 0 : i32
      %dma_start3A_849 = tpu.memref_slice %arg10[%dma_start3A_848] : memref<400000xf32, #tpu.memory_space<vmem_shared>> -> memref<400000xf32, #tpu.memory_space<vmem_shared>>
      tpu.enqueue_indirect_dma source(%dma_start3A_849 : memref<400000xf32, #tpu.memory_space<vmem_shared>>) target(%dma_start3A_845 : memref<128xf32, #tpu.memory_space<vmem>>) offsets(%dma_start3A_847 : memref<128xi32, #tpu.memory_space<vmem>>) semaphore(%arg14 : memref<!tpu.dma_semaphore, #tpu.memory_space<semaphore_mem>>)
      %dma_start3A_850 = arith.constant 5 : i32
      %dma_start3A_851 = arith.constant 384 : i32
      %dma_start3A_852 = tpu.memref_slice %arg8[%dma_start3A_850, %dma_start3A_851] : memref<16x1024xf32, #tpu.memory_space<vmem>> -> memref<1x128xf32, #tpu.memory_space<vmem>>
      %dma_start3A_853 = tpu.memref_squeeze %dma_start3A_852 : memref<1x128xf32, #tpu.memory_space<vmem>> -> memref<128xf32, #tpu.memory_space<vmem>>
      %dma_start3A_854 = arith.constant 1408 : i32
      %dma_start3A_855 = tpu.memref_slice %arg7[%dma_start3A_854] : memref<4096xi32, #tpu.memory_space<vmem>> -> memref<128xi32, #tpu.memory_space<vmem>>
      %dma_start3A_856 = arith.constant 0 : i32
      %dma_start3A_857 = tpu.memref_slice %arg10[%dma_start3A_856] : memref<400000xf32, #tpu.memory_space<vmem_shared>> -> memref<400000xf32, #tpu.memory_space<vmem_shared>>
      tpu.enqueue_indirect_dma source(%dma_start3A_857 : memref<400000xf32, #tpu.memory_space<vmem_shared>>) target(%dma_start3A_853 : memref<128xf32, #tpu.memory_space<vmem>>) offsets(%dma_start3A_855 : memref<128xi32, #tpu.memory_space<vmem>>) semaphore(%arg14 : memref<!tpu.dma_semaphore, #tpu.memory_space<semaphore_mem>>)
      %dma_start3A_858 = arith.constant 5 : i32
      %dma_start3A_859 = arith.constant 512 : i32
      %dma_start3A_860 = tpu.memref_slice %arg8[%dma_start3A_858, %dma_start3A_859] : memref<16x1024xf32, #tpu.memory_space<vmem>> -> memref<1x128xf32, #tpu.memory_space<vmem>>
      %dma_start3A_861 = tpu.memref_squeeze %dma_start3A_860 : memref<1x128xf32, #tpu.memory_space<vmem>> -> memref<128xf32, #tpu.memory_space<vmem>>
      %dma_start3A_862 = arith.constant 1536 : i32
      %dma_start3A_863 = tpu.memref_slice %arg7[%dma_start3A_862] : memref<4096xi32, #tpu.memory_space<vmem>> -> memref<128xi32, #tpu.memory_space<vmem>>
      %dma_start3A_864 = arith.constant 0 : i32
      %dma_start3A_865 = tpu.memref_slice %arg10[%dma_start3A_864] : memref<400000xf32, #tpu.memory_space<vmem_shared>> -> memref<400000xf32, #tpu.memory_space<vmem_shared>>
      tpu.enqueue_indirect_dma source(%dma_start3A_865 : memref<400000xf32, #tpu.memory_space<vmem_shared>>) target(%dma_start3A_861 : memref<128xf32, #tpu.memory_space<vmem>>) offsets(%dma_start3A_863 : memref<128xi32, #tpu.memory_space<vmem>>) semaphore(%arg14 : memref<!tpu.dma_semaphore, #tpu.memory_space<semaphore_mem>>)
      %dma_start3A_866 = arith.constant 5 : i32
      %dma_start3A_867 = arith.constant 640 : i32
      %dma_start3A_868 = tpu.memref_slice %arg8[%dma_start3A_866, %dma_start3A_867] : memref<16x1024xf32, #tpu.memory_space<vmem>> -> memref<1x128xf32, #tpu.memory_space<vmem>>
      %dma_start3A_869 = tpu.memref_squeeze %dma_start3A_868 : memref<1x128xf32, #tpu.memory_space<vmem>> -> memref<128xf32, #tpu.memory_space<vmem>>
      %dma_start3A_870 = arith.constant 1664 : i32
      %dma_start3A_871 = tpu.memref_slice %arg7[%dma_start3A_870] : memref<4096xi32, #tpu.memory_space<vmem>> -> memref<128xi32, #tpu.memory_space<vmem>>
      %dma_start3A_872 = arith.constant 0 : i32
      %dma_start3A_873 = tpu.memref_slice %arg10[%dma_start3A_872] : memref<400000xf32, #tpu.memory_space<vmem_shared>> -> memref<400000xf32, #tpu.memory_space<vmem_shared>>
      tpu.enqueue_indirect_dma source(%dma_start3A_873 : memref<400000xf32, #tpu.memory_space<vmem_shared>>) target(%dma_start3A_869 : memref<128xf32, #tpu.memory_space<vmem>>) offsets(%dma_start3A_871 : memref<128xi32, #tpu.memory_space<vmem>>) semaphore(%arg14 : memref<!tpu.dma_semaphore, #tpu.memory_space<semaphore_mem>>)
      %dma_start3A_874 = arith.constant 5 : i32
      %dma_start3A_875 = arith.constant 768 : i32
      %dma_start3A_876 = tpu.memref_slice %arg8[%dma_start3A_874, %dma_start3A_875] : memref<16x1024xf32, #tpu.memory_space<vmem>> -> memref<1x128xf32, #tpu.memory_space<vmem>>
      %dma_start3A_877 = tpu.memref_squeeze %dma_start3A_876 : memref<1x128xf32, #tpu.memory_space<vmem>> -> memref<128xf32, #tpu.memory_space<vmem>>
      %dma_start3A_878 = arith.constant 1792 : i32
      %dma_start3A_879 = tpu.memref_slice %arg7[%dma_start3A_878] : memref<4096xi32, #tpu.memory_space<vmem>> -> memref<128xi32, #tpu.memory_space<vmem>>
      %dma_start3A_880 = arith.constant 0 : i32
      %dma_start3A_881 = tpu.memref_slice %arg10[%dma_start3A_880] : memref<400000xf32, #tpu.memory_space<vmem_shared>> -> memref<400000xf32, #tpu.memory_space<vmem_shared>>
      tpu.enqueue_indirect_dma source(%dma_start3A_881 : memref<400000xf32, #tpu.memory_space<vmem_shared>>) target(%dma_start3A_877 : memref<128xf32, #tpu.memory_space<vmem>>) offsets(%dma_start3A_879 : memref<128xi32, #tpu.memory_space<vmem>>) semaphore(%arg14 : memref<!tpu.dma_semaphore, #tpu.memory_space<semaphore_mem>>)
      %dma_start3A_882 = arith.constant 5 : i32
      %dma_start3A_883 = arith.constant 896 : i32
      %dma_start3A_884 = tpu.memref_slice %arg8[%dma_start3A_882, %dma_start3A_883] : memref<16x1024xf32, #tpu.memory_space<vmem>> -> memref<1x128xf32, #tpu.memory_space<vmem>>
      %dma_start3A_885 = tpu.memref_squeeze %dma_start3A_884 : memref<1x128xf32, #tpu.memory_space<vmem>> -> memref<128xf32, #tpu.memory_space<vmem>>
      %dma_start3A_886 = arith.constant 1920 : i32
      %dma_start3A_887 = tpu.memref_slice %arg7[%dma_start3A_886] : memref<4096xi32, #tpu.memory_space<vmem>> -> memref<128xi32, #tpu.memory_space<vmem>>
      %dma_start3A_888 = arith.constant 0 : i32
      %dma_start3A_889 = tpu.memref_slice %arg10[%dma_start3A_888] : memref<400000xf32, #tpu.memory_space<vmem_shared>> -> memref<400000xf32, #tpu.memory_space<vmem_shared>>
      tpu.enqueue_indirect_dma source(%dma_start3A_889 : memref<400000xf32, #tpu.memory_space<vmem_shared>>) target(%dma_start3A_885 : memref<128xf32, #tpu.memory_space<vmem>>) offsets(%dma_start3A_887 : memref<128xi32, #tpu.memory_space<vmem>>) semaphore(%arg14 : memref<!tpu.dma_semaphore, #tpu.memory_space<semaphore_mem>>)
      %dma_start3A_890 = arith.constant 6 : i32
      %dma_start3A_891 = arith.constant 0 : i32
      %dma_start3A_892 = tpu.memref_slice %arg8[%dma_start3A_890, %dma_start3A_891] : memref<16x1024xf32, #tpu.memory_space<vmem>> -> memref<1x128xf32, #tpu.memory_space<vmem>>
      %dma_start3A_893 = tpu.memref_squeeze %dma_start3A_892 : memref<1x128xf32, #tpu.memory_space<vmem>> -> memref<128xf32, #tpu.memory_space<vmem>>
      %dma_start3A_894 = arith.constant 2048 : i32
      %dma_start3A_895 = tpu.memref_slice %arg7[%dma_start3A_894] : memref<4096xi32, #tpu.memory_space<vmem>> -> memref<128xi32, #tpu.memory_space<vmem>>
      %dma_start3A_896 = arith.constant 0 : i32
      %dma_start3A_897 = tpu.memref_slice %arg10[%dma_start3A_896] : memref<400000xf32, #tpu.memory_space<vmem_shared>> -> memref<400000xf32, #tpu.memory_space<vmem_shared>>
      tpu.enqueue_indirect_dma source(%dma_start3A_897 : memref<400000xf32, #tpu.memory_space<vmem_shared>>) target(%dma_start3A_893 : memref<128xf32, #tpu.memory_space<vmem>>) offsets(%dma_start3A_895 : memref<128xi32, #tpu.memory_space<vmem>>) semaphore(%arg14 : memref<!tpu.dma_semaphore, #tpu.memory_space<semaphore_mem>>)
      %dma_start3A_898 = arith.constant 6 : i32
      %dma_start3A_899 = arith.constant 128 : i32
      %dma_start3A_900 = tpu.memref_slice %arg8[%dma_start3A_898, %dma_start3A_899] : memref<16x1024xf32, #tpu.memory_space<vmem>> -> memref<1x128xf32, #tpu.memory_space<vmem>>
      %dma_start3A_901 = tpu.memref_squeeze %dma_start3A_900 : memref<1x128xf32, #tpu.memory_space<vmem>> -> memref<128xf32, #tpu.memory_space<vmem>>
      %dma_start3A_902 = arith.constant 2176 : i32
      %dma_start3A_903 = tpu.memref_slice %arg7[%dma_start3A_902] : memref<4096xi32, #tpu.memory_space<vmem>> -> memref<128xi32, #tpu.memory_space<vmem>>
      %dma_start3A_904 = arith.constant 0 : i32
      %dma_start3A_905 = tpu.memref_slice %arg10[%dma_start3A_904] : memref<400000xf32, #tpu.memory_space<vmem_shared>> -> memref<400000xf32, #tpu.memory_space<vmem_shared>>
      tpu.enqueue_indirect_dma source(%dma_start3A_905 : memref<400000xf32, #tpu.memory_space<vmem_shared>>) target(%dma_start3A_901 : memref<128xf32, #tpu.memory_space<vmem>>) offsets(%dma_start3A_903 : memref<128xi32, #tpu.memory_space<vmem>>) semaphore(%arg14 : memref<!tpu.dma_semaphore, #tpu.memory_space<semaphore_mem>>)
      %dma_start3A_906 = arith.constant 6 : i32
      %dma_start3A_907 = arith.constant 256 : i32
      %dma_start3A_908 = tpu.memref_slice %arg8[%dma_start3A_906, %dma_start3A_907] : memref<16x1024xf32, #tpu.memory_space<vmem>> -> memref<1x128xf32, #tpu.memory_space<vmem>>
      %dma_start3A_909 = tpu.memref_squeeze %dma_start3A_908 : memref<1x128xf32, #tpu.memory_space<vmem>> -> memref<128xf32, #tpu.memory_space<vmem>>
      %dma_start3A_910 = arith.constant 2304 : i32
      %dma_start3A_911 = tpu.memref_slice %arg7[%dma_start3A_910] : memref<4096xi32, #tpu.memory_space<vmem>> -> memref<128xi32, #tpu.memory_space<vmem>>
      %dma_start3A_912 = arith.constant 0 : i32
      %dma_start3A_913 = tpu.memref_slice %arg10[%dma_start3A_912] : memref<400000xf32, #tpu.memory_space<vmem_shared>> -> memref<400000xf32, #tpu.memory_space<vmem_shared>>
      tpu.enqueue_indirect_dma source(%dma_start3A_913 : memref<400000xf32, #tpu.memory_space<vmem_shared>>) target(%dma_start3A_909 : memref<128xf32, #tpu.memory_space<vmem>>) offsets(%dma_start3A_911 : memref<128xi32, #tpu.memory_space<vmem>>) semaphore(%arg14 : memref<!tpu.dma_semaphore, #tpu.memory_space<semaphore_mem>>)
      %dma_start3A_914 = arith.constant 6 : i32
      %dma_start3A_915 = arith.constant 384 : i32
      %dma_start3A_916 = tpu.memref_slice %arg8[%dma_start3A_914, %dma_start3A_915] : memref<16x1024xf32, #tpu.memory_space<vmem>> -> memref<1x128xf32, #tpu.memory_space<vmem>>
      %dma_start3A_917 = tpu.memref_squeeze %dma_start3A_916 : memref<1x128xf32, #tpu.memory_space<vmem>> -> memref<128xf32, #tpu.memory_space<vmem>>
      %dma_start3A_918 = arith.constant 2432 : i32
      %dma_start3A_919 = tpu.memref_slice %arg7[%dma_start3A_918] : memref<4096xi32, #tpu.memory_space<vmem>> -> memref<128xi32, #tpu.memory_space<vmem>>
      %dma_start3A_920 = arith.constant 0 : i32
      %dma_start3A_921 = tpu.memref_slice %arg10[%dma_start3A_920] : memref<400000xf32, #tpu.memory_space<vmem_shared>> -> memref<400000xf32, #tpu.memory_space<vmem_shared>>
      tpu.enqueue_indirect_dma source(%dma_start3A_921 : memref<400000xf32, #tpu.memory_space<vmem_shared>>) target(%dma_start3A_917 : memref<128xf32, #tpu.memory_space<vmem>>) offsets(%dma_start3A_919 : memref<128xi32, #tpu.memory_space<vmem>>) semaphore(%arg14 : memref<!tpu.dma_semaphore, #tpu.memory_space<semaphore_mem>>)
      %dma_start3A_922 = arith.constant 6 : i32
      %dma_start3A_923 = arith.constant 512 : i32
      %dma_start3A_924 = tpu.memref_slice %arg8[%dma_start3A_922, %dma_start3A_923] : memref<16x1024xf32, #tpu.memory_space<vmem>> -> memref<1x128xf32, #tpu.memory_space<vmem>>
      %dma_start3A_925 = tpu.memref_squeeze %dma_start3A_924 : memref<1x128xf32, #tpu.memory_space<vmem>> -> memref<128xf32, #tpu.memory_space<vmem>>
      %dma_start3A_926 = arith.constant 2560 : i32
      %dma_start3A_927 = tpu.memref_slice %arg7[%dma_start3A_926] : memref<4096xi32, #tpu.memory_space<vmem>> -> memref<128xi32, #tpu.memory_space<vmem>>
      %dma_start3A_928 = arith.constant 0 : i32
      %dma_start3A_929 = tpu.memref_slice %arg10[%dma_start3A_928] : memref<400000xf32, #tpu.memory_space<vmem_shared>> -> memref<400000xf32, #tpu.memory_space<vmem_shared>>
      tpu.enqueue_indirect_dma source(%dma_start3A_929 : memref<400000xf32, #tpu.memory_space<vmem_shared>>) target(%dma_start3A_925 : memref<128xf32, #tpu.memory_space<vmem>>) offsets(%dma_start3A_927 : memref<128xi32, #tpu.memory_space<vmem>>) semaphore(%arg14 : memref<!tpu.dma_semaphore, #tpu.memory_space<semaphore_mem>>)
      %dma_start3A_930 = arith.constant 6 : i32
      %dma_start3A_931 = arith.constant 640 : i32
      %dma_start3A_932 = tpu.memref_slice %arg8[%dma_start3A_930, %dma_start3A_931] : memref<16x1024xf32, #tpu.memory_space<vmem>> -> memref<1x128xf32, #tpu.memory_space<vmem>>
      %dma_start3A_933 = tpu.memref_squeeze %dma_start3A_932 : memref<1x128xf32, #tpu.memory_space<vmem>> -> memref<128xf32, #tpu.memory_space<vmem>>
      %dma_start3A_934 = arith.constant 2688 : i32
      %dma_start3A_935 = tpu.memref_slice %arg7[%dma_start3A_934] : memref<4096xi32, #tpu.memory_space<vmem>> -> memref<128xi32, #tpu.memory_space<vmem>>
      %dma_start3A_936 = arith.constant 0 : i32
      %dma_start3A_937 = tpu.memref_slice %arg10[%dma_start3A_936] : memref<400000xf32, #tpu.memory_space<vmem_shared>> -> memref<400000xf32, #tpu.memory_space<vmem_shared>>
      tpu.enqueue_indirect_dma source(%dma_start3A_937 : memref<400000xf32, #tpu.memory_space<vmem_shared>>) target(%dma_start3A_933 : memref<128xf32, #tpu.memory_space<vmem>>) offsets(%dma_start3A_935 : memref<128xi32, #tpu.memory_space<vmem>>) semaphore(%arg14 : memref<!tpu.dma_semaphore, #tpu.memory_space<semaphore_mem>>)
      %dma_start3A_938 = arith.constant 6 : i32
      %dma_start3A_939 = arith.constant 768 : i32
      %dma_start3A_940 = tpu.memref_slice %arg8[%dma_start3A_938, %dma_start3A_939] : memref<16x1024xf32, #tpu.memory_space<vmem>> -> memref<1x128xf32, #tpu.memory_space<vmem>>
      %dma_start3A_941 = tpu.memref_squeeze %dma_start3A_940 : memref<1x128xf32, #tpu.memory_space<vmem>> -> memref<128xf32, #tpu.memory_space<vmem>>
      %dma_start3A_942 = arith.constant 2816 : i32
      %dma_start3A_943 = tpu.memref_slice %arg7[%dma_start3A_942] : memref<4096xi32, #tpu.memory_space<vmem>> -> memref<128xi32, #tpu.memory_space<vmem>>
      %dma_start3A_944 = arith.constant 0 : i32
      %dma_start3A_945 = tpu.memref_slice %arg10[%dma_start3A_944] : memref<400000xf32, #tpu.memory_space<vmem_shared>> -> memref<400000xf32, #tpu.memory_space<vmem_shared>>
      tpu.enqueue_indirect_dma source(%dma_start3A_945 : memref<400000xf32, #tpu.memory_space<vmem_shared>>) target(%dma_start3A_941 : memref<128xf32, #tpu.memory_space<vmem>>) offsets(%dma_start3A_943 : memref<128xi32, #tpu.memory_space<vmem>>) semaphore(%arg14 : memref<!tpu.dma_semaphore, #tpu.memory_space<semaphore_mem>>)
      %dma_start3A_946 = arith.constant 6 : i32
      %dma_start3A_947 = arith.constant 896 : i32
      %dma_start3A_948 = tpu.memref_slice %arg8[%dma_start3A_946, %dma_start3A_947] : memref<16x1024xf32, #tpu.memory_space<vmem>> -> memref<1x128xf32, #tpu.memory_space<vmem>>
      %dma_start3A_949 = tpu.memref_squeeze %dma_start3A_948 : memref<1x128xf32, #tpu.memory_space<vmem>> -> memref<128xf32, #tpu.memory_space<vmem>>
      %dma_start3A_950 = arith.constant 2944 : i32
      %dma_start3A_951 = tpu.memref_slice %arg7[%dma_start3A_950] : memref<4096xi32, #tpu.memory_space<vmem>> -> memref<128xi32, #tpu.memory_space<vmem>>
      %dma_start3A_952 = arith.constant 0 : i32
      %dma_start3A_953 = tpu.memref_slice %arg10[%dma_start3A_952] : memref<400000xf32, #tpu.memory_space<vmem_shared>> -> memref<400000xf32, #tpu.memory_space<vmem_shared>>
      tpu.enqueue_indirect_dma source(%dma_start3A_953 : memref<400000xf32, #tpu.memory_space<vmem_shared>>) target(%dma_start3A_949 : memref<128xf32, #tpu.memory_space<vmem>>) offsets(%dma_start3A_951 : memref<128xi32, #tpu.memory_space<vmem>>) semaphore(%arg14 : memref<!tpu.dma_semaphore, #tpu.memory_space<semaphore_mem>>)
      %dma_start3A_954 = arith.constant 7 : i32
      %dma_start3A_955 = arith.constant 0 : i32
      %dma_start3A_956 = tpu.memref_slice %arg8[%dma_start3A_954, %dma_start3A_955] : memref<16x1024xf32, #tpu.memory_space<vmem>> -> memref<1x128xf32, #tpu.memory_space<vmem>>
      %dma_start3A_957 = tpu.memref_squeeze %dma_start3A_956 : memref<1x128xf32, #tpu.memory_space<vmem>> -> memref<128xf32, #tpu.memory_space<vmem>>
      %dma_start3A_958 = arith.constant 3072 : i32
      %dma_start3A_959 = tpu.memref_slice %arg7[%dma_start3A_958] : memref<4096xi32, #tpu.memory_space<vmem>> -> memref<128xi32, #tpu.memory_space<vmem>>
      %dma_start3A_960 = arith.constant 0 : i32
      %dma_start3A_961 = tpu.memref_slice %arg10[%dma_start3A_960] : memref<400000xf32, #tpu.memory_space<vmem_shared>> -> memref<400000xf32, #tpu.memory_space<vmem_shared>>
      tpu.enqueue_indirect_dma source(%dma_start3A_961 : memref<400000xf32, #tpu.memory_space<vmem_shared>>) target(%dma_start3A_957 : memref<128xf32, #tpu.memory_space<vmem>>) offsets(%dma_start3A_959 : memref<128xi32, #tpu.memory_space<vmem>>) semaphore(%arg14 : memref<!tpu.dma_semaphore, #tpu.memory_space<semaphore_mem>>)
      %dma_start3A_962 = arith.constant 7 : i32
      %dma_start3A_963 = arith.constant 128 : i32
      %dma_start3A_964 = tpu.memref_slice %arg8[%dma_start3A_962, %dma_start3A_963] : memref<16x1024xf32, #tpu.memory_space<vmem>> -> memref<1x128xf32, #tpu.memory_space<vmem>>
      %dma_start3A_965 = tpu.memref_squeeze %dma_start3A_964 : memref<1x128xf32, #tpu.memory_space<vmem>> -> memref<128xf32, #tpu.memory_space<vmem>>
      %dma_start3A_966 = arith.constant 3200 : i32
      %dma_start3A_967 = tpu.memref_slice %arg7[%dma_start3A_966] : memref<4096xi32, #tpu.memory_space<vmem>> -> memref<128xi32, #tpu.memory_space<vmem>>
      %dma_start3A_968 = arith.constant 0 : i32
      %dma_start3A_969 = tpu.memref_slice %arg10[%dma_start3A_968] : memref<400000xf32, #tpu.memory_space<vmem_shared>> -> memref<400000xf32, #tpu.memory_space<vmem_shared>>
      tpu.enqueue_indirect_dma source(%dma_start3A_969 : memref<400000xf32, #tpu.memory_space<vmem_shared>>) target(%dma_start3A_965 : memref<128xf32, #tpu.memory_space<vmem>>) offsets(%dma_start3A_967 : memref<128xi32, #tpu.memory_space<vmem>>) semaphore(%arg14 : memref<!tpu.dma_semaphore, #tpu.memory_space<semaphore_mem>>)
      %dma_start3A_970 = arith.constant 7 : i32
      %dma_start3A_971 = arith.constant 256 : i32
      %dma_start3A_972 = tpu.memref_slice %arg8[%dma_start3A_970, %dma_start3A_971] : memref<16x1024xf32, #tpu.memory_space<vmem>> -> memref<1x128xf32, #tpu.memory_space<vmem>>
      %dma_start3A_973 = tpu.memref_squeeze %dma_start3A_972 : memref<1x128xf32, #tpu.memory_space<vmem>> -> memref<128xf32, #tpu.memory_space<vmem>>
      %dma_start3A_974 = arith.constant 3328 : i32
      %dma_start3A_975 = tpu.memref_slice %arg7[%dma_start3A_974] : memref<4096xi32, #tpu.memory_space<vmem>> -> memref<128xi32, #tpu.memory_space<vmem>>
      %dma_start3A_976 = arith.constant 0 : i32
      %dma_start3A_977 = tpu.memref_slice %arg10[%dma_start3A_976] : memref<400000xf32, #tpu.memory_space<vmem_shared>> -> memref<400000xf32, #tpu.memory_space<vmem_shared>>
      tpu.enqueue_indirect_dma source(%dma_start3A_977 : memref<400000xf32, #tpu.memory_space<vmem_shared>>) target(%dma_start3A_973 : memref<128xf32, #tpu.memory_space<vmem>>) offsets(%dma_start3A_975 : memref<128xi32, #tpu.memory_space<vmem>>) semaphore(%arg14 : memref<!tpu.dma_semaphore, #tpu.memory_space<semaphore_mem>>)
      %dma_start3A_978 = arith.constant 7 : i32
      %dma_start3A_979 = arith.constant 384 : i32
      %dma_start3A_980 = tpu.memref_slice %arg8[%dma_start3A_978, %dma_start3A_979] : memref<16x1024xf32, #tpu.memory_space<vmem>> -> memref<1x128xf32, #tpu.memory_space<vmem>>
      %dma_start3A_981 = tpu.memref_squeeze %dma_start3A_980 : memref<1x128xf32, #tpu.memory_space<vmem>> -> memref<128xf32, #tpu.memory_space<vmem>>
      %dma_start3A_982 = arith.constant 3456 : i32
      %dma_start3A_983 = tpu.memref_slice %arg7[%dma_start3A_982] : memref<4096xi32, #tpu.memory_space<vmem>> -> memref<128xi32, #tpu.memory_space<vmem>>
      %dma_start3A_984 = arith.constant 0 : i32
      %dma_start3A_985 = tpu.memref_slice %arg10[%dma_start3A_984] : memref<400000xf32, #tpu.memory_space<vmem_shared>> -> memref<400000xf32, #tpu.memory_space<vmem_shared>>
      tpu.enqueue_indirect_dma source(%dma_start3A_985 : memref<400000xf32, #tpu.memory_space<vmem_shared>>) target(%dma_start3A_981 : memref<128xf32, #tpu.memory_space<vmem>>) offsets(%dma_start3A_983 : memref<128xi32, #tpu.memory_space<vmem>>) semaphore(%arg14 : memref<!tpu.dma_semaphore, #tpu.memory_space<semaphore_mem>>)
      %dma_start3A_986 = arith.constant 7 : i32
      %dma_start3A_987 = arith.constant 512 : i32
      %dma_start3A_988 = tpu.memref_slice %arg8[%dma_start3A_986, %dma_start3A_987] : memref<16x1024xf32, #tpu.memory_space<vmem>> -> memref<1x128xf32, #tpu.memory_space<vmem>>
      %dma_start3A_989 = tpu.memref_squeeze %dma_start3A_988 : memref<1x128xf32, #tpu.memory_space<vmem>> -> memref<128xf32, #tpu.memory_space<vmem>>
      %dma_start3A_990 = arith.constant 3584 : i32
      %dma_start3A_991 = tpu.memref_slice %arg7[%dma_start3A_990] : memref<4096xi32, #tpu.memory_space<vmem>> -> memref<128xi32, #tpu.memory_space<vmem>>
      %dma_start3A_992 = arith.constant 0 : i32
      %dma_start3A_993 = tpu.memref_slice %arg10[%dma_start3A_992] : memref<400000xf32, #tpu.memory_space<vmem_shared>> -> memref<400000xf32, #tpu.memory_space<vmem_shared>>
      tpu.enqueue_indirect_dma source(%dma_start3A_993 : memref<400000xf32, #tpu.memory_space<vmem_shared>>) target(%dma_start3A_989 : memref<128xf32, #tpu.memory_space<vmem>>) offsets(%dma_start3A_991 : memref<128xi32, #tpu.memory_space<vmem>>) semaphore(%arg14 : memref<!tpu.dma_semaphore, #tpu.memory_space<semaphore_mem>>)
      %dma_start3A_994 = arith.constant 7 : i32
      %dma_start3A_995 = arith.constant 640 : i32
      %dma_start3A_996 = tpu.memref_slice %arg8[%dma_start3A_994, %dma_start3A_995] : memref<16x1024xf32, #tpu.memory_space<vmem>> -> memref<1x128xf32, #tpu.memory_space<vmem>>
      %dma_start3A_997 = tpu.memref_squeeze %dma_start3A_996 : memref<1x128xf32, #tpu.memory_space<vmem>> -> memref<128xf32, #tpu.memory_space<vmem>>
      %dma_start3A_998 = arith.constant 3712 : i32
      %dma_start3A_999 = tpu.memref_slice %arg7[%dma_start3A_998] : memref<4096xi32, #tpu.memory_space<vmem>> -> memref<128xi32, #tpu.memory_space<vmem>>
      %dma_start3A_1000 = arith.constant 0 : i32
      %dma_start3A_1001 = tpu.memref_slice %arg10[%dma_start3A_1000] : memref<400000xf32, #tpu.memory_space<vmem_shared>> -> memref<400000xf32, #tpu.memory_space<vmem_shared>>
      tpu.enqueue_indirect_dma source(%dma_start3A_1001 : memref<400000xf32, #tpu.memory_space<vmem_shared>>) target(%dma_start3A_997 : memref<128xf32, #tpu.memory_space<vmem>>) offsets(%dma_start3A_999 : memref<128xi32, #tpu.memory_space<vmem>>) semaphore(%arg14 : memref<!tpu.dma_semaphore, #tpu.memory_space<semaphore_mem>>)
      %dma_start3A_1002 = arith.constant 7 : i32
      %dma_start3A_1003 = arith.constant 768 : i32
      %dma_start3A_1004 = tpu.memref_slice %arg8[%dma_start3A_1002, %dma_start3A_1003] : memref<16x1024xf32, #tpu.memory_space<vmem>> -> memref<1x128xf32, #tpu.memory_space<vmem>>
      %dma_start3A_1005 = tpu.memref_squeeze %dma_start3A_1004 : memref<1x128xf32, #tpu.memory_space<vmem>> -> memref<128xf32, #tpu.memory_space<vmem>>
      %dma_start3A_1006 = arith.constant 3840 : i32
      %dma_start3A_1007 = tpu.memref_slice %arg7[%dma_start3A_1006] : memref<4096xi32, #tpu.memory_space<vmem>> -> memref<128xi32, #tpu.memory_space<vmem>>
      %dma_start3A_1008 = arith.constant 0 : i32
      %dma_start3A_1009 = tpu.memref_slice %arg10[%dma_start3A_1008] : memref<400000xf32, #tpu.memory_space<vmem_shared>> -> memref<400000xf32, #tpu.memory_space<vmem_shared>>
      tpu.enqueue_indirect_dma source(%dma_start3A_1009 : memref<400000xf32, #tpu.memory_space<vmem_shared>>) target(%dma_start3A_1005 : memref<128xf32, #tpu.memory_space<vmem>>) offsets(%dma_start3A_1007 : memref<128xi32, #tpu.memory_space<vmem>>) semaphore(%arg14 : memref<!tpu.dma_semaphore, #tpu.memory_space<semaphore_mem>>)
      %dma_start3A_1010 = arith.constant 7 : i32
      %dma_start3A_1011 = arith.constant 896 : i32
      %dma_start3A_1012 = tpu.memref_slice %arg8[%dma_start3A_1010, %dma_start3A_1011] : memref<16x1024xf32, #tpu.memory_space<vmem>> -> memref<1x128xf32, #tpu.memory_space<vmem>>
      %dma_start3A_1013 = tpu.memref_squeeze %dma_start3A_1012 : memref<1x128xf32, #tpu.memory_space<vmem>> -> memref<128xf32, #tpu.memory_space<vmem>>
      %dma_start3A_1014 = arith.constant 3968 : i32
      %dma_start3A_1015 = tpu.memref_slice %arg7[%dma_start3A_1014] : memref<4096xi32, #tpu.memory_space<vmem>> -> memref<128xi32, #tpu.memory_space<vmem>>
      %dma_start3A_1016 = arith.constant 0 : i32
      %dma_start3A_1017 = tpu.memref_slice %arg10[%dma_start3A_1016] : memref<400000xf32, #tpu.memory_space<vmem_shared>> -> memref<400000xf32, #tpu.memory_space<vmem_shared>>
      tpu.enqueue_indirect_dma source(%dma_start3A_1017 : memref<400000xf32, #tpu.memory_space<vmem_shared>>) target(%dma_start3A_1013 : memref<128xf32, #tpu.memory_space<vmem>>) offsets(%dma_start3A_1015 : memref<128xi32, #tpu.memory_space<vmem>>) semaphore(%arg14 : memref<!tpu.dma_semaphore, #tpu.memory_space<semaphore_mem>>)
      %dma_wait3A_1018 = arith.constant 4 : i32
      %dma_wait3A_1019 = arith.constant 0 : i32
      %dma_wait3A_1020 = tpu.memref_slice %arg8[%dma_wait3A_1018, %dma_wait3A_1019] : memref<16x1024xf32, #tpu.memory_space<vmem>> -> memref<1x128xf32, #tpu.memory_space<vmem>>
      %dma_wait3A_1021 = tpu.memref_squeeze %dma_wait3A_1020 : memref<1x128xf32, #tpu.memory_space<vmem>> -> memref<128xf32, #tpu.memory_space<vmem>>
      %dma_wait3A_1022 = arith.constant 0 : i32
      %dma_wait3A_1023 = tpu.memref_slice %arg7[%dma_wait3A_1022] : memref<4096xi32, #tpu.memory_space<vmem>> -> memref<128xi32, #tpu.memory_space<vmem>>
      %dma_wait3A_1024 = arith.constant 0 : i32
      %dma_wait3A_1025 = tpu.memref_slice %arg10[%dma_wait3A_1024] : memref<400000xf32, #tpu.memory_space<vmem_shared>> -> memref<400000xf32, #tpu.memory_space<vmem_shared>>
      tpu.wait_indirect_dma semaphore(%arg14 : memref<!tpu.dma_semaphore, #tpu.memory_space<semaphore_mem>>) src(%dma_wait3A_1025 : memref<400000xf32, #tpu.memory_space<vmem_shared>>) dst(%dma_wait3A_1021 : memref<128xf32, #tpu.memory_space<vmem>>)
      %dma_wait3A_1026 = arith.constant 4 : i32
      %dma_wait3A_1027 = arith.constant 128 : i32
      %dma_wait3A_1028 = tpu.memref_slice %arg8[%dma_wait3A_1026, %dma_wait3A_1027] : memref<16x1024xf32, #tpu.memory_space<vmem>> -> memref<1x128xf32, #tpu.memory_space<vmem>>
      %dma_wait3A_1029 = tpu.memref_squeeze %dma_wait3A_1028 : memref<1x128xf32, #tpu.memory_space<vmem>> -> memref<128xf32, #tpu.memory_space<vmem>>
      %dma_wait3A_1030 = arith.constant 128 : i32
      %dma_wait3A_1031 = tpu.memref_slice %arg7[%dma_wait3A_1030] : memref<4096xi32, #tpu.memory_space<vmem>> -> memref<128xi32, #tpu.memory_space<vmem>>
      %dma_wait3A_1032 = arith.constant 0 : i32
      %dma_wait3A_1033 = tpu.memref_slice %arg10[%dma_wait3A_1032] : memref<400000xf32, #tpu.memory_space<vmem_shared>> -> memref<400000xf32, #tpu.memory_space<vmem_shared>>
      tpu.wait_indirect_dma semaphore(%arg14 : memref<!tpu.dma_semaphore, #tpu.memory_space<semaphore_mem>>) src(%dma_wait3A_1033 : memref<400000xf32, #tpu.memory_space<vmem_shared>>) dst(%dma_wait3A_1029 : memref<128xf32, #tpu.memory_space<vmem>>)
      %dma_wait3A_1034 = arith.constant 4 : i32
      %dma_wait3A_1035 = arith.constant 256 : i32
      %dma_wait3A_1036 = tpu.memref_slice %arg8[%dma_wait3A_1034, %dma_wait3A_1035] : memref<16x1024xf32, #tpu.memory_space<vmem>> -> memref<1x128xf32, #tpu.memory_space<vmem>>
      %dma_wait3A_1037 = tpu.memref_squeeze %dma_wait3A_1036 : memref<1x128xf32, #tpu.memory_space<vmem>> -> memref<128xf32, #tpu.memory_space<vmem>>
      %dma_wait3A_1038 = arith.constant 256 : i32
      %dma_wait3A_1039 = tpu.memref_slice %arg7[%dma_wait3A_1038] : memref<4096xi32, #tpu.memory_space<vmem>> -> memref<128xi32, #tpu.memory_space<vmem>>
      %dma_wait3A_1040 = arith.constant 0 : i32
      %dma_wait3A_1041 = tpu.memref_slice %arg10[%dma_wait3A_1040] : memref<400000xf32, #tpu.memory_space<vmem_shared>> -> memref<400000xf32, #tpu.memory_space<vmem_shared>>
      tpu.wait_indirect_dma semaphore(%arg14 : memref<!tpu.dma_semaphore, #tpu.memory_space<semaphore_mem>>) src(%dma_wait3A_1041 : memref<400000xf32, #tpu.memory_space<vmem_shared>>) dst(%dma_wait3A_1037 : memref<128xf32, #tpu.memory_space<vmem>>)
      %dma_wait3A_1042 = arith.constant 4 : i32
      %dma_wait3A_1043 = arith.constant 384 : i32
      %dma_wait3A_1044 = tpu.memref_slice %arg8[%dma_wait3A_1042, %dma_wait3A_1043] : memref<16x1024xf32, #tpu.memory_space<vmem>> -> memref<1x128xf32, #tpu.memory_space<vmem>>
      %dma_wait3A_1045 = tpu.memref_squeeze %dma_wait3A_1044 : memref<1x128xf32, #tpu.memory_space<vmem>> -> memref<128xf32, #tpu.memory_space<vmem>>
      %dma_wait3A_1046 = arith.constant 384 : i32
      %dma_wait3A_1047 = tpu.memref_slice %arg7[%dma_wait3A_1046] : memref<4096xi32, #tpu.memory_space<vmem>> -> memref<128xi32, #tpu.memory_space<vmem>>
      %dma_wait3A_1048 = arith.constant 0 : i32
      %dma_wait3A_1049 = tpu.memref_slice %arg10[%dma_wait3A_1048] : memref<400000xf32, #tpu.memory_space<vmem_shared>> -> memref<400000xf32, #tpu.memory_space<vmem_shared>>
      tpu.wait_indirect_dma semaphore(%arg14 : memref<!tpu.dma_semaphore, #tpu.memory_space<semaphore_mem>>) src(%dma_wait3A_1049 : memref<400000xf32, #tpu.memory_space<vmem_shared>>) dst(%dma_wait3A_1045 : memref<128xf32, #tpu.memory_space<vmem>>)
      %dma_wait3A_1050 = arith.constant 4 : i32
      %dma_wait3A_1051 = arith.constant 512 : i32
      %dma_wait3A_1052 = tpu.memref_slice %arg8[%dma_wait3A_1050, %dma_wait3A_1051] : memref<16x1024xf32, #tpu.memory_space<vmem>> -> memref<1x128xf32, #tpu.memory_space<vmem>>
      %dma_wait3A_1053 = tpu.memref_squeeze %dma_wait3A_1052 : memref<1x128xf32, #tpu.memory_space<vmem>> -> memref<128xf32, #tpu.memory_space<vmem>>
      %dma_wait3A_1054 = arith.constant 512 : i32
      %dma_wait3A_1055 = tpu.memref_slice %arg7[%dma_wait3A_1054] : memref<4096xi32, #tpu.memory_space<vmem>> -> memref<128xi32, #tpu.memory_space<vmem>>
      %dma_wait3A_1056 = arith.constant 0 : i32
      %dma_wait3A_1057 = tpu.memref_slice %arg10[%dma_wait3A_1056] : memref<400000xf32, #tpu.memory_space<vmem_shared>> -> memref<400000xf32, #tpu.memory_space<vmem_shared>>
      tpu.wait_indirect_dma semaphore(%arg14 : memref<!tpu.dma_semaphore, #tpu.memory_space<semaphore_mem>>) src(%dma_wait3A_1057 : memref<400000xf32, #tpu.memory_space<vmem_shared>>) dst(%dma_wait3A_1053 : memref<128xf32, #tpu.memory_space<vmem>>)
      %dma_wait3A_1058 = arith.constant 4 : i32
      %dma_wait3A_1059 = arith.constant 640 : i32
      %dma_wait3A_1060 = tpu.memref_slice %arg8[%dma_wait3A_1058, %dma_wait3A_1059] : memref<16x1024xf32, #tpu.memory_space<vmem>> -> memref<1x128xf32, #tpu.memory_space<vmem>>
      %dma_wait3A_1061 = tpu.memref_squeeze %dma_wait3A_1060 : memref<1x128xf32, #tpu.memory_space<vmem>> -> memref<128xf32, #tpu.memory_space<vmem>>
      %dma_wait3A_1062 = arith.constant 640 : i32
      %dma_wait3A_1063 = tpu.memref_slice %arg7[%dma_wait3A_1062] : memref<4096xi32, #tpu.memory_space<vmem>> -> memref<128xi32, #tpu.memory_space<vmem>>
      %dma_wait3A_1064 = arith.constant 0 : i32
      %dma_wait3A_1065 = tpu.memref_slice %arg10[%dma_wait3A_1064] : memref<400000xf32, #tpu.memory_space<vmem_shared>> -> memref<400000xf32, #tpu.memory_space<vmem_shared>>
      tpu.wait_indirect_dma semaphore(%arg14 : memref<!tpu.dma_semaphore, #tpu.memory_space<semaphore_mem>>) src(%dma_wait3A_1065 : memref<400000xf32, #tpu.memory_space<vmem_shared>>) dst(%dma_wait3A_1061 : memref<128xf32, #tpu.memory_space<vmem>>)
      %dma_wait3A_1066 = arith.constant 4 : i32
      %dma_wait3A_1067 = arith.constant 768 : i32
      %dma_wait3A_1068 = tpu.memref_slice %arg8[%dma_wait3A_1066, %dma_wait3A_1067] : memref<16x1024xf32, #tpu.memory_space<vmem>> -> memref<1x128xf32, #tpu.memory_space<vmem>>
      %dma_wait3A_1069 = tpu.memref_squeeze %dma_wait3A_1068 : memref<1x128xf32, #tpu.memory_space<vmem>> -> memref<128xf32, #tpu.memory_space<vmem>>
      %dma_wait3A_1070 = arith.constant 768 : i32
      %dma_wait3A_1071 = tpu.memref_slice %arg7[%dma_wait3A_1070] : memref<4096xi32, #tpu.memory_space<vmem>> -> memref<128xi32, #tpu.memory_space<vmem>>
      %dma_wait3A_1072 = arith.constant 0 : i32
      %dma_wait3A_1073 = tpu.memref_slice %arg10[%dma_wait3A_1072] : memref<400000xf32, #tpu.memory_space<vmem_shared>> -> memref<400000xf32, #tpu.memory_space<vmem_shared>>
      tpu.wait_indirect_dma semaphore(%arg14 : memref<!tpu.dma_semaphore, #tpu.memory_space<semaphore_mem>>) src(%dma_wait3A_1073 : memref<400000xf32, #tpu.memory_space<vmem_shared>>) dst(%dma_wait3A_1069 : memref<128xf32, #tpu.memory_space<vmem>>)
      %dma_wait3A_1074 = arith.constant 4 : i32
      %dma_wait3A_1075 = arith.constant 896 : i32
      %dma_wait3A_1076 = tpu.memref_slice %arg8[%dma_wait3A_1074, %dma_wait3A_1075] : memref<16x1024xf32, #tpu.memory_space<vmem>> -> memref<1x128xf32, #tpu.memory_space<vmem>>
      %dma_wait3A_1077 = tpu.memref_squeeze %dma_wait3A_1076 : memref<1x128xf32, #tpu.memory_space<vmem>> -> memref<128xf32, #tpu.memory_space<vmem>>
      %dma_wait3A_1078 = arith.constant 896 : i32
      %dma_wait3A_1079 = tpu.memref_slice %arg7[%dma_wait3A_1078] : memref<4096xi32, #tpu.memory_space<vmem>> -> memref<128xi32, #tpu.memory_space<vmem>>
      %dma_wait3A_1080 = arith.constant 0 : i32
      %dma_wait3A_1081 = tpu.memref_slice %arg10[%dma_wait3A_1080] : memref<400000xf32, #tpu.memory_space<vmem_shared>> -> memref<400000xf32, #tpu.memory_space<vmem_shared>>
      tpu.wait_indirect_dma semaphore(%arg14 : memref<!tpu.dma_semaphore, #tpu.memory_space<semaphore_mem>>) src(%dma_wait3A_1081 : memref<400000xf32, #tpu.memory_space<vmem_shared>>) dst(%dma_wait3A_1077 : memref<128xf32, #tpu.memory_space<vmem>>)
      %dma_wait3A_1082 = arith.constant 5 : i32
      %dma_wait3A_1083 = arith.constant 0 : i32
      %dma_wait3A_1084 = tpu.memref_slice %arg8[%dma_wait3A_1082, %dma_wait3A_1083] : memref<16x1024xf32, #tpu.memory_space<vmem>> -> memref<1x128xf32, #tpu.memory_space<vmem>>
      %dma_wait3A_1085 = tpu.memref_squeeze %dma_wait3A_1084 : memref<1x128xf32, #tpu.memory_space<vmem>> -> memref<128xf32, #tpu.memory_space<vmem>>
      %dma_wait3A_1086 = arith.constant 1024 : i32
      %dma_wait3A_1087 = tpu.memref_slice %arg7[%dma_wait3A_1086] : memref<4096xi32, #tpu.memory_space<vmem>> -> memref<128xi32, #tpu.memory_space<vmem>>
      %dma_wait3A_1088 = arith.constant 0 : i32
      %dma_wait3A_1089 = tpu.memref_slice %arg10[%dma_wait3A_1088] : memref<400000xf32, #tpu.memory_space<vmem_shared>> -> memref<400000xf32, #tpu.memory_space<vmem_shared>>
      tpu.wait_indirect_dma semaphore(%arg14 : memref<!tpu.dma_semaphore, #tpu.memory_space<semaphore_mem>>) src(%dma_wait3A_1089 : memref<400000xf32, #tpu.memory_space<vmem_shared>>) dst(%dma_wait3A_1085 : memref<128xf32, #tpu.memory_space<vmem>>)
      %dma_wait3A_1090 = arith.constant 5 : i32
      %dma_wait3A_1091 = arith.constant 128 : i32
      %dma_wait3A_1092 = tpu.memref_slice %arg8[%dma_wait3A_1090, %dma_wait3A_1091] : memref<16x1024xf32, #tpu.memory_space<vmem>> -> memref<1x128xf32, #tpu.memory_space<vmem>>
      %dma_wait3A_1093 = tpu.memref_squeeze %dma_wait3A_1092 : memref<1x128xf32, #tpu.memory_space<vmem>> -> memref<128xf32, #tpu.memory_space<vmem>>
      %dma_wait3A_1094 = arith.constant 1152 : i32
      %dma_wait3A_1095 = tpu.memref_slice %arg7[%dma_wait3A_1094] : memref<4096xi32, #tpu.memory_space<vmem>> -> memref<128xi32, #tpu.memory_space<vmem>>
      %dma_wait3A_1096 = arith.constant 0 : i32
      %dma_wait3A_1097 = tpu.memref_slice %arg10[%dma_wait3A_1096] : memref<400000xf32, #tpu.memory_space<vmem_shared>> -> memref<400000xf32, #tpu.memory_space<vmem_shared>>
      tpu.wait_indirect_dma semaphore(%arg14 : memref<!tpu.dma_semaphore, #tpu.memory_space<semaphore_mem>>) src(%dma_wait3A_1097 : memref<400000xf32, #tpu.memory_space<vmem_shared>>) dst(%dma_wait3A_1093 : memref<128xf32, #tpu.memory_space<vmem>>)
      %dma_wait3A_1098 = arith.constant 5 : i32
      %dma_wait3A_1099 = arith.constant 256 : i32
      %dma_wait3A_1100 = tpu.memref_slice %arg8[%dma_wait3A_1098, %dma_wait3A_1099] : memref<16x1024xf32, #tpu.memory_space<vmem>> -> memref<1x128xf32, #tpu.memory_space<vmem>>
      %dma_wait3A_1101 = tpu.memref_squeeze %dma_wait3A_1100 : memref<1x128xf32, #tpu.memory_space<vmem>> -> memref<128xf32, #tpu.memory_space<vmem>>
      %dma_wait3A_1102 = arith.constant 1280 : i32
      %dma_wait3A_1103 = tpu.memref_slice %arg7[%dma_wait3A_1102] : memref<4096xi32, #tpu.memory_space<vmem>> -> memref<128xi32, #tpu.memory_space<vmem>>
      %dma_wait3A_1104 = arith.constant 0 : i32
      %dma_wait3A_1105 = tpu.memref_slice %arg10[%dma_wait3A_1104] : memref<400000xf32, #tpu.memory_space<vmem_shared>> -> memref<400000xf32, #tpu.memory_space<vmem_shared>>
      tpu.wait_indirect_dma semaphore(%arg14 : memref<!tpu.dma_semaphore, #tpu.memory_space<semaphore_mem>>) src(%dma_wait3A_1105 : memref<400000xf32, #tpu.memory_space<vmem_shared>>) dst(%dma_wait3A_1101 : memref<128xf32, #tpu.memory_space<vmem>>)
      %dma_wait3A_1106 = arith.constant 5 : i32
      %dma_wait3A_1107 = arith.constant 384 : i32
      %dma_wait3A_1108 = tpu.memref_slice %arg8[%dma_wait3A_1106, %dma_wait3A_1107] : memref<16x1024xf32, #tpu.memory_space<vmem>> -> memref<1x128xf32, #tpu.memory_space<vmem>>
      %dma_wait3A_1109 = tpu.memref_squeeze %dma_wait3A_1108 : memref<1x128xf32, #tpu.memory_space<vmem>> -> memref<128xf32, #tpu.memory_space<vmem>>
      %dma_wait3A_1110 = arith.constant 1408 : i32
      %dma_wait3A_1111 = tpu.memref_slice %arg7[%dma_wait3A_1110] : memref<4096xi32, #tpu.memory_space<vmem>> -> memref<128xi32, #tpu.memory_space<vmem>>
      %dma_wait3A_1112 = arith.constant 0 : i32
      %dma_wait3A_1113 = tpu.memref_slice %arg10[%dma_wait3A_1112] : memref<400000xf32, #tpu.memory_space<vmem_shared>> -> memref<400000xf32, #tpu.memory_space<vmem_shared>>
      tpu.wait_indirect_dma semaphore(%arg14 : memref<!tpu.dma_semaphore, #tpu.memory_space<semaphore_mem>>) src(%dma_wait3A_1113 : memref<400000xf32, #tpu.memory_space<vmem_shared>>) dst(%dma_wait3A_1109 : memref<128xf32, #tpu.memory_space<vmem>>)
      %dma_wait3A_1114 = arith.constant 5 : i32
      %dma_wait3A_1115 = arith.constant 512 : i32
      %dma_wait3A_1116 = tpu.memref_slice %arg8[%dma_wait3A_1114, %dma_wait3A_1115] : memref<16x1024xf32, #tpu.memory_space<vmem>> -> memref<1x128xf32, #tpu.memory_space<vmem>>
      %dma_wait3A_1117 = tpu.memref_squeeze %dma_wait3A_1116 : memref<1x128xf32, #tpu.memory_space<vmem>> -> memref<128xf32, #tpu.memory_space<vmem>>
      %dma_wait3A_1118 = arith.constant 1536 : i32
      %dma_wait3A_1119 = tpu.memref_slice %arg7[%dma_wait3A_1118] : memref<4096xi32, #tpu.memory_space<vmem>> -> memref<128xi32, #tpu.memory_space<vmem>>
      %dma_wait3A_1120 = arith.constant 0 : i32
      %dma_wait3A_1121 = tpu.memref_slice %arg10[%dma_wait3A_1120] : memref<400000xf32, #tpu.memory_space<vmem_shared>> -> memref<400000xf32, #tpu.memory_space<vmem_shared>>
      tpu.wait_indirect_dma semaphore(%arg14 : memref<!tpu.dma_semaphore, #tpu.memory_space<semaphore_mem>>) src(%dma_wait3A_1121 : memref<400000xf32, #tpu.memory_space<vmem_shared>>) dst(%dma_wait3A_1117 : memref<128xf32, #tpu.memory_space<vmem>>)
      %dma_wait3A_1122 = arith.constant 5 : i32
      %dma_wait3A_1123 = arith.constant 640 : i32
      %dma_wait3A_1124 = tpu.memref_slice %arg8[%dma_wait3A_1122, %dma_wait3A_1123] : memref<16x1024xf32, #tpu.memory_space<vmem>> -> memref<1x128xf32, #tpu.memory_space<vmem>>
      %dma_wait3A_1125 = tpu.memref_squeeze %dma_wait3A_1124 : memref<1x128xf32, #tpu.memory_space<vmem>> -> memref<128xf32, #tpu.memory_space<vmem>>
      %dma_wait3A_1126 = arith.constant 1664 : i32
      %dma_wait3A_1127 = tpu.memref_slice %arg7[%dma_wait3A_1126] : memref<4096xi32, #tpu.memory_space<vmem>> -> memref<128xi32, #tpu.memory_space<vmem>>
      %dma_wait3A_1128 = arith.constant 0 : i32
      %dma_wait3A_1129 = tpu.memref_slice %arg10[%dma_wait3A_1128] : memref<400000xf32, #tpu.memory_space<vmem_shared>> -> memref<400000xf32, #tpu.memory_space<vmem_shared>>
      tpu.wait_indirect_dma semaphore(%arg14 : memref<!tpu.dma_semaphore, #tpu.memory_space<semaphore_mem>>) src(%dma_wait3A_1129 : memref<400000xf32, #tpu.memory_space<vmem_shared>>) dst(%dma_wait3A_1125 : memref<128xf32, #tpu.memory_space<vmem>>)
      %dma_wait3A_1130 = arith.constant 5 : i32
      %dma_wait3A_1131 = arith.constant 768 : i32
      %dma_wait3A_1132 = tpu.memref_slice %arg8[%dma_wait3A_1130, %dma_wait3A_1131] : memref<16x1024xf32, #tpu.memory_space<vmem>> -> memref<1x128xf32, #tpu.memory_space<vmem>>
      %dma_wait3A_1133 = tpu.memref_squeeze %dma_wait3A_1132 : memref<1x128xf32, #tpu.memory_space<vmem>> -> memref<128xf32, #tpu.memory_space<vmem>>
      %dma_wait3A_1134 = arith.constant 1792 : i32
      %dma_wait3A_1135 = tpu.memref_slice %arg7[%dma_wait3A_1134] : memref<4096xi32, #tpu.memory_space<vmem>> -> memref<128xi32, #tpu.memory_space<vmem>>
      %dma_wait3A_1136 = arith.constant 0 : i32
      %dma_wait3A_1137 = tpu.memref_slice %arg10[%dma_wait3A_1136] : memref<400000xf32, #tpu.memory_space<vmem_shared>> -> memref<400000xf32, #tpu.memory_space<vmem_shared>>
      tpu.wait_indirect_dma semaphore(%arg14 : memref<!tpu.dma_semaphore, #tpu.memory_space<semaphore_mem>>) src(%dma_wait3A_1137 : memref<400000xf32, #tpu.memory_space<vmem_shared>>) dst(%dma_wait3A_1133 : memref<128xf32, #tpu.memory_space<vmem>>)
      %dma_wait3A_1138 = arith.constant 5 : i32
      %dma_wait3A_1139 = arith.constant 896 : i32
      %dma_wait3A_1140 = tpu.memref_slice %arg8[%dma_wait3A_1138, %dma_wait3A_1139] : memref<16x1024xf32, #tpu.memory_space<vmem>> -> memref<1x128xf32, #tpu.memory_space<vmem>>
      %dma_wait3A_1141 = tpu.memref_squeeze %dma_wait3A_1140 : memref<1x128xf32, #tpu.memory_space<vmem>> -> memref<128xf32, #tpu.memory_space<vmem>>
      %dma_wait3A_1142 = arith.constant 1920 : i32
      %dma_wait3A_1143 = tpu.memref_slice %arg7[%dma_wait3A_1142] : memref<4096xi32, #tpu.memory_space<vmem>> -> memref<128xi32, #tpu.memory_space<vmem>>
      %dma_wait3A_1144 = arith.constant 0 : i32
      %dma_wait3A_1145 = tpu.memref_slice %arg10[%dma_wait3A_1144] : memref<400000xf32, #tpu.memory_space<vmem_shared>> -> memref<400000xf32, #tpu.memory_space<vmem_shared>>
      tpu.wait_indirect_dma semaphore(%arg14 : memref<!tpu.dma_semaphore, #tpu.memory_space<semaphore_mem>>) src(%dma_wait3A_1145 : memref<400000xf32, #tpu.memory_space<vmem_shared>>) dst(%dma_wait3A_1141 : memref<128xf32, #tpu.memory_space<vmem>>)
      %dma_wait3A_1146 = arith.constant 6 : i32
      %dma_wait3A_1147 = arith.constant 0 : i32
      %dma_wait3A_1148 = tpu.memref_slice %arg8[%dma_wait3A_1146, %dma_wait3A_1147] : memref<16x1024xf32, #tpu.memory_space<vmem>> -> memref<1x128xf32, #tpu.memory_space<vmem>>
      %dma_wait3A_1149 = tpu.memref_squeeze %dma_wait3A_1148 : memref<1x128xf32, #tpu.memory_space<vmem>> -> memref<128xf32, #tpu.memory_space<vmem>>
      %dma_wait3A_1150 = arith.constant 2048 : i32
      %dma_wait3A_1151 = tpu.memref_slice %arg7[%dma_wait3A_1150] : memref<4096xi32, #tpu.memory_space<vmem>> -> memref<128xi32, #tpu.memory_space<vmem>>
      %dma_wait3A_1152 = arith.constant 0 : i32
      %dma_wait3A_1153 = tpu.memref_slice %arg10[%dma_wait3A_1152] : memref<400000xf32, #tpu.memory_space<vmem_shared>> -> memref<400000xf32, #tpu.memory_space<vmem_shared>>
      tpu.wait_indirect_dma semaphore(%arg14 : memref<!tpu.dma_semaphore, #tpu.memory_space<semaphore_mem>>) src(%dma_wait3A_1153 : memref<400000xf32, #tpu.memory_space<vmem_shared>>) dst(%dma_wait3A_1149 : memref<128xf32, #tpu.memory_space<vmem>>)
      %dma_wait3A_1154 = arith.constant 6 : i32
      %dma_wait3A_1155 = arith.constant 128 : i32
      %dma_wait3A_1156 = tpu.memref_slice %arg8[%dma_wait3A_1154, %dma_wait3A_1155] : memref<16x1024xf32, #tpu.memory_space<vmem>> -> memref<1x128xf32, #tpu.memory_space<vmem>>
      %dma_wait3A_1157 = tpu.memref_squeeze %dma_wait3A_1156 : memref<1x128xf32, #tpu.memory_space<vmem>> -> memref<128xf32, #tpu.memory_space<vmem>>
      %dma_wait3A_1158 = arith.constant 2176 : i32
      %dma_wait3A_1159 = tpu.memref_slice %arg7[%dma_wait3A_1158] : memref<4096xi32, #tpu.memory_space<vmem>> -> memref<128xi32, #tpu.memory_space<vmem>>
      %dma_wait3A_1160 = arith.constant 0 : i32
      %dma_wait3A_1161 = tpu.memref_slice %arg10[%dma_wait3A_1160] : memref<400000xf32, #tpu.memory_space<vmem_shared>> -> memref<400000xf32, #tpu.memory_space<vmem_shared>>
      tpu.wait_indirect_dma semaphore(%arg14 : memref<!tpu.dma_semaphore, #tpu.memory_space<semaphore_mem>>) src(%dma_wait3A_1161 : memref<400000xf32, #tpu.memory_space<vmem_shared>>) dst(%dma_wait3A_1157 : memref<128xf32, #tpu.memory_space<vmem>>)
      %dma_wait3A_1162 = arith.constant 6 : i32
      %dma_wait3A_1163 = arith.constant 256 : i32
      %dma_wait3A_1164 = tpu.memref_slice %arg8[%dma_wait3A_1162, %dma_wait3A_1163] : memref<16x1024xf32, #tpu.memory_space<vmem>> -> memref<1x128xf32, #tpu.memory_space<vmem>>
      %dma_wait3A_1165 = tpu.memref_squeeze %dma_wait3A_1164 : memref<1x128xf32, #tpu.memory_space<vmem>> -> memref<128xf32, #tpu.memory_space<vmem>>
      %dma_wait3A_1166 = arith.constant 2304 : i32
      %dma_wait3A_1167 = tpu.memref_slice %arg7[%dma_wait3A_1166] : memref<4096xi32, #tpu.memory_space<vmem>> -> memref<128xi32, #tpu.memory_space<vmem>>
      %dma_wait3A_1168 = arith.constant 0 : i32
      %dma_wait3A_1169 = tpu.memref_slice %arg10[%dma_wait3A_1168] : memref<400000xf32, #tpu.memory_space<vmem_shared>> -> memref<400000xf32, #tpu.memory_space<vmem_shared>>
      tpu.wait_indirect_dma semaphore(%arg14 : memref<!tpu.dma_semaphore, #tpu.memory_space<semaphore_mem>>) src(%dma_wait3A_1169 : memref<400000xf32, #tpu.memory_space<vmem_shared>>) dst(%dma_wait3A_1165 : memref<128xf32, #tpu.memory_space<vmem>>)
      %dma_wait3A_1170 = arith.constant 6 : i32
      %dma_wait3A_1171 = arith.constant 384 : i32
      %dma_wait3A_1172 = tpu.memref_slice %arg8[%dma_wait3A_1170, %dma_wait3A_1171] : memref<16x1024xf32, #tpu.memory_space<vmem>> -> memref<1x128xf32, #tpu.memory_space<vmem>>
      %dma_wait3A_1173 = tpu.memref_squeeze %dma_wait3A_1172 : memref<1x128xf32, #tpu.memory_space<vmem>> -> memref<128xf32, #tpu.memory_space<vmem>>
      %dma_wait3A_1174 = arith.constant 2432 : i32
      %dma_wait3A_1175 = tpu.memref_slice %arg7[%dma_wait3A_1174] : memref<4096xi32, #tpu.memory_space<vmem>> -> memref<128xi32, #tpu.memory_space<vmem>>
      %dma_wait3A_1176 = arith.constant 0 : i32
      %dma_wait3A_1177 = tpu.memref_slice %arg10[%dma_wait3A_1176] : memref<400000xf32, #tpu.memory_space<vmem_shared>> -> memref<400000xf32, #tpu.memory_space<vmem_shared>>
      tpu.wait_indirect_dma semaphore(%arg14 : memref<!tpu.dma_semaphore, #tpu.memory_space<semaphore_mem>>) src(%dma_wait3A_1177 : memref<400000xf32, #tpu.memory_space<vmem_shared>>) dst(%dma_wait3A_1173 : memref<128xf32, #tpu.memory_space<vmem>>)
      %dma_wait3A_1178 = arith.constant 6 : i32
      %dma_wait3A_1179 = arith.constant 512 : i32
      %dma_wait3A_1180 = tpu.memref_slice %arg8[%dma_wait3A_1178, %dma_wait3A_1179] : memref<16x1024xf32, #tpu.memory_space<vmem>> -> memref<1x128xf32, #tpu.memory_space<vmem>>
      %dma_wait3A_1181 = tpu.memref_squeeze %dma_wait3A_1180 : memref<1x128xf32, #tpu.memory_space<vmem>> -> memref<128xf32, #tpu.memory_space<vmem>>
      %dma_wait3A_1182 = arith.constant 2560 : i32
      %dma_wait3A_1183 = tpu.memref_slice %arg7[%dma_wait3A_1182] : memref<4096xi32, #tpu.memory_space<vmem>> -> memref<128xi32, #tpu.memory_space<vmem>>
      %dma_wait3A_1184 = arith.constant 0 : i32
      %dma_wait3A_1185 = tpu.memref_slice %arg10[%dma_wait3A_1184] : memref<400000xf32, #tpu.memory_space<vmem_shared>> -> memref<400000xf32, #tpu.memory_space<vmem_shared>>
      tpu.wait_indirect_dma semaphore(%arg14 : memref<!tpu.dma_semaphore, #tpu.memory_space<semaphore_mem>>) src(%dma_wait3A_1185 : memref<400000xf32, #tpu.memory_space<vmem_shared>>) dst(%dma_wait3A_1181 : memref<128xf32, #tpu.memory_space<vmem>>)
      %dma_wait3A_1186 = arith.constant 6 : i32
      %dma_wait3A_1187 = arith.constant 640 : i32
      %dma_wait3A_1188 = tpu.memref_slice %arg8[%dma_wait3A_1186, %dma_wait3A_1187] : memref<16x1024xf32, #tpu.memory_space<vmem>> -> memref<1x128xf32, #tpu.memory_space<vmem>>
      %dma_wait3A_1189 = tpu.memref_squeeze %dma_wait3A_1188 : memref<1x128xf32, #tpu.memory_space<vmem>> -> memref<128xf32, #tpu.memory_space<vmem>>
      %dma_wait3A_1190 = arith.constant 2688 : i32
      %dma_wait3A_1191 = tpu.memref_slice %arg7[%dma_wait3A_1190] : memref<4096xi32, #tpu.memory_space<vmem>> -> memref<128xi32, #tpu.memory_space<vmem>>
      %dma_wait3A_1192 = arith.constant 0 : i32
      %dma_wait3A_1193 = tpu.memref_slice %arg10[%dma_wait3A_1192] : memref<400000xf32, #tpu.memory_space<vmem_shared>> -> memref<400000xf32, #tpu.memory_space<vmem_shared>>
      tpu.wait_indirect_dma semaphore(%arg14 : memref<!tpu.dma_semaphore, #tpu.memory_space<semaphore_mem>>) src(%dma_wait3A_1193 : memref<400000xf32, #tpu.memory_space<vmem_shared>>) dst(%dma_wait3A_1189 : memref<128xf32, #tpu.memory_space<vmem>>)
      %dma_wait3A_1194 = arith.constant 6 : i32
      %dma_wait3A_1195 = arith.constant 768 : i32
      %dma_wait3A_1196 = tpu.memref_slice %arg8[%dma_wait3A_1194, %dma_wait3A_1195] : memref<16x1024xf32, #tpu.memory_space<vmem>> -> memref<1x128xf32, #tpu.memory_space<vmem>>
      %dma_wait3A_1197 = tpu.memref_squeeze %dma_wait3A_1196 : memref<1x128xf32, #tpu.memory_space<vmem>> -> memref<128xf32, #tpu.memory_space<vmem>>
      %dma_wait3A_1198 = arith.constant 2816 : i32
      %dma_wait3A_1199 = tpu.memref_slice %arg7[%dma_wait3A_1198] : memref<4096xi32, #tpu.memory_space<vmem>> -> memref<128xi32, #tpu.memory_space<vmem>>
      %dma_wait3A_1200 = arith.constant 0 : i32
      %dma_wait3A_1201 = tpu.memref_slice %arg10[%dma_wait3A_1200] : memref<400000xf32, #tpu.memory_space<vmem_shared>> -> memref<400000xf32, #tpu.memory_space<vmem_shared>>
      tpu.wait_indirect_dma semaphore(%arg14 : memref<!tpu.dma_semaphore, #tpu.memory_space<semaphore_mem>>) src(%dma_wait3A_1201 : memref<400000xf32, #tpu.memory_space<vmem_shared>>) dst(%dma_wait3A_1197 : memref<128xf32, #tpu.memory_space<vmem>>)
      %dma_wait3A_1202 = arith.constant 6 : i32
      %dma_wait3A_1203 = arith.constant 896 : i32
      %dma_wait3A_1204 = tpu.memref_slice %arg8[%dma_wait3A_1202, %dma_wait3A_1203] : memref<16x1024xf32, #tpu.memory_space<vmem>> -> memref<1x128xf32, #tpu.memory_space<vmem>>
      %dma_wait3A_1205 = tpu.memref_squeeze %dma_wait3A_1204 : memref<1x128xf32, #tpu.memory_space<vmem>> -> memref<128xf32, #tpu.memory_space<vmem>>
      %dma_wait3A_1206 = arith.constant 2944 : i32
      %dma_wait3A_1207 = tpu.memref_slice %arg7[%dma_wait3A_1206] : memref<4096xi32, #tpu.memory_space<vmem>> -> memref<128xi32, #tpu.memory_space<vmem>>
      %dma_wait3A_1208 = arith.constant 0 : i32
      %dma_wait3A_1209 = tpu.memref_slice %arg10[%dma_wait3A_1208] : memref<400000xf32, #tpu.memory_space<vmem_shared>> -> memref<400000xf32, #tpu.memory_space<vmem_shared>>
      tpu.wait_indirect_dma semaphore(%arg14 : memref<!tpu.dma_semaphore, #tpu.memory_space<semaphore_mem>>) src(%dma_wait3A_1209 : memref<400000xf32, #tpu.memory_space<vmem_shared>>) dst(%dma_wait3A_1205 : memref<128xf32, #tpu.memory_space<vmem>>)
      %dma_wait3A_1210 = arith.constant 7 : i32
      %dma_wait3A_1211 = arith.constant 0 : i32
      %dma_wait3A_1212 = tpu.memref_slice %arg8[%dma_wait3A_1210, %dma_wait3A_1211] : memref<16x1024xf32, #tpu.memory_space<vmem>> -> memref<1x128xf32, #tpu.memory_space<vmem>>
      %dma_wait3A_1213 = tpu.memref_squeeze %dma_wait3A_1212 : memref<1x128xf32, #tpu.memory_space<vmem>> -> memref<128xf32, #tpu.memory_space<vmem>>
      %dma_wait3A_1214 = arith.constant 3072 : i32
      %dma_wait3A_1215 = tpu.memref_slice %arg7[%dma_wait3A_1214] : memref<4096xi32, #tpu.memory_space<vmem>> -> memref<128xi32, #tpu.memory_space<vmem>>
      %dma_wait3A_1216 = arith.constant 0 : i32
      %dma_wait3A_1217 = tpu.memref_slice %arg10[%dma_wait3A_1216] : memref<400000xf32, #tpu.memory_space<vmem_shared>> -> memref<400000xf32, #tpu.memory_space<vmem_shared>>
      tpu.wait_indirect_dma semaphore(%arg14 : memref<!tpu.dma_semaphore, #tpu.memory_space<semaphore_mem>>) src(%dma_wait3A_1217 : memref<400000xf32, #tpu.memory_space<vmem_shared>>) dst(%dma_wait3A_1213 : memref<128xf32, #tpu.memory_space<vmem>>)
      %dma_wait3A_1218 = arith.constant 7 : i32
      %dma_wait3A_1219 = arith.constant 128 : i32
      %dma_wait3A_1220 = tpu.memref_slice %arg8[%dma_wait3A_1218, %dma_wait3A_1219] : memref<16x1024xf32, #tpu.memory_space<vmem>> -> memref<1x128xf32, #tpu.memory_space<vmem>>
      %dma_wait3A_1221 = tpu.memref_squeeze %dma_wait3A_1220 : memref<1x128xf32, #tpu.memory_space<vmem>> -> memref<128xf32, #tpu.memory_space<vmem>>
      %dma_wait3A_1222 = arith.constant 3200 : i32
      %dma_wait3A_1223 = tpu.memref_slice %arg7[%dma_wait3A_1222] : memref<4096xi32, #tpu.memory_space<vmem>> -> memref<128xi32, #tpu.memory_space<vmem>>
      %dma_wait3A_1224 = arith.constant 0 : i32
      %dma_wait3A_1225 = tpu.memref_slice %arg10[%dma_wait3A_1224] : memref<400000xf32, #tpu.memory_space<vmem_shared>> -> memref<400000xf32, #tpu.memory_space<vmem_shared>>
      tpu.wait_indirect_dma semaphore(%arg14 : memref<!tpu.dma_semaphore, #tpu.memory_space<semaphore_mem>>) src(%dma_wait3A_1225 : memref<400000xf32, #tpu.memory_space<vmem_shared>>) dst(%dma_wait3A_1221 : memref<128xf32, #tpu.memory_space<vmem>>)
      %dma_wait3A_1226 = arith.constant 7 : i32
      %dma_wait3A_1227 = arith.constant 256 : i32
      %dma_wait3A_1228 = tpu.memref_slice %arg8[%dma_wait3A_1226, %dma_wait3A_1227] : memref<16x1024xf32, #tpu.memory_space<vmem>> -> memref<1x128xf32, #tpu.memory_space<vmem>>
      %dma_wait3A_1229 = tpu.memref_squeeze %dma_wait3A_1228 : memref<1x128xf32, #tpu.memory_space<vmem>> -> memref<128xf32, #tpu.memory_space<vmem>>
      %dma_wait3A_1230 = arith.constant 3328 : i32
      %dma_wait3A_1231 = tpu.memref_slice %arg7[%dma_wait3A_1230] : memref<4096xi32, #tpu.memory_space<vmem>> -> memref<128xi32, #tpu.memory_space<vmem>>
      %dma_wait3A_1232 = arith.constant 0 : i32
      %dma_wait3A_1233 = tpu.memref_slice %arg10[%dma_wait3A_1232] : memref<400000xf32, #tpu.memory_space<vmem_shared>> -> memref<400000xf32, #tpu.memory_space<vmem_shared>>
      tpu.wait_indirect_dma semaphore(%arg14 : memref<!tpu.dma_semaphore, #tpu.memory_space<semaphore_mem>>) src(%dma_wait3A_1233 : memref<400000xf32, #tpu.memory_space<vmem_shared>>) dst(%dma_wait3A_1229 : memref<128xf32, #tpu.memory_space<vmem>>)
      %dma_wait3A_1234 = arith.constant 7 : i32
      %dma_wait3A_1235 = arith.constant 384 : i32
      %dma_wait3A_1236 = tpu.memref_slice %arg8[%dma_wait3A_1234, %dma_wait3A_1235] : memref<16x1024xf32, #tpu.memory_space<vmem>> -> memref<1x128xf32, #tpu.memory_space<vmem>>
      %dma_wait3A_1237 = tpu.memref_squeeze %dma_wait3A_1236 : memref<1x128xf32, #tpu.memory_space<vmem>> -> memref<128xf32, #tpu.memory_space<vmem>>
      %dma_wait3A_1238 = arith.constant 3456 : i32
      %dma_wait3A_1239 = tpu.memref_slice %arg7[%dma_wait3A_1238] : memref<4096xi32, #tpu.memory_space<vmem>> -> memref<128xi32, #tpu.memory_space<vmem>>
      %dma_wait3A_1240 = arith.constant 0 : i32
      %dma_wait3A_1241 = tpu.memref_slice %arg10[%dma_wait3A_1240] : memref<400000xf32, #tpu.memory_space<vmem_shared>> -> memref<400000xf32, #tpu.memory_space<vmem_shared>>
      tpu.wait_indirect_dma semaphore(%arg14 : memref<!tpu.dma_semaphore, #tpu.memory_space<semaphore_mem>>) src(%dma_wait3A_1241 : memref<400000xf32, #tpu.memory_space<vmem_shared>>) dst(%dma_wait3A_1237 : memref<128xf32, #tpu.memory_space<vmem>>)
      %dma_wait3A_1242 = arith.constant 7 : i32
      %dma_wait3A_1243 = arith.constant 512 : i32
      %dma_wait3A_1244 = tpu.memref_slice %arg8[%dma_wait3A_1242, %dma_wait3A_1243] : memref<16x1024xf32, #tpu.memory_space<vmem>> -> memref<1x128xf32, #tpu.memory_space<vmem>>
      %dma_wait3A_1245 = tpu.memref_squeeze %dma_wait3A_1244 : memref<1x128xf32, #tpu.memory_space<vmem>> -> memref<128xf32, #tpu.memory_space<vmem>>
      %dma_wait3A_1246 = arith.constant 3584 : i32
      %dma_wait3A_1247 = tpu.memref_slice %arg7[%dma_wait3A_1246] : memref<4096xi32, #tpu.memory_space<vmem>> -> memref<128xi32, #tpu.memory_space<vmem>>
      %dma_wait3A_1248 = arith.constant 0 : i32
      %dma_wait3A_1249 = tpu.memref_slice %arg10[%dma_wait3A_1248] : memref<400000xf32, #tpu.memory_space<vmem_shared>> -> memref<400000xf32, #tpu.memory_space<vmem_shared>>
      tpu.wait_indirect_dma semaphore(%arg14 : memref<!tpu.dma_semaphore, #tpu.memory_space<semaphore_mem>>) src(%dma_wait3A_1249 : memref<400000xf32, #tpu.memory_space<vmem_shared>>) dst(%dma_wait3A_1245 : memref<128xf32, #tpu.memory_space<vmem>>)
      %dma_wait3A_1250 = arith.constant 7 : i32
      %dma_wait3A_1251 = arith.constant 640 : i32
      %dma_wait3A_1252 = tpu.memref_slice %arg8[%dma_wait3A_1250, %dma_wait3A_1251] : memref<16x1024xf32, #tpu.memory_space<vmem>> -> memref<1x128xf32, #tpu.memory_space<vmem>>
      %dma_wait3A_1253 = tpu.memref_squeeze %dma_wait3A_1252 : memref<1x128xf32, #tpu.memory_space<vmem>> -> memref<128xf32, #tpu.memory_space<vmem>>
      %dma_wait3A_1254 = arith.constant 3712 : i32
      %dma_wait3A_1255 = tpu.memref_slice %arg7[%dma_wait3A_1254] : memref<4096xi32, #tpu.memory_space<vmem>> -> memref<128xi32, #tpu.memory_space<vmem>>
      %dma_wait3A_1256 = arith.constant 0 : i32
      %dma_wait3A_1257 = tpu.memref_slice %arg10[%dma_wait3A_1256] : memref<400000xf32, #tpu.memory_space<vmem_shared>> -> memref<400000xf32, #tpu.memory_space<vmem_shared>>
      tpu.wait_indirect_dma semaphore(%arg14 : memref<!tpu.dma_semaphore, #tpu.memory_space<semaphore_mem>>) src(%dma_wait3A_1257 : memref<400000xf32, #tpu.memory_space<vmem_shared>>) dst(%dma_wait3A_1253 : memref<128xf32, #tpu.memory_space<vmem>>)
      %dma_wait3A_1258 = arith.constant 7 : i32
      %dma_wait3A_1259 = arith.constant 768 : i32
      %dma_wait3A_1260 = tpu.memref_slice %arg8[%dma_wait3A_1258, %dma_wait3A_1259] : memref<16x1024xf32, #tpu.memory_space<vmem>> -> memref<1x128xf32, #tpu.memory_space<vmem>>
      %dma_wait3A_1261 = tpu.memref_squeeze %dma_wait3A_1260 : memref<1x128xf32, #tpu.memory_space<vmem>> -> memref<128xf32, #tpu.memory_space<vmem>>
      %dma_wait3A_1262 = arith.constant 3840 : i32
      %dma_wait3A_1263 = tpu.memref_slice %arg7[%dma_wait3A_1262] : memref<4096xi32, #tpu.memory_space<vmem>> -> memref<128xi32, #tpu.memory_space<vmem>>
      %dma_wait3A_1264 = arith.constant 0 : i32
      %dma_wait3A_1265 = tpu.memref_slice %arg10[%dma_wait3A_1264] : memref<400000xf32, #tpu.memory_space<vmem_shared>> -> memref<400000xf32, #tpu.memory_space<vmem_shared>>
      tpu.wait_indirect_dma semaphore(%arg14 : memref<!tpu.dma_semaphore, #tpu.memory_space<semaphore_mem>>) src(%dma_wait3A_1265 : memref<400000xf32, #tpu.memory_space<vmem_shared>>) dst(%dma_wait3A_1261 : memref<128xf32, #tpu.memory_space<vmem>>)
      %dma_wait3A_1266 = arith.constant 7 : i32
      %dma_wait3A_1267 = arith.constant 896 : i32
      %dma_wait3A_1268 = tpu.memref_slice %arg8[%dma_wait3A_1266, %dma_wait3A_1267] : memref<16x1024xf32, #tpu.memory_space<vmem>> -> memref<1x128xf32, #tpu.memory_space<vmem>>
      %dma_wait3A_1269 = tpu.memref_squeeze %dma_wait3A_1268 : memref<1x128xf32, #tpu.memory_space<vmem>> -> memref<128xf32, #tpu.memory_space<vmem>>
      %dma_wait3A_1270 = arith.constant 3968 : i32
      %dma_wait3A_1271 = tpu.memref_slice %arg7[%dma_wait3A_1270] : memref<4096xi32, #tpu.memory_space<vmem>> -> memref<128xi32, #tpu.memory_space<vmem>>
      %dma_wait3A_1272 = arith.constant 0 : i32
      %dma_wait3A_1273 = tpu.memref_slice %arg10[%dma_wait3A_1272] : memref<400000xf32, #tpu.memory_space<vmem_shared>> -> memref<400000xf32, #tpu.memory_space<vmem_shared>>
      tpu.wait_indirect_dma semaphore(%arg14 : memref<!tpu.dma_semaphore, #tpu.memory_space<semaphore_mem>>) src(%dma_wait3A_1273 : memref<400000xf32, #tpu.memory_space<vmem_shared>>) dst(%dma_wait3A_1269 : memref<128xf32, #tpu.memory_space<vmem>>)
      %barrier3A_1274 = arith.constant 0 : index
      tpu.barrier barrier_id(%barrier3A_1274)
      %add3A_1275 = arith.constant 0 : i32
      %add3A_1276 = arith.addi %add3A_1275, %multiple_of3A : i32
      %dma_start3A_1277 = arith.constant 12 : i32
      %dma_start3A_1278 = tpu.memref_slice %arg10[%add3A_1276] : memref<400000xf32, #tpu.memory_space<vmem_shared>> -> memref<6256xf32, #tpu.memory_space<vmem_shared>>
      %dma_start3A_1279 = tpu.memref_slice %arg4[%add3A_137, %dma_start3A_1277, %multiple_of3A] : memref<26x16x100000xf32, #tpu.memory_space<hbm>> -> memref<1x1x6256xf32, #tpu.memory_space<hbm>>
      %dma_start3A_1280 = tpu.memref_squeeze %dma_start3A_1279 : memref<1x1x6256xf32, #tpu.memory_space<hbm>> -> memref<6256xf32, #tpu.memory_space<hbm>>
      tpu.enqueue_dma source(%dma_start3A_1280 : memref<6256xf32, #tpu.memory_space<hbm>>) target(%dma_start3A_1278 : memref<6256xf32, #tpu.memory_space<vmem_shared>>) target_semaphore(%arg12 : memref<!tpu.dma_semaphore, #tpu.memory_space<semaphore_mem>>)
      %add3A_1281 = arith.constant 100000 : i32
      %add3A_1282 = arith.addi %add3A_1281, %multiple_of3A : i32
      %dma_start3A_1283 = arith.constant 13 : i32
      %dma_start3A_1284 = tpu.memref_slice %arg10[%add3A_1282] : memref<400000xf32, #tpu.memory_space<vmem_shared>> -> memref<6256xf32, #tpu.memory_space<vmem_shared>>
      %dma_start3A_1285 = tpu.memref_slice %arg4[%add3A_137, %dma_start3A_1283, %multiple_of3A] : memref<26x16x100000xf32, #tpu.memory_space<hbm>> -> memref<1x1x6256xf32, #tpu.memory_space<hbm>>
      %dma_start3A_1286 = tpu.memref_squeeze %dma_start3A_1285 : memref<1x1x6256xf32, #tpu.memory_space<hbm>> -> memref<6256xf32, #tpu.memory_space<hbm>>
      tpu.enqueue_dma source(%dma_start3A_1286 : memref<6256xf32, #tpu.memory_space<hbm>>) target(%dma_start3A_1284 : memref<6256xf32, #tpu.memory_space<vmem_shared>>) target_semaphore(%arg12 : memref<!tpu.dma_semaphore, #tpu.memory_space<semaphore_mem>>)
      %add3A_1287 = arith.constant 200000 : i32
      %add3A_1288 = arith.addi %add3A_1287, %multiple_of3A : i32
      %dma_start3A_1289 = arith.constant 14 : i32
      %dma_start3A_1290 = tpu.memref_slice %arg10[%add3A_1288] : memref<400000xf32, #tpu.memory_space<vmem_shared>> -> memref<6256xf32, #tpu.memory_space<vmem_shared>>
      %dma_start3A_1291 = tpu.memref_slice %arg4[%add3A_137, %dma_start3A_1289, %multiple_of3A] : memref<26x16x100000xf32, #tpu.memory_space<hbm>> -> memref<1x1x6256xf32, #tpu.memory_space<hbm>>
      %dma_start3A_1292 = tpu.memref_squeeze %dma_start3A_1291 : memref<1x1x6256xf32, #tpu.memory_space<hbm>> -> memref<6256xf32, #tpu.memory_space<hbm>>
      tpu.enqueue_dma source(%dma_start3A_1292 : memref<6256xf32, #tpu.memory_space<hbm>>) target(%dma_start3A_1290 : memref<6256xf32, #tpu.memory_space<vmem_shared>>) target_semaphore(%arg12 : memref<!tpu.dma_semaphore, #tpu.memory_space<semaphore_mem>>)
      %add3A_1293 = arith.constant 300000 : i32
      %add3A_1294 = arith.addi %add3A_1293, %multiple_of3A : i32
      %dma_start3A_1295 = arith.constant 15 : i32
      %dma_start3A_1296 = tpu.memref_slice %arg10[%add3A_1294] : memref<400000xf32, #tpu.memory_space<vmem_shared>> -> memref<6256xf32, #tpu.memory_space<vmem_shared>>
      %dma_start3A_1297 = tpu.memref_slice %arg4[%add3A_137, %dma_start3A_1295, %multiple_of3A] : memref<26x16x100000xf32, #tpu.memory_space<hbm>> -> memref<1x1x6256xf32, #tpu.memory_space<hbm>>
      %dma_start3A_1298 = tpu.memref_squeeze %dma_start3A_1297 : memref<1x1x6256xf32, #tpu.memory_space<hbm>> -> memref<6256xf32, #tpu.memory_space<hbm>>
      tpu.enqueue_dma source(%dma_start3A_1298 : memref<6256xf32, #tpu.memory_space<hbm>>) target(%dma_start3A_1296 : memref<6256xf32, #tpu.memory_space<vmem_shared>>) target_semaphore(%arg12 : memref<!tpu.dma_semaphore, #tpu.memory_space<semaphore_mem>>)
      %dma_wait3A_1299 = arith.constant 0 : i32
      %dma_wait3A_1300 = arith.constant 0 : i32
      %dma_wait3A_1301 = arith.constant 0 : i32
      %dma_wait3A_1302 = tpu.memref_slice %arg9[%dma_wait3A_1301] : memref<400000xf32, #tpu.memory_space<vmem_shared>> -> memref<6256xf32, #tpu.memory_space<vmem_shared>>
      %dma_wait3A_1303 = arith.constant 0 : i32
      %dma_wait3A_1304 = tpu.memref_slice %arg4[%dma_wait3A_1299, %dma_wait3A_1300, %dma_wait3A_1303] : memref<26x16x100000xf32, #tpu.memory_space<hbm>> -> memref<1x1x6256xf32, #tpu.memory_space<hbm>>
      %dma_wait3A_1305 = tpu.memref_squeeze %dma_wait3A_1304 : memref<1x1x6256xf32, #tpu.memory_space<hbm>> -> memref<6256xf32, #tpu.memory_space<hbm>>
      tpu.wait_dma2 semaphore(%arg11 : memref<!tpu.dma_semaphore, #tpu.memory_space<semaphore_mem>>) src(%dma_wait3A_1305 : memref<6256xf32, #tpu.memory_space<hbm>>) dst(%dma_wait3A_1302 : memref<6256xf32, #tpu.memory_space<vmem_shared>>)
      %dma_wait3A_1306 = arith.constant 0 : i32
      %dma_wait3A_1307 = arith.constant 0 : i32
      %dma_wait3A_1308 = arith.constant 0 : i32
      %dma_wait3A_1309 = tpu.memref_slice %arg9[%dma_wait3A_1308] : memref<400000xf32, #tpu.memory_space<vmem_shared>> -> memref<6256xf32, #tpu.memory_space<vmem_shared>>
      %dma_wait3A_1310 = arith.constant 0 : i32
      %dma_wait3A_1311 = tpu.memref_slice %arg4[%dma_wait3A_1306, %dma_wait3A_1307, %dma_wait3A_1310] : memref<26x16x100000xf32, #tpu.memory_space<hbm>> -> memref<1x1x6256xf32, #tpu.memory_space<hbm>>
      %dma_wait3A_1312 = tpu.memref_squeeze %dma_wait3A_1311 : memref<1x1x6256xf32, #tpu.memory_space<hbm>> -> memref<6256xf32, #tpu.memory_space<hbm>>
      tpu.wait_dma2 semaphore(%arg11 : memref<!tpu.dma_semaphore, #tpu.memory_space<semaphore_mem>>) src(%dma_wait3A_1312 : memref<6256xf32, #tpu.memory_space<hbm>>) dst(%dma_wait3A_1309 : memref<6256xf32, #tpu.memory_space<vmem_shared>>)
      %dma_wait3A_1313 = arith.constant 0 : i32
      %dma_wait3A_1314 = arith.constant 0 : i32
      %dma_wait3A_1315 = arith.constant 0 : i32
      %dma_wait3A_1316 = tpu.memref_slice %arg9[%dma_wait3A_1315] : memref<400000xf32, #tpu.memory_space<vmem_shared>> -> memref<6256xf32, #tpu.memory_space<vmem_shared>>
      %dma_wait3A_1317 = arith.constant 0 : i32
      %dma_wait3A_1318 = tpu.memref_slice %arg4[%dma_wait3A_1313, %dma_wait3A_1314, %dma_wait3A_1317] : memref<26x16x100000xf32, #tpu.memory_space<hbm>> -> memref<1x1x6256xf32, #tpu.memory_space<hbm>>
      %dma_wait3A_1319 = tpu.memref_squeeze %dma_wait3A_1318 : memref<1x1x6256xf32, #tpu.memory_space<hbm>> -> memref<6256xf32, #tpu.memory_space<hbm>>
      tpu.wait_dma2 semaphore(%arg11 : memref<!tpu.dma_semaphore, #tpu.memory_space<semaphore_mem>>) src(%dma_wait3A_1319 : memref<6256xf32, #tpu.memory_space<hbm>>) dst(%dma_wait3A_1316 : memref<6256xf32, #tpu.memory_space<vmem_shared>>)
      %dma_wait3A_1320 = arith.constant 0 : i32
      %dma_wait3A_1321 = arith.constant 0 : i32
      %dma_wait3A_1322 = arith.constant 0 : i32
      %dma_wait3A_1323 = tpu.memref_slice %arg9[%dma_wait3A_1322] : memref<400000xf32, #tpu.memory_space<vmem_shared>> -> memref<6256xf32, #tpu.memory_space<vmem_shared>>
      %dma_wait3A_1324 = arith.constant 0 : i32
      %dma_wait3A_1325 = tpu.memref_slice %arg4[%dma_wait3A_1320, %dma_wait3A_1321, %dma_wait3A_1324] : memref<26x16x100000xf32, #tpu.memory_space<hbm>> -> memref<1x1x6256xf32, #tpu.memory_space<hbm>>
      %dma_wait3A_1326 = tpu.memref_squeeze %dma_wait3A_1325 : memref<1x1x6256xf32, #tpu.memory_space<hbm>> -> memref<6256xf32, #tpu.memory_space<hbm>>
      tpu.wait_dma2 semaphore(%arg11 : memref<!tpu.dma_semaphore, #tpu.memory_space<semaphore_mem>>) src(%dma_wait3A_1326 : memref<6256xf32, #tpu.memory_space<hbm>>) dst(%dma_wait3A_1323 : memref<6256xf32, #tpu.memory_space<vmem_shared>>)
      %barrier3A_1327 = arith.constant 0 : index
      tpu.barrier barrier_id(%barrier3A_1327)
      %dma_start3A_1328 = arith.constant 8 : i32
      %dma_start3A_1329 = arith.constant 0 : i32
      %dma_start3A_1330 = tpu.memref_slice %arg8[%dma_start3A_1328, %dma_start3A_1329] : memref<16x1024xf32, #tpu.memory_space<vmem>> -> memref<1x128xf32, #tpu.memory_space<vmem>>
      %dma_start3A_1331 = tpu.memref_squeeze %dma_start3A_1330 : memref<1x128xf32, #tpu.memory_space<vmem>> -> memref<128xf32, #tpu.memory_space<vmem>>
      %dma_start3A_1332 = arith.constant 0 : i32
      %dma_start3A_1333 = tpu.memref_slice %arg7[%dma_start3A_1332] : memref<4096xi32, #tpu.memory_space<vmem>> -> memref<128xi32, #tpu.memory_space<vmem>>
      %dma_start3A_1334 = arith.constant 0 : i32
      %dma_start3A_1335 = tpu.memref_slice %arg9[%dma_start3A_1334] : memref<400000xf32, #tpu.memory_space<vmem_shared>> -> memref<400000xf32, #tpu.memory_space<vmem_shared>>
      tpu.enqueue_indirect_dma source(%dma_start3A_1335 : memref<400000xf32, #tpu.memory_space<vmem_shared>>) target(%dma_start3A_1331 : memref<128xf32, #tpu.memory_space<vmem>>) offsets(%dma_start3A_1333 : memref<128xi32, #tpu.memory_space<vmem>>) semaphore(%arg14 : memref<!tpu.dma_semaphore, #tpu.memory_space<semaphore_mem>>)
      %dma_start3A_1336 = arith.constant 8 : i32
      %dma_start3A_1337 = arith.constant 128 : i32
      %dma_start3A_1338 = tpu.memref_slice %arg8[%dma_start3A_1336, %dma_start3A_1337] : memref<16x1024xf32, #tpu.memory_space<vmem>> -> memref<1x128xf32, #tpu.memory_space<vmem>>
      %dma_start3A_1339 = tpu.memref_squeeze %dma_start3A_1338 : memref<1x128xf32, #tpu.memory_space<vmem>> -> memref<128xf32, #tpu.memory_space<vmem>>
      %dma_start3A_1340 = arith.constant 128 : i32
      %dma_start3A_1341 = tpu.memref_slice %arg7[%dma_start3A_1340] : memref<4096xi32, #tpu.memory_space<vmem>> -> memref<128xi32, #tpu.memory_space<vmem>>
      %dma_start3A_1342 = arith.constant 0 : i32
      %dma_start3A_1343 = tpu.memref_slice %arg9[%dma_start3A_1342] : memref<400000xf32, #tpu.memory_space<vmem_shared>> -> memref<400000xf32, #tpu.memory_space<vmem_shared>>
      tpu.enqueue_indirect_dma source(%dma_start3A_1343 : memref<400000xf32, #tpu.memory_space<vmem_shared>>) target(%dma_start3A_1339 : memref<128xf32, #tpu.memory_space<vmem>>) offsets(%dma_start3A_1341 : memref<128xi32, #tpu.memory_space<vmem>>) semaphore(%arg14 : memref<!tpu.dma_semaphore, #tpu.memory_space<semaphore_mem>>)
      %dma_start3A_1344 = arith.constant 8 : i32
      %dma_start3A_1345 = arith.constant 256 : i32
      %dma_start3A_1346 = tpu.memref_slice %arg8[%dma_start3A_1344, %dma_start3A_1345] : memref<16x1024xf32, #tpu.memory_space<vmem>> -> memref<1x128xf32, #tpu.memory_space<vmem>>
      %dma_start3A_1347 = tpu.memref_squeeze %dma_start3A_1346 : memref<1x128xf32, #tpu.memory_space<vmem>> -> memref<128xf32, #tpu.memory_space<vmem>>
      %dma_start3A_1348 = arith.constant 256 : i32
      %dma_start3A_1349 = tpu.memref_slice %arg7[%dma_start3A_1348] : memref<4096xi32, #tpu.memory_space<vmem>> -> memref<128xi32, #tpu.memory_space<vmem>>
      %dma_start3A_1350 = arith.constant 0 : i32
      %dma_start3A_1351 = tpu.memref_slice %arg9[%dma_start3A_1350] : memref<400000xf32, #tpu.memory_space<vmem_shared>> -> memref<400000xf32, #tpu.memory_space<vmem_shared>>
      tpu.enqueue_indirect_dma source(%dma_start3A_1351 : memref<400000xf32, #tpu.memory_space<vmem_shared>>) target(%dma_start3A_1347 : memref<128xf32, #tpu.memory_space<vmem>>) offsets(%dma_start3A_1349 : memref<128xi32, #tpu.memory_space<vmem>>) semaphore(%arg14 : memref<!tpu.dma_semaphore, #tpu.memory_space<semaphore_mem>>)
      %dma_start3A_1352 = arith.constant 8 : i32
      %dma_start3A_1353 = arith.constant 384 : i32
      %dma_start3A_1354 = tpu.memref_slice %arg8[%dma_start3A_1352, %dma_start3A_1353] : memref<16x1024xf32, #tpu.memory_space<vmem>> -> memref<1x128xf32, #tpu.memory_space<vmem>>
      %dma_start3A_1355 = tpu.memref_squeeze %dma_start3A_1354 : memref<1x128xf32, #tpu.memory_space<vmem>> -> memref<128xf32, #tpu.memory_space<vmem>>
      %dma_start3A_1356 = arith.constant 384 : i32
      %dma_start3A_1357 = tpu.memref_slice %arg7[%dma_start3A_1356] : memref<4096xi32, #tpu.memory_space<vmem>> -> memref<128xi32, #tpu.memory_space<vmem>>
      %dma_start3A_1358 = arith.constant 0 : i32
      %dma_start3A_1359 = tpu.memref_slice %arg9[%dma_start3A_1358] : memref<400000xf32, #tpu.memory_space<vmem_shared>> -> memref<400000xf32, #tpu.memory_space<vmem_shared>>
      tpu.enqueue_indirect_dma source(%dma_start3A_1359 : memref<400000xf32, #tpu.memory_space<vmem_shared>>) target(%dma_start3A_1355 : memref<128xf32, #tpu.memory_space<vmem>>) offsets(%dma_start3A_1357 : memref<128xi32, #tpu.memory_space<vmem>>) semaphore(%arg14 : memref<!tpu.dma_semaphore, #tpu.memory_space<semaphore_mem>>)
      %dma_start3A_1360 = arith.constant 8 : i32
      %dma_start3A_1361 = arith.constant 512 : i32
      %dma_start3A_1362 = tpu.memref_slice %arg8[%dma_start3A_1360, %dma_start3A_1361] : memref<16x1024xf32, #tpu.memory_space<vmem>> -> memref<1x128xf32, #tpu.memory_space<vmem>>
      %dma_start3A_1363 = tpu.memref_squeeze %dma_start3A_1362 : memref<1x128xf32, #tpu.memory_space<vmem>> -> memref<128xf32, #tpu.memory_space<vmem>>
      %dma_start3A_1364 = arith.constant 512 : i32
      %dma_start3A_1365 = tpu.memref_slice %arg7[%dma_start3A_1364] : memref<4096xi32, #tpu.memory_space<vmem>> -> memref<128xi32, #tpu.memory_space<vmem>>
      %dma_start3A_1366 = arith.constant 0 : i32
      %dma_start3A_1367 = tpu.memref_slice %arg9[%dma_start3A_1366] : memref<400000xf32, #tpu.memory_space<vmem_shared>> -> memref<400000xf32, #tpu.memory_space<vmem_shared>>
      tpu.enqueue_indirect_dma source(%dma_start3A_1367 : memref<400000xf32, #tpu.memory_space<vmem_shared>>) target(%dma_start3A_1363 : memref<128xf32, #tpu.memory_space<vmem>>) offsets(%dma_start3A_1365 : memref<128xi32, #tpu.memory_space<vmem>>) semaphore(%arg14 : memref<!tpu.dma_semaphore, #tpu.memory_space<semaphore_mem>>)
      %dma_start3A_1368 = arith.constant 8 : i32
      %dma_start3A_1369 = arith.constant 640 : i32
      %dma_start3A_1370 = tpu.memref_slice %arg8[%dma_start3A_1368, %dma_start3A_1369] : memref<16x1024xf32, #tpu.memory_space<vmem>> -> memref<1x128xf32, #tpu.memory_space<vmem>>
      %dma_start3A_1371 = tpu.memref_squeeze %dma_start3A_1370 : memref<1x128xf32, #tpu.memory_space<vmem>> -> memref<128xf32, #tpu.memory_space<vmem>>
      %dma_start3A_1372 = arith.constant 640 : i32
      %dma_start3A_1373 = tpu.memref_slice %arg7[%dma_start3A_1372] : memref<4096xi32, #tpu.memory_space<vmem>> -> memref<128xi32, #tpu.memory_space<vmem>>
      %dma_start3A_1374 = arith.constant 0 : i32
      %dma_start3A_1375 = tpu.memref_slice %arg9[%dma_start3A_1374] : memref<400000xf32, #tpu.memory_space<vmem_shared>> -> memref<400000xf32, #tpu.memory_space<vmem_shared>>
      tpu.enqueue_indirect_dma source(%dma_start3A_1375 : memref<400000xf32, #tpu.memory_space<vmem_shared>>) target(%dma_start3A_1371 : memref<128xf32, #tpu.memory_space<vmem>>) offsets(%dma_start3A_1373 : memref<128xi32, #tpu.memory_space<vmem>>) semaphore(%arg14 : memref<!tpu.dma_semaphore, #tpu.memory_space<semaphore_mem>>)
      %dma_start3A_1376 = arith.constant 8 : i32
      %dma_start3A_1377 = arith.constant 768 : i32
      %dma_start3A_1378 = tpu.memref_slice %arg8[%dma_start3A_1376, %dma_start3A_1377] : memref<16x1024xf32, #tpu.memory_space<vmem>> -> memref<1x128xf32, #tpu.memory_space<vmem>>
      %dma_start3A_1379 = tpu.memref_squeeze %dma_start3A_1378 : memref<1x128xf32, #tpu.memory_space<vmem>> -> memref<128xf32, #tpu.memory_space<vmem>>
      %dma_start3A_1380 = arith.constant 768 : i32
      %dma_start3A_1381 = tpu.memref_slice %arg7[%dma_start3A_1380] : memref<4096xi32, #tpu.memory_space<vmem>> -> memref<128xi32, #tpu.memory_space<vmem>>
      %dma_start3A_1382 = arith.constant 0 : i32
      %dma_start3A_1383 = tpu.memref_slice %arg9[%dma_start3A_1382] : memref<400000xf32, #tpu.memory_space<vmem_shared>> -> memref<400000xf32, #tpu.memory_space<vmem_shared>>
      tpu.enqueue_indirect_dma source(%dma_start3A_1383 : memref<400000xf32, #tpu.memory_space<vmem_shared>>) target(%dma_start3A_1379 : memref<128xf32, #tpu.memory_space<vmem>>) offsets(%dma_start3A_1381 : memref<128xi32, #tpu.memory_space<vmem>>) semaphore(%arg14 : memref<!tpu.dma_semaphore, #tpu.memory_space<semaphore_mem>>)
      %dma_start3A_1384 = arith.constant 8 : i32
      %dma_start3A_1385 = arith.constant 896 : i32
      %dma_start3A_1386 = tpu.memref_slice %arg8[%dma_start3A_1384, %dma_start3A_1385] : memref<16x1024xf32, #tpu.memory_space<vmem>> -> memref<1x128xf32, #tpu.memory_space<vmem>>
      %dma_start3A_1387 = tpu.memref_squeeze %dma_start3A_1386 : memref<1x128xf32, #tpu.memory_space<vmem>> -> memref<128xf32, #tpu.memory_space<vmem>>
      %dma_start3A_1388 = arith.constant 896 : i32
      %dma_start3A_1389 = tpu.memref_slice %arg7[%dma_start3A_1388] : memref<4096xi32, #tpu.memory_space<vmem>> -> memref<128xi32, #tpu.memory_space<vmem>>
      %dma_start3A_1390 = arith.constant 0 : i32
      %dma_start3A_1391 = tpu.memref_slice %arg9[%dma_start3A_1390] : memref<400000xf32, #tpu.memory_space<vmem_shared>> -> memref<400000xf32, #tpu.memory_space<vmem_shared>>
      tpu.enqueue_indirect_dma source(%dma_start3A_1391 : memref<400000xf32, #tpu.memory_space<vmem_shared>>) target(%dma_start3A_1387 : memref<128xf32, #tpu.memory_space<vmem>>) offsets(%dma_start3A_1389 : memref<128xi32, #tpu.memory_space<vmem>>) semaphore(%arg14 : memref<!tpu.dma_semaphore, #tpu.memory_space<semaphore_mem>>)
      %dma_start3A_1392 = arith.constant 9 : i32
      %dma_start3A_1393 = arith.constant 0 : i32
      %dma_start3A_1394 = tpu.memref_slice %arg8[%dma_start3A_1392, %dma_start3A_1393] : memref<16x1024xf32, #tpu.memory_space<vmem>> -> memref<1x128xf32, #tpu.memory_space<vmem>>
      %dma_start3A_1395 = tpu.memref_squeeze %dma_start3A_1394 : memref<1x128xf32, #tpu.memory_space<vmem>> -> memref<128xf32, #tpu.memory_space<vmem>>
      %dma_start3A_1396 = arith.constant 1024 : i32
      %dma_start3A_1397 = tpu.memref_slice %arg7[%dma_start3A_1396] : memref<4096xi32, #tpu.memory_space<vmem>> -> memref<128xi32, #tpu.memory_space<vmem>>
      %dma_start3A_1398 = arith.constant 0 : i32
      %dma_start3A_1399 = tpu.memref_slice %arg9[%dma_start3A_1398] : memref<400000xf32, #tpu.memory_space<vmem_shared>> -> memref<400000xf32, #tpu.memory_space<vmem_shared>>
      tpu.enqueue_indirect_dma source(%dma_start3A_1399 : memref<400000xf32, #tpu.memory_space<vmem_shared>>) target(%dma_start3A_1395 : memref<128xf32, #tpu.memory_space<vmem>>) offsets(%dma_start3A_1397 : memref<128xi32, #tpu.memory_space<vmem>>) semaphore(%arg14 : memref<!tpu.dma_semaphore, #tpu.memory_space<semaphore_mem>>)
      %dma_start3A_1400 = arith.constant 9 : i32
      %dma_start3A_1401 = arith.constant 128 : i32
      %dma_start3A_1402 = tpu.memref_slice %arg8[%dma_start3A_1400, %dma_start3A_1401] : memref<16x1024xf32, #tpu.memory_space<vmem>> -> memref<1x128xf32, #tpu.memory_space<vmem>>
      %dma_start3A_1403 = tpu.memref_squeeze %dma_start3A_1402 : memref<1x128xf32, #tpu.memory_space<vmem>> -> memref<128xf32, #tpu.memory_space<vmem>>
      %dma_start3A_1404 = arith.constant 1152 : i32
      %dma_start3A_1405 = tpu.memref_slice %arg7[%dma_start3A_1404] : memref<4096xi32, #tpu.memory_space<vmem>> -> memref<128xi32, #tpu.memory_space<vmem>>
      %dma_start3A_1406 = arith.constant 0 : i32
      %dma_start3A_1407 = tpu.memref_slice %arg9[%dma_start3A_1406] : memref<400000xf32, #tpu.memory_space<vmem_shared>> -> memref<400000xf32, #tpu.memory_space<vmem_shared>>
      tpu.enqueue_indirect_dma source(%dma_start3A_1407 : memref<400000xf32, #tpu.memory_space<vmem_shared>>) target(%dma_start3A_1403 : memref<128xf32, #tpu.memory_space<vmem>>) offsets(%dma_start3A_1405 : memref<128xi32, #tpu.memory_space<vmem>>) semaphore(%arg14 : memref<!tpu.dma_semaphore, #tpu.memory_space<semaphore_mem>>)
      %dma_start3A_1408 = arith.constant 9 : i32
      %dma_start3A_1409 = arith.constant 256 : i32
      %dma_start3A_1410 = tpu.memref_slice %arg8[%dma_start3A_1408, %dma_start3A_1409] : memref<16x1024xf32, #tpu.memory_space<vmem>> -> memref<1x128xf32, #tpu.memory_space<vmem>>
      %dma_start3A_1411 = tpu.memref_squeeze %dma_start3A_1410 : memref<1x128xf32, #tpu.memory_space<vmem>> -> memref<128xf32, #tpu.memory_space<vmem>>
      %dma_start3A_1412 = arith.constant 1280 : i32
      %dma_start3A_1413 = tpu.memref_slice %arg7[%dma_start3A_1412] : memref<4096xi32, #tpu.memory_space<vmem>> -> memref<128xi32, #tpu.memory_space<vmem>>
      %dma_start3A_1414 = arith.constant 0 : i32
      %dma_start3A_1415 = tpu.memref_slice %arg9[%dma_start3A_1414] : memref<400000xf32, #tpu.memory_space<vmem_shared>> -> memref<400000xf32, #tpu.memory_space<vmem_shared>>
      tpu.enqueue_indirect_dma source(%dma_start3A_1415 : memref<400000xf32, #tpu.memory_space<vmem_shared>>) target(%dma_start3A_1411 : memref<128xf32, #tpu.memory_space<vmem>>) offsets(%dma_start3A_1413 : memref<128xi32, #tpu.memory_space<vmem>>) semaphore(%arg14 : memref<!tpu.dma_semaphore, #tpu.memory_space<semaphore_mem>>)
      %dma_start3A_1416 = arith.constant 9 : i32
      %dma_start3A_1417 = arith.constant 384 : i32
      %dma_start3A_1418 = tpu.memref_slice %arg8[%dma_start3A_1416, %dma_start3A_1417] : memref<16x1024xf32, #tpu.memory_space<vmem>> -> memref<1x128xf32, #tpu.memory_space<vmem>>
      %dma_start3A_1419 = tpu.memref_squeeze %dma_start3A_1418 : memref<1x128xf32, #tpu.memory_space<vmem>> -> memref<128xf32, #tpu.memory_space<vmem>>
      %dma_start3A_1420 = arith.constant 1408 : i32
      %dma_start3A_1421 = tpu.memref_slice %arg7[%dma_start3A_1420] : memref<4096xi32, #tpu.memory_space<vmem>> -> memref<128xi32, #tpu.memory_space<vmem>>
      %dma_start3A_1422 = arith.constant 0 : i32
      %dma_start3A_1423 = tpu.memref_slice %arg9[%dma_start3A_1422] : memref<400000xf32, #tpu.memory_space<vmem_shared>> -> memref<400000xf32, #tpu.memory_space<vmem_shared>>
      tpu.enqueue_indirect_dma source(%dma_start3A_1423 : memref<400000xf32, #tpu.memory_space<vmem_shared>>) target(%dma_start3A_1419 : memref<128xf32, #tpu.memory_space<vmem>>) offsets(%dma_start3A_1421 : memref<128xi32, #tpu.memory_space<vmem>>) semaphore(%arg14 : memref<!tpu.dma_semaphore, #tpu.memory_space<semaphore_mem>>)
      %dma_start3A_1424 = arith.constant 9 : i32
      %dma_start3A_1425 = arith.constant 512 : i32
      %dma_start3A_1426 = tpu.memref_slice %arg8[%dma_start3A_1424, %dma_start3A_1425] : memref<16x1024xf32, #tpu.memory_space<vmem>> -> memref<1x128xf32, #tpu.memory_space<vmem>>
      %dma_start3A_1427 = tpu.memref_squeeze %dma_start3A_1426 : memref<1x128xf32, #tpu.memory_space<vmem>> -> memref<128xf32, #tpu.memory_space<vmem>>
      %dma_start3A_1428 = arith.constant 1536 : i32
      %dma_start3A_1429 = tpu.memref_slice %arg7[%dma_start3A_1428] : memref<4096xi32, #tpu.memory_space<vmem>> -> memref<128xi32, #tpu.memory_space<vmem>>
      %dma_start3A_1430 = arith.constant 0 : i32
      %dma_start3A_1431 = tpu.memref_slice %arg9[%dma_start3A_1430] : memref<400000xf32, #tpu.memory_space<vmem_shared>> -> memref<400000xf32, #tpu.memory_space<vmem_shared>>
      tpu.enqueue_indirect_dma source(%dma_start3A_1431 : memref<400000xf32, #tpu.memory_space<vmem_shared>>) target(%dma_start3A_1427 : memref<128xf32, #tpu.memory_space<vmem>>) offsets(%dma_start3A_1429 : memref<128xi32, #tpu.memory_space<vmem>>) semaphore(%arg14 : memref<!tpu.dma_semaphore, #tpu.memory_space<semaphore_mem>>)
      %dma_start3A_1432 = arith.constant 9 : i32
      %dma_start3A_1433 = arith.constant 640 : i32
      %dma_start3A_1434 = tpu.memref_slice %arg8[%dma_start3A_1432, %dma_start3A_1433] : memref<16x1024xf32, #tpu.memory_space<vmem>> -> memref<1x128xf32, #tpu.memory_space<vmem>>
      %dma_start3A_1435 = tpu.memref_squeeze %dma_start3A_1434 : memref<1x128xf32, #tpu.memory_space<vmem>> -> memref<128xf32, #tpu.memory_space<vmem>>
      %dma_start3A_1436 = arith.constant 1664 : i32
      %dma_start3A_1437 = tpu.memref_slice %arg7[%dma_start3A_1436] : memref<4096xi32, #tpu.memory_space<vmem>> -> memref<128xi32, #tpu.memory_space<vmem>>
      %dma_start3A_1438 = arith.constant 0 : i32
      %dma_start3A_1439 = tpu.memref_slice %arg9[%dma_start3A_1438] : memref<400000xf32, #tpu.memory_space<vmem_shared>> -> memref<400000xf32, #tpu.memory_space<vmem_shared>>
      tpu.enqueue_indirect_dma source(%dma_start3A_1439 : memref<400000xf32, #tpu.memory_space<vmem_shared>>) target(%dma_start3A_1435 : memref<128xf32, #tpu.memory_space<vmem>>) offsets(%dma_start3A_1437 : memref<128xi32, #tpu.memory_space<vmem>>) semaphore(%arg14 : memref<!tpu.dma_semaphore, #tpu.memory_space<semaphore_mem>>)
      %dma_start3A_1440 = arith.constant 9 : i32
      %dma_start3A_1441 = arith.constant 768 : i32
      %dma_start3A_1442 = tpu.memref_slice %arg8[%dma_start3A_1440, %dma_start3A_1441] : memref<16x1024xf32, #tpu.memory_space<vmem>> -> memref<1x128xf32, #tpu.memory_space<vmem>>
      %dma_start3A_1443 = tpu.memref_squeeze %dma_start3A_1442 : memref<1x128xf32, #tpu.memory_space<vmem>> -> memref<128xf32, #tpu.memory_space<vmem>>
      %dma_start3A_1444 = arith.constant 1792 : i32
      %dma_start3A_1445 = tpu.memref_slice %arg7[%dma_start3A_1444] : memref<4096xi32, #tpu.memory_space<vmem>> -> memref<128xi32, #tpu.memory_space<vmem>>
      %dma_start3A_1446 = arith.constant 0 : i32
      %dma_start3A_1447 = tpu.memref_slice %arg9[%dma_start3A_1446] : memref<400000xf32, #tpu.memory_space<vmem_shared>> -> memref<400000xf32, #tpu.memory_space<vmem_shared>>
      tpu.enqueue_indirect_dma source(%dma_start3A_1447 : memref<400000xf32, #tpu.memory_space<vmem_shared>>) target(%dma_start3A_1443 : memref<128xf32, #tpu.memory_space<vmem>>) offsets(%dma_start3A_1445 : memref<128xi32, #tpu.memory_space<vmem>>) semaphore(%arg14 : memref<!tpu.dma_semaphore, #tpu.memory_space<semaphore_mem>>)
      %dma_start3A_1448 = arith.constant 9 : i32
      %dma_start3A_1449 = arith.constant 896 : i32
      %dma_start3A_1450 = tpu.memref_slice %arg8[%dma_start3A_1448, %dma_start3A_1449] : memref<16x1024xf32, #tpu.memory_space<vmem>> -> memref<1x128xf32, #tpu.memory_space<vmem>>
      %dma_start3A_1451 = tpu.memref_squeeze %dma_start3A_1450 : memref<1x128xf32, #tpu.memory_space<vmem>> -> memref<128xf32, #tpu.memory_space<vmem>>
      %dma_start3A_1452 = arith.constant 1920 : i32
      %dma_start3A_1453 = tpu.memref_slice %arg7[%dma_start3A_1452] : memref<4096xi32, #tpu.memory_space<vmem>> -> memref<128xi32, #tpu.memory_space<vmem>>
      %dma_start3A_1454 = arith.constant 0 : i32
      %dma_start3A_1455 = tpu.memref_slice %arg9[%dma_start3A_1454] : memref<400000xf32, #tpu.memory_space<vmem_shared>> -> memref<400000xf32, #tpu.memory_space<vmem_shared>>
      tpu.enqueue_indirect_dma source(%dma_start3A_1455 : memref<400000xf32, #tpu.memory_space<vmem_shared>>) target(%dma_start3A_1451 : memref<128xf32, #tpu.memory_space<vmem>>) offsets(%dma_start3A_1453 : memref<128xi32, #tpu.memory_space<vmem>>) semaphore(%arg14 : memref<!tpu.dma_semaphore, #tpu.memory_space<semaphore_mem>>)
      %dma_start3A_1456 = arith.constant 10 : i32
      %dma_start3A_1457 = arith.constant 0 : i32
      %dma_start3A_1458 = tpu.memref_slice %arg8[%dma_start3A_1456, %dma_start3A_1457] : memref<16x1024xf32, #tpu.memory_space<vmem>> -> memref<1x128xf32, #tpu.memory_space<vmem>>
      %dma_start3A_1459 = tpu.memref_squeeze %dma_start3A_1458 : memref<1x128xf32, #tpu.memory_space<vmem>> -> memref<128xf32, #tpu.memory_space<vmem>>
      %dma_start3A_1460 = arith.constant 2048 : i32
      %dma_start3A_1461 = tpu.memref_slice %arg7[%dma_start3A_1460] : memref<4096xi32, #tpu.memory_space<vmem>> -> memref<128xi32, #tpu.memory_space<vmem>>
      %dma_start3A_1462 = arith.constant 0 : i32
      %dma_start3A_1463 = tpu.memref_slice %arg9[%dma_start3A_1462] : memref<400000xf32, #tpu.memory_space<vmem_shared>> -> memref<400000xf32, #tpu.memory_space<vmem_shared>>
      tpu.enqueue_indirect_dma source(%dma_start3A_1463 : memref<400000xf32, #tpu.memory_space<vmem_shared>>) target(%dma_start3A_1459 : memref<128xf32, #tpu.memory_space<vmem>>) offsets(%dma_start3A_1461 : memref<128xi32, #tpu.memory_space<vmem>>) semaphore(%arg14 : memref<!tpu.dma_semaphore, #tpu.memory_space<semaphore_mem>>)
      %dma_start3A_1464 = arith.constant 10 : i32
      %dma_start3A_1465 = arith.constant 128 : i32
      %dma_start3A_1466 = tpu.memref_slice %arg8[%dma_start3A_1464, %dma_start3A_1465] : memref<16x1024xf32, #tpu.memory_space<vmem>> -> memref<1x128xf32, #tpu.memory_space<vmem>>
      %dma_start3A_1467 = tpu.memref_squeeze %dma_start3A_1466 : memref<1x128xf32, #tpu.memory_space<vmem>> -> memref<128xf32, #tpu.memory_space<vmem>>
      %dma_start3A_1468 = arith.constant 2176 : i32
      %dma_start3A_1469 = tpu.memref_slice %arg7[%dma_start3A_1468] : memref<4096xi32, #tpu.memory_space<vmem>> -> memref<128xi32, #tpu.memory_space<vmem>>
      %dma_start3A_1470 = arith.constant 0 : i32
      %dma_start3A_1471 = tpu.memref_slice %arg9[%dma_start3A_1470] : memref<400000xf32, #tpu.memory_space<vmem_shared>> -> memref<400000xf32, #tpu.memory_space<vmem_shared>>
      tpu.enqueue_indirect_dma source(%dma_start3A_1471 : memref<400000xf32, #tpu.memory_space<vmem_shared>>) target(%dma_start3A_1467 : memref<128xf32, #tpu.memory_space<vmem>>) offsets(%dma_start3A_1469 : memref<128xi32, #tpu.memory_space<vmem>>) semaphore(%arg14 : memref<!tpu.dma_semaphore, #tpu.memory_space<semaphore_mem>>)
      %dma_start3A_1472 = arith.constant 10 : i32
      %dma_start3A_1473 = arith.constant 256 : i32
      %dma_start3A_1474 = tpu.memref_slice %arg8[%dma_start3A_1472, %dma_start3A_1473] : memref<16x1024xf32, #tpu.memory_space<vmem>> -> memref<1x128xf32, #tpu.memory_space<vmem>>
      %dma_start3A_1475 = tpu.memref_squeeze %dma_start3A_1474 : memref<1x128xf32, #tpu.memory_space<vmem>> -> memref<128xf32, #tpu.memory_space<vmem>>
      %dma_start3A_1476 = arith.constant 2304 : i32
      %dma_start3A_1477 = tpu.memref_slice %arg7[%dma_start3A_1476] : memref<4096xi32, #tpu.memory_space<vmem>> -> memref<128xi32, #tpu.memory_space<vmem>>
      %dma_start3A_1478 = arith.constant 0 : i32
      %dma_start3A_1479 = tpu.memref_slice %arg9[%dma_start3A_1478] : memref<400000xf32, #tpu.memory_space<vmem_shared>> -> memref<400000xf32, #tpu.memory_space<vmem_shared>>
      tpu.enqueue_indirect_dma source(%dma_start3A_1479 : memref<400000xf32, #tpu.memory_space<vmem_shared>>) target(%dma_start3A_1475 : memref<128xf32, #tpu.memory_space<vmem>>) offsets(%dma_start3A_1477 : memref<128xi32, #tpu.memory_space<vmem>>) semaphore(%arg14 : memref<!tpu.dma_semaphore, #tpu.memory_space<semaphore_mem>>)
      %dma_start3A_1480 = arith.constant 10 : i32
      %dma_start3A_1481 = arith.constant 384 : i32
      %dma_start3A_1482 = tpu.memref_slice %arg8[%dma_start3A_1480, %dma_start3A_1481] : memref<16x1024xf32, #tpu.memory_space<vmem>> -> memref<1x128xf32, #tpu.memory_space<vmem>>
      %dma_start3A_1483 = tpu.memref_squeeze %dma_start3A_1482 : memref<1x128xf32, #tpu.memory_space<vmem>> -> memref<128xf32, #tpu.memory_space<vmem>>
      %dma_start3A_1484 = arith.constant 2432 : i32
      %dma_start3A_1485 = tpu.memref_slice %arg7[%dma_start3A_1484] : memref<4096xi32, #tpu.memory_space<vmem>> -> memref<128xi32, #tpu.memory_space<vmem>>
      %dma_start3A_1486 = arith.constant 0 : i32
      %dma_start3A_1487 = tpu.memref_slice %arg9[%dma_start3A_1486] : memref<400000xf32, #tpu.memory_space<vmem_shared>> -> memref<400000xf32, #tpu.memory_space<vmem_shared>>
      tpu.enqueue_indirect_dma source(%dma_start3A_1487 : memref<400000xf32, #tpu.memory_space<vmem_shared>>) target(%dma_start3A_1483 : memref<128xf32, #tpu.memory_space<vmem>>) offsets(%dma_start3A_1485 : memref<128xi32, #tpu.memory_space<vmem>>) semaphore(%arg14 : memref<!tpu.dma_semaphore, #tpu.memory_space<semaphore_mem>>)
      %dma_start3A_1488 = arith.constant 10 : i32
      %dma_start3A_1489 = arith.constant 512 : i32
      %dma_start3A_1490 = tpu.memref_slice %arg8[%dma_start3A_1488, %dma_start3A_1489] : memref<16x1024xf32, #tpu.memory_space<vmem>> -> memref<1x128xf32, #tpu.memory_space<vmem>>
      %dma_start3A_1491 = tpu.memref_squeeze %dma_start3A_1490 : memref<1x128xf32, #tpu.memory_space<vmem>> -> memref<128xf32, #tpu.memory_space<vmem>>
      %dma_start3A_1492 = arith.constant 2560 : i32
      %dma_start3A_1493 = tpu.memref_slice %arg7[%dma_start3A_1492] : memref<4096xi32, #tpu.memory_space<vmem>> -> memref<128xi32, #tpu.memory_space<vmem>>
      %dma_start3A_1494 = arith.constant 0 : i32
      %dma_start3A_1495 = tpu.memref_slice %arg9[%dma_start3A_1494] : memref<400000xf32, #tpu.memory_space<vmem_shared>> -> memref<400000xf32, #tpu.memory_space<vmem_shared>>
      tpu.enqueue_indirect_dma source(%dma_start3A_1495 : memref<400000xf32, #tpu.memory_space<vmem_shared>>) target(%dma_start3A_1491 : memref<128xf32, #tpu.memory_space<vmem>>) offsets(%dma_start3A_1493 : memref<128xi32, #tpu.memory_space<vmem>>) semaphore(%arg14 : memref<!tpu.dma_semaphore, #tpu.memory_space<semaphore_mem>>)
      %dma_start3A_1496 = arith.constant 10 : i32
      %dma_start3A_1497 = arith.constant 640 : i32
      %dma_start3A_1498 = tpu.memref_slice %arg8[%dma_start3A_1496, %dma_start3A_1497] : memref<16x1024xf32, #tpu.memory_space<vmem>> -> memref<1x128xf32, #tpu.memory_space<vmem>>
      %dma_start3A_1499 = tpu.memref_squeeze %dma_start3A_1498 : memref<1x128xf32, #tpu.memory_space<vmem>> -> memref<128xf32, #tpu.memory_space<vmem>>
      %dma_start3A_1500 = arith.constant 2688 : i32
      %dma_start3A_1501 = tpu.memref_slice %arg7[%dma_start3A_1500] : memref<4096xi32, #tpu.memory_space<vmem>> -> memref<128xi32, #tpu.memory_space<vmem>>
      %dma_start3A_1502 = arith.constant 0 : i32
      %dma_start3A_1503 = tpu.memref_slice %arg9[%dma_start3A_1502] : memref<400000xf32, #tpu.memory_space<vmem_shared>> -> memref<400000xf32, #tpu.memory_space<vmem_shared>>
      tpu.enqueue_indirect_dma source(%dma_start3A_1503 : memref<400000xf32, #tpu.memory_space<vmem_shared>>) target(%dma_start3A_1499 : memref<128xf32, #tpu.memory_space<vmem>>) offsets(%dma_start3A_1501 : memref<128xi32, #tpu.memory_space<vmem>>) semaphore(%arg14 : memref<!tpu.dma_semaphore, #tpu.memory_space<semaphore_mem>>)
      %dma_start3A_1504 = arith.constant 10 : i32
      %dma_start3A_1505 = arith.constant 768 : i32
      %dma_start3A_1506 = tpu.memref_slice %arg8[%dma_start3A_1504, %dma_start3A_1505] : memref<16x1024xf32, #tpu.memory_space<vmem>> -> memref<1x128xf32, #tpu.memory_space<vmem>>
      %dma_start3A_1507 = tpu.memref_squeeze %dma_start3A_1506 : memref<1x128xf32, #tpu.memory_space<vmem>> -> memref<128xf32, #tpu.memory_space<vmem>>
      %dma_start3A_1508 = arith.constant 2816 : i32
      %dma_start3A_1509 = tpu.memref_slice %arg7[%dma_start3A_1508] : memref<4096xi32, #tpu.memory_space<vmem>> -> memref<128xi32, #tpu.memory_space<vmem>>
      %dma_start3A_1510 = arith.constant 0 : i32
      %dma_start3A_1511 = tpu.memref_slice %arg9[%dma_start3A_1510] : memref<400000xf32, #tpu.memory_space<vmem_shared>> -> memref<400000xf32, #tpu.memory_space<vmem_shared>>
      tpu.enqueue_indirect_dma source(%dma_start3A_1511 : memref<400000xf32, #tpu.memory_space<vmem_shared>>) target(%dma_start3A_1507 : memref<128xf32, #tpu.memory_space<vmem>>) offsets(%dma_start3A_1509 : memref<128xi32, #tpu.memory_space<vmem>>) semaphore(%arg14 : memref<!tpu.dma_semaphore, #tpu.memory_space<semaphore_mem>>)
      %dma_start3A_1512 = arith.constant 10 : i32
      %dma_start3A_1513 = arith.constant 896 : i32
      %dma_start3A_1514 = tpu.memref_slice %arg8[%dma_start3A_1512, %dma_start3A_1513] : memref<16x1024xf32, #tpu.memory_space<vmem>> -> memref<1x128xf32, #tpu.memory_space<vmem>>
      %dma_start3A_1515 = tpu.memref_squeeze %dma_start3A_1514 : memref<1x128xf32, #tpu.memory_space<vmem>> -> memref<128xf32, #tpu.memory_space<vmem>>
      %dma_start3A_1516 = arith.constant 2944 : i32
      %dma_start3A_1517 = tpu.memref_slice %arg7[%dma_start3A_1516] : memref<4096xi32, #tpu.memory_space<vmem>> -> memref<128xi32, #tpu.memory_space<vmem>>
      %dma_start3A_1518 = arith.constant 0 : i32
      %dma_start3A_1519 = tpu.memref_slice %arg9[%dma_start3A_1518] : memref<400000xf32, #tpu.memory_space<vmem_shared>> -> memref<400000xf32, #tpu.memory_space<vmem_shared>>
      tpu.enqueue_indirect_dma source(%dma_start3A_1519 : memref<400000xf32, #tpu.memory_space<vmem_shared>>) target(%dma_start3A_1515 : memref<128xf32, #tpu.memory_space<vmem>>) offsets(%dma_start3A_1517 : memref<128xi32, #tpu.memory_space<vmem>>) semaphore(%arg14 : memref<!tpu.dma_semaphore, #tpu.memory_space<semaphore_mem>>)
      %dma_start3A_1520 = arith.constant 11 : i32
      %dma_start3A_1521 = arith.constant 0 : i32
      %dma_start3A_1522 = tpu.memref_slice %arg8[%dma_start3A_1520, %dma_start3A_1521] : memref<16x1024xf32, #tpu.memory_space<vmem>> -> memref<1x128xf32, #tpu.memory_space<vmem>>
      %dma_start3A_1523 = tpu.memref_squeeze %dma_start3A_1522 : memref<1x128xf32, #tpu.memory_space<vmem>> -> memref<128xf32, #tpu.memory_space<vmem>>
      %dma_start3A_1524 = arith.constant 3072 : i32
      %dma_start3A_1525 = tpu.memref_slice %arg7[%dma_start3A_1524] : memref<4096xi32, #tpu.memory_space<vmem>> -> memref<128xi32, #tpu.memory_space<vmem>>
      %dma_start3A_1526 = arith.constant 0 : i32
      %dma_start3A_1527 = tpu.memref_slice %arg9[%dma_start3A_1526] : memref<400000xf32, #tpu.memory_space<vmem_shared>> -> memref<400000xf32, #tpu.memory_space<vmem_shared>>
      tpu.enqueue_indirect_dma source(%dma_start3A_1527 : memref<400000xf32, #tpu.memory_space<vmem_shared>>) target(%dma_start3A_1523 : memref<128xf32, #tpu.memory_space<vmem>>) offsets(%dma_start3A_1525 : memref<128xi32, #tpu.memory_space<vmem>>) semaphore(%arg14 : memref<!tpu.dma_semaphore, #tpu.memory_space<semaphore_mem>>)
      %dma_start3A_1528 = arith.constant 11 : i32
      %dma_start3A_1529 = arith.constant 128 : i32
      %dma_start3A_1530 = tpu.memref_slice %arg8[%dma_start3A_1528, %dma_start3A_1529] : memref<16x1024xf32, #tpu.memory_space<vmem>> -> memref<1x128xf32, #tpu.memory_space<vmem>>
      %dma_start3A_1531 = tpu.memref_squeeze %dma_start3A_1530 : memref<1x128xf32, #tpu.memory_space<vmem>> -> memref<128xf32, #tpu.memory_space<vmem>>
      %dma_start3A_1532 = arith.constant 3200 : i32
      %dma_start3A_1533 = tpu.memref_slice %arg7[%dma_start3A_1532] : memref<4096xi32, #tpu.memory_space<vmem>> -> memref<128xi32, #tpu.memory_space<vmem>>
      %dma_start3A_1534 = arith.constant 0 : i32
      %dma_start3A_1535 = tpu.memref_slice %arg9[%dma_start3A_1534] : memref<400000xf32, #tpu.memory_space<vmem_shared>> -> memref<400000xf32, #tpu.memory_space<vmem_shared>>
      tpu.enqueue_indirect_dma source(%dma_start3A_1535 : memref<400000xf32, #tpu.memory_space<vmem_shared>>) target(%dma_start3A_1531 : memref<128xf32, #tpu.memory_space<vmem>>) offsets(%dma_start3A_1533 : memref<128xi32, #tpu.memory_space<vmem>>) semaphore(%arg14 : memref<!tpu.dma_semaphore, #tpu.memory_space<semaphore_mem>>)
      %dma_start3A_1536 = arith.constant 11 : i32
      %dma_start3A_1537 = arith.constant 256 : i32
      %dma_start3A_1538 = tpu.memref_slice %arg8[%dma_start3A_1536, %dma_start3A_1537] : memref<16x1024xf32, #tpu.memory_space<vmem>> -> memref<1x128xf32, #tpu.memory_space<vmem>>
      %dma_start3A_1539 = tpu.memref_squeeze %dma_start3A_1538 : memref<1x128xf32, #tpu.memory_space<vmem>> -> memref<128xf32, #tpu.memory_space<vmem>>
      %dma_start3A_1540 = arith.constant 3328 : i32
      %dma_start3A_1541 = tpu.memref_slice %arg7[%dma_start3A_1540] : memref<4096xi32, #tpu.memory_space<vmem>> -> memref<128xi32, #tpu.memory_space<vmem>>
      %dma_start3A_1542 = arith.constant 0 : i32
      %dma_start3A_1543 = tpu.memref_slice %arg9[%dma_start3A_1542] : memref<400000xf32, #tpu.memory_space<vmem_shared>> -> memref<400000xf32, #tpu.memory_space<vmem_shared>>
      tpu.enqueue_indirect_dma source(%dma_start3A_1543 : memref<400000xf32, #tpu.memory_space<vmem_shared>>) target(%dma_start3A_1539 : memref<128xf32, #tpu.memory_space<vmem>>) offsets(%dma_start3A_1541 : memref<128xi32, #tpu.memory_space<vmem>>) semaphore(%arg14 : memref<!tpu.dma_semaphore, #tpu.memory_space<semaphore_mem>>)
      %dma_start3A_1544 = arith.constant 11 : i32
      %dma_start3A_1545 = arith.constant 384 : i32
      %dma_start3A_1546 = tpu.memref_slice %arg8[%dma_start3A_1544, %dma_start3A_1545] : memref<16x1024xf32, #tpu.memory_space<vmem>> -> memref<1x128xf32, #tpu.memory_space<vmem>>
      %dma_start3A_1547 = tpu.memref_squeeze %dma_start3A_1546 : memref<1x128xf32, #tpu.memory_space<vmem>> -> memref<128xf32, #tpu.memory_space<vmem>>
      %dma_start3A_1548 = arith.constant 3456 : i32
      %dma_start3A_1549 = tpu.memref_slice %arg7[%dma_start3A_1548] : memref<4096xi32, #tpu.memory_space<vmem>> -> memref<128xi32, #tpu.memory_space<vmem>>
      %dma_start3A_1550 = arith.constant 0 : i32
      %dma_start3A_1551 = tpu.memref_slice %arg9[%dma_start3A_1550] : memref<400000xf32, #tpu.memory_space<vmem_shared>> -> memref<400000xf32, #tpu.memory_space<vmem_shared>>
      tpu.enqueue_indirect_dma source(%dma_start3A_1551 : memref<400000xf32, #tpu.memory_space<vmem_shared>>) target(%dma_start3A_1547 : memref<128xf32, #tpu.memory_space<vmem>>) offsets(%dma_start3A_1549 : memref<128xi32, #tpu.memory_space<vmem>>) semaphore(%arg14 : memref<!tpu.dma_semaphore, #tpu.memory_space<semaphore_mem>>)
      %dma_start3A_1552 = arith.constant 11 : i32
      %dma_start3A_1553 = arith.constant 512 : i32
      %dma_start3A_1554 = tpu.memref_slice %arg8[%dma_start3A_1552, %dma_start3A_1553] : memref<16x1024xf32, #tpu.memory_space<vmem>> -> memref<1x128xf32, #tpu.memory_space<vmem>>
      %dma_start3A_1555 = tpu.memref_squeeze %dma_start3A_1554 : memref<1x128xf32, #tpu.memory_space<vmem>> -> memref<128xf32, #tpu.memory_space<vmem>>
      %dma_start3A_1556 = arith.constant 3584 : i32
      %dma_start3A_1557 = tpu.memref_slice %arg7[%dma_start3A_1556] : memref<4096xi32, #tpu.memory_space<vmem>> -> memref<128xi32, #tpu.memory_space<vmem>>
      %dma_start3A_1558 = arith.constant 0 : i32
      %dma_start3A_1559 = tpu.memref_slice %arg9[%dma_start3A_1558] : memref<400000xf32, #tpu.memory_space<vmem_shared>> -> memref<400000xf32, #tpu.memory_space<vmem_shared>>
      tpu.enqueue_indirect_dma source(%dma_start3A_1559 : memref<400000xf32, #tpu.memory_space<vmem_shared>>) target(%dma_start3A_1555 : memref<128xf32, #tpu.memory_space<vmem>>) offsets(%dma_start3A_1557 : memref<128xi32, #tpu.memory_space<vmem>>) semaphore(%arg14 : memref<!tpu.dma_semaphore, #tpu.memory_space<semaphore_mem>>)
      %dma_start3A_1560 = arith.constant 11 : i32
      %dma_start3A_1561 = arith.constant 640 : i32
      %dma_start3A_1562 = tpu.memref_slice %arg8[%dma_start3A_1560, %dma_start3A_1561] : memref<16x1024xf32, #tpu.memory_space<vmem>> -> memref<1x128xf32, #tpu.memory_space<vmem>>
      %dma_start3A_1563 = tpu.memref_squeeze %dma_start3A_1562 : memref<1x128xf32, #tpu.memory_space<vmem>> -> memref<128xf32, #tpu.memory_space<vmem>>
      %dma_start3A_1564 = arith.constant 3712 : i32
      %dma_start3A_1565 = tpu.memref_slice %arg7[%dma_start3A_1564] : memref<4096xi32, #tpu.memory_space<vmem>> -> memref<128xi32, #tpu.memory_space<vmem>>
      %dma_start3A_1566 = arith.constant 0 : i32
      %dma_start3A_1567 = tpu.memref_slice %arg9[%dma_start3A_1566] : memref<400000xf32, #tpu.memory_space<vmem_shared>> -> memref<400000xf32, #tpu.memory_space<vmem_shared>>
      tpu.enqueue_indirect_dma source(%dma_start3A_1567 : memref<400000xf32, #tpu.memory_space<vmem_shared>>) target(%dma_start3A_1563 : memref<128xf32, #tpu.memory_space<vmem>>) offsets(%dma_start3A_1565 : memref<128xi32, #tpu.memory_space<vmem>>) semaphore(%arg14 : memref<!tpu.dma_semaphore, #tpu.memory_space<semaphore_mem>>)
      %dma_start3A_1568 = arith.constant 11 : i32
      %dma_start3A_1569 = arith.constant 768 : i32
      %dma_start3A_1570 = tpu.memref_slice %arg8[%dma_start3A_1568, %dma_start3A_1569] : memref<16x1024xf32, #tpu.memory_space<vmem>> -> memref<1x128xf32, #tpu.memory_space<vmem>>
      %dma_start3A_1571 = tpu.memref_squeeze %dma_start3A_1570 : memref<1x128xf32, #tpu.memory_space<vmem>> -> memref<128xf32, #tpu.memory_space<vmem>>
      %dma_start3A_1572 = arith.constant 3840 : i32
      %dma_start3A_1573 = tpu.memref_slice %arg7[%dma_start3A_1572] : memref<4096xi32, #tpu.memory_space<vmem>> -> memref<128xi32, #tpu.memory_space<vmem>>
      %dma_start3A_1574 = arith.constant 0 : i32
      %dma_start3A_1575 = tpu.memref_slice %arg9[%dma_start3A_1574] : memref<400000xf32, #tpu.memory_space<vmem_shared>> -> memref<400000xf32, #tpu.memory_space<vmem_shared>>
      tpu.enqueue_indirect_dma source(%dma_start3A_1575 : memref<400000xf32, #tpu.memory_space<vmem_shared>>) target(%dma_start3A_1571 : memref<128xf32, #tpu.memory_space<vmem>>) offsets(%dma_start3A_1573 : memref<128xi32, #tpu.memory_space<vmem>>) semaphore(%arg14 : memref<!tpu.dma_semaphore, #tpu.memory_space<semaphore_mem>>)
      %dma_start3A_1576 = arith.constant 11 : i32
      %dma_start3A_1577 = arith.constant 896 : i32
      %dma_start3A_1578 = tpu.memref_slice %arg8[%dma_start3A_1576, %dma_start3A_1577] : memref<16x1024xf32, #tpu.memory_space<vmem>> -> memref<1x128xf32, #tpu.memory_space<vmem>>
      %dma_start3A_1579 = tpu.memref_squeeze %dma_start3A_1578 : memref<1x128xf32, #tpu.memory_space<vmem>> -> memref<128xf32, #tpu.memory_space<vmem>>
      %dma_start3A_1580 = arith.constant 3968 : i32
      %dma_start3A_1581 = tpu.memref_slice %arg7[%dma_start3A_1580] : memref<4096xi32, #tpu.memory_space<vmem>> -> memref<128xi32, #tpu.memory_space<vmem>>
      %dma_start3A_1582 = arith.constant 0 : i32
      %dma_start3A_1583 = tpu.memref_slice %arg9[%dma_start3A_1582] : memref<400000xf32, #tpu.memory_space<vmem_shared>> -> memref<400000xf32, #tpu.memory_space<vmem_shared>>
      tpu.enqueue_indirect_dma source(%dma_start3A_1583 : memref<400000xf32, #tpu.memory_space<vmem_shared>>) target(%dma_start3A_1579 : memref<128xf32, #tpu.memory_space<vmem>>) offsets(%dma_start3A_1581 : memref<128xi32, #tpu.memory_space<vmem>>) semaphore(%arg14 : memref<!tpu.dma_semaphore, #tpu.memory_space<semaphore_mem>>)
      %dma_wait3A_1584 = arith.constant 8 : i32
      %dma_wait3A_1585 = arith.constant 0 : i32
      %dma_wait3A_1586 = tpu.memref_slice %arg8[%dma_wait3A_1584, %dma_wait3A_1585] : memref<16x1024xf32, #tpu.memory_space<vmem>> -> memref<1x128xf32, #tpu.memory_space<vmem>>
      %dma_wait3A_1587 = tpu.memref_squeeze %dma_wait3A_1586 : memref<1x128xf32, #tpu.memory_space<vmem>> -> memref<128xf32, #tpu.memory_space<vmem>>
      %dma_wait3A_1588 = arith.constant 0 : i32
      %dma_wait3A_1589 = tpu.memref_slice %arg7[%dma_wait3A_1588] : memref<4096xi32, #tpu.memory_space<vmem>> -> memref<128xi32, #tpu.memory_space<vmem>>
      %dma_wait3A_1590 = arith.constant 0 : i32
      %dma_wait3A_1591 = tpu.memref_slice %arg9[%dma_wait3A_1590] : memref<400000xf32, #tpu.memory_space<vmem_shared>> -> memref<400000xf32, #tpu.memory_space<vmem_shared>>
      tpu.wait_indirect_dma semaphore(%arg14 : memref<!tpu.dma_semaphore, #tpu.memory_space<semaphore_mem>>) src(%dma_wait3A_1591 : memref<400000xf32, #tpu.memory_space<vmem_shared>>) dst(%dma_wait3A_1587 : memref<128xf32, #tpu.memory_space<vmem>>)
      %dma_wait3A_1592 = arith.constant 8 : i32
      %dma_wait3A_1593 = arith.constant 128 : i32
      %dma_wait3A_1594 = tpu.memref_slice %arg8[%dma_wait3A_1592, %dma_wait3A_1593] : memref<16x1024xf32, #tpu.memory_space<vmem>> -> memref<1x128xf32, #tpu.memory_space<vmem>>
      %dma_wait3A_1595 = tpu.memref_squeeze %dma_wait3A_1594 : memref<1x128xf32, #tpu.memory_space<vmem>> -> memref<128xf32, #tpu.memory_space<vmem>>
      %dma_wait3A_1596 = arith.constant 128 : i32
      %dma_wait3A_1597 = tpu.memref_slice %arg7[%dma_wait3A_1596] : memref<4096xi32, #tpu.memory_space<vmem>> -> memref<128xi32, #tpu.memory_space<vmem>>
      %dma_wait3A_1598 = arith.constant 0 : i32
      %dma_wait3A_1599 = tpu.memref_slice %arg9[%dma_wait3A_1598] : memref<400000xf32, #tpu.memory_space<vmem_shared>> -> memref<400000xf32, #tpu.memory_space<vmem_shared>>
      tpu.wait_indirect_dma semaphore(%arg14 : memref<!tpu.dma_semaphore, #tpu.memory_space<semaphore_mem>>) src(%dma_wait3A_1599 : memref<400000xf32, #tpu.memory_space<vmem_shared>>) dst(%dma_wait3A_1595 : memref<128xf32, #tpu.memory_space<vmem>>)
      %dma_wait3A_1600 = arith.constant 8 : i32
      %dma_wait3A_1601 = arith.constant 256 : i32
      %dma_wait3A_1602 = tpu.memref_slice %arg8[%dma_wait3A_1600, %dma_wait3A_1601] : memref<16x1024xf32, #tpu.memory_space<vmem>> -> memref<1x128xf32, #tpu.memory_space<vmem>>
      %dma_wait3A_1603 = tpu.memref_squeeze %dma_wait3A_1602 : memref<1x128xf32, #tpu.memory_space<vmem>> -> memref<128xf32, #tpu.memory_space<vmem>>
      %dma_wait3A_1604 = arith.constant 256 : i32
      %dma_wait3A_1605 = tpu.memref_slice %arg7[%dma_wait3A_1604] : memref<4096xi32, #tpu.memory_space<vmem>> -> memref<128xi32, #tpu.memory_space<vmem>>
      %dma_wait3A_1606 = arith.constant 0 : i32
      %dma_wait3A_1607 = tpu.memref_slice %arg9[%dma_wait3A_1606] : memref<400000xf32, #tpu.memory_space<vmem_shared>> -> memref<400000xf32, #tpu.memory_space<vmem_shared>>
      tpu.wait_indirect_dma semaphore(%arg14 : memref<!tpu.dma_semaphore, #tpu.memory_space<semaphore_mem>>) src(%dma_wait3A_1607 : memref<400000xf32, #tpu.memory_space<vmem_shared>>) dst(%dma_wait3A_1603 : memref<128xf32, #tpu.memory_space<vmem>>)
      %dma_wait3A_1608 = arith.constant 8 : i32
      %dma_wait3A_1609 = arith.constant 384 : i32
      %dma_wait3A_1610 = tpu.memref_slice %arg8[%dma_wait3A_1608, %dma_wait3A_1609] : memref<16x1024xf32, #tpu.memory_space<vmem>> -> memref<1x128xf32, #tpu.memory_space<vmem>>
      %dma_wait3A_1611 = tpu.memref_squeeze %dma_wait3A_1610 : memref<1x128xf32, #tpu.memory_space<vmem>> -> memref<128xf32, #tpu.memory_space<vmem>>
      %dma_wait3A_1612 = arith.constant 384 : i32
      %dma_wait3A_1613 = tpu.memref_slice %arg7[%dma_wait3A_1612] : memref<4096xi32, #tpu.memory_space<vmem>> -> memref<128xi32, #tpu.memory_space<vmem>>
      %dma_wait3A_1614 = arith.constant 0 : i32
      %dma_wait3A_1615 = tpu.memref_slice %arg9[%dma_wait3A_1614] : memref<400000xf32, #tpu.memory_space<vmem_shared>> -> memref<400000xf32, #tpu.memory_space<vmem_shared>>
      tpu.wait_indirect_dma semaphore(%arg14 : memref<!tpu.dma_semaphore, #tpu.memory_space<semaphore_mem>>) src(%dma_wait3A_1615 : memref<400000xf32, #tpu.memory_space<vmem_shared>>) dst(%dma_wait3A_1611 : memref<128xf32, #tpu.memory_space<vmem>>)
      %dma_wait3A_1616 = arith.constant 8 : i32
      %dma_wait3A_1617 = arith.constant 512 : i32
      %dma_wait3A_1618 = tpu.memref_slice %arg8[%dma_wait3A_1616, %dma_wait3A_1617] : memref<16x1024xf32, #tpu.memory_space<vmem>> -> memref<1x128xf32, #tpu.memory_space<vmem>>
      %dma_wait3A_1619 = tpu.memref_squeeze %dma_wait3A_1618 : memref<1x128xf32, #tpu.memory_space<vmem>> -> memref<128xf32, #tpu.memory_space<vmem>>
      %dma_wait3A_1620 = arith.constant 512 : i32
      %dma_wait3A_1621 = tpu.memref_slice %arg7[%dma_wait3A_1620] : memref<4096xi32, #tpu.memory_space<vmem>> -> memref<128xi32, #tpu.memory_space<vmem>>
      %dma_wait3A_1622 = arith.constant 0 : i32
      %dma_wait3A_1623 = tpu.memref_slice %arg9[%dma_wait3A_1622] : memref<400000xf32, #tpu.memory_space<vmem_shared>> -> memref<400000xf32, #tpu.memory_space<vmem_shared>>
      tpu.wait_indirect_dma semaphore(%arg14 : memref<!tpu.dma_semaphore, #tpu.memory_space<semaphore_mem>>) src(%dma_wait3A_1623 : memref<400000xf32, #tpu.memory_space<vmem_shared>>) dst(%dma_wait3A_1619 : memref<128xf32, #tpu.memory_space<vmem>>)
      %dma_wait3A_1624 = arith.constant 8 : i32
      %dma_wait3A_1625 = arith.constant 640 : i32
      %dma_wait3A_1626 = tpu.memref_slice %arg8[%dma_wait3A_1624, %dma_wait3A_1625] : memref<16x1024xf32, #tpu.memory_space<vmem>> -> memref<1x128xf32, #tpu.memory_space<vmem>>
      %dma_wait3A_1627 = tpu.memref_squeeze %dma_wait3A_1626 : memref<1x128xf32, #tpu.memory_space<vmem>> -> memref<128xf32, #tpu.memory_space<vmem>>
      %dma_wait3A_1628 = arith.constant 640 : i32
      %dma_wait3A_1629 = tpu.memref_slice %arg7[%dma_wait3A_1628] : memref<4096xi32, #tpu.memory_space<vmem>> -> memref<128xi32, #tpu.memory_space<vmem>>
      %dma_wait3A_1630 = arith.constant 0 : i32
      %dma_wait3A_1631 = tpu.memref_slice %arg9[%dma_wait3A_1630] : memref<400000xf32, #tpu.memory_space<vmem_shared>> -> memref<400000xf32, #tpu.memory_space<vmem_shared>>
      tpu.wait_indirect_dma semaphore(%arg14 : memref<!tpu.dma_semaphore, #tpu.memory_space<semaphore_mem>>) src(%dma_wait3A_1631 : memref<400000xf32, #tpu.memory_space<vmem_shared>>) dst(%dma_wait3A_1627 : memref<128xf32, #tpu.memory_space<vmem>>)
      %dma_wait3A_1632 = arith.constant 8 : i32
      %dma_wait3A_1633 = arith.constant 768 : i32
      %dma_wait3A_1634 = tpu.memref_slice %arg8[%dma_wait3A_1632, %dma_wait3A_1633] : memref<16x1024xf32, #tpu.memory_space<vmem>> -> memref<1x128xf32, #tpu.memory_space<vmem>>
      %dma_wait3A_1635 = tpu.memref_squeeze %dma_wait3A_1634 : memref<1x128xf32, #tpu.memory_space<vmem>> -> memref<128xf32, #tpu.memory_space<vmem>>
      %dma_wait3A_1636 = arith.constant 768 : i32
      %dma_wait3A_1637 = tpu.memref_slice %arg7[%dma_wait3A_1636] : memref<4096xi32, #tpu.memory_space<vmem>> -> memref<128xi32, #tpu.memory_space<vmem>>
      %dma_wait3A_1638 = arith.constant 0 : i32
      %dma_wait3A_1639 = tpu.memref_slice %arg9[%dma_wait3A_1638] : memref<400000xf32, #tpu.memory_space<vmem_shared>> -> memref<400000xf32, #tpu.memory_space<vmem_shared>>
      tpu.wait_indirect_dma semaphore(%arg14 : memref<!tpu.dma_semaphore, #tpu.memory_space<semaphore_mem>>) src(%dma_wait3A_1639 : memref<400000xf32, #tpu.memory_space<vmem_shared>>) dst(%dma_wait3A_1635 : memref<128xf32, #tpu.memory_space<vmem>>)
      %dma_wait3A_1640 = arith.constant 8 : i32
      %dma_wait3A_1641 = arith.constant 896 : i32
      %dma_wait3A_1642 = tpu.memref_slice %arg8[%dma_wait3A_1640, %dma_wait3A_1641] : memref<16x1024xf32, #tpu.memory_space<vmem>> -> memref<1x128xf32, #tpu.memory_space<vmem>>
      %dma_wait3A_1643 = tpu.memref_squeeze %dma_wait3A_1642 : memref<1x128xf32, #tpu.memory_space<vmem>> -> memref<128xf32, #tpu.memory_space<vmem>>
      %dma_wait3A_1644 = arith.constant 896 : i32
      %dma_wait3A_1645 = tpu.memref_slice %arg7[%dma_wait3A_1644] : memref<4096xi32, #tpu.memory_space<vmem>> -> memref<128xi32, #tpu.memory_space<vmem>>
      %dma_wait3A_1646 = arith.constant 0 : i32
      %dma_wait3A_1647 = tpu.memref_slice %arg9[%dma_wait3A_1646] : memref<400000xf32, #tpu.memory_space<vmem_shared>> -> memref<400000xf32, #tpu.memory_space<vmem_shared>>
      tpu.wait_indirect_dma semaphore(%arg14 : memref<!tpu.dma_semaphore, #tpu.memory_space<semaphore_mem>>) src(%dma_wait3A_1647 : memref<400000xf32, #tpu.memory_space<vmem_shared>>) dst(%dma_wait3A_1643 : memref<128xf32, #tpu.memory_space<vmem>>)
      %dma_wait3A_1648 = arith.constant 9 : i32
      %dma_wait3A_1649 = arith.constant 0 : i32
      %dma_wait3A_1650 = tpu.memref_slice %arg8[%dma_wait3A_1648, %dma_wait3A_1649] : memref<16x1024xf32, #tpu.memory_space<vmem>> -> memref<1x128xf32, #tpu.memory_space<vmem>>
      %dma_wait3A_1651 = tpu.memref_squeeze %dma_wait3A_1650 : memref<1x128xf32, #tpu.memory_space<vmem>> -> memref<128xf32, #tpu.memory_space<vmem>>
      %dma_wait3A_1652 = arith.constant 1024 : i32
      %dma_wait3A_1653 = tpu.memref_slice %arg7[%dma_wait3A_1652] : memref<4096xi32, #tpu.memory_space<vmem>> -> memref<128xi32, #tpu.memory_space<vmem>>
      %dma_wait3A_1654 = arith.constant 0 : i32
      %dma_wait3A_1655 = tpu.memref_slice %arg9[%dma_wait3A_1654] : memref<400000xf32, #tpu.memory_space<vmem_shared>> -> memref<400000xf32, #tpu.memory_space<vmem_shared>>
      tpu.wait_indirect_dma semaphore(%arg14 : memref<!tpu.dma_semaphore, #tpu.memory_space<semaphore_mem>>) src(%dma_wait3A_1655 : memref<400000xf32, #tpu.memory_space<vmem_shared>>) dst(%dma_wait3A_1651 : memref<128xf32, #tpu.memory_space<vmem>>)
      %dma_wait3A_1656 = arith.constant 9 : i32
      %dma_wait3A_1657 = arith.constant 128 : i32
      %dma_wait3A_1658 = tpu.memref_slice %arg8[%dma_wait3A_1656, %dma_wait3A_1657] : memref<16x1024xf32, #tpu.memory_space<vmem>> -> memref<1x128xf32, #tpu.memory_space<vmem>>
      %dma_wait3A_1659 = tpu.memref_squeeze %dma_wait3A_1658 : memref<1x128xf32, #tpu.memory_space<vmem>> -> memref<128xf32, #tpu.memory_space<vmem>>
      %dma_wait3A_1660 = arith.constant 1152 : i32
      %dma_wait3A_1661 = tpu.memref_slice %arg7[%dma_wait3A_1660] : memref<4096xi32, #tpu.memory_space<vmem>> -> memref<128xi32, #tpu.memory_space<vmem>>
      %dma_wait3A_1662 = arith.constant 0 : i32
      %dma_wait3A_1663 = tpu.memref_slice %arg9[%dma_wait3A_1662] : memref<400000xf32, #tpu.memory_space<vmem_shared>> -> memref<400000xf32, #tpu.memory_space<vmem_shared>>
      tpu.wait_indirect_dma semaphore(%arg14 : memref<!tpu.dma_semaphore, #tpu.memory_space<semaphore_mem>>) src(%dma_wait3A_1663 : memref<400000xf32, #tpu.memory_space<vmem_shared>>) dst(%dma_wait3A_1659 : memref<128xf32, #tpu.memory_space<vmem>>)
      %dma_wait3A_1664 = arith.constant 9 : i32
      %dma_wait3A_1665 = arith.constant 256 : i32
      %dma_wait3A_1666 = tpu.memref_slice %arg8[%dma_wait3A_1664, %dma_wait3A_1665] : memref<16x1024xf32, #tpu.memory_space<vmem>> -> memref<1x128xf32, #tpu.memory_space<vmem>>
      %dma_wait3A_1667 = tpu.memref_squeeze %dma_wait3A_1666 : memref<1x128xf32, #tpu.memory_space<vmem>> -> memref<128xf32, #tpu.memory_space<vmem>>
      %dma_wait3A_1668 = arith.constant 1280 : i32
      %dma_wait3A_1669 = tpu.memref_slice %arg7[%dma_wait3A_1668] : memref<4096xi32, #tpu.memory_space<vmem>> -> memref<128xi32, #tpu.memory_space<vmem>>
      %dma_wait3A_1670 = arith.constant 0 : i32
      %dma_wait3A_1671 = tpu.memref_slice %arg9[%dma_wait3A_1670] : memref<400000xf32, #tpu.memory_space<vmem_shared>> -> memref<400000xf32, #tpu.memory_space<vmem_shared>>
      tpu.wait_indirect_dma semaphore(%arg14 : memref<!tpu.dma_semaphore, #tpu.memory_space<semaphore_mem>>) src(%dma_wait3A_1671 : memref<400000xf32, #tpu.memory_space<vmem_shared>>) dst(%dma_wait3A_1667 : memref<128xf32, #tpu.memory_space<vmem>>)
      %dma_wait3A_1672 = arith.constant 9 : i32
      %dma_wait3A_1673 = arith.constant 384 : i32
      %dma_wait3A_1674 = tpu.memref_slice %arg8[%dma_wait3A_1672, %dma_wait3A_1673] : memref<16x1024xf32, #tpu.memory_space<vmem>> -> memref<1x128xf32, #tpu.memory_space<vmem>>
      %dma_wait3A_1675 = tpu.memref_squeeze %dma_wait3A_1674 : memref<1x128xf32, #tpu.memory_space<vmem>> -> memref<128xf32, #tpu.memory_space<vmem>>
      %dma_wait3A_1676 = arith.constant 1408 : i32
      %dma_wait3A_1677 = tpu.memref_slice %arg7[%dma_wait3A_1676] : memref<4096xi32, #tpu.memory_space<vmem>> -> memref<128xi32, #tpu.memory_space<vmem>>
      %dma_wait3A_1678 = arith.constant 0 : i32
      %dma_wait3A_1679 = tpu.memref_slice %arg9[%dma_wait3A_1678] : memref<400000xf32, #tpu.memory_space<vmem_shared>> -> memref<400000xf32, #tpu.memory_space<vmem_shared>>
      tpu.wait_indirect_dma semaphore(%arg14 : memref<!tpu.dma_semaphore, #tpu.memory_space<semaphore_mem>>) src(%dma_wait3A_1679 : memref<400000xf32, #tpu.memory_space<vmem_shared>>) dst(%dma_wait3A_1675 : memref<128xf32, #tpu.memory_space<vmem>>)
      %dma_wait3A_1680 = arith.constant 9 : i32
      %dma_wait3A_1681 = arith.constant 512 : i32
      %dma_wait3A_1682 = tpu.memref_slice %arg8[%dma_wait3A_1680, %dma_wait3A_1681] : memref<16x1024xf32, #tpu.memory_space<vmem>> -> memref<1x128xf32, #tpu.memory_space<vmem>>
      %dma_wait3A_1683 = tpu.memref_squeeze %dma_wait3A_1682 : memref<1x128xf32, #tpu.memory_space<vmem>> -> memref<128xf32, #tpu.memory_space<vmem>>
      %dma_wait3A_1684 = arith.constant 1536 : i32
      %dma_wait3A_1685 = tpu.memref_slice %arg7[%dma_wait3A_1684] : memref<4096xi32, #tpu.memory_space<vmem>> -> memref<128xi32, #tpu.memory_space<vmem>>
      %dma_wait3A_1686 = arith.constant 0 : i32
      %dma_wait3A_1687 = tpu.memref_slice %arg9[%dma_wait3A_1686] : memref<400000xf32, #tpu.memory_space<vmem_shared>> -> memref<400000xf32, #tpu.memory_space<vmem_shared>>
      tpu.wait_indirect_dma semaphore(%arg14 : memref<!tpu.dma_semaphore, #tpu.memory_space<semaphore_mem>>) src(%dma_wait3A_1687 : memref<400000xf32, #tpu.memory_space<vmem_shared>>) dst(%dma_wait3A_1683 : memref<128xf32, #tpu.memory_space<vmem>>)
      %dma_wait3A_1688 = arith.constant 9 : i32
      %dma_wait3A_1689 = arith.constant 640 : i32
      %dma_wait3A_1690 = tpu.memref_slice %arg8[%dma_wait3A_1688, %dma_wait3A_1689] : memref<16x1024xf32, #tpu.memory_space<vmem>> -> memref<1x128xf32, #tpu.memory_space<vmem>>
      %dma_wait3A_1691 = tpu.memref_squeeze %dma_wait3A_1690 : memref<1x128xf32, #tpu.memory_space<vmem>> -> memref<128xf32, #tpu.memory_space<vmem>>
      %dma_wait3A_1692 = arith.constant 1664 : i32
      %dma_wait3A_1693 = tpu.memref_slice %arg7[%dma_wait3A_1692] : memref<4096xi32, #tpu.memory_space<vmem>> -> memref<128xi32, #tpu.memory_space<vmem>>
      %dma_wait3A_1694 = arith.constant 0 : i32
      %dma_wait3A_1695 = tpu.memref_slice %arg9[%dma_wait3A_1694] : memref<400000xf32, #tpu.memory_space<vmem_shared>> -> memref<400000xf32, #tpu.memory_space<vmem_shared>>
      tpu.wait_indirect_dma semaphore(%arg14 : memref<!tpu.dma_semaphore, #tpu.memory_space<semaphore_mem>>) src(%dma_wait3A_1695 : memref<400000xf32, #tpu.memory_space<vmem_shared>>) dst(%dma_wait3A_1691 : memref<128xf32, #tpu.memory_space<vmem>>)
      %dma_wait3A_1696 = arith.constant 9 : i32
      %dma_wait3A_1697 = arith.constant 768 : i32
      %dma_wait3A_1698 = tpu.memref_slice %arg8[%dma_wait3A_1696, %dma_wait3A_1697] : memref<16x1024xf32, #tpu.memory_space<vmem>> -> memref<1x128xf32, #tpu.memory_space<vmem>>
      %dma_wait3A_1699 = tpu.memref_squeeze %dma_wait3A_1698 : memref<1x128xf32, #tpu.memory_space<vmem>> -> memref<128xf32, #tpu.memory_space<vmem>>
      %dma_wait3A_1700 = arith.constant 1792 : i32
      %dma_wait3A_1701 = tpu.memref_slice %arg7[%dma_wait3A_1700] : memref<4096xi32, #tpu.memory_space<vmem>> -> memref<128xi32, #tpu.memory_space<vmem>>
      %dma_wait3A_1702 = arith.constant 0 : i32
      %dma_wait3A_1703 = tpu.memref_slice %arg9[%dma_wait3A_1702] : memref<400000xf32, #tpu.memory_space<vmem_shared>> -> memref<400000xf32, #tpu.memory_space<vmem_shared>>
      tpu.wait_indirect_dma semaphore(%arg14 : memref<!tpu.dma_semaphore, #tpu.memory_space<semaphore_mem>>) src(%dma_wait3A_1703 : memref<400000xf32, #tpu.memory_space<vmem_shared>>) dst(%dma_wait3A_1699 : memref<128xf32, #tpu.memory_space<vmem>>)
      %dma_wait3A_1704 = arith.constant 9 : i32
      %dma_wait3A_1705 = arith.constant 896 : i32
      %dma_wait3A_1706 = tpu.memref_slice %arg8[%dma_wait3A_1704, %dma_wait3A_1705] : memref<16x1024xf32, #tpu.memory_space<vmem>> -> memref<1x128xf32, #tpu.memory_space<vmem>>
      %dma_wait3A_1707 = tpu.memref_squeeze %dma_wait3A_1706 : memref<1x128xf32, #tpu.memory_space<vmem>> -> memref<128xf32, #tpu.memory_space<vmem>>
      %dma_wait3A_1708 = arith.constant 1920 : i32
      %dma_wait3A_1709 = tpu.memref_slice %arg7[%dma_wait3A_1708] : memref<4096xi32, #tpu.memory_space<vmem>> -> memref<128xi32, #tpu.memory_space<vmem>>
      %dma_wait3A_1710 = arith.constant 0 : i32
      %dma_wait3A_1711 = tpu.memref_slice %arg9[%dma_wait3A_1710] : memref<400000xf32, #tpu.memory_space<vmem_shared>> -> memref<400000xf32, #tpu.memory_space<vmem_shared>>
      tpu.wait_indirect_dma semaphore(%arg14 : memref<!tpu.dma_semaphore, #tpu.memory_space<semaphore_mem>>) src(%dma_wait3A_1711 : memref<400000xf32, #tpu.memory_space<vmem_shared>>) dst(%dma_wait3A_1707 : memref<128xf32, #tpu.memory_space<vmem>>)
      %dma_wait3A_1712 = arith.constant 10 : i32
      %dma_wait3A_1713 = arith.constant 0 : i32
      %dma_wait3A_1714 = tpu.memref_slice %arg8[%dma_wait3A_1712, %dma_wait3A_1713] : memref<16x1024xf32, #tpu.memory_space<vmem>> -> memref<1x128xf32, #tpu.memory_space<vmem>>
      %dma_wait3A_1715 = tpu.memref_squeeze %dma_wait3A_1714 : memref<1x128xf32, #tpu.memory_space<vmem>> -> memref<128xf32, #tpu.memory_space<vmem>>
      %dma_wait3A_1716 = arith.constant 2048 : i32
      %dma_wait3A_1717 = tpu.memref_slice %arg7[%dma_wait3A_1716] : memref<4096xi32, #tpu.memory_space<vmem>> -> memref<128xi32, #tpu.memory_space<vmem>>
      %dma_wait3A_1718 = arith.constant 0 : i32
      %dma_wait3A_1719 = tpu.memref_slice %arg9[%dma_wait3A_1718] : memref<400000xf32, #tpu.memory_space<vmem_shared>> -> memref<400000xf32, #tpu.memory_space<vmem_shared>>
      tpu.wait_indirect_dma semaphore(%arg14 : memref<!tpu.dma_semaphore, #tpu.memory_space<semaphore_mem>>) src(%dma_wait3A_1719 : memref<400000xf32, #tpu.memory_space<vmem_shared>>) dst(%dma_wait3A_1715 : memref<128xf32, #tpu.memory_space<vmem>>)
      %dma_wait3A_1720 = arith.constant 10 : i32
      %dma_wait3A_1721 = arith.constant 128 : i32
      %dma_wait3A_1722 = tpu.memref_slice %arg8[%dma_wait3A_1720, %dma_wait3A_1721] : memref<16x1024xf32, #tpu.memory_space<vmem>> -> memref<1x128xf32, #tpu.memory_space<vmem>>
      %dma_wait3A_1723 = tpu.memref_squeeze %dma_wait3A_1722 : memref<1x128xf32, #tpu.memory_space<vmem>> -> memref<128xf32, #tpu.memory_space<vmem>>
      %dma_wait3A_1724 = arith.constant 2176 : i32
      %dma_wait3A_1725 = tpu.memref_slice %arg7[%dma_wait3A_1724] : memref<4096xi32, #tpu.memory_space<vmem>> -> memref<128xi32, #tpu.memory_space<vmem>>
      %dma_wait3A_1726 = arith.constant 0 : i32
      %dma_wait3A_1727 = tpu.memref_slice %arg9[%dma_wait3A_1726] : memref<400000xf32, #tpu.memory_space<vmem_shared>> -> memref<400000xf32, #tpu.memory_space<vmem_shared>>
      tpu.wait_indirect_dma semaphore(%arg14 : memref<!tpu.dma_semaphore, #tpu.memory_space<semaphore_mem>>) src(%dma_wait3A_1727 : memref<400000xf32, #tpu.memory_space<vmem_shared>>) dst(%dma_wait3A_1723 : memref<128xf32, #tpu.memory_space<vmem>>)
      %dma_wait3A_1728 = arith.constant 10 : i32
      %dma_wait3A_1729 = arith.constant 256 : i32
      %dma_wait3A_1730 = tpu.memref_slice %arg8[%dma_wait3A_1728, %dma_wait3A_1729] : memref<16x1024xf32, #tpu.memory_space<vmem>> -> memref<1x128xf32, #tpu.memory_space<vmem>>
      %dma_wait3A_1731 = tpu.memref_squeeze %dma_wait3A_1730 : memref<1x128xf32, #tpu.memory_space<vmem>> -> memref<128xf32, #tpu.memory_space<vmem>>
      %dma_wait3A_1732 = arith.constant 2304 : i32
      %dma_wait3A_1733 = tpu.memref_slice %arg7[%dma_wait3A_1732] : memref<4096xi32, #tpu.memory_space<vmem>> -> memref<128xi32, #tpu.memory_space<vmem>>
      %dma_wait3A_1734 = arith.constant 0 : i32
      %dma_wait3A_1735 = tpu.memref_slice %arg9[%dma_wait3A_1734] : memref<400000xf32, #tpu.memory_space<vmem_shared>> -> memref<400000xf32, #tpu.memory_space<vmem_shared>>
      tpu.wait_indirect_dma semaphore(%arg14 : memref<!tpu.dma_semaphore, #tpu.memory_space<semaphore_mem>>) src(%dma_wait3A_1735 : memref<400000xf32, #tpu.memory_space<vmem_shared>>) dst(%dma_wait3A_1731 : memref<128xf32, #tpu.memory_space<vmem>>)
      %dma_wait3A_1736 = arith.constant 10 : i32
      %dma_wait3A_1737 = arith.constant 384 : i32
      %dma_wait3A_1738 = tpu.memref_slice %arg8[%dma_wait3A_1736, %dma_wait3A_1737] : memref<16x1024xf32, #tpu.memory_space<vmem>> -> memref<1x128xf32, #tpu.memory_space<vmem>>
      %dma_wait3A_1739 = tpu.memref_squeeze %dma_wait3A_1738 : memref<1x128xf32, #tpu.memory_space<vmem>> -> memref<128xf32, #tpu.memory_space<vmem>>
      %dma_wait3A_1740 = arith.constant 2432 : i32
      %dma_wait3A_1741 = tpu.memref_slice %arg7[%dma_wait3A_1740] : memref<4096xi32, #tpu.memory_space<vmem>> -> memref<128xi32, #tpu.memory_space<vmem>>
      %dma_wait3A_1742 = arith.constant 0 : i32
      %dma_wait3A_1743 = tpu.memref_slice %arg9[%dma_wait3A_1742] : memref<400000xf32, #tpu.memory_space<vmem_shared>> -> memref<400000xf32, #tpu.memory_space<vmem_shared>>
      tpu.wait_indirect_dma semaphore(%arg14 : memref<!tpu.dma_semaphore, #tpu.memory_space<semaphore_mem>>) src(%dma_wait3A_1743 : memref<400000xf32, #tpu.memory_space<vmem_shared>>) dst(%dma_wait3A_1739 : memref<128xf32, #tpu.memory_space<vmem>>)
      %dma_wait3A_1744 = arith.constant 10 : i32
      %dma_wait3A_1745 = arith.constant 512 : i32
      %dma_wait3A_1746 = tpu.memref_slice %arg8[%dma_wait3A_1744, %dma_wait3A_1745] : memref<16x1024xf32, #tpu.memory_space<vmem>> -> memref<1x128xf32, #tpu.memory_space<vmem>>
      %dma_wait3A_1747 = tpu.memref_squeeze %dma_wait3A_1746 : memref<1x128xf32, #tpu.memory_space<vmem>> -> memref<128xf32, #tpu.memory_space<vmem>>
      %dma_wait3A_1748 = arith.constant 2560 : i32
      %dma_wait3A_1749 = tpu.memref_slice %arg7[%dma_wait3A_1748] : memref<4096xi32, #tpu.memory_space<vmem>> -> memref<128xi32, #tpu.memory_space<vmem>>
      %dma_wait3A_1750 = arith.constant 0 : i32
      %dma_wait3A_1751 = tpu.memref_slice %arg9[%dma_wait3A_1750] : memref<400000xf32, #tpu.memory_space<vmem_shared>> -> memref<400000xf32, #tpu.memory_space<vmem_shared>>
      tpu.wait_indirect_dma semaphore(%arg14 : memref<!tpu.dma_semaphore, #tpu.memory_space<semaphore_mem>>) src(%dma_wait3A_1751 : memref<400000xf32, #tpu.memory_space<vmem_shared>>) dst(%dma_wait3A_1747 : memref<128xf32, #tpu.memory_space<vmem>>)
      %dma_wait3A_1752 = arith.constant 10 : i32
      %dma_wait3A_1753 = arith.constant 640 : i32
      %dma_wait3A_1754 = tpu.memref_slice %arg8[%dma_wait3A_1752, %dma_wait3A_1753] : memref<16x1024xf32, #tpu.memory_space<vmem>> -> memref<1x128xf32, #tpu.memory_space<vmem>>
      %dma_wait3A_1755 = tpu.memref_squeeze %dma_wait3A_1754 : memref<1x128xf32, #tpu.memory_space<vmem>> -> memref<128xf32, #tpu.memory_space<vmem>>
      %dma_wait3A_1756 = arith.constant 2688 : i32
      %dma_wait3A_1757 = tpu.memref_slice %arg7[%dma_wait3A_1756] : memref<4096xi32, #tpu.memory_space<vmem>> -> memref<128xi32, #tpu.memory_space<vmem>>
      %dma_wait3A_1758 = arith.constant 0 : i32
      %dma_wait3A_1759 = tpu.memref_slice %arg9[%dma_wait3A_1758] : memref<400000xf32, #tpu.memory_space<vmem_shared>> -> memref<400000xf32, #tpu.memory_space<vmem_shared>>
      tpu.wait_indirect_dma semaphore(%arg14 : memref<!tpu.dma_semaphore, #tpu.memory_space<semaphore_mem>>) src(%dma_wait3A_1759 : memref<400000xf32, #tpu.memory_space<vmem_shared>>) dst(%dma_wait3A_1755 : memref<128xf32, #tpu.memory_space<vmem>>)
      %dma_wait3A_1760 = arith.constant 10 : i32
      %dma_wait3A_1761 = arith.constant 768 : i32
      %dma_wait3A_1762 = tpu.memref_slice %arg8[%dma_wait3A_1760, %dma_wait3A_1761] : memref<16x1024xf32, #tpu.memory_space<vmem>> -> memref<1x128xf32, #tpu.memory_space<vmem>>
      %dma_wait3A_1763 = tpu.memref_squeeze %dma_wait3A_1762 : memref<1x128xf32, #tpu.memory_space<vmem>> -> memref<128xf32, #tpu.memory_space<vmem>>
      %dma_wait3A_1764 = arith.constant 2816 : i32
      %dma_wait3A_1765 = tpu.memref_slice %arg7[%dma_wait3A_1764] : memref<4096xi32, #tpu.memory_space<vmem>> -> memref<128xi32, #tpu.memory_space<vmem>>
      %dma_wait3A_1766 = arith.constant 0 : i32
      %dma_wait3A_1767 = tpu.memref_slice %arg9[%dma_wait3A_1766] : memref<400000xf32, #tpu.memory_space<vmem_shared>> -> memref<400000xf32, #tpu.memory_space<vmem_shared>>
      tpu.wait_indirect_dma semaphore(%arg14 : memref<!tpu.dma_semaphore, #tpu.memory_space<semaphore_mem>>) src(%dma_wait3A_1767 : memref<400000xf32, #tpu.memory_space<vmem_shared>>) dst(%dma_wait3A_1763 : memref<128xf32, #tpu.memory_space<vmem>>)
      %dma_wait3A_1768 = arith.constant 10 : i32
      %dma_wait3A_1769 = arith.constant 896 : i32
      %dma_wait3A_1770 = tpu.memref_slice %arg8[%dma_wait3A_1768, %dma_wait3A_1769] : memref<16x1024xf32, #tpu.memory_space<vmem>> -> memref<1x128xf32, #tpu.memory_space<vmem>>
      %dma_wait3A_1771 = tpu.memref_squeeze %dma_wait3A_1770 : memref<1x128xf32, #tpu.memory_space<vmem>> -> memref<128xf32, #tpu.memory_space<vmem>>
      %dma_wait3A_1772 = arith.constant 2944 : i32
      %dma_wait3A_1773 = tpu.memref_slice %arg7[%dma_wait3A_1772] : memref<4096xi32, #tpu.memory_space<vmem>> -> memref<128xi32, #tpu.memory_space<vmem>>
      %dma_wait3A_1774 = arith.constant 0 : i32
      %dma_wait3A_1775 = tpu.memref_slice %arg9[%dma_wait3A_1774] : memref<400000xf32, #tpu.memory_space<vmem_shared>> -> memref<400000xf32, #tpu.memory_space<vmem_shared>>
      tpu.wait_indirect_dma semaphore(%arg14 : memref<!tpu.dma_semaphore, #tpu.memory_space<semaphore_mem>>) src(%dma_wait3A_1775 : memref<400000xf32, #tpu.memory_space<vmem_shared>>) dst(%dma_wait3A_1771 : memref<128xf32, #tpu.memory_space<vmem>>)
      %dma_wait3A_1776 = arith.constant 11 : i32
      %dma_wait3A_1777 = arith.constant 0 : i32
      %dma_wait3A_1778 = tpu.memref_slice %arg8[%dma_wait3A_1776, %dma_wait3A_1777] : memref<16x1024xf32, #tpu.memory_space<vmem>> -> memref<1x128xf32, #tpu.memory_space<vmem>>
      %dma_wait3A_1779 = tpu.memref_squeeze %dma_wait3A_1778 : memref<1x128xf32, #tpu.memory_space<vmem>> -> memref<128xf32, #tpu.memory_space<vmem>>
      %dma_wait3A_1780 = arith.constant 3072 : i32
      %dma_wait3A_1781 = tpu.memref_slice %arg7[%dma_wait3A_1780] : memref<4096xi32, #tpu.memory_space<vmem>> -> memref<128xi32, #tpu.memory_space<vmem>>
      %dma_wait3A_1782 = arith.constant 0 : i32
      %dma_wait3A_1783 = tpu.memref_slice %arg9[%dma_wait3A_1782] : memref<400000xf32, #tpu.memory_space<vmem_shared>> -> memref<400000xf32, #tpu.memory_space<vmem_shared>>
      tpu.wait_indirect_dma semaphore(%arg14 : memref<!tpu.dma_semaphore, #tpu.memory_space<semaphore_mem>>) src(%dma_wait3A_1783 : memref<400000xf32, #tpu.memory_space<vmem_shared>>) dst(%dma_wait3A_1779 : memref<128xf32, #tpu.memory_space<vmem>>)
      %dma_wait3A_1784 = arith.constant 11 : i32
      %dma_wait3A_1785 = arith.constant 128 : i32
      %dma_wait3A_1786 = tpu.memref_slice %arg8[%dma_wait3A_1784, %dma_wait3A_1785] : memref<16x1024xf32, #tpu.memory_space<vmem>> -> memref<1x128xf32, #tpu.memory_space<vmem>>
      %dma_wait3A_1787 = tpu.memref_squeeze %dma_wait3A_1786 : memref<1x128xf32, #tpu.memory_space<vmem>> -> memref<128xf32, #tpu.memory_space<vmem>>
      %dma_wait3A_1788 = arith.constant 3200 : i32
      %dma_wait3A_1789 = tpu.memref_slice %arg7[%dma_wait3A_1788] : memref<4096xi32, #tpu.memory_space<vmem>> -> memref<128xi32, #tpu.memory_space<vmem>>
      %dma_wait3A_1790 = arith.constant 0 : i32
      %dma_wait3A_1791 = tpu.memref_slice %arg9[%dma_wait3A_1790] : memref<400000xf32, #tpu.memory_space<vmem_shared>> -> memref<400000xf32, #tpu.memory_space<vmem_shared>>
      tpu.wait_indirect_dma semaphore(%arg14 : memref<!tpu.dma_semaphore, #tpu.memory_space<semaphore_mem>>) src(%dma_wait3A_1791 : memref<400000xf32, #tpu.memory_space<vmem_shared>>) dst(%dma_wait3A_1787 : memref<128xf32, #tpu.memory_space<vmem>>)
      %dma_wait3A_1792 = arith.constant 11 : i32
      %dma_wait3A_1793 = arith.constant 256 : i32
      %dma_wait3A_1794 = tpu.memref_slice %arg8[%dma_wait3A_1792, %dma_wait3A_1793] : memref<16x1024xf32, #tpu.memory_space<vmem>> -> memref<1x128xf32, #tpu.memory_space<vmem>>
      %dma_wait3A_1795 = tpu.memref_squeeze %dma_wait3A_1794 : memref<1x128xf32, #tpu.memory_space<vmem>> -> memref<128xf32, #tpu.memory_space<vmem>>
      %dma_wait3A_1796 = arith.constant 3328 : i32
      %dma_wait3A_1797 = tpu.memref_slice %arg7[%dma_wait3A_1796] : memref<4096xi32, #tpu.memory_space<vmem>> -> memref<128xi32, #tpu.memory_space<vmem>>
      %dma_wait3A_1798 = arith.constant 0 : i32
      %dma_wait3A_1799 = tpu.memref_slice %arg9[%dma_wait3A_1798] : memref<400000xf32, #tpu.memory_space<vmem_shared>> -> memref<400000xf32, #tpu.memory_space<vmem_shared>>
      tpu.wait_indirect_dma semaphore(%arg14 : memref<!tpu.dma_semaphore, #tpu.memory_space<semaphore_mem>>) src(%dma_wait3A_1799 : memref<400000xf32, #tpu.memory_space<vmem_shared>>) dst(%dma_wait3A_1795 : memref<128xf32, #tpu.memory_space<vmem>>)
      %dma_wait3A_1800 = arith.constant 11 : i32
      %dma_wait3A_1801 = arith.constant 384 : i32
      %dma_wait3A_1802 = tpu.memref_slice %arg8[%dma_wait3A_1800, %dma_wait3A_1801] : memref<16x1024xf32, #tpu.memory_space<vmem>> -> memref<1x128xf32, #tpu.memory_space<vmem>>
      %dma_wait3A_1803 = tpu.memref_squeeze %dma_wait3A_1802 : memref<1x128xf32, #tpu.memory_space<vmem>> -> memref<128xf32, #tpu.memory_space<vmem>>
      %dma_wait3A_1804 = arith.constant 3456 : i32
      %dma_wait3A_1805 = tpu.memref_slice %arg7[%dma_wait3A_1804] : memref<4096xi32, #tpu.memory_space<vmem>> -> memref<128xi32, #tpu.memory_space<vmem>>
      %dma_wait3A_1806 = arith.constant 0 : i32
      %dma_wait3A_1807 = tpu.memref_slice %arg9[%dma_wait3A_1806] : memref<400000xf32, #tpu.memory_space<vmem_shared>> -> memref<400000xf32, #tpu.memory_space<vmem_shared>>
      tpu.wait_indirect_dma semaphore(%arg14 : memref<!tpu.dma_semaphore, #tpu.memory_space<semaphore_mem>>) src(%dma_wait3A_1807 : memref<400000xf32, #tpu.memory_space<vmem_shared>>) dst(%dma_wait3A_1803 : memref<128xf32, #tpu.memory_space<vmem>>)
      %dma_wait3A_1808 = arith.constant 11 : i32
      %dma_wait3A_1809 = arith.constant 512 : i32
      %dma_wait3A_1810 = tpu.memref_slice %arg8[%dma_wait3A_1808, %dma_wait3A_1809] : memref<16x1024xf32, #tpu.memory_space<vmem>> -> memref<1x128xf32, #tpu.memory_space<vmem>>
      %dma_wait3A_1811 = tpu.memref_squeeze %dma_wait3A_1810 : memref<1x128xf32, #tpu.memory_space<vmem>> -> memref<128xf32, #tpu.memory_space<vmem>>
      %dma_wait3A_1812 = arith.constant 3584 : i32
      %dma_wait3A_1813 = tpu.memref_slice %arg7[%dma_wait3A_1812] : memref<4096xi32, #tpu.memory_space<vmem>> -> memref<128xi32, #tpu.memory_space<vmem>>
      %dma_wait3A_1814 = arith.constant 0 : i32
      %dma_wait3A_1815 = tpu.memref_slice %arg9[%dma_wait3A_1814] : memref<400000xf32, #tpu.memory_space<vmem_shared>> -> memref<400000xf32, #tpu.memory_space<vmem_shared>>
      tpu.wait_indirect_dma semaphore(%arg14 : memref<!tpu.dma_semaphore, #tpu.memory_space<semaphore_mem>>) src(%dma_wait3A_1815 : memref<400000xf32, #tpu.memory_space<vmem_shared>>) dst(%dma_wait3A_1811 : memref<128xf32, #tpu.memory_space<vmem>>)
      %dma_wait3A_1816 = arith.constant 11 : i32
      %dma_wait3A_1817 = arith.constant 640 : i32
      %dma_wait3A_1818 = tpu.memref_slice %arg8[%dma_wait3A_1816, %dma_wait3A_1817] : memref<16x1024xf32, #tpu.memory_space<vmem>> -> memref<1x128xf32, #tpu.memory_space<vmem>>
      %dma_wait3A_1819 = tpu.memref_squeeze %dma_wait3A_1818 : memref<1x128xf32, #tpu.memory_space<vmem>> -> memref<128xf32, #tpu.memory_space<vmem>>
      %dma_wait3A_1820 = arith.constant 3712 : i32
      %dma_wait3A_1821 = tpu.memref_slice %arg7[%dma_wait3A_1820] : memref<4096xi32, #tpu.memory_space<vmem>> -> memref<128xi32, #tpu.memory_space<vmem>>
      %dma_wait3A_1822 = arith.constant 0 : i32
      %dma_wait3A_1823 = tpu.memref_slice %arg9[%dma_wait3A_1822] : memref<400000xf32, #tpu.memory_space<vmem_shared>> -> memref<400000xf32, #tpu.memory_space<vmem_shared>>
      tpu.wait_indirect_dma semaphore(%arg14 : memref<!tpu.dma_semaphore, #tpu.memory_space<semaphore_mem>>) src(%dma_wait3A_1823 : memref<400000xf32, #tpu.memory_space<vmem_shared>>) dst(%dma_wait3A_1819 : memref<128xf32, #tpu.memory_space<vmem>>)
      %dma_wait3A_1824 = arith.constant 11 : i32
      %dma_wait3A_1825 = arith.constant 768 : i32
      %dma_wait3A_1826 = tpu.memref_slice %arg8[%dma_wait3A_1824, %dma_wait3A_1825] : memref<16x1024xf32, #tpu.memory_space<vmem>> -> memref<1x128xf32, #tpu.memory_space<vmem>>
      %dma_wait3A_1827 = tpu.memref_squeeze %dma_wait3A_1826 : memref<1x128xf32, #tpu.memory_space<vmem>> -> memref<128xf32, #tpu.memory_space<vmem>>
      %dma_wait3A_1828 = arith.constant 3840 : i32
      %dma_wait3A_1829 = tpu.memref_slice %arg7[%dma_wait3A_1828] : memref<4096xi32, #tpu.memory_space<vmem>> -> memref<128xi32, #tpu.memory_space<vmem>>
      %dma_wait3A_1830 = arith.constant 0 : i32
      %dma_wait3A_1831 = tpu.memref_slice %arg9[%dma_wait3A_1830] : memref<400000xf32, #tpu.memory_space<vmem_shared>> -> memref<400000xf32, #tpu.memory_space<vmem_shared>>
      tpu.wait_indirect_dma semaphore(%arg14 : memref<!tpu.dma_semaphore, #tpu.memory_space<semaphore_mem>>) src(%dma_wait3A_1831 : memref<400000xf32, #tpu.memory_space<vmem_shared>>) dst(%dma_wait3A_1827 : memref<128xf32, #tpu.memory_space<vmem>>)
      %dma_wait3A_1832 = arith.constant 11 : i32
      %dma_wait3A_1833 = arith.constant 896 : i32
      %dma_wait3A_1834 = tpu.memref_slice %arg8[%dma_wait3A_1832, %dma_wait3A_1833] : memref<16x1024xf32, #tpu.memory_space<vmem>> -> memref<1x128xf32, #tpu.memory_space<vmem>>
      %dma_wait3A_1835 = tpu.memref_squeeze %dma_wait3A_1834 : memref<1x128xf32, #tpu.memory_space<vmem>> -> memref<128xf32, #tpu.memory_space<vmem>>
      %dma_wait3A_1836 = arith.constant 3968 : i32
      %dma_wait3A_1837 = tpu.memref_slice %arg7[%dma_wait3A_1836] : memref<4096xi32, #tpu.memory_space<vmem>> -> memref<128xi32, #tpu.memory_space<vmem>>
      %dma_wait3A_1838 = arith.constant 0 : i32
      %dma_wait3A_1839 = tpu.memref_slice %arg9[%dma_wait3A_1838] : memref<400000xf32, #tpu.memory_space<vmem_shared>> -> memref<400000xf32, #tpu.memory_space<vmem_shared>>
      tpu.wait_indirect_dma semaphore(%arg14 : memref<!tpu.dma_semaphore, #tpu.memory_space<semaphore_mem>>) src(%dma_wait3A_1839 : memref<400000xf32, #tpu.memory_space<vmem_shared>>) dst(%dma_wait3A_1835 : memref<128xf32, #tpu.memory_space<vmem>>)
      %barrier3A_1840 = arith.constant 0 : index
      tpu.barrier barrier_id(%barrier3A_1840)
      %add3A_1841 = arith.constant 0 : i32
      %add3A_1842 = arith.addi %add3A_1841, %multiple_of3A : i32
      %dma_start3A_1843 = arith.constant 0 : i32
      %dma_start3A_1844 = tpu.memref_slice %arg9[%add3A_1842] : memref<400000xf32, #tpu.memory_space<vmem_shared>> -> memref<6256xf32, #tpu.memory_space<vmem_shared>>
      %dma_start3A_1845 = tpu.memref_slice %arg4[%min3A_143, %dma_start3A_1843, %multiple_of3A] : memref<26x16x100000xf32, #tpu.memory_space<hbm>> -> memref<1x1x6256xf32, #tpu.memory_space<hbm>>
      %dma_start3A_1846 = tpu.memref_squeeze %dma_start3A_1845 : memref<1x1x6256xf32, #tpu.memory_space<hbm>> -> memref<6256xf32, #tpu.memory_space<hbm>>
      tpu.enqueue_dma source(%dma_start3A_1846 : memref<6256xf32, #tpu.memory_space<hbm>>) target(%dma_start3A_1844 : memref<6256xf32, #tpu.memory_space<vmem_shared>>) target_semaphore(%arg11 : memref<!tpu.dma_semaphore, #tpu.memory_space<semaphore_mem>>)
      %add3A_1847 = arith.constant 100000 : i32
      %add3A_1848 = arith.addi %add3A_1847, %multiple_of3A : i32
      %dma_start3A_1849 = arith.constant 1 : i32
      %dma_start3A_1850 = tpu.memref_slice %arg9[%add3A_1848] : memref<400000xf32, #tpu.memory_space<vmem_shared>> -> memref<6256xf32, #tpu.memory_space<vmem_shared>>
      %dma_start3A_1851 = tpu.memref_slice %arg4[%min3A_143, %dma_start3A_1849, %multiple_of3A] : memref<26x16x100000xf32, #tpu.memory_space<hbm>> -> memref<1x1x6256xf32, #tpu.memory_space<hbm>>
      %dma_start3A_1852 = tpu.memref_squeeze %dma_start3A_1851 : memref<1x1x6256xf32, #tpu.memory_space<hbm>> -> memref<6256xf32, #tpu.memory_space<hbm>>
      tpu.enqueue_dma source(%dma_start3A_1852 : memref<6256xf32, #tpu.memory_space<hbm>>) target(%dma_start3A_1850 : memref<6256xf32, #tpu.memory_space<vmem_shared>>) target_semaphore(%arg11 : memref<!tpu.dma_semaphore, #tpu.memory_space<semaphore_mem>>)
      %add3A_1853 = arith.constant 200000 : i32
      %add3A_1854 = arith.addi %add3A_1853, %multiple_of3A : i32
      %dma_start3A_1855 = arith.constant 2 : i32
      %dma_start3A_1856 = tpu.memref_slice %arg9[%add3A_1854] : memref<400000xf32, #tpu.memory_space<vmem_shared>> -> memref<6256xf32, #tpu.memory_space<vmem_shared>>
      %dma_start3A_1857 = tpu.memref_slice %arg4[%min3A_143, %dma_start3A_1855, %multiple_of3A] : memref<26x16x100000xf32, #tpu.memory_space<hbm>> -> memref<1x1x6256xf32, #tpu.memory_space<hbm>>
      %dma_start3A_1858 = tpu.memref_squeeze %dma_start3A_1857 : memref<1x1x6256xf32, #tpu.memory_space<hbm>> -> memref<6256xf32, #tpu.memory_space<hbm>>
      tpu.enqueue_dma source(%dma_start3A_1858 : memref<6256xf32, #tpu.memory_space<hbm>>) target(%dma_start3A_1856 : memref<6256xf32, #tpu.memory_space<vmem_shared>>) target_semaphore(%arg11 : memref<!tpu.dma_semaphore, #tpu.memory_space<semaphore_mem>>)
      %add3A_1859 = arith.constant 300000 : i32
      %add3A_1860 = arith.addi %add3A_1859, %multiple_of3A : i32
      %dma_start3A_1861 = arith.constant 3 : i32
      %dma_start3A_1862 = tpu.memref_slice %arg9[%add3A_1860] : memref<400000xf32, #tpu.memory_space<vmem_shared>> -> memref<6256xf32, #tpu.memory_space<vmem_shared>>
      %dma_start3A_1863 = tpu.memref_slice %arg4[%min3A_143, %dma_start3A_1861, %multiple_of3A] : memref<26x16x100000xf32, #tpu.memory_space<hbm>> -> memref<1x1x6256xf32, #tpu.memory_space<hbm>>
      %dma_start3A_1864 = tpu.memref_squeeze %dma_start3A_1863 : memref<1x1x6256xf32, #tpu.memory_space<hbm>> -> memref<6256xf32, #tpu.memory_space<hbm>>
      tpu.enqueue_dma source(%dma_start3A_1864 : memref<6256xf32, #tpu.memory_space<hbm>>) target(%dma_start3A_1862 : memref<6256xf32, #tpu.memory_space<vmem_shared>>) target_semaphore(%arg11 : memref<!tpu.dma_semaphore, #tpu.memory_space<semaphore_mem>>)
      %dma_wait3A_1865 = arith.constant 0 : i32
      %dma_wait3A_1866 = arith.constant 0 : i32
      %dma_wait3A_1867 = arith.constant 0 : i32
      %dma_wait3A_1868 = tpu.memref_slice %arg10[%dma_wait3A_1867] : memref<400000xf32, #tpu.memory_space<vmem_shared>> -> memref<6256xf32, #tpu.memory_space<vmem_shared>>
      %dma_wait3A_1869 = arith.constant 0 : i32
      %dma_wait3A_1870 = tpu.memref_slice %arg4[%dma_wait3A_1865, %dma_wait3A_1866, %dma_wait3A_1869] : memref<26x16x100000xf32, #tpu.memory_space<hbm>> -> memref<1x1x6256xf32, #tpu.memory_space<hbm>>
      %dma_wait3A_1871 = tpu.memref_squeeze %dma_wait3A_1870 : memref<1x1x6256xf32, #tpu.memory_space<hbm>> -> memref<6256xf32, #tpu.memory_space<hbm>>
      tpu.wait_dma2 semaphore(%arg12 : memref<!tpu.dma_semaphore, #tpu.memory_space<semaphore_mem>>) src(%dma_wait3A_1871 : memref<6256xf32, #tpu.memory_space<hbm>>) dst(%dma_wait3A_1868 : memref<6256xf32, #tpu.memory_space<vmem_shared>>)
      %dma_wait3A_1872 = arith.constant 0 : i32
      %dma_wait3A_1873 = arith.constant 0 : i32
      %dma_wait3A_1874 = arith.constant 0 : i32
      %dma_wait3A_1875 = tpu.memref_slice %arg10[%dma_wait3A_1874] : memref<400000xf32, #tpu.memory_space<vmem_shared>> -> memref<6256xf32, #tpu.memory_space<vmem_shared>>
      %dma_wait3A_1876 = arith.constant 0 : i32
      %dma_wait3A_1877 = tpu.memref_slice %arg4[%dma_wait3A_1872, %dma_wait3A_1873, %dma_wait3A_1876] : memref<26x16x100000xf32, #tpu.memory_space<hbm>> -> memref<1x1x6256xf32, #tpu.memory_space<hbm>>
      %dma_wait3A_1878 = tpu.memref_squeeze %dma_wait3A_1877 : memref<1x1x6256xf32, #tpu.memory_space<hbm>> -> memref<6256xf32, #tpu.memory_space<hbm>>
      tpu.wait_dma2 semaphore(%arg12 : memref<!tpu.dma_semaphore, #tpu.memory_space<semaphore_mem>>) src(%dma_wait3A_1878 : memref<6256xf32, #tpu.memory_space<hbm>>) dst(%dma_wait3A_1875 : memref<6256xf32, #tpu.memory_space<vmem_shared>>)
      %dma_wait3A_1879 = arith.constant 0 : i32
      %dma_wait3A_1880 = arith.constant 0 : i32
      %dma_wait3A_1881 = arith.constant 0 : i32
      %dma_wait3A_1882 = tpu.memref_slice %arg10[%dma_wait3A_1881] : memref<400000xf32, #tpu.memory_space<vmem_shared>> -> memref<6256xf32, #tpu.memory_space<vmem_shared>>
      %dma_wait3A_1883 = arith.constant 0 : i32
      %dma_wait3A_1884 = tpu.memref_slice %arg4[%dma_wait3A_1879, %dma_wait3A_1880, %dma_wait3A_1883] : memref<26x16x100000xf32, #tpu.memory_space<hbm>> -> memref<1x1x6256xf32, #tpu.memory_space<hbm>>
      %dma_wait3A_1885 = tpu.memref_squeeze %dma_wait3A_1884 : memref<1x1x6256xf32, #tpu.memory_space<hbm>> -> memref<6256xf32, #tpu.memory_space<hbm>>
      tpu.wait_dma2 semaphore(%arg12 : memref<!tpu.dma_semaphore, #tpu.memory_space<semaphore_mem>>) src(%dma_wait3A_1885 : memref<6256xf32, #tpu.memory_space<hbm>>) dst(%dma_wait3A_1882 : memref<6256xf32, #tpu.memory_space<vmem_shared>>)
      %dma_wait3A_1886 = arith.constant 0 : i32
      %dma_wait3A_1887 = arith.constant 0 : i32
      %dma_wait3A_1888 = arith.constant 0 : i32
      %dma_wait3A_1889 = tpu.memref_slice %arg10[%dma_wait3A_1888] : memref<400000xf32, #tpu.memory_space<vmem_shared>> -> memref<6256xf32, #tpu.memory_space<vmem_shared>>
      %dma_wait3A_1890 = arith.constant 0 : i32
      %dma_wait3A_1891 = tpu.memref_slice %arg4[%dma_wait3A_1886, %dma_wait3A_1887, %dma_wait3A_1890] : memref<26x16x100000xf32, #tpu.memory_space<hbm>> -> memref<1x1x6256xf32, #tpu.memory_space<hbm>>
      %dma_wait3A_1892 = tpu.memref_squeeze %dma_wait3A_1891 : memref<1x1x6256xf32, #tpu.memory_space<hbm>> -> memref<6256xf32, #tpu.memory_space<hbm>>
      tpu.wait_dma2 semaphore(%arg12 : memref<!tpu.dma_semaphore, #tpu.memory_space<semaphore_mem>>) src(%dma_wait3A_1892 : memref<6256xf32, #tpu.memory_space<hbm>>) dst(%dma_wait3A_1889 : memref<6256xf32, #tpu.memory_space<vmem_shared>>)
      %barrier3A_1893 = arith.constant 0 : index
      tpu.barrier barrier_id(%barrier3A_1893)
      %dma_start3A_1894 = arith.constant 12 : i32
      %dma_start3A_1895 = arith.constant 0 : i32
      %dma_start3A_1896 = tpu.memref_slice %arg8[%dma_start3A_1894, %dma_start3A_1895] : memref<16x1024xf32, #tpu.memory_space<vmem>> -> memref<1x128xf32, #tpu.memory_space<vmem>>
      %dma_start3A_1897 = tpu.memref_squeeze %dma_start3A_1896 : memref<1x128xf32, #tpu.memory_space<vmem>> -> memref<128xf32, #tpu.memory_space<vmem>>
      %dma_start3A_1898 = arith.constant 0 : i32
      %dma_start3A_1899 = tpu.memref_slice %arg7[%dma_start3A_1898] : memref<4096xi32, #tpu.memory_space<vmem>> -> memref<128xi32, #tpu.memory_space<vmem>>
      %dma_start3A_1900 = arith.constant 0 : i32
      %dma_start3A_1901 = tpu.memref_slice %arg10[%dma_start3A_1900] : memref<400000xf32, #tpu.memory_space<vmem_shared>> -> memref<400000xf32, #tpu.memory_space<vmem_shared>>
      tpu.enqueue_indirect_dma source(%dma_start3A_1901 : memref<400000xf32, #tpu.memory_space<vmem_shared>>) target(%dma_start3A_1897 : memref<128xf32, #tpu.memory_space<vmem>>) offsets(%dma_start3A_1899 : memref<128xi32, #tpu.memory_space<vmem>>) semaphore(%arg14 : memref<!tpu.dma_semaphore, #tpu.memory_space<semaphore_mem>>)
      %dma_start3A_1902 = arith.constant 12 : i32
      %dma_start3A_1903 = arith.constant 128 : i32
      %dma_start3A_1904 = tpu.memref_slice %arg8[%dma_start3A_1902, %dma_start3A_1903] : memref<16x1024xf32, #tpu.memory_space<vmem>> -> memref<1x128xf32, #tpu.memory_space<vmem>>
      %dma_start3A_1905 = tpu.memref_squeeze %dma_start3A_1904 : memref<1x128xf32, #tpu.memory_space<vmem>> -> memref<128xf32, #tpu.memory_space<vmem>>
      %dma_start3A_1906 = arith.constant 128 : i32
      %dma_start3A_1907 = tpu.memref_slice %arg7[%dma_start3A_1906] : memref<4096xi32, #tpu.memory_space<vmem>> -> memref<128xi32, #tpu.memory_space<vmem>>
      %dma_start3A_1908 = arith.constant 0 : i32
      %dma_start3A_1909 = tpu.memref_slice %arg10[%dma_start3A_1908] : memref<400000xf32, #tpu.memory_space<vmem_shared>> -> memref<400000xf32, #tpu.memory_space<vmem_shared>>
      tpu.enqueue_indirect_dma source(%dma_start3A_1909 : memref<400000xf32, #tpu.memory_space<vmem_shared>>) target(%dma_start3A_1905 : memref<128xf32, #tpu.memory_space<vmem>>) offsets(%dma_start3A_1907 : memref<128xi32, #tpu.memory_space<vmem>>) semaphore(%arg14 : memref<!tpu.dma_semaphore, #tpu.memory_space<semaphore_mem>>)
      %dma_start3A_1910 = arith.constant 12 : i32
      %dma_start3A_1911 = arith.constant 256 : i32
      %dma_start3A_1912 = tpu.memref_slice %arg8[%dma_start3A_1910, %dma_start3A_1911] : memref<16x1024xf32, #tpu.memory_space<vmem>> -> memref<1x128xf32, #tpu.memory_space<vmem>>
      %dma_start3A_1913 = tpu.memref_squeeze %dma_start3A_1912 : memref<1x128xf32, #tpu.memory_space<vmem>> -> memref<128xf32, #tpu.memory_space<vmem>>
      %dma_start3A_1914 = arith.constant 256 : i32
      %dma_start3A_1915 = tpu.memref_slice %arg7[%dma_start3A_1914] : memref<4096xi32, #tpu.memory_space<vmem>> -> memref<128xi32, #tpu.memory_space<vmem>>
      %dma_start3A_1916 = arith.constant 0 : i32
      %dma_start3A_1917 = tpu.memref_slice %arg10[%dma_start3A_1916] : memref<400000xf32, #tpu.memory_space<vmem_shared>> -> memref<400000xf32, #tpu.memory_space<vmem_shared>>
      tpu.enqueue_indirect_dma source(%dma_start3A_1917 : memref<400000xf32, #tpu.memory_space<vmem_shared>>) target(%dma_start3A_1913 : memref<128xf32, #tpu.memory_space<vmem>>) offsets(%dma_start3A_1915 : memref<128xi32, #tpu.memory_space<vmem>>) semaphore(%arg14 : memref<!tpu.dma_semaphore, #tpu.memory_space<semaphore_mem>>)
      %dma_start3A_1918 = arith.constant 12 : i32
      %dma_start3A_1919 = arith.constant 384 : i32
      %dma_start3A_1920 = tpu.memref_slice %arg8[%dma_start3A_1918, %dma_start3A_1919] : memref<16x1024xf32, #tpu.memory_space<vmem>> -> memref<1x128xf32, #tpu.memory_space<vmem>>
      %dma_start3A_1921 = tpu.memref_squeeze %dma_start3A_1920 : memref<1x128xf32, #tpu.memory_space<vmem>> -> memref<128xf32, #tpu.memory_space<vmem>>
      %dma_start3A_1922 = arith.constant 384 : i32
      %dma_start3A_1923 = tpu.memref_slice %arg7[%dma_start3A_1922] : memref<4096xi32, #tpu.memory_space<vmem>> -> memref<128xi32, #tpu.memory_space<vmem>>
      %dma_start3A_1924 = arith.constant 0 : i32
      %dma_start3A_1925 = tpu.memref_slice %arg10[%dma_start3A_1924] : memref<400000xf32, #tpu.memory_space<vmem_shared>> -> memref<400000xf32, #tpu.memory_space<vmem_shared>>
      tpu.enqueue_indirect_dma source(%dma_start3A_1925 : memref<400000xf32, #tpu.memory_space<vmem_shared>>) target(%dma_start3A_1921 : memref<128xf32, #tpu.memory_space<vmem>>) offsets(%dma_start3A_1923 : memref<128xi32, #tpu.memory_space<vmem>>) semaphore(%arg14 : memref<!tpu.dma_semaphore, #tpu.memory_space<semaphore_mem>>)
      %dma_start3A_1926 = arith.constant 12 : i32
      %dma_start3A_1927 = arith.constant 512 : i32
      %dma_start3A_1928 = tpu.memref_slice %arg8[%dma_start3A_1926, %dma_start3A_1927] : memref<16x1024xf32, #tpu.memory_space<vmem>> -> memref<1x128xf32, #tpu.memory_space<vmem>>
      %dma_start3A_1929 = tpu.memref_squeeze %dma_start3A_1928 : memref<1x128xf32, #tpu.memory_space<vmem>> -> memref<128xf32, #tpu.memory_space<vmem>>
      %dma_start3A_1930 = arith.constant 512 : i32
      %dma_start3A_1931 = tpu.memref_slice %arg7[%dma_start3A_1930] : memref<4096xi32, #tpu.memory_space<vmem>> -> memref<128xi32, #tpu.memory_space<vmem>>
      %dma_start3A_1932 = arith.constant 0 : i32
      %dma_start3A_1933 = tpu.memref_slice %arg10[%dma_start3A_1932] : memref<400000xf32, #tpu.memory_space<vmem_shared>> -> memref<400000xf32, #tpu.memory_space<vmem_shared>>
      tpu.enqueue_indirect_dma source(%dma_start3A_1933 : memref<400000xf32, #tpu.memory_space<vmem_shared>>) target(%dma_start3A_1929 : memref<128xf32, #tpu.memory_space<vmem>>) offsets(%dma_start3A_1931 : memref<128xi32, #tpu.memory_space<vmem>>) semaphore(%arg14 : memref<!tpu.dma_semaphore, #tpu.memory_space<semaphore_mem>>)
      %dma_start3A_1934 = arith.constant 12 : i32
      %dma_start3A_1935 = arith.constant 640 : i32
      %dma_start3A_1936 = tpu.memref_slice %arg8[%dma_start3A_1934, %dma_start3A_1935] : memref<16x1024xf32, #tpu.memory_space<vmem>> -> memref<1x128xf32, #tpu.memory_space<vmem>>
      %dma_start3A_1937 = tpu.memref_squeeze %dma_start3A_1936 : memref<1x128xf32, #tpu.memory_space<vmem>> -> memref<128xf32, #tpu.memory_space<vmem>>
      %dma_start3A_1938 = arith.constant 640 : i32
      %dma_start3A_1939 = tpu.memref_slice %arg7[%dma_start3A_1938] : memref<4096xi32, #tpu.memory_space<vmem>> -> memref<128xi32, #tpu.memory_space<vmem>>
      %dma_start3A_1940 = arith.constant 0 : i32
      %dma_start3A_1941 = tpu.memref_slice %arg10[%dma_start3A_1940] : memref<400000xf32, #tpu.memory_space<vmem_shared>> -> memref<400000xf32, #tpu.memory_space<vmem_shared>>
      tpu.enqueue_indirect_dma source(%dma_start3A_1941 : memref<400000xf32, #tpu.memory_space<vmem_shared>>) target(%dma_start3A_1937 : memref<128xf32, #tpu.memory_space<vmem>>) offsets(%dma_start3A_1939 : memref<128xi32, #tpu.memory_space<vmem>>) semaphore(%arg14 : memref<!tpu.dma_semaphore, #tpu.memory_space<semaphore_mem>>)
      %dma_start3A_1942 = arith.constant 12 : i32
      %dma_start3A_1943 = arith.constant 768 : i32
      %dma_start3A_1944 = tpu.memref_slice %arg8[%dma_start3A_1942, %dma_start3A_1943] : memref<16x1024xf32, #tpu.memory_space<vmem>> -> memref<1x128xf32, #tpu.memory_space<vmem>>
      %dma_start3A_1945 = tpu.memref_squeeze %dma_start3A_1944 : memref<1x128xf32, #tpu.memory_space<vmem>> -> memref<128xf32, #tpu.memory_space<vmem>>
      %dma_start3A_1946 = arith.constant 768 : i32
      %dma_start3A_1947 = tpu.memref_slice %arg7[%dma_start3A_1946] : memref<4096xi32, #tpu.memory_space<vmem>> -> memref<128xi32, #tpu.memory_space<vmem>>
      %dma_start3A_1948 = arith.constant 0 : i32
      %dma_start3A_1949 = tpu.memref_slice %arg10[%dma_start3A_1948] : memref<400000xf32, #tpu.memory_space<vmem_shared>> -> memref<400000xf32, #tpu.memory_space<vmem_shared>>
      tpu.enqueue_indirect_dma source(%dma_start3A_1949 : memref<400000xf32, #tpu.memory_space<vmem_shared>>) target(%dma_start3A_1945 : memref<128xf32, #tpu.memory_space<vmem>>) offsets(%dma_start3A_1947 : memref<128xi32, #tpu.memory_space<vmem>>) semaphore(%arg14 : memref<!tpu.dma_semaphore, #tpu.memory_space<semaphore_mem>>)
      %dma_start3A_1950 = arith.constant 12 : i32
      %dma_start3A_1951 = arith.constant 896 : i32
      %dma_start3A_1952 = tpu.memref_slice %arg8[%dma_start3A_1950, %dma_start3A_1951] : memref<16x1024xf32, #tpu.memory_space<vmem>> -> memref<1x128xf32, #tpu.memory_space<vmem>>
      %dma_start3A_1953 = tpu.memref_squeeze %dma_start3A_1952 : memref<1x128xf32, #tpu.memory_space<vmem>> -> memref<128xf32, #tpu.memory_space<vmem>>
      %dma_start3A_1954 = arith.constant 896 : i32
      %dma_start3A_1955 = tpu.memref_slice %arg7[%dma_start3A_1954] : memref<4096xi32, #tpu.memory_space<vmem>> -> memref<128xi32, #tpu.memory_space<vmem>>
      %dma_start3A_1956 = arith.constant 0 : i32
      %dma_start3A_1957 = tpu.memref_slice %arg10[%dma_start3A_1956] : memref<400000xf32, #tpu.memory_space<vmem_shared>> -> memref<400000xf32, #tpu.memory_space<vmem_shared>>
      tpu.enqueue_indirect_dma source(%dma_start3A_1957 : memref<400000xf32, #tpu.memory_space<vmem_shared>>) target(%dma_start3A_1953 : memref<128xf32, #tpu.memory_space<vmem>>) offsets(%dma_start3A_1955 : memref<128xi32, #tpu.memory_space<vmem>>) semaphore(%arg14 : memref<!tpu.dma_semaphore, #tpu.memory_space<semaphore_mem>>)
      %dma_start3A_1958 = arith.constant 13 : i32
      %dma_start3A_1959 = arith.constant 0 : i32
      %dma_start3A_1960 = tpu.memref_slice %arg8[%dma_start3A_1958, %dma_start3A_1959] : memref<16x1024xf32, #tpu.memory_space<vmem>> -> memref<1x128xf32, #tpu.memory_space<vmem>>
      %dma_start3A_1961 = tpu.memref_squeeze %dma_start3A_1960 : memref<1x128xf32, #tpu.memory_space<vmem>> -> memref<128xf32, #tpu.memory_space<vmem>>
      %dma_start3A_1962 = arith.constant 1024 : i32
      %dma_start3A_1963 = tpu.memref_slice %arg7[%dma_start3A_1962] : memref<4096xi32, #tpu.memory_space<vmem>> -> memref<128xi32, #tpu.memory_space<vmem>>
      %dma_start3A_1964 = arith.constant 0 : i32
      %dma_start3A_1965 = tpu.memref_slice %arg10[%dma_start3A_1964] : memref<400000xf32, #tpu.memory_space<vmem_shared>> -> memref<400000xf32, #tpu.memory_space<vmem_shared>>
      tpu.enqueue_indirect_dma source(%dma_start3A_1965 : memref<400000xf32, #tpu.memory_space<vmem_shared>>) target(%dma_start3A_1961 : memref<128xf32, #tpu.memory_space<vmem>>) offsets(%dma_start3A_1963 : memref<128xi32, #tpu.memory_space<vmem>>) semaphore(%arg14 : memref<!tpu.dma_semaphore, #tpu.memory_space<semaphore_mem>>)
      %dma_start3A_1966 = arith.constant 13 : i32
      %dma_start3A_1967 = arith.constant 128 : i32
      %dma_start3A_1968 = tpu.memref_slice %arg8[%dma_start3A_1966, %dma_start3A_1967] : memref<16x1024xf32, #tpu.memory_space<vmem>> -> memref<1x128xf32, #tpu.memory_space<vmem>>
      %dma_start3A_1969 = tpu.memref_squeeze %dma_start3A_1968 : memref<1x128xf32, #tpu.memory_space<vmem>> -> memref<128xf32, #tpu.memory_space<vmem>>
      %dma_start3A_1970 = arith.constant 1152 : i32
      %dma_start3A_1971 = tpu.memref_slice %arg7[%dma_start3A_1970] : memref<4096xi32, #tpu.memory_space<vmem>> -> memref<128xi32, #tpu.memory_space<vmem>>
      %dma_start3A_1972 = arith.constant 0 : i32
      %dma_start3A_1973 = tpu.memref_slice %arg10[%dma_start3A_1972] : memref<400000xf32, #tpu.memory_space<vmem_shared>> -> memref<400000xf32, #tpu.memory_space<vmem_shared>>
      tpu.enqueue_indirect_dma source(%dma_start3A_1973 : memref<400000xf32, #tpu.memory_space<vmem_shared>>) target(%dma_start3A_1969 : memref<128xf32, #tpu.memory_space<vmem>>) offsets(%dma_start3A_1971 : memref<128xi32, #tpu.memory_space<vmem>>) semaphore(%arg14 : memref<!tpu.dma_semaphore, #tpu.memory_space<semaphore_mem>>)
      %dma_start3A_1974 = arith.constant 13 : i32
      %dma_start3A_1975 = arith.constant 256 : i32
      %dma_start3A_1976 = tpu.memref_slice %arg8[%dma_start3A_1974, %dma_start3A_1975] : memref<16x1024xf32, #tpu.memory_space<vmem>> -> memref<1x128xf32, #tpu.memory_space<vmem>>
      %dma_start3A_1977 = tpu.memref_squeeze %dma_start3A_1976 : memref<1x128xf32, #tpu.memory_space<vmem>> -> memref<128xf32, #tpu.memory_space<vmem>>
      %dma_start3A_1978 = arith.constant 1280 : i32
      %dma_start3A_1979 = tpu.memref_slice %arg7[%dma_start3A_1978] : memref<4096xi32, #tpu.memory_space<vmem>> -> memref<128xi32, #tpu.memory_space<vmem>>
      %dma_start3A_1980 = arith.constant 0 : i32
      %dma_start3A_1981 = tpu.memref_slice %arg10[%dma_start3A_1980] : memref<400000xf32, #tpu.memory_space<vmem_shared>> -> memref<400000xf32, #tpu.memory_space<vmem_shared>>
      tpu.enqueue_indirect_dma source(%dma_start3A_1981 : memref<400000xf32, #tpu.memory_space<vmem_shared>>) target(%dma_start3A_1977 : memref<128xf32, #tpu.memory_space<vmem>>) offsets(%dma_start3A_1979 : memref<128xi32, #tpu.memory_space<vmem>>) semaphore(%arg14 : memref<!tpu.dma_semaphore, #tpu.memory_space<semaphore_mem>>)
      %dma_start3A_1982 = arith.constant 13 : i32
      %dma_start3A_1983 = arith.constant 384 : i32
      %dma_start3A_1984 = tpu.memref_slice %arg8[%dma_start3A_1982, %dma_start3A_1983] : memref<16x1024xf32, #tpu.memory_space<vmem>> -> memref<1x128xf32, #tpu.memory_space<vmem>>
      %dma_start3A_1985 = tpu.memref_squeeze %dma_start3A_1984 : memref<1x128xf32, #tpu.memory_space<vmem>> -> memref<128xf32, #tpu.memory_space<vmem>>
      %dma_start3A_1986 = arith.constant 1408 : i32
      %dma_start3A_1987 = tpu.memref_slice %arg7[%dma_start3A_1986] : memref<4096xi32, #tpu.memory_space<vmem>> -> memref<128xi32, #tpu.memory_space<vmem>>
      %dma_start3A_1988 = arith.constant 0 : i32
      %dma_start3A_1989 = tpu.memref_slice %arg10[%dma_start3A_1988] : memref<400000xf32, #tpu.memory_space<vmem_shared>> -> memref<400000xf32, #tpu.memory_space<vmem_shared>>
      tpu.enqueue_indirect_dma source(%dma_start3A_1989 : memref<400000xf32, #tpu.memory_space<vmem_shared>>) target(%dma_start3A_1985 : memref<128xf32, #tpu.memory_space<vmem>>) offsets(%dma_start3A_1987 : memref<128xi32, #tpu.memory_space<vmem>>) semaphore(%arg14 : memref<!tpu.dma_semaphore, #tpu.memory_space<semaphore_mem>>)
      %dma_start3A_1990 = arith.constant 13 : i32
      %dma_start3A_1991 = arith.constant 512 : i32
      %dma_start3A_1992 = tpu.memref_slice %arg8[%dma_start3A_1990, %dma_start3A_1991] : memref<16x1024xf32, #tpu.memory_space<vmem>> -> memref<1x128xf32, #tpu.memory_space<vmem>>
      %dma_start3A_1993 = tpu.memref_squeeze %dma_start3A_1992 : memref<1x128xf32, #tpu.memory_space<vmem>> -> memref<128xf32, #tpu.memory_space<vmem>>
      %dma_start3A_1994 = arith.constant 1536 : i32
      %dma_start3A_1995 = tpu.memref_slice %arg7[%dma_start3A_1994] : memref<4096xi32, #tpu.memory_space<vmem>> -> memref<128xi32, #tpu.memory_space<vmem>>
      %dma_start3A_1996 = arith.constant 0 : i32
      %dma_start3A_1997 = tpu.memref_slice %arg10[%dma_start3A_1996] : memref<400000xf32, #tpu.memory_space<vmem_shared>> -> memref<400000xf32, #tpu.memory_space<vmem_shared>>
      tpu.enqueue_indirect_dma source(%dma_start3A_1997 : memref<400000xf32, #tpu.memory_space<vmem_shared>>) target(%dma_start3A_1993 : memref<128xf32, #tpu.memory_space<vmem>>) offsets(%dma_start3A_1995 : memref<128xi32, #tpu.memory_space<vmem>>) semaphore(%arg14 : memref<!tpu.dma_semaphore, #tpu.memory_space<semaphore_mem>>)
      %dma_start3A_1998 = arith.constant 13 : i32
      %dma_start3A_1999 = arith.constant 640 : i32
      %dma_start3A_2000 = tpu.memref_slice %arg8[%dma_start3A_1998, %dma_start3A_1999] : memref<16x1024xf32, #tpu.memory_space<vmem>> -> memref<1x128xf32, #tpu.memory_space<vmem>>
      %dma_start3A_2001 = tpu.memref_squeeze %dma_start3A_2000 : memref<1x128xf32, #tpu.memory_space<vmem>> -> memref<128xf32, #tpu.memory_space<vmem>>
      %dma_start3A_2002 = arith.constant 1664 : i32
      %dma_start3A_2003 = tpu.memref_slice %arg7[%dma_start3A_2002] : memref<4096xi32, #tpu.memory_space<vmem>> -> memref<128xi32, #tpu.memory_space<vmem>>
      %dma_start3A_2004 = arith.constant 0 : i32
      %dma_start3A_2005 = tpu.memref_slice %arg10[%dma_start3A_2004] : memref<400000xf32, #tpu.memory_space<vmem_shared>> -> memref<400000xf32, #tpu.memory_space<vmem_shared>>
      tpu.enqueue_indirect_dma source(%dma_start3A_2005 : memref<400000xf32, #tpu.memory_space<vmem_shared>>) target(%dma_start3A_2001 : memref<128xf32, #tpu.memory_space<vmem>>) offsets(%dma_start3A_2003 : memref<128xi32, #tpu.memory_space<vmem>>) semaphore(%arg14 : memref<!tpu.dma_semaphore, #tpu.memory_space<semaphore_mem>>)
      %dma_start3A_2006 = arith.constant 13 : i32
      %dma_start3A_2007 = arith.constant 768 : i32
      %dma_start3A_2008 = tpu.memref_slice %arg8[%dma_start3A_2006, %dma_start3A_2007] : memref<16x1024xf32, #tpu.memory_space<vmem>> -> memref<1x128xf32, #tpu.memory_space<vmem>>
      %dma_start3A_2009 = tpu.memref_squeeze %dma_start3A_2008 : memref<1x128xf32, #tpu.memory_space<vmem>> -> memref<128xf32, #tpu.memory_space<vmem>>
      %dma_start3A_2010 = arith.constant 1792 : i32
      %dma_start3A_2011 = tpu.memref_slice %arg7[%dma_start3A_2010] : memref<4096xi32, #tpu.memory_space<vmem>> -> memref<128xi32, #tpu.memory_space<vmem>>
      %dma_start3A_2012 = arith.constant 0 : i32
      %dma_start3A_2013 = tpu.memref_slice %arg10[%dma_start3A_2012] : memref<400000xf32, #tpu.memory_space<vmem_shared>> -> memref<400000xf32, #tpu.memory_space<vmem_shared>>
      tpu.enqueue_indirect_dma source(%dma_start3A_2013 : memref<400000xf32, #tpu.memory_space<vmem_shared>>) target(%dma_start3A_2009 : memref<128xf32, #tpu.memory_space<vmem>>) offsets(%dma_start3A_2011 : memref<128xi32, #tpu.memory_space<vmem>>) semaphore(%arg14 : memref<!tpu.dma_semaphore, #tpu.memory_space<semaphore_mem>>)
      %dma_start3A_2014 = arith.constant 13 : i32
      %dma_start3A_2015 = arith.constant 896 : i32
      %dma_start3A_2016 = tpu.memref_slice %arg8[%dma_start3A_2014, %dma_start3A_2015] : memref<16x1024xf32, #tpu.memory_space<vmem>> -> memref<1x128xf32, #tpu.memory_space<vmem>>
      %dma_start3A_2017 = tpu.memref_squeeze %dma_start3A_2016 : memref<1x128xf32, #tpu.memory_space<vmem>> -> memref<128xf32, #tpu.memory_space<vmem>>
      %dma_start3A_2018 = arith.constant 1920 : i32
      %dma_start3A_2019 = tpu.memref_slice %arg7[%dma_start3A_2018] : memref<4096xi32, #tpu.memory_space<vmem>> -> memref<128xi32, #tpu.memory_space<vmem>>
      %dma_start3A_2020 = arith.constant 0 : i32
      %dma_start3A_2021 = tpu.memref_slice %arg10[%dma_start3A_2020] : memref<400000xf32, #tpu.memory_space<vmem_shared>> -> memref<400000xf32, #tpu.memory_space<vmem_shared>>
      tpu.enqueue_indirect_dma source(%dma_start3A_2021 : memref<400000xf32, #tpu.memory_space<vmem_shared>>) target(%dma_start3A_2017 : memref<128xf32, #tpu.memory_space<vmem>>) offsets(%dma_start3A_2019 : memref<128xi32, #tpu.memory_space<vmem>>) semaphore(%arg14 : memref<!tpu.dma_semaphore, #tpu.memory_space<semaphore_mem>>)
      %dma_start3A_2022 = arith.constant 14 : i32
      %dma_start3A_2023 = arith.constant 0 : i32
      %dma_start3A_2024 = tpu.memref_slice %arg8[%dma_start3A_2022, %dma_start3A_2023] : memref<16x1024xf32, #tpu.memory_space<vmem>> -> memref<1x128xf32, #tpu.memory_space<vmem>>
      %dma_start3A_2025 = tpu.memref_squeeze %dma_start3A_2024 : memref<1x128xf32, #tpu.memory_space<vmem>> -> memref<128xf32, #tpu.memory_space<vmem>>
      %dma_start3A_2026 = arith.constant 2048 : i32
      %dma_start3A_2027 = tpu.memref_slice %arg7[%dma_start3A_2026] : memref<4096xi32, #tpu.memory_space<vmem>> -> memref<128xi32, #tpu.memory_space<vmem>>
      %dma_start3A_2028 = arith.constant 0 : i32
      %dma_start3A_2029 = tpu.memref_slice %arg10[%dma_start3A_2028] : memref<400000xf32, #tpu.memory_space<vmem_shared>> -> memref<400000xf32, #tpu.memory_space<vmem_shared>>
      tpu.enqueue_indirect_dma source(%dma_start3A_2029 : memref<400000xf32, #tpu.memory_space<vmem_shared>>) target(%dma_start3A_2025 : memref<128xf32, #tpu.memory_space<vmem>>) offsets(%dma_start3A_2027 : memref<128xi32, #tpu.memory_space<vmem>>) semaphore(%arg14 : memref<!tpu.dma_semaphore, #tpu.memory_space<semaphore_mem>>)
      %dma_start3A_2030 = arith.constant 14 : i32
      %dma_start3A_2031 = arith.constant 128 : i32
      %dma_start3A_2032 = tpu.memref_slice %arg8[%dma_start3A_2030, %dma_start3A_2031] : memref<16x1024xf32, #tpu.memory_space<vmem>> -> memref<1x128xf32, #tpu.memory_space<vmem>>
      %dma_start3A_2033 = tpu.memref_squeeze %dma_start3A_2032 : memref<1x128xf32, #tpu.memory_space<vmem>> -> memref<128xf32, #tpu.memory_space<vmem>>
      %dma_start3A_2034 = arith.constant 2176 : i32
      %dma_start3A_2035 = tpu.memref_slice %arg7[%dma_start3A_2034] : memref<4096xi32, #tpu.memory_space<vmem>> -> memref<128xi32, #tpu.memory_space<vmem>>
      %dma_start3A_2036 = arith.constant 0 : i32
      %dma_start3A_2037 = tpu.memref_slice %arg10[%dma_start3A_2036] : memref<400000xf32, #tpu.memory_space<vmem_shared>> -> memref<400000xf32, #tpu.memory_space<vmem_shared>>
      tpu.enqueue_indirect_dma source(%dma_start3A_2037 : memref<400000xf32, #tpu.memory_space<vmem_shared>>) target(%dma_start3A_2033 : memref<128xf32, #tpu.memory_space<vmem>>) offsets(%dma_start3A_2035 : memref<128xi32, #tpu.memory_space<vmem>>) semaphore(%arg14 : memref<!tpu.dma_semaphore, #tpu.memory_space<semaphore_mem>>)
      %dma_start3A_2038 = arith.constant 14 : i32
      %dma_start3A_2039 = arith.constant 256 : i32
      %dma_start3A_2040 = tpu.memref_slice %arg8[%dma_start3A_2038, %dma_start3A_2039] : memref<16x1024xf32, #tpu.memory_space<vmem>> -> memref<1x128xf32, #tpu.memory_space<vmem>>
      %dma_start3A_2041 = tpu.memref_squeeze %dma_start3A_2040 : memref<1x128xf32, #tpu.memory_space<vmem>> -> memref<128xf32, #tpu.memory_space<vmem>>
      %dma_start3A_2042 = arith.constant 2304 : i32
      %dma_start3A_2043 = tpu.memref_slice %arg7[%dma_start3A_2042] : memref<4096xi32, #tpu.memory_space<vmem>> -> memref<128xi32, #tpu.memory_space<vmem>>
      %dma_start3A_2044 = arith.constant 0 : i32
      %dma_start3A_2045 = tpu.memref_slice %arg10[%dma_start3A_2044] : memref<400000xf32, #tpu.memory_space<vmem_shared>> -> memref<400000xf32, #tpu.memory_space<vmem_shared>>
      tpu.enqueue_indirect_dma source(%dma_start3A_2045 : memref<400000xf32, #tpu.memory_space<vmem_shared>>) target(%dma_start3A_2041 : memref<128xf32, #tpu.memory_space<vmem>>) offsets(%dma_start3A_2043 : memref<128xi32, #tpu.memory_space<vmem>>) semaphore(%arg14 : memref<!tpu.dma_semaphore, #tpu.memory_space<semaphore_mem>>)
      %dma_start3A_2046 = arith.constant 14 : i32
      %dma_start3A_2047 = arith.constant 384 : i32
      %dma_start3A_2048 = tpu.memref_slice %arg8[%dma_start3A_2046, %dma_start3A_2047] : memref<16x1024xf32, #tpu.memory_space<vmem>> -> memref<1x128xf32, #tpu.memory_space<vmem>>
      %dma_start3A_2049 = tpu.memref_squeeze %dma_start3A_2048 : memref<1x128xf32, #tpu.memory_space<vmem>> -> memref<128xf32, #tpu.memory_space<vmem>>
      %dma_start3A_2050 = arith.constant 2432 : i32
      %dma_start3A_2051 = tpu.memref_slice %arg7[%dma_start3A_2050] : memref<4096xi32, #tpu.memory_space<vmem>> -> memref<128xi32, #tpu.memory_space<vmem>>
      %dma_start3A_2052 = arith.constant 0 : i32
      %dma_start3A_2053 = tpu.memref_slice %arg10[%dma_start3A_2052] : memref<400000xf32, #tpu.memory_space<vmem_shared>> -> memref<400000xf32, #tpu.memory_space<vmem_shared>>
      tpu.enqueue_indirect_dma source(%dma_start3A_2053 : memref<400000xf32, #tpu.memory_space<vmem_shared>>) target(%dma_start3A_2049 : memref<128xf32, #tpu.memory_space<vmem>>) offsets(%dma_start3A_2051 : memref<128xi32, #tpu.memory_space<vmem>>) semaphore(%arg14 : memref<!tpu.dma_semaphore, #tpu.memory_space<semaphore_mem>>)
      %dma_start3A_2054 = arith.constant 14 : i32
      %dma_start3A_2055 = arith.constant 512 : i32
      %dma_start3A_2056 = tpu.memref_slice %arg8[%dma_start3A_2054, %dma_start3A_2055] : memref<16x1024xf32, #tpu.memory_space<vmem>> -> memref<1x128xf32, #tpu.memory_space<vmem>>
      %dma_start3A_2057 = tpu.memref_squeeze %dma_start3A_2056 : memref<1x128xf32, #tpu.memory_space<vmem>> -> memref<128xf32, #tpu.memory_space<vmem>>
      %dma_start3A_2058 = arith.constant 2560 : i32
      %dma_start3A_2059 = tpu.memref_slice %arg7[%dma_start3A_2058] : memref<4096xi32, #tpu.memory_space<vmem>> -> memref<128xi32, #tpu.memory_space<vmem>>
      %dma_start3A_2060 = arith.constant 0 : i32
      %dma_start3A_2061 = tpu.memref_slice %arg10[%dma_start3A_2060] : memref<400000xf32, #tpu.memory_space<vmem_shared>> -> memref<400000xf32, #tpu.memory_space<vmem_shared>>
      tpu.enqueue_indirect_dma source(%dma_start3A_2061 : memref<400000xf32, #tpu.memory_space<vmem_shared>>) target(%dma_start3A_2057 : memref<128xf32, #tpu.memory_space<vmem>>) offsets(%dma_start3A_2059 : memref<128xi32, #tpu.memory_space<vmem>>) semaphore(%arg14 : memref<!tpu.dma_semaphore, #tpu.memory_space<semaphore_mem>>)
      %dma_start3A_2062 = arith.constant 14 : i32
      %dma_start3A_2063 = arith.constant 640 : i32
      %dma_start3A_2064 = tpu.memref_slice %arg8[%dma_start3A_2062, %dma_start3A_2063] : memref<16x1024xf32, #tpu.memory_space<vmem>> -> memref<1x128xf32, #tpu.memory_space<vmem>>
      %dma_start3A_2065 = tpu.memref_squeeze %dma_start3A_2064 : memref<1x128xf32, #tpu.memory_space<vmem>> -> memref<128xf32, #tpu.memory_space<vmem>>
      %dma_start3A_2066 = arith.constant 2688 : i32
      %dma_start3A_2067 = tpu.memref_slice %arg7[%dma_start3A_2066] : memref<4096xi32, #tpu.memory_space<vmem>> -> memref<128xi32, #tpu.memory_space<vmem>>
      %dma_start3A_2068 = arith.constant 0 : i32
      %dma_start3A_2069 = tpu.memref_slice %arg10[%dma_start3A_2068] : memref<400000xf32, #tpu.memory_space<vmem_shared>> -> memref<400000xf32, #tpu.memory_space<vmem_shared>>
      tpu.enqueue_indirect_dma source(%dma_start3A_2069 : memref<400000xf32, #tpu.memory_space<vmem_shared>>) target(%dma_start3A_2065 : memref<128xf32, #tpu.memory_space<vmem>>) offsets(%dma_start3A_2067 : memref<128xi32, #tpu.memory_space<vmem>>) semaphore(%arg14 : memref<!tpu.dma_semaphore, #tpu.memory_space<semaphore_mem>>)
      %dma_start3A_2070 = arith.constant 14 : i32
      %dma_start3A_2071 = arith.constant 768 : i32
      %dma_start3A_2072 = tpu.memref_slice %arg8[%dma_start3A_2070, %dma_start3A_2071] : memref<16x1024xf32, #tpu.memory_space<vmem>> -> memref<1x128xf32, #tpu.memory_space<vmem>>
      %dma_start3A_2073 = tpu.memref_squeeze %dma_start3A_2072 : memref<1x128xf32, #tpu.memory_space<vmem>> -> memref<128xf32, #tpu.memory_space<vmem>>
      %dma_start3A_2074 = arith.constant 2816 : i32
      %dma_start3A_2075 = tpu.memref_slice %arg7[%dma_start3A_2074] : memref<4096xi32, #tpu.memory_space<vmem>> -> memref<128xi32, #tpu.memory_space<vmem>>
      %dma_start3A_2076 = arith.constant 0 : i32
      %dma_start3A_2077 = tpu.memref_slice %arg10[%dma_start3A_2076] : memref<400000xf32, #tpu.memory_space<vmem_shared>> -> memref<400000xf32, #tpu.memory_space<vmem_shared>>
      tpu.enqueue_indirect_dma source(%dma_start3A_2077 : memref<400000xf32, #tpu.memory_space<vmem_shared>>) target(%dma_start3A_2073 : memref<128xf32, #tpu.memory_space<vmem>>) offsets(%dma_start3A_2075 : memref<128xi32, #tpu.memory_space<vmem>>) semaphore(%arg14 : memref<!tpu.dma_semaphore, #tpu.memory_space<semaphore_mem>>)
      %dma_start3A_2078 = arith.constant 14 : i32
      %dma_start3A_2079 = arith.constant 896 : i32
      %dma_start3A_2080 = tpu.memref_slice %arg8[%dma_start3A_2078, %dma_start3A_2079] : memref<16x1024xf32, #tpu.memory_space<vmem>> -> memref<1x128xf32, #tpu.memory_space<vmem>>
      %dma_start3A_2081 = tpu.memref_squeeze %dma_start3A_2080 : memref<1x128xf32, #tpu.memory_space<vmem>> -> memref<128xf32, #tpu.memory_space<vmem>>
      %dma_start3A_2082 = arith.constant 2944 : i32
      %dma_start3A_2083 = tpu.memref_slice %arg7[%dma_start3A_2082] : memref<4096xi32, #tpu.memory_space<vmem>> -> memref<128xi32, #tpu.memory_space<vmem>>
      %dma_start3A_2084 = arith.constant 0 : i32
      %dma_start3A_2085 = tpu.memref_slice %arg10[%dma_start3A_2084] : memref<400000xf32, #tpu.memory_space<vmem_shared>> -> memref<400000xf32, #tpu.memory_space<vmem_shared>>
      tpu.enqueue_indirect_dma source(%dma_start3A_2085 : memref<400000xf32, #tpu.memory_space<vmem_shared>>) target(%dma_start3A_2081 : memref<128xf32, #tpu.memory_space<vmem>>) offsets(%dma_start3A_2083 : memref<128xi32, #tpu.memory_space<vmem>>) semaphore(%arg14 : memref<!tpu.dma_semaphore, #tpu.memory_space<semaphore_mem>>)
      %dma_start3A_2086 = arith.constant 15 : i32
      %dma_start3A_2087 = arith.constant 0 : i32
      %dma_start3A_2088 = tpu.memref_slice %arg8[%dma_start3A_2086, %dma_start3A_2087] : memref<16x1024xf32, #tpu.memory_space<vmem>> -> memref<1x128xf32, #tpu.memory_space<vmem>>
      %dma_start3A_2089 = tpu.memref_squeeze %dma_start3A_2088 : memref<1x128xf32, #tpu.memory_space<vmem>> -> memref<128xf32, #tpu.memory_space<vmem>>
      %dma_start3A_2090 = arith.constant 3072 : i32
      %dma_start3A_2091 = tpu.memref_slice %arg7[%dma_start3A_2090] : memref<4096xi32, #tpu.memory_space<vmem>> -> memref<128xi32, #tpu.memory_space<vmem>>
      %dma_start3A_2092 = arith.constant 0 : i32
      %dma_start3A_2093 = tpu.memref_slice %arg10[%dma_start3A_2092] : memref<400000xf32, #tpu.memory_space<vmem_shared>> -> memref<400000xf32, #tpu.memory_space<vmem_shared>>
      tpu.enqueue_indirect_dma source(%dma_start3A_2093 : memref<400000xf32, #tpu.memory_space<vmem_shared>>) target(%dma_start3A_2089 : memref<128xf32, #tpu.memory_space<vmem>>) offsets(%dma_start3A_2091 : memref<128xi32, #tpu.memory_space<vmem>>) semaphore(%arg14 : memref<!tpu.dma_semaphore, #tpu.memory_space<semaphore_mem>>)
      %dma_start3A_2094 = arith.constant 15 : i32
      %dma_start3A_2095 = arith.constant 128 : i32
      %dma_start3A_2096 = tpu.memref_slice %arg8[%dma_start3A_2094, %dma_start3A_2095] : memref<16x1024xf32, #tpu.memory_space<vmem>> -> memref<1x128xf32, #tpu.memory_space<vmem>>
      %dma_start3A_2097 = tpu.memref_squeeze %dma_start3A_2096 : memref<1x128xf32, #tpu.memory_space<vmem>> -> memref<128xf32, #tpu.memory_space<vmem>>
      %dma_start3A_2098 = arith.constant 3200 : i32
      %dma_start3A_2099 = tpu.memref_slice %arg7[%dma_start3A_2098] : memref<4096xi32, #tpu.memory_space<vmem>> -> memref<128xi32, #tpu.memory_space<vmem>>
      %dma_start3A_2100 = arith.constant 0 : i32
      %dma_start3A_2101 = tpu.memref_slice %arg10[%dma_start3A_2100] : memref<400000xf32, #tpu.memory_space<vmem_shared>> -> memref<400000xf32, #tpu.memory_space<vmem_shared>>
      tpu.enqueue_indirect_dma source(%dma_start3A_2101 : memref<400000xf32, #tpu.memory_space<vmem_shared>>) target(%dma_start3A_2097 : memref<128xf32, #tpu.memory_space<vmem>>) offsets(%dma_start3A_2099 : memref<128xi32, #tpu.memory_space<vmem>>) semaphore(%arg14 : memref<!tpu.dma_semaphore, #tpu.memory_space<semaphore_mem>>)
      %dma_start3A_2102 = arith.constant 15 : i32
      %dma_start3A_2103 = arith.constant 256 : i32
      %dma_start3A_2104 = tpu.memref_slice %arg8[%dma_start3A_2102, %dma_start3A_2103] : memref<16x1024xf32, #tpu.memory_space<vmem>> -> memref<1x128xf32, #tpu.memory_space<vmem>>
      %dma_start3A_2105 = tpu.memref_squeeze %dma_start3A_2104 : memref<1x128xf32, #tpu.memory_space<vmem>> -> memref<128xf32, #tpu.memory_space<vmem>>
      %dma_start3A_2106 = arith.constant 3328 : i32
      %dma_start3A_2107 = tpu.memref_slice %arg7[%dma_start3A_2106] : memref<4096xi32, #tpu.memory_space<vmem>> -> memref<128xi32, #tpu.memory_space<vmem>>
      %dma_start3A_2108 = arith.constant 0 : i32
      %dma_start3A_2109 = tpu.memref_slice %arg10[%dma_start3A_2108] : memref<400000xf32, #tpu.memory_space<vmem_shared>> -> memref<400000xf32, #tpu.memory_space<vmem_shared>>
      tpu.enqueue_indirect_dma source(%dma_start3A_2109 : memref<400000xf32, #tpu.memory_space<vmem_shared>>) target(%dma_start3A_2105 : memref<128xf32, #tpu.memory_space<vmem>>) offsets(%dma_start3A_2107 : memref<128xi32, #tpu.memory_space<vmem>>) semaphore(%arg14 : memref<!tpu.dma_semaphore, #tpu.memory_space<semaphore_mem>>)
      %dma_start3A_2110 = arith.constant 15 : i32
      %dma_start3A_2111 = arith.constant 384 : i32
      %dma_start3A_2112 = tpu.memref_slice %arg8[%dma_start3A_2110, %dma_start3A_2111] : memref<16x1024xf32, #tpu.memory_space<vmem>> -> memref<1x128xf32, #tpu.memory_space<vmem>>
      %dma_start3A_2113 = tpu.memref_squeeze %dma_start3A_2112 : memref<1x128xf32, #tpu.memory_space<vmem>> -> memref<128xf32, #tpu.memory_space<vmem>>
      %dma_start3A_2114 = arith.constant 3456 : i32
      %dma_start3A_2115 = tpu.memref_slice %arg7[%dma_start3A_2114] : memref<4096xi32, #tpu.memory_space<vmem>> -> memref<128xi32, #tpu.memory_space<vmem>>
      %dma_start3A_2116 = arith.constant 0 : i32
      %dma_start3A_2117 = tpu.memref_slice %arg10[%dma_start3A_2116] : memref<400000xf32, #tpu.memory_space<vmem_shared>> -> memref<400000xf32, #tpu.memory_space<vmem_shared>>
      tpu.enqueue_indirect_dma source(%dma_start3A_2117 : memref<400000xf32, #tpu.memory_space<vmem_shared>>) target(%dma_start3A_2113 : memref<128xf32, #tpu.memory_space<vmem>>) offsets(%dma_start3A_2115 : memref<128xi32, #tpu.memory_space<vmem>>) semaphore(%arg14 : memref<!tpu.dma_semaphore, #tpu.memory_space<semaphore_mem>>)
      %dma_start3A_2118 = arith.constant 15 : i32
      %dma_start3A_2119 = arith.constant 512 : i32
      %dma_start3A_2120 = tpu.memref_slice %arg8[%dma_start3A_2118, %dma_start3A_2119] : memref<16x1024xf32, #tpu.memory_space<vmem>> -> memref<1x128xf32, #tpu.memory_space<vmem>>
      %dma_start3A_2121 = tpu.memref_squeeze %dma_start3A_2120 : memref<1x128xf32, #tpu.memory_space<vmem>> -> memref<128xf32, #tpu.memory_space<vmem>>
      %dma_start3A_2122 = arith.constant 3584 : i32
      %dma_start3A_2123 = tpu.memref_slice %arg7[%dma_start3A_2122] : memref<4096xi32, #tpu.memory_space<vmem>> -> memref<128xi32, #tpu.memory_space<vmem>>
      %dma_start3A_2124 = arith.constant 0 : i32
      %dma_start3A_2125 = tpu.memref_slice %arg10[%dma_start3A_2124] : memref<400000xf32, #tpu.memory_space<vmem_shared>> -> memref<400000xf32, #tpu.memory_space<vmem_shared>>
      tpu.enqueue_indirect_dma source(%dma_start3A_2125 : memref<400000xf32, #tpu.memory_space<vmem_shared>>) target(%dma_start3A_2121 : memref<128xf32, #tpu.memory_space<vmem>>) offsets(%dma_start3A_2123 : memref<128xi32, #tpu.memory_space<vmem>>) semaphore(%arg14 : memref<!tpu.dma_semaphore, #tpu.memory_space<semaphore_mem>>)
      %dma_start3A_2126 = arith.constant 15 : i32
      %dma_start3A_2127 = arith.constant 640 : i32
      %dma_start3A_2128 = tpu.memref_slice %arg8[%dma_start3A_2126, %dma_start3A_2127] : memref<16x1024xf32, #tpu.memory_space<vmem>> -> memref<1x128xf32, #tpu.memory_space<vmem>>
      %dma_start3A_2129 = tpu.memref_squeeze %dma_start3A_2128 : memref<1x128xf32, #tpu.memory_space<vmem>> -> memref<128xf32, #tpu.memory_space<vmem>>
      %dma_start3A_2130 = arith.constant 3712 : i32
      %dma_start3A_2131 = tpu.memref_slice %arg7[%dma_start3A_2130] : memref<4096xi32, #tpu.memory_space<vmem>> -> memref<128xi32, #tpu.memory_space<vmem>>
      %dma_start3A_2132 = arith.constant 0 : i32
      %dma_start3A_2133 = tpu.memref_slice %arg10[%dma_start3A_2132] : memref<400000xf32, #tpu.memory_space<vmem_shared>> -> memref<400000xf32, #tpu.memory_space<vmem_shared>>
      tpu.enqueue_indirect_dma source(%dma_start3A_2133 : memref<400000xf32, #tpu.memory_space<vmem_shared>>) target(%dma_start3A_2129 : memref<128xf32, #tpu.memory_space<vmem>>) offsets(%dma_start3A_2131 : memref<128xi32, #tpu.memory_space<vmem>>) semaphore(%arg14 : memref<!tpu.dma_semaphore, #tpu.memory_space<semaphore_mem>>)
      %dma_start3A_2134 = arith.constant 15 : i32
      %dma_start3A_2135 = arith.constant 768 : i32
      %dma_start3A_2136 = tpu.memref_slice %arg8[%dma_start3A_2134, %dma_start3A_2135] : memref<16x1024xf32, #tpu.memory_space<vmem>> -> memref<1x128xf32, #tpu.memory_space<vmem>>
      %dma_start3A_2137 = tpu.memref_squeeze %dma_start3A_2136 : memref<1x128xf32, #tpu.memory_space<vmem>> -> memref<128xf32, #tpu.memory_space<vmem>>
      %dma_start3A_2138 = arith.constant 3840 : i32
      %dma_start3A_2139 = tpu.memref_slice %arg7[%dma_start3A_2138] : memref<4096xi32, #tpu.memory_space<vmem>> -> memref<128xi32, #tpu.memory_space<vmem>>
      %dma_start3A_2140 = arith.constant 0 : i32
      %dma_start3A_2141 = tpu.memref_slice %arg10[%dma_start3A_2140] : memref<400000xf32, #tpu.memory_space<vmem_shared>> -> memref<400000xf32, #tpu.memory_space<vmem_shared>>
      tpu.enqueue_indirect_dma source(%dma_start3A_2141 : memref<400000xf32, #tpu.memory_space<vmem_shared>>) target(%dma_start3A_2137 : memref<128xf32, #tpu.memory_space<vmem>>) offsets(%dma_start3A_2139 : memref<128xi32, #tpu.memory_space<vmem>>) semaphore(%arg14 : memref<!tpu.dma_semaphore, #tpu.memory_space<semaphore_mem>>)
      %dma_start3A_2142 = arith.constant 15 : i32
      %dma_start3A_2143 = arith.constant 896 : i32
      %dma_start3A_2144 = tpu.memref_slice %arg8[%dma_start3A_2142, %dma_start3A_2143] : memref<16x1024xf32, #tpu.memory_space<vmem>> -> memref<1x128xf32, #tpu.memory_space<vmem>>
      %dma_start3A_2145 = tpu.memref_squeeze %dma_start3A_2144 : memref<1x128xf32, #tpu.memory_space<vmem>> -> memref<128xf32, #tpu.memory_space<vmem>>
      %dma_start3A_2146 = arith.constant 3968 : i32
      %dma_start3A_2147 = tpu.memref_slice %arg7[%dma_start3A_2146] : memref<4096xi32, #tpu.memory_space<vmem>> -> memref<128xi32, #tpu.memory_space<vmem>>
      %dma_start3A_2148 = arith.constant 0 : i32
      %dma_start3A_2149 = tpu.memref_slice %arg10[%dma_start3A_2148] : memref<400000xf32, #tpu.memory_space<vmem_shared>> -> memref<400000xf32, #tpu.memory_space<vmem_shared>>
      tpu.enqueue_indirect_dma source(%dma_start3A_2149 : memref<400000xf32, #tpu.memory_space<vmem_shared>>) target(%dma_start3A_2145 : memref<128xf32, #tpu.memory_space<vmem>>) offsets(%dma_start3A_2147 : memref<128xi32, #tpu.memory_space<vmem>>) semaphore(%arg14 : memref<!tpu.dma_semaphore, #tpu.memory_space<semaphore_mem>>)
      %dma_wait3A_2150 = arith.constant 12 : i32
      %dma_wait3A_2151 = arith.constant 0 : i32
      %dma_wait3A_2152 = tpu.memref_slice %arg8[%dma_wait3A_2150, %dma_wait3A_2151] : memref<16x1024xf32, #tpu.memory_space<vmem>> -> memref<1x128xf32, #tpu.memory_space<vmem>>
      %dma_wait3A_2153 = tpu.memref_squeeze %dma_wait3A_2152 : memref<1x128xf32, #tpu.memory_space<vmem>> -> memref<128xf32, #tpu.memory_space<vmem>>
      %dma_wait3A_2154 = arith.constant 0 : i32
      %dma_wait3A_2155 = tpu.memref_slice %arg7[%dma_wait3A_2154] : memref<4096xi32, #tpu.memory_space<vmem>> -> memref<128xi32, #tpu.memory_space<vmem>>
      %dma_wait3A_2156 = arith.constant 0 : i32
      %dma_wait3A_2157 = tpu.memref_slice %arg10[%dma_wait3A_2156] : memref<400000xf32, #tpu.memory_space<vmem_shared>> -> memref<400000xf32, #tpu.memory_space<vmem_shared>>
      tpu.wait_indirect_dma semaphore(%arg14 : memref<!tpu.dma_semaphore, #tpu.memory_space<semaphore_mem>>) src(%dma_wait3A_2157 : memref<400000xf32, #tpu.memory_space<vmem_shared>>) dst(%dma_wait3A_2153 : memref<128xf32, #tpu.memory_space<vmem>>)
      %dma_wait3A_2158 = arith.constant 12 : i32
      %dma_wait3A_2159 = arith.constant 128 : i32
      %dma_wait3A_2160 = tpu.memref_slice %arg8[%dma_wait3A_2158, %dma_wait3A_2159] : memref<16x1024xf32, #tpu.memory_space<vmem>> -> memref<1x128xf32, #tpu.memory_space<vmem>>
      %dma_wait3A_2161 = tpu.memref_squeeze %dma_wait3A_2160 : memref<1x128xf32, #tpu.memory_space<vmem>> -> memref<128xf32, #tpu.memory_space<vmem>>
      %dma_wait3A_2162 = arith.constant 128 : i32
      %dma_wait3A_2163 = tpu.memref_slice %arg7[%dma_wait3A_2162] : memref<4096xi32, #tpu.memory_space<vmem>> -> memref<128xi32, #tpu.memory_space<vmem>>
      %dma_wait3A_2164 = arith.constant 0 : i32
      %dma_wait3A_2165 = tpu.memref_slice %arg10[%dma_wait3A_2164] : memref<400000xf32, #tpu.memory_space<vmem_shared>> -> memref<400000xf32, #tpu.memory_space<vmem_shared>>
      tpu.wait_indirect_dma semaphore(%arg14 : memref<!tpu.dma_semaphore, #tpu.memory_space<semaphore_mem>>) src(%dma_wait3A_2165 : memref<400000xf32, #tpu.memory_space<vmem_shared>>) dst(%dma_wait3A_2161 : memref<128xf32, #tpu.memory_space<vmem>>)
      %dma_wait3A_2166 = arith.constant 12 : i32
      %dma_wait3A_2167 = arith.constant 256 : i32
      %dma_wait3A_2168 = tpu.memref_slice %arg8[%dma_wait3A_2166, %dma_wait3A_2167] : memref<16x1024xf32, #tpu.memory_space<vmem>> -> memref<1x128xf32, #tpu.memory_space<vmem>>
      %dma_wait3A_2169 = tpu.memref_squeeze %dma_wait3A_2168 : memref<1x128xf32, #tpu.memory_space<vmem>> -> memref<128xf32, #tpu.memory_space<vmem>>
      %dma_wait3A_2170 = arith.constant 256 : i32
      %dma_wait3A_2171 = tpu.memref_slice %arg7[%dma_wait3A_2170] : memref<4096xi32, #tpu.memory_space<vmem>> -> memref<128xi32, #tpu.memory_space<vmem>>
      %dma_wait3A_2172 = arith.constant 0 : i32
      %dma_wait3A_2173 = tpu.memref_slice %arg10[%dma_wait3A_2172] : memref<400000xf32, #tpu.memory_space<vmem_shared>> -> memref<400000xf32, #tpu.memory_space<vmem_shared>>
      tpu.wait_indirect_dma semaphore(%arg14 : memref<!tpu.dma_semaphore, #tpu.memory_space<semaphore_mem>>) src(%dma_wait3A_2173 : memref<400000xf32, #tpu.memory_space<vmem_shared>>) dst(%dma_wait3A_2169 : memref<128xf32, #tpu.memory_space<vmem>>)
      %dma_wait3A_2174 = arith.constant 12 : i32
      %dma_wait3A_2175 = arith.constant 384 : i32
      %dma_wait3A_2176 = tpu.memref_slice %arg8[%dma_wait3A_2174, %dma_wait3A_2175] : memref<16x1024xf32, #tpu.memory_space<vmem>> -> memref<1x128xf32, #tpu.memory_space<vmem>>
      %dma_wait3A_2177 = tpu.memref_squeeze %dma_wait3A_2176 : memref<1x128xf32, #tpu.memory_space<vmem>> -> memref<128xf32, #tpu.memory_space<vmem>>
      %dma_wait3A_2178 = arith.constant 384 : i32
      %dma_wait3A_2179 = tpu.memref_slice %arg7[%dma_wait3A_2178] : memref<4096xi32, #tpu.memory_space<vmem>> -> memref<128xi32, #tpu.memory_space<vmem>>
      %dma_wait3A_2180 = arith.constant 0 : i32
      %dma_wait3A_2181 = tpu.memref_slice %arg10[%dma_wait3A_2180] : memref<400000xf32, #tpu.memory_space<vmem_shared>> -> memref<400000xf32, #tpu.memory_space<vmem_shared>>
      tpu.wait_indirect_dma semaphore(%arg14 : memref<!tpu.dma_semaphore, #tpu.memory_space<semaphore_mem>>) src(%dma_wait3A_2181 : memref<400000xf32, #tpu.memory_space<vmem_shared>>) dst(%dma_wait3A_2177 : memref<128xf32, #tpu.memory_space<vmem>>)
      %dma_wait3A_2182 = arith.constant 12 : i32
      %dma_wait3A_2183 = arith.constant 512 : i32
      %dma_wait3A_2184 = tpu.memref_slice %arg8[%dma_wait3A_2182, %dma_wait3A_2183] : memref<16x1024xf32, #tpu.memory_space<vmem>> -> memref<1x128xf32, #tpu.memory_space<vmem>>
      %dma_wait3A_2185 = tpu.memref_squeeze %dma_wait3A_2184 : memref<1x128xf32, #tpu.memory_space<vmem>> -> memref<128xf32, #tpu.memory_space<vmem>>
      %dma_wait3A_2186 = arith.constant 512 : i32
      %dma_wait3A_2187 = tpu.memref_slice %arg7[%dma_wait3A_2186] : memref<4096xi32, #tpu.memory_space<vmem>> -> memref<128xi32, #tpu.memory_space<vmem>>
      %dma_wait3A_2188 = arith.constant 0 : i32
      %dma_wait3A_2189 = tpu.memref_slice %arg10[%dma_wait3A_2188] : memref<400000xf32, #tpu.memory_space<vmem_shared>> -> memref<400000xf32, #tpu.memory_space<vmem_shared>>
      tpu.wait_indirect_dma semaphore(%arg14 : memref<!tpu.dma_semaphore, #tpu.memory_space<semaphore_mem>>) src(%dma_wait3A_2189 : memref<400000xf32, #tpu.memory_space<vmem_shared>>) dst(%dma_wait3A_2185 : memref<128xf32, #tpu.memory_space<vmem>>)
      %dma_wait3A_2190 = arith.constant 12 : i32
      %dma_wait3A_2191 = arith.constant 640 : i32
      %dma_wait3A_2192 = tpu.memref_slice %arg8[%dma_wait3A_2190, %dma_wait3A_2191] : memref<16x1024xf32, #tpu.memory_space<vmem>> -> memref<1x128xf32, #tpu.memory_space<vmem>>
      %dma_wait3A_2193 = tpu.memref_squeeze %dma_wait3A_2192 : memref<1x128xf32, #tpu.memory_space<vmem>> -> memref<128xf32, #tpu.memory_space<vmem>>
      %dma_wait3A_2194 = arith.constant 640 : i32
      %dma_wait3A_2195 = tpu.memref_slice %arg7[%dma_wait3A_2194] : memref<4096xi32, #tpu.memory_space<vmem>> -> memref<128xi32, #tpu.memory_space<vmem>>
      %dma_wait3A_2196 = arith.constant 0 : i32
      %dma_wait3A_2197 = tpu.memref_slice %arg10[%dma_wait3A_2196] : memref<400000xf32, #tpu.memory_space<vmem_shared>> -> memref<400000xf32, #tpu.memory_space<vmem_shared>>
      tpu.wait_indirect_dma semaphore(%arg14 : memref<!tpu.dma_semaphore, #tpu.memory_space<semaphore_mem>>) src(%dma_wait3A_2197 : memref<400000xf32, #tpu.memory_space<vmem_shared>>) dst(%dma_wait3A_2193 : memref<128xf32, #tpu.memory_space<vmem>>)
      %dma_wait3A_2198 = arith.constant 12 : i32
      %dma_wait3A_2199 = arith.constant 768 : i32
      %dma_wait3A_2200 = tpu.memref_slice %arg8[%dma_wait3A_2198, %dma_wait3A_2199] : memref<16x1024xf32, #tpu.memory_space<vmem>> -> memref<1x128xf32, #tpu.memory_space<vmem>>
      %dma_wait3A_2201 = tpu.memref_squeeze %dma_wait3A_2200 : memref<1x128xf32, #tpu.memory_space<vmem>> -> memref<128xf32, #tpu.memory_space<vmem>>
      %dma_wait3A_2202 = arith.constant 768 : i32
      %dma_wait3A_2203 = tpu.memref_slice %arg7[%dma_wait3A_2202] : memref<4096xi32, #tpu.memory_space<vmem>> -> memref<128xi32, #tpu.memory_space<vmem>>
      %dma_wait3A_2204 = arith.constant 0 : i32
      %dma_wait3A_2205 = tpu.memref_slice %arg10[%dma_wait3A_2204] : memref<400000xf32, #tpu.memory_space<vmem_shared>> -> memref<400000xf32, #tpu.memory_space<vmem_shared>>
      tpu.wait_indirect_dma semaphore(%arg14 : memref<!tpu.dma_semaphore, #tpu.memory_space<semaphore_mem>>) src(%dma_wait3A_2205 : memref<400000xf32, #tpu.memory_space<vmem_shared>>) dst(%dma_wait3A_2201 : memref<128xf32, #tpu.memory_space<vmem>>)
      %dma_wait3A_2206 = arith.constant 12 : i32
      %dma_wait3A_2207 = arith.constant 896 : i32
      %dma_wait3A_2208 = tpu.memref_slice %arg8[%dma_wait3A_2206, %dma_wait3A_2207] : memref<16x1024xf32, #tpu.memory_space<vmem>> -> memref<1x128xf32, #tpu.memory_space<vmem>>
      %dma_wait3A_2209 = tpu.memref_squeeze %dma_wait3A_2208 : memref<1x128xf32, #tpu.memory_space<vmem>> -> memref<128xf32, #tpu.memory_space<vmem>>
      %dma_wait3A_2210 = arith.constant 896 : i32
      %dma_wait3A_2211 = tpu.memref_slice %arg7[%dma_wait3A_2210] : memref<4096xi32, #tpu.memory_space<vmem>> -> memref<128xi32, #tpu.memory_space<vmem>>
      %dma_wait3A_2212 = arith.constant 0 : i32
      %dma_wait3A_2213 = tpu.memref_slice %arg10[%dma_wait3A_2212] : memref<400000xf32, #tpu.memory_space<vmem_shared>> -> memref<400000xf32, #tpu.memory_space<vmem_shared>>
      tpu.wait_indirect_dma semaphore(%arg14 : memref<!tpu.dma_semaphore, #tpu.memory_space<semaphore_mem>>) src(%dma_wait3A_2213 : memref<400000xf32, #tpu.memory_space<vmem_shared>>) dst(%dma_wait3A_2209 : memref<128xf32, #tpu.memory_space<vmem>>)
      %dma_wait3A_2214 = arith.constant 13 : i32
      %dma_wait3A_2215 = arith.constant 0 : i32
      %dma_wait3A_2216 = tpu.memref_slice %arg8[%dma_wait3A_2214, %dma_wait3A_2215] : memref<16x1024xf32, #tpu.memory_space<vmem>> -> memref<1x128xf32, #tpu.memory_space<vmem>>
      %dma_wait3A_2217 = tpu.memref_squeeze %dma_wait3A_2216 : memref<1x128xf32, #tpu.memory_space<vmem>> -> memref<128xf32, #tpu.memory_space<vmem>>
      %dma_wait3A_2218 = arith.constant 1024 : i32
      %dma_wait3A_2219 = tpu.memref_slice %arg7[%dma_wait3A_2218] : memref<4096xi32, #tpu.memory_space<vmem>> -> memref<128xi32, #tpu.memory_space<vmem>>
      %dma_wait3A_2220 = arith.constant 0 : i32
      %dma_wait3A_2221 = tpu.memref_slice %arg10[%dma_wait3A_2220] : memref<400000xf32, #tpu.memory_space<vmem_shared>> -> memref<400000xf32, #tpu.memory_space<vmem_shared>>
      tpu.wait_indirect_dma semaphore(%arg14 : memref<!tpu.dma_semaphore, #tpu.memory_space<semaphore_mem>>) src(%dma_wait3A_2221 : memref<400000xf32, #tpu.memory_space<vmem_shared>>) dst(%dma_wait3A_2217 : memref<128xf32, #tpu.memory_space<vmem>>)
      %dma_wait3A_2222 = arith.constant 13 : i32
      %dma_wait3A_2223 = arith.constant 128 : i32
      %dma_wait3A_2224 = tpu.memref_slice %arg8[%dma_wait3A_2222, %dma_wait3A_2223] : memref<16x1024xf32, #tpu.memory_space<vmem>> -> memref<1x128xf32, #tpu.memory_space<vmem>>
      %dma_wait3A_2225 = tpu.memref_squeeze %dma_wait3A_2224 : memref<1x128xf32, #tpu.memory_space<vmem>> -> memref<128xf32, #tpu.memory_space<vmem>>
      %dma_wait3A_2226 = arith.constant 1152 : i32
      %dma_wait3A_2227 = tpu.memref_slice %arg7[%dma_wait3A_2226] : memref<4096xi32, #tpu.memory_space<vmem>> -> memref<128xi32, #tpu.memory_space<vmem>>
      %dma_wait3A_2228 = arith.constant 0 : i32
      %dma_wait3A_2229 = tpu.memref_slice %arg10[%dma_wait3A_2228] : memref<400000xf32, #tpu.memory_space<vmem_shared>> -> memref<400000xf32, #tpu.memory_space<vmem_shared>>
      tpu.wait_indirect_dma semaphore(%arg14 : memref<!tpu.dma_semaphore, #tpu.memory_space<semaphore_mem>>) src(%dma_wait3A_2229 : memref<400000xf32, #tpu.memory_space<vmem_shared>>) dst(%dma_wait3A_2225 : memref<128xf32, #tpu.memory_space<vmem>>)
      %dma_wait3A_2230 = arith.constant 13 : i32
      %dma_wait3A_2231 = arith.constant 256 : i32
      %dma_wait3A_2232 = tpu.memref_slice %arg8[%dma_wait3A_2230, %dma_wait3A_2231] : memref<16x1024xf32, #tpu.memory_space<vmem>> -> memref<1x128xf32, #tpu.memory_space<vmem>>
      %dma_wait3A_2233 = tpu.memref_squeeze %dma_wait3A_2232 : memref<1x128xf32, #tpu.memory_space<vmem>> -> memref<128xf32, #tpu.memory_space<vmem>>
      %dma_wait3A_2234 = arith.constant 1280 : i32
      %dma_wait3A_2235 = tpu.memref_slice %arg7[%dma_wait3A_2234] : memref<4096xi32, #tpu.memory_space<vmem>> -> memref<128xi32, #tpu.memory_space<vmem>>
      %dma_wait3A_2236 = arith.constant 0 : i32
      %dma_wait3A_2237 = tpu.memref_slice %arg10[%dma_wait3A_2236] : memref<400000xf32, #tpu.memory_space<vmem_shared>> -> memref<400000xf32, #tpu.memory_space<vmem_shared>>
      tpu.wait_indirect_dma semaphore(%arg14 : memref<!tpu.dma_semaphore, #tpu.memory_space<semaphore_mem>>) src(%dma_wait3A_2237 : memref<400000xf32, #tpu.memory_space<vmem_shared>>) dst(%dma_wait3A_2233 : memref<128xf32, #tpu.memory_space<vmem>>)
      %dma_wait3A_2238 = arith.constant 13 : i32
      %dma_wait3A_2239 = arith.constant 384 : i32
      %dma_wait3A_2240 = tpu.memref_slice %arg8[%dma_wait3A_2238, %dma_wait3A_2239] : memref<16x1024xf32, #tpu.memory_space<vmem>> -> memref<1x128xf32, #tpu.memory_space<vmem>>
      %dma_wait3A_2241 = tpu.memref_squeeze %dma_wait3A_2240 : memref<1x128xf32, #tpu.memory_space<vmem>> -> memref<128xf32, #tpu.memory_space<vmem>>
      %dma_wait3A_2242 = arith.constant 1408 : i32
      %dma_wait3A_2243 = tpu.memref_slice %arg7[%dma_wait3A_2242] : memref<4096xi32, #tpu.memory_space<vmem>> -> memref<128xi32, #tpu.memory_space<vmem>>
      %dma_wait3A_2244 = arith.constant 0 : i32
      %dma_wait3A_2245 = tpu.memref_slice %arg10[%dma_wait3A_2244] : memref<400000xf32, #tpu.memory_space<vmem_shared>> -> memref<400000xf32, #tpu.memory_space<vmem_shared>>
      tpu.wait_indirect_dma semaphore(%arg14 : memref<!tpu.dma_semaphore, #tpu.memory_space<semaphore_mem>>) src(%dma_wait3A_2245 : memref<400000xf32, #tpu.memory_space<vmem_shared>>) dst(%dma_wait3A_2241 : memref<128xf32, #tpu.memory_space<vmem>>)
      %dma_wait3A_2246 = arith.constant 13 : i32
      %dma_wait3A_2247 = arith.constant 512 : i32
      %dma_wait3A_2248 = tpu.memref_slice %arg8[%dma_wait3A_2246, %dma_wait3A_2247] : memref<16x1024xf32, #tpu.memory_space<vmem>> -> memref<1x128xf32, #tpu.memory_space<vmem>>
      %dma_wait3A_2249 = tpu.memref_squeeze %dma_wait3A_2248 : memref<1x128xf32, #tpu.memory_space<vmem>> -> memref<128xf32, #tpu.memory_space<vmem>>
      %dma_wait3A_2250 = arith.constant 1536 : i32
      %dma_wait3A_2251 = tpu.memref_slice %arg7[%dma_wait3A_2250] : memref<4096xi32, #tpu.memory_space<vmem>> -> memref<128xi32, #tpu.memory_space<vmem>>
      %dma_wait3A_2252 = arith.constant 0 : i32
      %dma_wait3A_2253 = tpu.memref_slice %arg10[%dma_wait3A_2252] : memref<400000xf32, #tpu.memory_space<vmem_shared>> -> memref<400000xf32, #tpu.memory_space<vmem_shared>>
      tpu.wait_indirect_dma semaphore(%arg14 : memref<!tpu.dma_semaphore, #tpu.memory_space<semaphore_mem>>) src(%dma_wait3A_2253 : memref<400000xf32, #tpu.memory_space<vmem_shared>>) dst(%dma_wait3A_2249 : memref<128xf32, #tpu.memory_space<vmem>>)
      %dma_wait3A_2254 = arith.constant 13 : i32
      %dma_wait3A_2255 = arith.constant 640 : i32
      %dma_wait3A_2256 = tpu.memref_slice %arg8[%dma_wait3A_2254, %dma_wait3A_2255] : memref<16x1024xf32, #tpu.memory_space<vmem>> -> memref<1x128xf32, #tpu.memory_space<vmem>>
      %dma_wait3A_2257 = tpu.memref_squeeze %dma_wait3A_2256 : memref<1x128xf32, #tpu.memory_space<vmem>> -> memref<128xf32, #tpu.memory_space<vmem>>
      %dma_wait3A_2258 = arith.constant 1664 : i32
      %dma_wait3A_2259 = tpu.memref_slice %arg7[%dma_wait3A_2258] : memref<4096xi32, #tpu.memory_space<vmem>> -> memref<128xi32, #tpu.memory_space<vmem>>
      %dma_wait3A_2260 = arith.constant 0 : i32
      %dma_wait3A_2261 = tpu.memref_slice %arg10[%dma_wait3A_2260] : memref<400000xf32, #tpu.memory_space<vmem_shared>> -> memref<400000xf32, #tpu.memory_space<vmem_shared>>
      tpu.wait_indirect_dma semaphore(%arg14 : memref<!tpu.dma_semaphore, #tpu.memory_space<semaphore_mem>>) src(%dma_wait3A_2261 : memref<400000xf32, #tpu.memory_space<vmem_shared>>) dst(%dma_wait3A_2257 : memref<128xf32, #tpu.memory_space<vmem>>)
      %dma_wait3A_2262 = arith.constant 13 : i32
      %dma_wait3A_2263 = arith.constant 768 : i32
      %dma_wait3A_2264 = tpu.memref_slice %arg8[%dma_wait3A_2262, %dma_wait3A_2263] : memref<16x1024xf32, #tpu.memory_space<vmem>> -> memref<1x128xf32, #tpu.memory_space<vmem>>
      %dma_wait3A_2265 = tpu.memref_squeeze %dma_wait3A_2264 : memref<1x128xf32, #tpu.memory_space<vmem>> -> memref<128xf32, #tpu.memory_space<vmem>>
      %dma_wait3A_2266 = arith.constant 1792 : i32
      %dma_wait3A_2267 = tpu.memref_slice %arg7[%dma_wait3A_2266] : memref<4096xi32, #tpu.memory_space<vmem>> -> memref<128xi32, #tpu.memory_space<vmem>>
      %dma_wait3A_2268 = arith.constant 0 : i32
      %dma_wait3A_2269 = tpu.memref_slice %arg10[%dma_wait3A_2268] : memref<400000xf32, #tpu.memory_space<vmem_shared>> -> memref<400000xf32, #tpu.memory_space<vmem_shared>>
      tpu.wait_indirect_dma semaphore(%arg14 : memref<!tpu.dma_semaphore, #tpu.memory_space<semaphore_mem>>) src(%dma_wait3A_2269 : memref<400000xf32, #tpu.memory_space<vmem_shared>>) dst(%dma_wait3A_2265 : memref<128xf32, #tpu.memory_space<vmem>>)
      %dma_wait3A_2270 = arith.constant 13 : i32
      %dma_wait3A_2271 = arith.constant 896 : i32
      %dma_wait3A_2272 = tpu.memref_slice %arg8[%dma_wait3A_2270, %dma_wait3A_2271] : memref<16x1024xf32, #tpu.memory_space<vmem>> -> memref<1x128xf32, #tpu.memory_space<vmem>>
      %dma_wait3A_2273 = tpu.memref_squeeze %dma_wait3A_2272 : memref<1x128xf32, #tpu.memory_space<vmem>> -> memref<128xf32, #tpu.memory_space<vmem>>
      %dma_wait3A_2274 = arith.constant 1920 : i32
      %dma_wait3A_2275 = tpu.memref_slice %arg7[%dma_wait3A_2274] : memref<4096xi32, #tpu.memory_space<vmem>> -> memref<128xi32, #tpu.memory_space<vmem>>
      %dma_wait3A_2276 = arith.constant 0 : i32
      %dma_wait3A_2277 = tpu.memref_slice %arg10[%dma_wait3A_2276] : memref<400000xf32, #tpu.memory_space<vmem_shared>> -> memref<400000xf32, #tpu.memory_space<vmem_shared>>
      tpu.wait_indirect_dma semaphore(%arg14 : memref<!tpu.dma_semaphore, #tpu.memory_space<semaphore_mem>>) src(%dma_wait3A_2277 : memref<400000xf32, #tpu.memory_space<vmem_shared>>) dst(%dma_wait3A_2273 : memref<128xf32, #tpu.memory_space<vmem>>)
      %dma_wait3A_2278 = arith.constant 14 : i32
      %dma_wait3A_2279 = arith.constant 0 : i32
      %dma_wait3A_2280 = tpu.memref_slice %arg8[%dma_wait3A_2278, %dma_wait3A_2279] : memref<16x1024xf32, #tpu.memory_space<vmem>> -> memref<1x128xf32, #tpu.memory_space<vmem>>
      %dma_wait3A_2281 = tpu.memref_squeeze %dma_wait3A_2280 : memref<1x128xf32, #tpu.memory_space<vmem>> -> memref<128xf32, #tpu.memory_space<vmem>>
      %dma_wait3A_2282 = arith.constant 2048 : i32
      %dma_wait3A_2283 = tpu.memref_slice %arg7[%dma_wait3A_2282] : memref<4096xi32, #tpu.memory_space<vmem>> -> memref<128xi32, #tpu.memory_space<vmem>>
      %dma_wait3A_2284 = arith.constant 0 : i32
      %dma_wait3A_2285 = tpu.memref_slice %arg10[%dma_wait3A_2284] : memref<400000xf32, #tpu.memory_space<vmem_shared>> -> memref<400000xf32, #tpu.memory_space<vmem_shared>>
      tpu.wait_indirect_dma semaphore(%arg14 : memref<!tpu.dma_semaphore, #tpu.memory_space<semaphore_mem>>) src(%dma_wait3A_2285 : memref<400000xf32, #tpu.memory_space<vmem_shared>>) dst(%dma_wait3A_2281 : memref<128xf32, #tpu.memory_space<vmem>>)
      %dma_wait3A_2286 = arith.constant 14 : i32
      %dma_wait3A_2287 = arith.constant 128 : i32
      %dma_wait3A_2288 = tpu.memref_slice %arg8[%dma_wait3A_2286, %dma_wait3A_2287] : memref<16x1024xf32, #tpu.memory_space<vmem>> -> memref<1x128xf32, #tpu.memory_space<vmem>>
      %dma_wait3A_2289 = tpu.memref_squeeze %dma_wait3A_2288 : memref<1x128xf32, #tpu.memory_space<vmem>> -> memref<128xf32, #tpu.memory_space<vmem>>
      %dma_wait3A_2290 = arith.constant 2176 : i32
      %dma_wait3A_2291 = tpu.memref_slice %arg7[%dma_wait3A_2290] : memref<4096xi32, #tpu.memory_space<vmem>> -> memref<128xi32, #tpu.memory_space<vmem>>
      %dma_wait3A_2292 = arith.constant 0 : i32
      %dma_wait3A_2293 = tpu.memref_slice %arg10[%dma_wait3A_2292] : memref<400000xf32, #tpu.memory_space<vmem_shared>> -> memref<400000xf32, #tpu.memory_space<vmem_shared>>
      tpu.wait_indirect_dma semaphore(%arg14 : memref<!tpu.dma_semaphore, #tpu.memory_space<semaphore_mem>>) src(%dma_wait3A_2293 : memref<400000xf32, #tpu.memory_space<vmem_shared>>) dst(%dma_wait3A_2289 : memref<128xf32, #tpu.memory_space<vmem>>)
      %dma_wait3A_2294 = arith.constant 14 : i32
      %dma_wait3A_2295 = arith.constant 256 : i32
      %dma_wait3A_2296 = tpu.memref_slice %arg8[%dma_wait3A_2294, %dma_wait3A_2295] : memref<16x1024xf32, #tpu.memory_space<vmem>> -> memref<1x128xf32, #tpu.memory_space<vmem>>
      %dma_wait3A_2297 = tpu.memref_squeeze %dma_wait3A_2296 : memref<1x128xf32, #tpu.memory_space<vmem>> -> memref<128xf32, #tpu.memory_space<vmem>>
      %dma_wait3A_2298 = arith.constant 2304 : i32
      %dma_wait3A_2299 = tpu.memref_slice %arg7[%dma_wait3A_2298] : memref<4096xi32, #tpu.memory_space<vmem>> -> memref<128xi32, #tpu.memory_space<vmem>>
      %dma_wait3A_2300 = arith.constant 0 : i32
      %dma_wait3A_2301 = tpu.memref_slice %arg10[%dma_wait3A_2300] : memref<400000xf32, #tpu.memory_space<vmem_shared>> -> memref<400000xf32, #tpu.memory_space<vmem_shared>>
      tpu.wait_indirect_dma semaphore(%arg14 : memref<!tpu.dma_semaphore, #tpu.memory_space<semaphore_mem>>) src(%dma_wait3A_2301 : memref<400000xf32, #tpu.memory_space<vmem_shared>>) dst(%dma_wait3A_2297 : memref<128xf32, #tpu.memory_space<vmem>>)
      %dma_wait3A_2302 = arith.constant 14 : i32
      %dma_wait3A_2303 = arith.constant 384 : i32
      %dma_wait3A_2304 = tpu.memref_slice %arg8[%dma_wait3A_2302, %dma_wait3A_2303] : memref<16x1024xf32, #tpu.memory_space<vmem>> -> memref<1x128xf32, #tpu.memory_space<vmem>>
      %dma_wait3A_2305 = tpu.memref_squeeze %dma_wait3A_2304 : memref<1x128xf32, #tpu.memory_space<vmem>> -> memref<128xf32, #tpu.memory_space<vmem>>
      %dma_wait3A_2306 = arith.constant 2432 : i32
      %dma_wait3A_2307 = tpu.memref_slice %arg7[%dma_wait3A_2306] : memref<4096xi32, #tpu.memory_space<vmem>> -> memref<128xi32, #tpu.memory_space<vmem>>
      %dma_wait3A_2308 = arith.constant 0 : i32
      %dma_wait3A_2309 = tpu.memref_slice %arg10[%dma_wait3A_2308] : memref<400000xf32, #tpu.memory_space<vmem_shared>> -> memref<400000xf32, #tpu.memory_space<vmem_shared>>
      tpu.wait_indirect_dma semaphore(%arg14 : memref<!tpu.dma_semaphore, #tpu.memory_space<semaphore_mem>>) src(%dma_wait3A_2309 : memref<400000xf32, #tpu.memory_space<vmem_shared>>) dst(%dma_wait3A_2305 : memref<128xf32, #tpu.memory_space<vmem>>)
      %dma_wait3A_2310 = arith.constant 14 : i32
      %dma_wait3A_2311 = arith.constant 512 : i32
      %dma_wait3A_2312 = tpu.memref_slice %arg8[%dma_wait3A_2310, %dma_wait3A_2311] : memref<16x1024xf32, #tpu.memory_space<vmem>> -> memref<1x128xf32, #tpu.memory_space<vmem>>
      %dma_wait3A_2313 = tpu.memref_squeeze %dma_wait3A_2312 : memref<1x128xf32, #tpu.memory_space<vmem>> -> memref<128xf32, #tpu.memory_space<vmem>>
      %dma_wait3A_2314 = arith.constant 2560 : i32
      %dma_wait3A_2315 = tpu.memref_slice %arg7[%dma_wait3A_2314] : memref<4096xi32, #tpu.memory_space<vmem>> -> memref<128xi32, #tpu.memory_space<vmem>>
      %dma_wait3A_2316 = arith.constant 0 : i32
      %dma_wait3A_2317 = tpu.memref_slice %arg10[%dma_wait3A_2316] : memref<400000xf32, #tpu.memory_space<vmem_shared>> -> memref<400000xf32, #tpu.memory_space<vmem_shared>>
      tpu.wait_indirect_dma semaphore(%arg14 : memref<!tpu.dma_semaphore, #tpu.memory_space<semaphore_mem>>) src(%dma_wait3A_2317 : memref<400000xf32, #tpu.memory_space<vmem_shared>>) dst(%dma_wait3A_2313 : memref<128xf32, #tpu.memory_space<vmem>>)
      %dma_wait3A_2318 = arith.constant 14 : i32
      %dma_wait3A_2319 = arith.constant 640 : i32
      %dma_wait3A_2320 = tpu.memref_slice %arg8[%dma_wait3A_2318, %dma_wait3A_2319] : memref<16x1024xf32, #tpu.memory_space<vmem>> -> memref<1x128xf32, #tpu.memory_space<vmem>>
      %dma_wait3A_2321 = tpu.memref_squeeze %dma_wait3A_2320 : memref<1x128xf32, #tpu.memory_space<vmem>> -> memref<128xf32, #tpu.memory_space<vmem>>
      %dma_wait3A_2322 = arith.constant 2688 : i32
      %dma_wait3A_2323 = tpu.memref_slice %arg7[%dma_wait3A_2322] : memref<4096xi32, #tpu.memory_space<vmem>> -> memref<128xi32, #tpu.memory_space<vmem>>
      %dma_wait3A_2324 = arith.constant 0 : i32
      %dma_wait3A_2325 = tpu.memref_slice %arg10[%dma_wait3A_2324] : memref<400000xf32, #tpu.memory_space<vmem_shared>> -> memref<400000xf32, #tpu.memory_space<vmem_shared>>
      tpu.wait_indirect_dma semaphore(%arg14 : memref<!tpu.dma_semaphore, #tpu.memory_space<semaphore_mem>>) src(%dma_wait3A_2325 : memref<400000xf32, #tpu.memory_space<vmem_shared>>) dst(%dma_wait3A_2321 : memref<128xf32, #tpu.memory_space<vmem>>)
      %dma_wait3A_2326 = arith.constant 14 : i32
      %dma_wait3A_2327 = arith.constant 768 : i32
      %dma_wait3A_2328 = tpu.memref_slice %arg8[%dma_wait3A_2326, %dma_wait3A_2327] : memref<16x1024xf32, #tpu.memory_space<vmem>> -> memref<1x128xf32, #tpu.memory_space<vmem>>
      %dma_wait3A_2329 = tpu.memref_squeeze %dma_wait3A_2328 : memref<1x128xf32, #tpu.memory_space<vmem>> -> memref<128xf32, #tpu.memory_space<vmem>>
      %dma_wait3A_2330 = arith.constant 2816 : i32
      %dma_wait3A_2331 = tpu.memref_slice %arg7[%dma_wait3A_2330] : memref<4096xi32, #tpu.memory_space<vmem>> -> memref<128xi32, #tpu.memory_space<vmem>>
      %dma_wait3A_2332 = arith.constant 0 : i32
      %dma_wait3A_2333 = tpu.memref_slice %arg10[%dma_wait3A_2332] : memref<400000xf32, #tpu.memory_space<vmem_shared>> -> memref<400000xf32, #tpu.memory_space<vmem_shared>>
      tpu.wait_indirect_dma semaphore(%arg14 : memref<!tpu.dma_semaphore, #tpu.memory_space<semaphore_mem>>) src(%dma_wait3A_2333 : memref<400000xf32, #tpu.memory_space<vmem_shared>>) dst(%dma_wait3A_2329 : memref<128xf32, #tpu.memory_space<vmem>>)
      %dma_wait3A_2334 = arith.constant 14 : i32
      %dma_wait3A_2335 = arith.constant 896 : i32
      %dma_wait3A_2336 = tpu.memref_slice %arg8[%dma_wait3A_2334, %dma_wait3A_2335] : memref<16x1024xf32, #tpu.memory_space<vmem>> -> memref<1x128xf32, #tpu.memory_space<vmem>>
      %dma_wait3A_2337 = tpu.memref_squeeze %dma_wait3A_2336 : memref<1x128xf32, #tpu.memory_space<vmem>> -> memref<128xf32, #tpu.memory_space<vmem>>
      %dma_wait3A_2338 = arith.constant 2944 : i32
      %dma_wait3A_2339 = tpu.memref_slice %arg7[%dma_wait3A_2338] : memref<4096xi32, #tpu.memory_space<vmem>> -> memref<128xi32, #tpu.memory_space<vmem>>
      %dma_wait3A_2340 = arith.constant 0 : i32
      %dma_wait3A_2341 = tpu.memref_slice %arg10[%dma_wait3A_2340] : memref<400000xf32, #tpu.memory_space<vmem_shared>> -> memref<400000xf32, #tpu.memory_space<vmem_shared>>
      tpu.wait_indirect_dma semaphore(%arg14 : memref<!tpu.dma_semaphore, #tpu.memory_space<semaphore_mem>>) src(%dma_wait3A_2341 : memref<400000xf32, #tpu.memory_space<vmem_shared>>) dst(%dma_wait3A_2337 : memref<128xf32, #tpu.memory_space<vmem>>)
      %dma_wait3A_2342 = arith.constant 15 : i32
      %dma_wait3A_2343 = arith.constant 0 : i32
      %dma_wait3A_2344 = tpu.memref_slice %arg8[%dma_wait3A_2342, %dma_wait3A_2343] : memref<16x1024xf32, #tpu.memory_space<vmem>> -> memref<1x128xf32, #tpu.memory_space<vmem>>
      %dma_wait3A_2345 = tpu.memref_squeeze %dma_wait3A_2344 : memref<1x128xf32, #tpu.memory_space<vmem>> -> memref<128xf32, #tpu.memory_space<vmem>>
      %dma_wait3A_2346 = arith.constant 3072 : i32
      %dma_wait3A_2347 = tpu.memref_slice %arg7[%dma_wait3A_2346] : memref<4096xi32, #tpu.memory_space<vmem>> -> memref<128xi32, #tpu.memory_space<vmem>>
      %dma_wait3A_2348 = arith.constant 0 : i32
      %dma_wait3A_2349 = tpu.memref_slice %arg10[%dma_wait3A_2348] : memref<400000xf32, #tpu.memory_space<vmem_shared>> -> memref<400000xf32, #tpu.memory_space<vmem_shared>>
      tpu.wait_indirect_dma semaphore(%arg14 : memref<!tpu.dma_semaphore, #tpu.memory_space<semaphore_mem>>) src(%dma_wait3A_2349 : memref<400000xf32, #tpu.memory_space<vmem_shared>>) dst(%dma_wait3A_2345 : memref<128xf32, #tpu.memory_space<vmem>>)
      %dma_wait3A_2350 = arith.constant 15 : i32
      %dma_wait3A_2351 = arith.constant 128 : i32
      %dma_wait3A_2352 = tpu.memref_slice %arg8[%dma_wait3A_2350, %dma_wait3A_2351] : memref<16x1024xf32, #tpu.memory_space<vmem>> -> memref<1x128xf32, #tpu.memory_space<vmem>>
      %dma_wait3A_2353 = tpu.memref_squeeze %dma_wait3A_2352 : memref<1x128xf32, #tpu.memory_space<vmem>> -> memref<128xf32, #tpu.memory_space<vmem>>
      %dma_wait3A_2354 = arith.constant 3200 : i32
      %dma_wait3A_2355 = tpu.memref_slice %arg7[%dma_wait3A_2354] : memref<4096xi32, #tpu.memory_space<vmem>> -> memref<128xi32, #tpu.memory_space<vmem>>
      %dma_wait3A_2356 = arith.constant 0 : i32
      %dma_wait3A_2357 = tpu.memref_slice %arg10[%dma_wait3A_2356] : memref<400000xf32, #tpu.memory_space<vmem_shared>> -> memref<400000xf32, #tpu.memory_space<vmem_shared>>
      tpu.wait_indirect_dma semaphore(%arg14 : memref<!tpu.dma_semaphore, #tpu.memory_space<semaphore_mem>>) src(%dma_wait3A_2357 : memref<400000xf32, #tpu.memory_space<vmem_shared>>) dst(%dma_wait3A_2353 : memref<128xf32, #tpu.memory_space<vmem>>)
      %dma_wait3A_2358 = arith.constant 15 : i32
      %dma_wait3A_2359 = arith.constant 256 : i32
      %dma_wait3A_2360 = tpu.memref_slice %arg8[%dma_wait3A_2358, %dma_wait3A_2359] : memref<16x1024xf32, #tpu.memory_space<vmem>> -> memref<1x128xf32, #tpu.memory_space<vmem>>
      %dma_wait3A_2361 = tpu.memref_squeeze %dma_wait3A_2360 : memref<1x128xf32, #tpu.memory_space<vmem>> -> memref<128xf32, #tpu.memory_space<vmem>>
      %dma_wait3A_2362 = arith.constant 3328 : i32
      %dma_wait3A_2363 = tpu.memref_slice %arg7[%dma_wait3A_2362] : memref<4096xi32, #tpu.memory_space<vmem>> -> memref<128xi32, #tpu.memory_space<vmem>>
      %dma_wait3A_2364 = arith.constant 0 : i32
      %dma_wait3A_2365 = tpu.memref_slice %arg10[%dma_wait3A_2364] : memref<400000xf32, #tpu.memory_space<vmem_shared>> -> memref<400000xf32, #tpu.memory_space<vmem_shared>>
      tpu.wait_indirect_dma semaphore(%arg14 : memref<!tpu.dma_semaphore, #tpu.memory_space<semaphore_mem>>) src(%dma_wait3A_2365 : memref<400000xf32, #tpu.memory_space<vmem_shared>>) dst(%dma_wait3A_2361 : memref<128xf32, #tpu.memory_space<vmem>>)
      %dma_wait3A_2366 = arith.constant 15 : i32
      %dma_wait3A_2367 = arith.constant 384 : i32
      %dma_wait3A_2368 = tpu.memref_slice %arg8[%dma_wait3A_2366, %dma_wait3A_2367] : memref<16x1024xf32, #tpu.memory_space<vmem>> -> memref<1x128xf32, #tpu.memory_space<vmem>>
      %dma_wait3A_2369 = tpu.memref_squeeze %dma_wait3A_2368 : memref<1x128xf32, #tpu.memory_space<vmem>> -> memref<128xf32, #tpu.memory_space<vmem>>
      %dma_wait3A_2370 = arith.constant 3456 : i32
      %dma_wait3A_2371 = tpu.memref_slice %arg7[%dma_wait3A_2370] : memref<4096xi32, #tpu.memory_space<vmem>> -> memref<128xi32, #tpu.memory_space<vmem>>
      %dma_wait3A_2372 = arith.constant 0 : i32
      %dma_wait3A_2373 = tpu.memref_slice %arg10[%dma_wait3A_2372] : memref<400000xf32, #tpu.memory_space<vmem_shared>> -> memref<400000xf32, #tpu.memory_space<vmem_shared>>
      tpu.wait_indirect_dma semaphore(%arg14 : memref<!tpu.dma_semaphore, #tpu.memory_space<semaphore_mem>>) src(%dma_wait3A_2373 : memref<400000xf32, #tpu.memory_space<vmem_shared>>) dst(%dma_wait3A_2369 : memref<128xf32, #tpu.memory_space<vmem>>)
      %dma_wait3A_2374 = arith.constant 15 : i32
      %dma_wait3A_2375 = arith.constant 512 : i32
      %dma_wait3A_2376 = tpu.memref_slice %arg8[%dma_wait3A_2374, %dma_wait3A_2375] : memref<16x1024xf32, #tpu.memory_space<vmem>> -> memref<1x128xf32, #tpu.memory_space<vmem>>
      %dma_wait3A_2377 = tpu.memref_squeeze %dma_wait3A_2376 : memref<1x128xf32, #tpu.memory_space<vmem>> -> memref<128xf32, #tpu.memory_space<vmem>>
      %dma_wait3A_2378 = arith.constant 3584 : i32
      %dma_wait3A_2379 = tpu.memref_slice %arg7[%dma_wait3A_2378] : memref<4096xi32, #tpu.memory_space<vmem>> -> memref<128xi32, #tpu.memory_space<vmem>>
      %dma_wait3A_2380 = arith.constant 0 : i32
      %dma_wait3A_2381 = tpu.memref_slice %arg10[%dma_wait3A_2380] : memref<400000xf32, #tpu.memory_space<vmem_shared>> -> memref<400000xf32, #tpu.memory_space<vmem_shared>>
      tpu.wait_indirect_dma semaphore(%arg14 : memref<!tpu.dma_semaphore, #tpu.memory_space<semaphore_mem>>) src(%dma_wait3A_2381 : memref<400000xf32, #tpu.memory_space<vmem_shared>>) dst(%dma_wait3A_2377 : memref<128xf32, #tpu.memory_space<vmem>>)
      %dma_wait3A_2382 = arith.constant 15 : i32
      %dma_wait3A_2383 = arith.constant 640 : i32
      %dma_wait3A_2384 = tpu.memref_slice %arg8[%dma_wait3A_2382, %dma_wait3A_2383] : memref<16x1024xf32, #tpu.memory_space<vmem>> -> memref<1x128xf32, #tpu.memory_space<vmem>>
      %dma_wait3A_2385 = tpu.memref_squeeze %dma_wait3A_2384 : memref<1x128xf32, #tpu.memory_space<vmem>> -> memref<128xf32, #tpu.memory_space<vmem>>
      %dma_wait3A_2386 = arith.constant 3712 : i32
      %dma_wait3A_2387 = tpu.memref_slice %arg7[%dma_wait3A_2386] : memref<4096xi32, #tpu.memory_space<vmem>> -> memref<128xi32, #tpu.memory_space<vmem>>
      %dma_wait3A_2388 = arith.constant 0 : i32
      %dma_wait3A_2389 = tpu.memref_slice %arg10[%dma_wait3A_2388] : memref<400000xf32, #tpu.memory_space<vmem_shared>> -> memref<400000xf32, #tpu.memory_space<vmem_shared>>
      tpu.wait_indirect_dma semaphore(%arg14 : memref<!tpu.dma_semaphore, #tpu.memory_space<semaphore_mem>>) src(%dma_wait3A_2389 : memref<400000xf32, #tpu.memory_space<vmem_shared>>) dst(%dma_wait3A_2385 : memref<128xf32, #tpu.memory_space<vmem>>)
      %dma_wait3A_2390 = arith.constant 15 : i32
      %dma_wait3A_2391 = arith.constant 768 : i32
      %dma_wait3A_2392 = tpu.memref_slice %arg8[%dma_wait3A_2390, %dma_wait3A_2391] : memref<16x1024xf32, #tpu.memory_space<vmem>> -> memref<1x128xf32, #tpu.memory_space<vmem>>
      %dma_wait3A_2393 = tpu.memref_squeeze %dma_wait3A_2392 : memref<1x128xf32, #tpu.memory_space<vmem>> -> memref<128xf32, #tpu.memory_space<vmem>>
      %dma_wait3A_2394 = arith.constant 3840 : i32
      %dma_wait3A_2395 = tpu.memref_slice %arg7[%dma_wait3A_2394] : memref<4096xi32, #tpu.memory_space<vmem>> -> memref<128xi32, #tpu.memory_space<vmem>>
      %dma_wait3A_2396 = arith.constant 0 : i32
      %dma_wait3A_2397 = tpu.memref_slice %arg10[%dma_wait3A_2396] : memref<400000xf32, #tpu.memory_space<vmem_shared>> -> memref<400000xf32, #tpu.memory_space<vmem_shared>>
      tpu.wait_indirect_dma semaphore(%arg14 : memref<!tpu.dma_semaphore, #tpu.memory_space<semaphore_mem>>) src(%dma_wait3A_2397 : memref<400000xf32, #tpu.memory_space<vmem_shared>>) dst(%dma_wait3A_2393 : memref<128xf32, #tpu.memory_space<vmem>>)
      %dma_wait3A_2398 = arith.constant 15 : i32
      %dma_wait3A_2399 = arith.constant 896 : i32
      %dma_wait3A_2400 = tpu.memref_slice %arg8[%dma_wait3A_2398, %dma_wait3A_2399] : memref<16x1024xf32, #tpu.memory_space<vmem>> -> memref<1x128xf32, #tpu.memory_space<vmem>>
      %dma_wait3A_2401 = tpu.memref_squeeze %dma_wait3A_2400 : memref<1x128xf32, #tpu.memory_space<vmem>> -> memref<128xf32, #tpu.memory_space<vmem>>
      %dma_wait3A_2402 = arith.constant 3968 : i32
      %dma_wait3A_2403 = tpu.memref_slice %arg7[%dma_wait3A_2402] : memref<4096xi32, #tpu.memory_space<vmem>> -> memref<128xi32, #tpu.memory_space<vmem>>
      %dma_wait3A_2404 = arith.constant 0 : i32
      %dma_wait3A_2405 = tpu.memref_slice %arg10[%dma_wait3A_2404] : memref<400000xf32, #tpu.memory_space<vmem_shared>> -> memref<400000xf32, #tpu.memory_space<vmem_shared>>
      tpu.wait_indirect_dma semaphore(%arg14 : memref<!tpu.dma_semaphore, #tpu.memory_space<semaphore_mem>>) src(%dma_wait3A_2405 : memref<400000xf32, #tpu.memory_space<vmem_shared>>) dst(%dma_wait3A_2401 : memref<128xf32, #tpu.memory_space<vmem>>)
      %barrier3A_2406 = arith.constant 0 : index
      tpu.barrier barrier_id(%barrier3A_2406)
      %add3A_2407 = arith.constant 0 : i32
      %add3A_2408 = arith.addi %add3A_2407, %multiple_of3A : i32
      %dma_start3A_2409 = arith.constant 4 : i32
      %dma_start3A_2410 = tpu.memref_slice %arg10[%add3A_2408] : memref<400000xf32, #tpu.memory_space<vmem_shared>> -> memref<6256xf32, #tpu.memory_space<vmem_shared>>
      %dma_start3A_2411 = tpu.memref_slice %arg4[%min3A_143, %dma_start3A_2409, %multiple_of3A] : memref<26x16x100000xf32, #tpu.memory_space<hbm>> -> memref<1x1x6256xf32, #tpu.memory_space<hbm>>
      %dma_start3A_2412 = tpu.memref_squeeze %dma_start3A_2411 : memref<1x1x6256xf32, #tpu.memory_space<hbm>> -> memref<6256xf32, #tpu.memory_space<hbm>>
      tpu.enqueue_dma source(%dma_start3A_2412 : memref<6256xf32, #tpu.memory_space<hbm>>) target(%dma_start3A_2410 : memref<6256xf32, #tpu.memory_space<vmem_shared>>) target_semaphore(%arg12 : memref<!tpu.dma_semaphore, #tpu.memory_space<semaphore_mem>>)
      %add3A_2413 = arith.constant 100000 : i32
      %add3A_2414 = arith.addi %add3A_2413, %multiple_of3A : i32
      %dma_start3A_2415 = arith.constant 5 : i32
      %dma_start3A_2416 = tpu.memref_slice %arg10[%add3A_2414] : memref<400000xf32, #tpu.memory_space<vmem_shared>> -> memref<6256xf32, #tpu.memory_space<vmem_shared>>
      %dma_start3A_2417 = tpu.memref_slice %arg4[%min3A_143, %dma_start3A_2415, %multiple_of3A] : memref<26x16x100000xf32, #tpu.memory_space<hbm>> -> memref<1x1x6256xf32, #tpu.memory_space<hbm>>
      %dma_start3A_2418 = tpu.memref_squeeze %dma_start3A_2417 : memref<1x1x6256xf32, #tpu.memory_space<hbm>> -> memref<6256xf32, #tpu.memory_space<hbm>>
      tpu.enqueue_dma source(%dma_start3A_2418 : memref<6256xf32, #tpu.memory_space<hbm>>) target(%dma_start3A_2416 : memref<6256xf32, #tpu.memory_space<vmem_shared>>) target_semaphore(%arg12 : memref<!tpu.dma_semaphore, #tpu.memory_space<semaphore_mem>>)
      %add3A_2419 = arith.constant 200000 : i32
      %add3A_2420 = arith.addi %add3A_2419, %multiple_of3A : i32
      %dma_start3A_2421 = arith.constant 6 : i32
      %dma_start3A_2422 = tpu.memref_slice %arg10[%add3A_2420] : memref<400000xf32, #tpu.memory_space<vmem_shared>> -> memref<6256xf32, #tpu.memory_space<vmem_shared>>
      %dma_start3A_2423 = tpu.memref_slice %arg4[%min3A_143, %dma_start3A_2421, %multiple_of3A] : memref<26x16x100000xf32, #tpu.memory_space<hbm>> -> memref<1x1x6256xf32, #tpu.memory_space<hbm>>
      %dma_start3A_2424 = tpu.memref_squeeze %dma_start3A_2423 : memref<1x1x6256xf32, #tpu.memory_space<hbm>> -> memref<6256xf32, #tpu.memory_space<hbm>>
      tpu.enqueue_dma source(%dma_start3A_2424 : memref<6256xf32, #tpu.memory_space<hbm>>) target(%dma_start3A_2422 : memref<6256xf32, #tpu.memory_space<vmem_shared>>) target_semaphore(%arg12 : memref<!tpu.dma_semaphore, #tpu.memory_space<semaphore_mem>>)
      %add3A_2425 = arith.constant 300000 : i32
      %add3A_2426 = arith.addi %add3A_2425, %multiple_of3A : i32
      %dma_start3A_2427 = arith.constant 7 : i32
      %dma_start3A_2428 = tpu.memref_slice %arg10[%add3A_2426] : memref<400000xf32, #tpu.memory_space<vmem_shared>> -> memref<6256xf32, #tpu.memory_space<vmem_shared>>
      %dma_start3A_2429 = tpu.memref_slice %arg4[%min3A_143, %dma_start3A_2427, %multiple_of3A] : memref<26x16x100000xf32, #tpu.memory_space<hbm>> -> memref<1x1x6256xf32, #tpu.memory_space<hbm>>
      %dma_start3A_2430 = tpu.memref_squeeze %dma_start3A_2429 : memref<1x1x6256xf32, #tpu.memory_space<hbm>> -> memref<6256xf32, #tpu.memory_space<hbm>>
      tpu.enqueue_dma source(%dma_start3A_2430 : memref<6256xf32, #tpu.memory_space<hbm>>) target(%dma_start3A_2428 : memref<6256xf32, #tpu.memory_space<vmem_shared>>) target_semaphore(%arg12 : memref<!tpu.dma_semaphore, #tpu.memory_space<semaphore_mem>>)
      %mul3A_2431 = arith.constant 16 : i32
      %mul3A_2432 = arith.muli %add3A_137, %mul3A_2431 : i32
      %add3A_2433 = arith.constant 13 : i32
      %add3A_2434 = arith.addi %add3A_2433, %mul3A_2432 : i32
      %dma_start3A_2435 = tpu.memref_slice %arg5[%add3A_2434, %mul3A_0] : memref<429x16384xf32, #tpu.memory_space<hbm>> -> memref<16x1024xf32, #tpu.memory_space<hbm>>
      %dma_start3A_2436 = tpu.memref_slice %arg5[%add3A_2434, %mul3A_0] : memref<429x16384xf32, #tpu.memory_space<hbm>> -> memref<16x1024xf32, #tpu.memory_space<hbm>>
      tpu.enqueue_dma source(%arg8 : memref<16x1024xf32, #tpu.memory_space<vmem>>) target(%dma_start3A_2436 : memref<16x1024xf32, #tpu.memory_space<hbm>>) target_semaphore(%arg15 : memref<!tpu.dma_semaphore, #tpu.memory_space<semaphore_mem>>)
    }
    %scan3A_67 = arith.constant 13 : i32
    %dma_wait3A = arith.constant 0 : i32
    %dma_wait3A_68 = arith.constant 0 : i32
    %dma_wait3A_69 = arith.constant 0 : i32
    %dma_wait3A_70 = tpu.memref_slice %arg4[%dma_wait3A, %dma_wait3A_68, %dma_wait3A_69] : memref<26x16x100000xf32, #tpu.memory_space<hbm>> -> memref<1x16x1024xf32, #tpu.memory_space<hbm>>
    %dma_wait3A_71 = tpu.memref_squeeze %dma_wait3A_70 : memref<1x16x1024xf32, #tpu.memory_space<hbm>> -> memref<16x1024xf32, #tpu.memory_space<hbm>>
    %dma_wait3A_72 = arith.constant 0 : i32
    %dma_wait3A_73 = arith.constant 0 : i32
    %dma_wait3A_74 = tpu.memref_slice %arg4[%dma_wait3A, %dma_wait3A_72, %dma_wait3A_73] : memref<26x16x100000xf32, #tpu.memory_space<hbm>> -> memref<1x16x1024xf32, #tpu.memory_space<hbm>>
    %dma_wait3A_75 = tpu.memref_squeeze %dma_wait3A_74 : memref<1x16x1024xf32, #tpu.memory_space<hbm>> -> memref<16x1024xf32, #tpu.memory_space<hbm>>
    tpu.wait_dma2 semaphore(%arg15 : memref<!tpu.dma_semaphore, #tpu.memory_space<semaphore_mem>>) src(%dma_wait3A_75 : memref<16x1024xf32, #tpu.memory_space<hbm>>) dst(%arg8 : memref<16x1024xf32, #tpu.memory_space<vmem>>)
    %dma_wait3A_76 = arith.constant 0 : i32
    %dma_wait3A_77 = tpu.memref_slice %arg3[%dma_wait3A_76] : memref<425984xi32, #tpu.memory_space<hbm>> -> memref<1024xi32, #tpu.memory_space<hbm>>
    %dma_wait3A_78 = arith.constant 0 : i32
    %dma_wait3A_79 = tpu.memref_slice %arg3[%dma_wait3A_78] : memref<425984xi32, #tpu.memory_space<hbm>> -> memref<1024xi32, #tpu.memory_space<hbm>>
    tpu.wait_dma2 semaphore(%arg13 : memref<!tpu.dma_semaphore, #tpu.memory_space<semaphore_mem>>) src(%dma_wait3A_79 : memref<1024xi32, #tpu.memory_space<hbm>>) dst(%arg6 : memref<1024xi32, #tpu.memory_space<vmem>>)
    %dma_wait3A_80 = arith.constant 0 : i32
    %dma_wait3A_81 = arith.constant 0 : i32
    %dma_wait3A_82 = arith.constant 0 : i32
    %dma_wait3A_83 = tpu.memref_slice %arg9[%dma_wait3A_82] : memref<400000xf32, #tpu.memory_space<vmem_shared>> -> memref<6256xf32, #tpu.memory_space<vmem_shared>>
    %dma_wait3A_84 = arith.constant 0 : i32
    %dma_wait3A_85 = tpu.memref_slice %arg4[%dma_wait3A_80, %dma_wait3A_81, %dma_wait3A_84] : memref<26x16x100000xf32, #tpu.memory_space<hbm>> -> memref<1x1x6256xf32, #tpu.memory_space<hbm>>
    %dma_wait3A_86 = tpu.memref_squeeze %dma_wait3A_85 : memref<1x1x6256xf32, #tpu.memory_space<hbm>> -> memref<6256xf32, #tpu.memory_space<hbm>>
    tpu.wait_dma2 semaphore(%arg11 : memref<!tpu.dma_semaphore, #tpu.memory_space<semaphore_mem>>) src(%dma_wait3A_86 : memref<6256xf32, #tpu.memory_space<hbm>>) dst(%dma_wait3A_83 : memref<6256xf32, #tpu.memory_space<vmem_shared>>)
    %dma_wait3A_87 = arith.constant 0 : i32
    %dma_wait3A_88 = arith.constant 0 : i32
    %dma_wait3A_89 = arith.constant 0 : i32
    %dma_wait3A_90 = tpu.memref_slice %arg9[%dma_wait3A_89] : memref<400000xf32, #tpu.memory_space<vmem_shared>> -> memref<6256xf32, #tpu.memory_space<vmem_shared>>
    %dma_wait3A_91 = arith.constant 0 : i32
    %dma_wait3A_92 = tpu.memref_slice %arg4[%dma_wait3A_87, %dma_wait3A_88, %dma_wait3A_91] : memref<26x16x100000xf32, #tpu.memory_space<hbm>> -> memref<1x1x6256xf32, #tpu.memory_space<hbm>>
    %dma_wait3A_93 = tpu.memref_squeeze %dma_wait3A_92 : memref<1x1x6256xf32, #tpu.memory_space<hbm>> -> memref<6256xf32, #tpu.memory_space<hbm>>
    tpu.wait_dma2 semaphore(%arg11 : memref<!tpu.dma_semaphore, #tpu.memory_space<semaphore_mem>>) src(%dma_wait3A_93 : memref<6256xf32, #tpu.memory_space<hbm>>) dst(%dma_wait3A_90 : memref<6256xf32, #tpu.memory_space<vmem_shared>>)
    %dma_wait3A_94 = arith.constant 0 : i32
    %dma_wait3A_95 = arith.constant 0 : i32
    %dma_wait3A_96 = arith.constant 0 : i32
    %dma_wait3A_97 = tpu.memref_slice %arg9[%dma_wait3A_96] : memref<400000xf32, #tpu.memory_space<vmem_shared>> -> memref<6256xf32, #tpu.memory_space<vmem_shared>>
    %dma_wait3A_98 = arith.constant 0 : i32
    %dma_wait3A_99 = tpu.memref_slice %arg4[%dma_wait3A_94, %dma_wait3A_95, %dma_wait3A_98] : memref<26x16x100000xf32, #tpu.memory_space<hbm>> -> memref<1x1x6256xf32, #tpu.memory_space<hbm>>
    %dma_wait3A_100 = tpu.memref_squeeze %dma_wait3A_99 : memref<1x1x6256xf32, #tpu.memory_space<hbm>> -> memref<6256xf32, #tpu.memory_space<hbm>>
    tpu.wait_dma2 semaphore(%arg11 : memref<!tpu.dma_semaphore, #tpu.memory_space<semaphore_mem>>) src(%dma_wait3A_100 : memref<6256xf32, #tpu.memory_space<hbm>>) dst(%dma_wait3A_97 : memref<6256xf32, #tpu.memory_space<vmem_shared>>)
    %dma_wait3A_101 = arith.constant 0 : i32
    %dma_wait3A_102 = arith.constant 0 : i32
    %dma_wait3A_103 = arith.constant 0 : i32
    %dma_wait3A_104 = tpu.memref_slice %arg9[%dma_wait3A_103] : memref<400000xf32, #tpu.memory_space<vmem_shared>> -> memref<6256xf32, #tpu.memory_space<vmem_shared>>
    %dma_wait3A_105 = arith.constant 0 : i32
    %dma_wait3A_106 = tpu.memref_slice %arg4[%dma_wait3A_101, %dma_wait3A_102, %dma_wait3A_105] : memref<26x16x100000xf32, #tpu.memory_space<hbm>> -> memref<1x1x6256xf32, #tpu.memory_space<hbm>>
    %dma_wait3A_107 = tpu.memref_squeeze %dma_wait3A_106 : memref<1x1x6256xf32, #tpu.memory_space<hbm>> -> memref<6256xf32, #tpu.memory_space<hbm>>
    tpu.wait_dma2 semaphore(%arg11 : memref<!tpu.dma_semaphore, #tpu.memory_space<semaphore_mem>>) src(%dma_wait3A_107 : memref<6256xf32, #tpu.memory_space<hbm>>) dst(%dma_wait3A_104 : memref<6256xf32, #tpu.memory_space<vmem_shared>>)
    %dma_wait3A_108 = arith.constant 0 : i32
    %dma_wait3A_109 = arith.constant 0 : i32
    %dma_wait3A_110 = arith.constant 0 : i32
    %dma_wait3A_111 = tpu.memref_slice %arg10[%dma_wait3A_110] : memref<400000xf32, #tpu.memory_space<vmem_shared>> -> memref<6256xf32, #tpu.memory_space<vmem_shared>>
    %dma_wait3A_112 = arith.constant 0 : i32
    %dma_wait3A_113 = tpu.memref_slice %arg4[%dma_wait3A_108, %dma_wait3A_109, %dma_wait3A_112] : memref<26x16x100000xf32, #tpu.memory_space<hbm>> -> memref<1x1x6256xf32, #tpu.memory_space<hbm>>
    %dma_wait3A_114 = tpu.memref_squeeze %dma_wait3A_113 : memref<1x1x6256xf32, #tpu.memory_space<hbm>> -> memref<6256xf32, #tpu.memory_space<hbm>>
    tpu.wait_dma2 semaphore(%arg12 : memref<!tpu.dma_semaphore, #tpu.memory_space<semaphore_mem>>) src(%dma_wait3A_114 : memref<6256xf32, #tpu.memory_space<hbm>>) dst(%dma_wait3A_111 : memref<6256xf32, #tpu.memory_space<vmem_shared>>)
    %dma_wait3A_115 = arith.constant 0 : i32
    %dma_wait3A_116 = arith.constant 0 : i32
    %dma_wait3A_117 = arith.constant 0 : i32
    %dma_wait3A_118 = tpu.memref_slice %arg10[%dma_wait3A_117] : memref<400000xf32, #tpu.memory_space<vmem_shared>> -> memref<6256xf32, #tpu.memory_space<vmem_shared>>
    %dma_wait3A_119 = arith.constant 0 : i32
    %dma_wait3A_120 = tpu.memref_slice %arg4[%dma_wait3A_115, %dma_wait3A_116, %dma_wait3A_119] : memref<26x16x100000xf32, #tpu.memory_space<hbm>> -> memref<1x1x6256xf32, #tpu.memory_space<hbm>>
    %dma_wait3A_121 = tpu.memref_squeeze %dma_wait3A_120 : memref<1x1x6256xf32, #tpu.memory_space<hbm>> -> memref<6256xf32, #tpu.memory_space<hbm>>
    tpu.wait_dma2 semaphore(%arg12 : memref<!tpu.dma_semaphore, #tpu.memory_space<semaphore_mem>>) src(%dma_wait3A_121 : memref<6256xf32, #tpu.memory_space<hbm>>) dst(%dma_wait3A_118 : memref<6256xf32, #tpu.memory_space<vmem_shared>>)
    %dma_wait3A_122 = arith.constant 0 : i32
    %dma_wait3A_123 = arith.constant 0 : i32
    %dma_wait3A_124 = arith.constant 0 : i32
    %dma_wait3A_125 = tpu.memref_slice %arg10[%dma_wait3A_124] : memref<400000xf32, #tpu.memory_space<vmem_shared>> -> memref<6256xf32, #tpu.memory_space<vmem_shared>>
    %dma_wait3A_126 = arith.constant 0 : i32
    %dma_wait3A_127 = tpu.memref_slice %arg4[%dma_wait3A_122, %dma_wait3A_123, %dma_wait3A_126] : memref<26x16x100000xf32, #tpu.memory_space<hbm>> -> memref<1x1x6256xf32, #tpu.memory_space<hbm>>
    %dma_wait3A_128 = tpu.memref_squeeze %dma_wait3A_127 : memref<1x1x6256xf32, #tpu.memory_space<hbm>> -> memref<6256xf32, #tpu.memory_space<hbm>>
    tpu.wait_dma2 semaphore(%arg12 : memref<!tpu.dma_semaphore, #tpu.memory_space<semaphore_mem>>) src(%dma_wait3A_128 : memref<6256xf32, #tpu.memory_space<hbm>>) dst(%dma_wait3A_125 : memref<6256xf32, #tpu.memory_space<vmem_shared>>)
    %dma_wait3A_129 = arith.constant 0 : i32
    %dma_wait3A_130 = arith.constant 0 : i32
    %dma_wait3A_131 = arith.constant 0 : i32
    %dma_wait3A_132 = tpu.memref_slice %arg10[%dma_wait3A_131] : memref<400000xf32, #tpu.memory_space<vmem_shared>> -> memref<6256xf32, #tpu.memory_space<vmem_shared>>
    %dma_wait3A_133 = arith.constant 0 : i32
    %dma_wait3A_134 = tpu.memref_slice %arg4[%dma_wait3A_129, %dma_wait3A_130, %dma_wait3A_133] : memref<26x16x100000xf32, #tpu.memory_space<hbm>> -> memref<1x1x6256xf32, #tpu.memory_space<hbm>>
    %dma_wait3A_135 = tpu.memref_squeeze %dma_wait3A_134 : memref<1x1x6256xf32, #tpu.memory_space<hbm>> -> memref<6256xf32, #tpu.memory_space<hbm>>
    tpu.wait_dma2 semaphore(%arg12 : memref<!tpu.dma_semaphore, #tpu.memory_space<semaphore_mem>>) src(%dma_wait3A_135 : memref<6256xf32, #tpu.memory_space<hbm>>) dst(%dma_wait3A_132 : memref<6256xf32, #tpu.memory_space<vmem_shared>>)
    return
  }
}

</mosaic_0001>

<sc_bundles>
// kernel: _run.3.cloned.1.call-start
scs
__scs_entry_jumppad:
0x0: {  	(pc) =	sbr.rel $0x88, $3  }
0x1: {  	(tag) =	ssettag $0x0;
	lr =	simm.s32 $0x1  }
0x2: {  	[smem:$0x3F9E] =	sst lr;
	_ =	strace $0xD0000000  }
0x3: {  	_ = 	snop  }
0x4: {  	_ = 	snop  }
0x5: {  	_ = 	snop  }
0x6: {  	_ = 	snop  }
0x7: {  	_ = 	snop  }
__scs_overlays_trampoline_lowered:
0x8: {  	[smem:$0x3FAD] =	sst s0  }
0x9: {  	[smem:$0x3FAE] =	sst s1  }
0xa: {  	[smem:$0x3FAF] =	sst s2  }
0xb: {  	[smem:$0x3FB0] =	sst s3  }
0xc: {  	[smem:$0x3FB1] =	sst s4  }
0xd: {  	[smem:$0x3FB2] =	sst s5  }
0xe: {  	[smem:$0x3FB3] =	sst s6  }
0xf: {  	[smem:$0x3FB4] =	sst s7  }
0x10: {  	[smem:$0x3FB5] =	sst s8  }
0x11: {  	[smem:$0x3FB6] =	sst s9;
	s0 =	simm.s32 @!p0 $0x0  }
0x12: {  	s1 =	sld [smem:$0x3F9C];
	s0 =	simm.s32 @p0 $0x1  }
0x13: {  	[smem:$0x3FB7] =	sst s0;
	s0 =	simm.s32 @!p1 $0x0  }
0x14: {  	s2 =	sld [smem:$0x3F9B];
	s0 =	simm.s32 @p1 $0x1  }
0x15: {  	[smem:$0x3FB8] =	sst s0;
	s0 =	simm.s32 @!p2 $0x0  }
0x16: {  	s3 =	sld [smem:$0x3FDB];
	s0 =	simm.s32 @p2 $0x1  }
0x17: {  	s4 =	simm.s32 $0x1BF5;
	[smem:$0x3FBA] =	sst s0  }
0x18: {  	s0 =	sld [smem:$0x3F9D];
	_ =	swait.ge [sflag:s4], $0x0  }
0x19: {  	s7 =	sld [smem:$0x3F9E]  }
0x1a: {  	s8 =	sadd.s32 $0xFFFFE003, lr  }
0x1b: {  	s9 =	sadd.s32 $0xFFFFFEF7, lr;
	s5 =	simm.s32 $0xFFFFFFFF;
	p2 =	slt.u32 s8, $0xFFFFF086  }
0x1c: {  	p1 =	slt.u32 s9, $0xF7A;
	s5 =	simm.s32 @!p2 $0x0  }
0x1d: {  	s5 =	simm.s32 @p1 $0x1;
	p0 =	seq.s32 s7, s2  }
0x1e: {  	s7 =	smul.u32 @!p0 $0xF7A, s2;
	p2 =	seq.s32 @!p0 s5, $0x0  }
0x1f: {  	s9 =	smul.u32 $0xF7A, s1;
	s8 =	simm.s32 @!p0 $0x1BF5;
	p2 =	por !p2, p0  }
0x20: {  	[sflag:s8] =	ssyncset.s32 @!p0 $0xFFFFF086;
	s6 =	sadd.s32 @!p0 s3, s7;
	s7 =	simm.s32 @!p0 $0x108  }
0x21: {  	s3 =	sadd.s32 s3, s9;
	s6 =	sadd.s32 @!p0 $0x88, s6;
	s7 =	simm.s32 @p2 $0x1082  }
0x22: {  	[simem:s7], [sflag:s8] =	dma.local @!p0 [hbm:s6], $0xF7A  }
0x23: {  	s9 =	sor.u32 $0xD0000000, s2;
	s6 =	simm.s32 $0x108;
	_ =	swait.ge @!p0 [sflag:s8], $0x0  }
0x24: {  	s3 =	sadd.s32 $0x88, s3;
	s6 =	simm.s32 @!p1 $0x1082;
	[sflag:s4] =	ssyncset.s32 $0xFFFFF086  }
0x25: {  	[simem:s6], [sflag:s4] =	dma.local [hbm:s3], $0xF7A  }
0x26: {  	[smem:$0x3F9E] =	sst s1;
	(tag) =	ssettag s2;
	_ =	strace s9  }
0x27: {  	s1 =	sld [smem:$0x3FAE]  }
0x28: {  	s2 =	sld [smem:$0x3FAF]  }
0x29: {  	s4 =	sld [smem:$0x3FB1]  }
0x2a: {  	p0 =	seq.s32 s5, $0x0;
	s5 =	sld [smem:$0x3FB2]  }
0x2b: {  	s6 =	sld [smem:$0x3FB3]  }
0x2c: {  	s7 =	sld [smem:$0x3FB4]  }
0x2d: {  	s3 =	simm.s32 $0x108;
	s8 =	sld [smem:$0x3FB5]  }
0x2e: {  	s3 =	simm.s32 @!p0 $0x1082;
	s9 =	sld [smem:$0x3FB6]  }
0x2f: {  	lr =	sadd.s32 s0, s3;
	s0 =	sld [smem:$0x3FAD]  }
0x30: {  	s3 =	sld [smem:$0x3FB0]  }
0x31: {  	[smem:$0x3FB9] =	sst s10  }
0x32: {  	s10 =	sld [smem:$0x3FB7];
	_ =	sdelay $0x3  }
0x33: {  	p0 =	seq.s32 s10, $0x1;
	s10 =	sld [smem:$0x3FB9];
	_ =	sdelay $0x3  }
0x34: {  	[smem:$0x3FB9] =	sst s10  }
0x35: {  	s10 =	sld [smem:$0x3FB8];
	_ =	sdelay $0x3  }
0x36: {  	p1 =	seq.s32 s10, $0x1;
	s10 =	sld [smem:$0x3FB9];
	_ =	sdelay $0x3  }
0x37: {  	[smem:$0x3FB9] =	sst s10  }
0x38: {  	s10 =	sld [smem:$0x3FBA]  }
0x39: {  	_ = 	snop;
	(pc) =	sbr.ind lr, $3  }
0x3a: {  	_ = 	snop  }
0x3b: {  	_ = 	snop  }
0x3c: {  	p2 =	seq.s32 s10, $0x1;
	s10 =	sld [smem:$0x3FB9]  }
0x3d: {  	_ =	shalt  }
0x3e: {  	_ =	shalt  }
0x3f: {  	_ =	shalt  }
0x40: {  	_ =	shalt  }
0x41: {  	_ =	shalt  }
0x42: {  	_ =	shalt  }
0x43: {  	_ =	shalt  }
0x44: {  	_ =	shalt  }
0x45: {  	_ =	shalt  }
0x46: {  	_ =	shalt  }
0x47: {  	_ =	shalt  }
0x48: {  	_ =	shalt  }
0x49: {  	_ =	shalt  }
0x4a: {  	_ =	shalt  }
0x4b: {  	_ =	shalt  }
0x4c: {  	_ =	shalt  }
0x4d: {  	_ =	shalt  }
0x4e: {  	_ =	shalt  }
0x4f: {  	_ =	shalt  }
0x50: {  	_ =	shalt  }
0x51: {  	_ =	shalt  }
0x52: {  	_ =	shalt  }
0x53: {  	_ =	shalt  }
0x54: {  	_ =	shalt  }
0x55: {  	_ =	shalt  }
0x56: {  	_ =	shalt  }
0x57: {  	_ =	shalt  }
0x58: {  	_ =	shalt  }
0x59: {  	_ =	shalt  }
0x5a: {  	_ =	shalt  }
0x5b: {  	_ =	shalt  }
0x5c: {  	_ =	shalt  }
0x5d: {  	_ =	shalt  }
0x5e: {  	_ =	shalt  }
0x5f: {  	_ =	shalt  }
0x60: {  	_ =	shalt  }
0x61: {  	_ =	shalt  }
0x62: {  	_ =	shalt  }
0x63: {  	_ =	shalt  }
0x64: {  	_ =	shalt  }
0x65: {  	_ =	shalt  }
0x66: {  	_ =	shalt  }
0x67: {  	_ =	shalt  }
0x68: {  	_ =	shalt  }
0x69: {  	_ =	shalt  }
0x6a: {  	_ =	shalt  }
0x6b: {  	_ =	shalt  }
0x6c: {  	_ =	shalt  }
0x6d: {  	_ =	shalt  }
0x6e: {  	_ =	shalt  }
0x6f: {  	_ =	shalt  }
0x70: {  	_ =	shalt  }
0x71: {  	_ =	shalt  }
0x72: {  	_ =	shalt  }
0x73: {  	_ =	shalt  }
0x74: {  	_ =	shalt  }
0x75: {  	_ =	shalt  }
0x76: {  	_ =	shalt  }
0x77: {  	_ =	shalt  }
0x78: {  	_ =	shalt  }
0x79: {  	_ =	shalt  }
0x7a: {  	_ =	shalt  }
0x7b: {  	_ =	shalt  }
0x7c: {  	_ =	shalt  }
0x7d: {  	_ =	shalt  }
0x7e: {  	_ =	shalt  }
0x7f: {  	_ =	shalt  }
0x80: {  	_ =	shalt  }
0x81: {  	_ =	shalt  }
0x82: {  	_ =	shalt  }
0x83: {  	_ =	shalt  }
0x84: {  	_ =	shalt  }
0x85: {  	_ =	shalt  }
0x86: {  	_ =	shalt  }
0x87: {  	_ =	shalt  }
.Lfunc_end0:
.L_simem_size_0:
called_computation_lowered:
.L_overlay_start_0:
0x88: {  	s2 =	sld [smem:$0x3FD9]  }
0x89: {  	s3 =	sld [smem:$0x3FFE];
	_ =	sdelay $0x1  }
0x8a: {  	s1 =	srdreg.scid  }
0x8b: {  	s0 =	sand.u32 $0x1, s1  }
0x8c: {  	s17 =	sshll.u32 s0, $0xA;
	s2 =	sadd.s32 s3, s2  }
0x8d: {  	s2 =	sadd.s32 s2, s17  }
0x8e: {  	[smem:$0x3FC5] =	sst s2  }
0x8f: {  	_ = 	snop  }
0x90: {  	s2 =	sld [smem:$0x3FC8]  }
0x91: {  	s18 =	sld [smem:$0x3FD0];
	(tm) =	ssettm $0x1  }
0x92: {  	s4 =	sld [smem:$0x3FFB];
	_ =	sdelay $0x3  }
0x93: {  	_ =	strace s4  }
0x94: {  	s4 =	sld [smem:$0x3FFC];
	_ =	sdelay $0x3  }
0x95: {  	_ =	strace s4  }
0x96: {  	s4 =	sld [smem:$0x3FFD];
	_ =	sdelay $0x3  }
0x97: {  	_ =	strace s4  }
0x98: {  	_ =	strace $0x8FFFFFFF  }
0x99: {  	s19 =	sld [smem:$0x3FDB];
	_ =	sdelay $0x1  }
0x9a: {  	s5 =	simm.s32 $_scs_section_size  }
0x9b: {  	s6 =	simm.s32 $_size__tile_overlayer_lowered;
	s7 =	simm.s32 $_tile_overlayer_lowered  }
0x9c: {  	s22 =	simm.s32 $0x1BFF;
	s21 =	sshll.u32 s7, $0x1;
	s4 =	sadd.s32 s5, s19  }
0x9d: {  	s8 =	simm.s32 $0x0;
	s20 =	sshll.u32 s6, $0x1;
	s6 =	sadd.s32 s21, s4  }
0x9e: {  	[timem:s8], [sflag:s22] =	dma.local [hbm:s6], s20  }
0x9f: {  	_ =	swait.ge [sflag:s22], s20  }
0xa0: {  	s5 =	ssub.s32 $0x0, s20;
	[sflag:s22] =	ssyncset.done $0x0  }
0xa1: {  	[sflag:s22] =	ssyncadd.s32 s5;
	_ =	sdelay $0x1  }
0xa2: {  	s23 =	simm.s32 $0x1B8B  }
0xa3: {  	_ =	swait.ge [sflag:s23], $0x1  }
0xa4: {  	[sflag:s23] =	ssyncset.done $0x0  }
0xa5: {  	s25 =	simm.s32 $0x1B8E;
	s24 =	sld [smem:$0x3FFE];
	[sflag:s23] =	ssyncadd.s32 $0xFFFFFFFF  }
0xa6: {  	s26 =	simm.s32 $execute0_lowered;
	[smem:$0x3FD2] =	sst s25  }
0xa7: {  	s6 =	sshll.u32 s26, $0x1;
	_ =	strace $0x80000046;
	[dreg:$0x1] =	wrdreg $0xFFFFFFFF  }
0xa8: {  	s28 =	simm.s32 $_size_execute0_lowered;
	s4 =	sadd.s32 s4, s6;
	[dreg:$0x0] =	wrdreg $0x0  }
0xa9: {  	s6 =	sshll.u32 s28, $0x1;
	[dreg:$0x2] =	wrdreg s4  }
0xaa: {  	[dreg:$0x3] =	wrdreg s6  }
0xab: {  	[dreg:$0x4] =	wrdreg $0xC0  }
0xac: {  	_ =	task [dreg:s8], $0x5FFFF  }
0xad: {  	[dreg:$0x1] =	wrdreg $0xFFFFFFFF  }
0xae: {  	[dreg:$0x0] =	wrdreg $0x60  }
0xaf: {  	[dreg:$0x2] =	wrdreg s18  }
0xb0: {  	[dreg:$0x3] =	wrdreg s2  }
0xb1: {  	[dreg:$0x4] =	wrdreg s24  }
0xb2: {  	[dreg:$0x5] =	wrdreg $0x54000  }
0xb3: {  	[dreg:$0x6] =	wrdreg $0xB5A80  }
0xb4: {  	[dreg:$0x7] =	wrdreg $0x9  }
0xb5: {  	_ =	task.clear_ibuf [dreg:s8], $0x8FFFF;
	_ =	strace $0x90000046  }
0xb6: {  	s29 =	simm.s32 $0x9;
	_ =	strace $0x80000048  }
0xb7: {  	_ =	swait.ge [sflag:s29], $0x1  }
0xb8: {  	[sflag:s29] =	ssyncadd.s32 $0xFFFFFFFF  }
0xb9: {  	_ =	strace $0x90000048  }
0xba: {  	_ =	sfence  }
0xbb: {  	s30 =	sld [smem:$0x0];
	_ =	sdelay $0x2  }
0xbc: {  	s31 =	sshll.u32 s1, $0xD;
	s1 =	sshrl.u32 s1, $0x2  }
0xbd: {  	s3 =	sand.u32 $0x4000, s31;
	s1 =	sadd.s32 s1, s30  }
0xbe: {  	s0 =	sor.u32 s3, s0;
	s1 =	sshll.u32 s1, $0x11  }
0xbf: {  	s0 =	sor.u32 s1, s0  }
0xc0: {  	s0 =	sadd.s32 $0x8F2B, s0  }
0xc1: {  	[sflag:s0] =	ssyncadd.remote.s32 $0x1  }
0xc2: {  	_ =	sfence.sel $0xFFFF  }
0xc3: {  	[dreg:$0x0] =	wrdreg $0xFFFFFFFF;
	(pc) =	sbr.abs _section_cstart, $3  }
0xc4: {  	[dreg:$0x1] =	wrdreg $0xFFFFFFFF  }
0xc5: {  	_ =	task.clear_ibuf [dreg:s8], $0x2FFFF;
	_ =	strace $0x9FFFFFFF  }
0xc6: {  	(tm) =	ssettm $0x7FFFFFFF  }
0xc7: {  	_ =	shalt  }
tec
execute0_lowered:
.L_overlay_start_1:
0x0: {  	(tag) =	ssettag $0x1  }
0x1: {  	s0 =	rddreg [dreg:$0x0]  }
0x2: {  	s11 =	rddreg [dreg:$0x1]  }
0x3: {  	s1 =	rddreg [dreg:$0x2]  }
0x4: {  	s2 =	rddreg [dreg:$0x3]  }
0x5: {  	s3 =	rddreg [dreg:$0x4];
	s4 =	simm.s32 $0x0  }
0x6: {  	s12 =	stileid.u32;
	[smem:$0x7FF] =	sst s4  }
0x7: {  	s13 =	sadd.s32 $0x400, s1;
	s6 =	smul.u32 $0x1870, s12;
	s7 =	sshll.u32 s12, $0x7  }
0x8: {  	s12 =	sshll.u32 s12, $0xA;
	_ =	strace $0x80000047;
	[dreg:$0x6] =	wrdreg s13  }
0x9: {  	s20 =	srdreg.scid;
	s0 =	sadd.s32 s0, s7;
	[dreg:$0x8] =	wrdreg s12  }
0xa: {  	s10 =	sadd.s32 s7, s1;
	s1 =	sadd.s32 $0x4FC600, s1;
	[dreg:$0xa] =	wrdreg s0  }
0xb: {  	s4 =	sand.u32 $0x1, s20;
	s21 =	sadd.s32 $0x4F5E00, s10;
	[dreg:$0x17] =	wrdreg s1  }
0xc: {  	s15 =	smul.u32 $0xD, s4;
	s14 =	smin.u32 s6, $0x16E30;
	[dreg:$0xb] =	wrdreg s21  }
0xd: {  	[dreg:$0x7] =	wrdreg s14  }
0xe: {  	s23 =	sadd.s32 s14, s2;
	s24 =	sadd.s32 $0x186A0, s14;
	[dreg:$0x9] =	wrdreg s15  }
0xf: {  	s28 =	sadd.s32 $0x30D40, s14;
	[dreg:$0xc] =	wrdreg s23;
	s25 =	sadd.s32 s24, s2  }
0x10: {  	s30 =	sadd.s32 $0x493E0, s14;
	s29 =	sadd.s32 s28, s2;
	[dreg:$0xe] =	wrdreg s25  }
0x11: {  	s5 =	ssub.s32 $0x2, s4;
	s17 =	sadd.s32 s30, s2;
	[dreg:$0x10] =	wrdreg s29  }
0x12: {  	s9 =	smul.u32 $0x13D6200, s4;
	s0 =	sadd.s32 s24, s3;
	[dreg:$0x12] =	wrdreg s17  }
0x13: {  	s8 =	sshrl.u32 s5, $0x1;
	s18 =	sadd.s32 s28, s3;
	[dreg:$0x13] =	wrdreg s0  }
0x14: {  	s5 =	ssub.s32 s5, s8;
	s20 =	sadd.s32 s30, s3;
	[dreg:$0x14] =	wrdreg s18  }
0x15: {  	s6 =	sadd.s32 s9, s14;
	s24 =	sadd.s32 s14, s3;
	[dreg:$0x15] =	wrdreg s20  }
0x16: {  	s22 =	sshrl.u32 s6, $0x3;
	s30 =	sadd.s32 $0xC, s15;
	[dreg:$0x1b] =	wrdreg s24  }
0x17: {  	s9 =	sadd.s32 s13, s22;
	s22 =	smax.u32 s5, $0x1;
	[smem:$0x7FD] =	sst s30  }
0x18: {  	[dreg:$0x19] =	wrdreg s22  }
0x19: {  	s31 =	simm.s32 $0x4;
	s26 =	sadd.s32 $0x30D4, s9;
	[dreg:$0xd] =	wrdreg s9  }
0x1a: {  	s13 =	smul.u32 $0x34000, s4;
	s16 =	sadd.s32 $0x61A8, s9;
	[dreg:$0xf] =	wrdreg s26  }
0x1b: {  	s4 =	smul.u32 $0x340000, s4;
	s23 =	sadd.s32 $0x927C, s9;
	[dreg:$0x11] =	wrdreg s16  }
0x1c: {  	s17 =	simm.s32 $0x1;
	s25 =	sadd.s32 $0xC350, s9;
	[dreg:$0x1a] =	wrdreg s23  }
0x1d: {  	s28 =	sadd.s32 $0x124F8, s9;
	s29 =	sadd.s32 $0x155CC, s9;
	[dreg:$0x1c] =	wrdreg s25  }
0x1e: {  	s19 =	sor.u32 s12, s13;
	s4 =	sor.u32 s12, s4;
	[dreg:$0x1e] =	wrdreg s28  }
0x1f: {  	s26 =	sadd.s32 $0xF424, s9;
	[dreg:$0x1f] =	wrdreg s29;
	s0 =	sshrl.u32 s19, $0x3  }
0x20: {  	s21 =	sshrl.u32 s4, $0x3;
	[dreg:$0x1d] =	wrdreg s26;
	s0 =	sadd.s32 s11, s0  }
0x21: {  	s18 =	simm.s32 $0x80;
	[dreg:$0x16] =	wrdreg s0;
	s0 =	sadd.s32 s21, s1  }
0x22: {  	s13 =	simm.s32 $0x2;
	s1 =	simm.s32 $0x0;
	[dreg:$0x18] =	wrdreg s0  }
.LBB2_1:
0x23: {  	[smem:$0x7F4] =	sst s1  }
0x24: {  	s0 =	rddreg [dreg:$0xa];
	s7 =	simm.s32 $0x4000  }
0x25: {  	s8 =	simm.s32 $0x1400;
	s4 =	simm.s32 $0x400;
	s6 =	simm.s32 $0x6  }
0x26: {  	[tilespmem:s8], [sflag:$0x6] =	stream.strided.gather [hbm4b:s0+s4], $0x3400, s7, s4, $0x38;
	[tilespmem:$0x11750] =	vst v63  }
0x27: {  	_ =	swait.ge [sflag:s6], $0x3400  }
0x28: {  	[sflag:s6] =	ssyncset.done $0x0  }
0x29: {  	s9 =	rddreg [dreg:$0xb];
	[sflag:s6] =	ssyncadd.s32 $0xFFFFCC00  }
0x2a: {  	[hbm4b:s9+s4] =	stream.strided.scatter [tilespmem:s8], [sflag:$0x6], $0x3400, s7, s4, $0x38;
	[tilespmem:$0x11750] =	vst v63  }
0x2b: {  	s10 =	stileid.u32;
	_ =	swait.ge [sflag:s6], $0x3400  }
0x2c: {  	s0 =	sshll.u32 s10, $0x6;
	[sflag:s6] =	ssyncset.done $0x0;
	s5 =	rddreg [dreg:$0xc]  }
0x2d: {  	s11 =	rddreg [dreg:$0xd];
	[sflag:s6] =	ssyncadd.s32 $0xFFFFCC00;
	s6 =	sshrl.u32 s5, $0x3  }
0x2e: {  	s1 =	sor.u32 $0x1C01, s0;
	[smem:$0x7F5] =	sst s6  }
0x2f: {  	[spmem:s6], [sflag:s1] =	dma.local [hbm:s11], $0x30E  }
0x30: {  	s5 =	rddreg [dreg:$0xe]  }
0x31: {  	s14 =	rddreg [dreg:$0xf];
	s12 =	sshrl.u32 s5, $0x3  }
0x32: {  	[smem:$0x7F6] =	sst s12  }
0x33: {  	[spmem:s12], [sflag:s1] =	dma.local [hbm:s14], $0x30E  }
0x34: {  	s5 =	rddreg [dreg:$0x10]  }
0x35: {  	s16 =	rddreg [dreg:$0x11];
	s15 =	sshrl.u32 s5, $0x3  }
0x36: {  	[smem:$0x7F7] =	sst s15  }
0x37: {  	[spmem:s15], [sflag:s1] =	dma.local [hbm:s16], $0x30E  }
0x38: {  	s5 =	rddreg [dreg:$0x12]  }
0x39: {  	s20 =	rddreg [dreg:$0x1a];
	s19 =	sshrl.u32 s5, $0x3  }
0x3a: {  	[smem:$0x7F8] =	sst s19  }
0x3b: {  	[spmem:s19], [sflag:s1] =	dma.local [hbm:s20], $0x30E  }
0x3c: {  	s21 =	rddreg [dreg:$0x1b]  }
0x3d: {  	s22 =	sor.u32 $0x1C02, s0;
	s5 =	rddreg [dreg:$0x1c];
	s0 =	sshrl.u32 s21, $0x3  }
0x3e: {  	[smem:$0x7F9] =	sst s0  }
0x3f: {  	[spmem:s0], [sflag:s22] =	dma.local [hbm:s5], $0x30E  }
0x40: {  	s5 =	rddreg [dreg:$0x13]  }
0x41: {  	s24 =	rddreg [dreg:$0x1d];
	s23 =	sshrl.u32 s5, $0x3  }
0x42: {  	[smem:$0x7FA] =	sst s23  }
0x43: {  	[spmem:s23], [sflag:s22] =	dma.local [hbm:s24], $0x30E  }
0x44: {  	s5 =	rddreg [dreg:$0x14]  }
0x45: {  	s26 =	rddreg [dreg:$0x1e];
	s25 =	sshrl.u32 s5, $0x3  }
0x46: {  	[smem:$0x7FB] =	sst s25  }
0x47: {  	[spmem:s25], [sflag:s22] =	dma.local [hbm:s26], $0x30E  }
0x48: {  	s6 =	rddreg [dreg:$0x15]  }
0x49: {  	s29 =	rddreg [dreg:$0x1f];
	s28 =	sshrl.u32 s6, $0x3  }
0x4a: {  	[smem:$0x7FC] =	sst s28  }
0x4b: {  	[spmem:s28], [sflag:s22] =	dma.local [hbm:s29], $0x30E  }
0x4c: {  	s11 =	simm.s32 $0x0;
	s6 =	rddreg [dreg:$0x16]  }
0x4d: {  	[tilespmem:s11], [sflag:$0x3] =	stream.linear.gather [hbm4b:s6+s11], $0x400, $0x38;
	[tilespmem:$0x11750] =	vst v63  }
0x4e: {  	s23 =	simm.s32 $0x0;
	s30 =	rddreg [dreg:$0x18]  }
0x4f: {  	[hbm4b:s30+s4] =	stream.strided.scatter [tilespmem:s8], [sflag:$0x5], $0x4000, s7, s4, $0x38;
	[tilespmem:$0x11750] =	vst v63  }
.LBB2_2:
0x50: {  	s6 =	simm.s32 $0x3  }
0x51: {  	_ =	swait.ge [sflag:s6], $0x400  }
0x52: {  	[sflag:s6] =	ssyncset.done $0x0  }
0x53: {  	s15 =	simm.s32 $0x0;
	[sflag:s6] =	ssyncadd.s32 $0xFFFFFC00  }
0x54: {  	v0 =	vld [tilespmem:s15+$0x0];
	_ =	sdelay $0x1  }
0x55: {  	s11 =	simm.s32 $0x40  }
.LBB2_3:
0x56: {  	p0 =	sne.s32 s11, $0xFC0  }
.Ltmp0:
0x57: {  	_ = 	snop;
	(pc) =	sbr.rel @p0 .LBB2_3-.Ltmp0, $4  }
0x58: {  	s12 =	sshra.s32 s11, $0x2;
	[tilespmem:s15+$0x400] =	vst v0;
	v3 =	vadd.s32 $0x493E0, v0  }
0x59: {  	v1 =	vadd.s32 $0x186A0, v0;
	v2 =	vadd.s32 $0x30D40, v0;
	v0 =	vld [tilespmem:s12+$0x0];
	[tilespmem:s15+$0x1000] =	vst v3  }
0x5a: {  	[tilespmem:s15+$0x800] =	vst v1  }
0x5b: {  	s11 =	sadd.s32 $0x40, s11;
	[tilespmem:s15+$0xC00] =	vst v2;
	s15 =	smov.u32 s12  }
0x5c: {  	s6 =	rddreg [dreg:$0x9]  }
0x5d: {  	s12 =	sld [smem:$0x7FD]  }
0x5e: {  	s5 =	sadd.s32 s6, s23  }
0x5f: {  	s16 =	sadd.s32 $0x1, s5  }
0x60: {  	p0 =	slt.s32 s16, s12  }
0x61: {  	s12 =	smov.u32 @p0 s16  }
0x62: {  	s0 =	rddreg [dreg:$0x8];
	[tilespmem:s15+$0x400] =	vst v0;
	v1 =	vadd.s32 $0x493E0, v0;
	s16 =	sshll.u32 s12, $0xE  }
0x63: {  	v2 =	vadd.s32 $0x186A0, v0;
	[tilespmem:s15+$0x1000] =	vst v1;
	s16 =	sor.u32 s0, s16  }
0x64: {  	s11 =	rddreg [dreg:$0x1];
	v63 =	vadd.s32 $0x30D40, v0;
	[tilespmem:s15+$0x800] =	vst v2;
	s16 =	sshrl.u32 s16, $0x3  }
0x65: {  	s14 =	simm.s32 $0x0;
	[tilespmem:s15+$0xC00] =	vst v63;
	s15 =	sadd.s32 s11, s16  }
0x66: {  	[tilespmem:s14], [sflag:$0x3] =	stream.linear.gather [hbm4b:s15+s14], $0x400, $0x38;
	[tilespmem:$0x11750] =	vst v63  }
0x67: {  	[smem:$0x7F3] =	sst s5;
	s15 =	simm.s32 $0x5  }
0x68: {  	_ =	swait.ge [sflag:s15], $0x4000  }
0x69: {  	[sflag:s15] =	ssyncset.done $0x0  }
0x6a: {  	[sflag:s15] =	ssyncadd.s32 $0xFFFFC000  }
0x6b: {  	_ =	swait.ge [sflag:s17], $0x30E  }
0x6c: {  	[sflag:s17] =	ssyncset.done $0x0  }
0x6d: {  	[sflag:s17] =	ssyncadd.s32 $0xFFFFFCF2  }
0x6e: {  	_ =	swait.ge [sflag:s17], $0x30E  }
0x6f: {  	[sflag:s17] =	ssyncset.done $0x0  }
0x70: {  	[sflag:s17] =	ssyncadd.s32 $0xFFFFFCF2  }
0x71: {  	_ =	swait.ge [sflag:s17], $0x30E  }
0x72: {  	[sflag:s17] =	ssyncset.done $0x0  }
0x73: {  	[sflag:s17] =	ssyncadd.s32 $0xFFFFFCF2  }
0x74: {  	_ =	swait.ge [sflag:s17], $0x30E  }
0x75: {  	[sflag:s17] =	ssyncset.done $0x0  }
0x76: {  	[sflag:s17] =	ssyncadd.s32 $0xFFFFFCF2  }
0x77: {  	s4 =	simm.s32 $0x1400;
	s16 =	simm.s32 $0x400;
	[bflag:$0x0] =	sbarrier.arrive $0xFFFF  }
0x78: {  	[tilespmem:s4], [sflag:$0x4] =	stream.indirect.gather [spmem:s2], $0x1, s16, s18, $0xb8;
	[tilespmem:$0x11750] =	vst v63  }
0x79: {  	s19 =	simm.s32 $0x480;
	s20 =	simm.s32 $0x1480  }
0x7a: {  	[tilespmem:s20], [sflag:$0x4] =	stream.indirect.gather [spmem:s2], $0x1, s19, s18, $0xb8;
	[tilespmem:$0x11750] =	vst v63  }
0x7b: {  	s21 =	simm.s32 $0x500;
	s24 =	simm.s32 $0x1500  }
0x7c: {  	[tilespmem:s24], [sflag:$0x4] =	stream.indirect.gather [spmem:s2], $0x1, s21, s18, $0xb8;
	[tilespmem:$0x11750] =	vst v63  }
0x7d: {  	s25 =	simm.s32 $0x580;
	s26 =	simm.s32 $0x1580  }
0x7e: {  	[tilespmem:s26], [sflag:$0x4] =	stream.indirect.gather [spmem:s2], $0x1, s25, s18, $0xb8;
	[tilespmem:$0x11750] =	vst v63  }
0x7f: {  	s28 =	simm.s32 $0x600;
	s29 =	simm.s32 $0x1600  }
0x80: {  	[tilespmem:s29], [sflag:$0x4] =	stream.indirect.gather [spmem:s2], $0x1, s28, s18, $0xb8;
	[tilespmem:$0x11750] =	vst v63  }
0x81: {  	s30 =	simm.s32 $0x680;
	s4 =	simm.s32 $0x1680  }
0x82: {  	[tilespmem:s4], [sflag:$0x4] =	stream.indirect.gather [spmem:s2], $0x1, s30, s18, $0xb8;
	[tilespmem:$0x11750] =	vst v63  }
0x83: {  	s8 =	simm.s32 $0x700;
	s9 =	simm.s32 $0x1700  }
0x84: {  	[tilespmem:s9], [sflag:$0x4] =	stream.indirect.gather [spmem:s2], $0x1, s8, s18, $0xb8;
	[tilespmem:$0x11750] =	vst v63  }
0x85: {  	s10 =	simm.s32 $0x780;
	s11 =	simm.s32 $0x1780  }
0x86: {  	[tilespmem:s11], [sflag:$0x4] =	stream.indirect.gather [spmem:s2], $0x1, s10, s18, $0xb8;
	[tilespmem:$0x11750] =	vst v63  }
0x87: {  	s14 =	simm.s32 $0x800;
	s15 =	simm.s32 $0x1800  }
0x88: {  	[tilespmem:s15], [sflag:$0x4] =	stream.indirect.gather [spmem:s2], $0x1, s14, s18, $0xb8;
	[tilespmem:$0x11750] =	vst v63  }
0x89: {  	s16 =	simm.s32 $0x880;
	s20 =	simm.s32 $0x1880  }
0x8a: {  	[tilespmem:s20], [sflag:$0x4] =	stream.indirect.gather [spmem:s2], $0x1, s16, s18, $0xb8;
	[tilespmem:$0x11750] =	vst v63  }
0x8b: {  	s28 =	simm.s32 $0x900;
	s4 =	simm.s32 $0x1900  }
0x8c: {  	[tilespmem:s4], [sflag:$0x4] =	stream.indirect.gather [spmem:s2], $0x1, s28, s18, $0xb8;
	[tilespmem:$0x11750] =	vst v63  }
0x8d: {  	s6 =	simm.s32 $0x980;
	s8 =	simm.s32 $0x1980  }
0x8e: {  	[tilespmem:s8], [sflag:$0x4] =	stream.indirect.gather [spmem:s2], $0x1, s6, s18, $0xb8;
	[tilespmem:$0x11750] =	vst v63  }
0x8f: {  	s11 =	simm.s32 $0xA00;
	s14 =	simm.s32 $0x1A00  }
0x90: {  	[tilespmem:s14], [sflag:$0x4] =	stream.indirect.gather [spmem:s2], $0x1, s11, s18, $0xb8;
	[tilespmem:$0x11750] =	vst v63  }
0x91: {  	s15 =	simm.s32 $0xA80;
	s16 =	simm.s32 $0x1A80  }
0x92: {  	[tilespmem:s16], [sflag:$0x4] =	stream.indirect.gather [spmem:s2], $0x1, s15, s18, $0xb8;
	[tilespmem:$0x11750] =	vst v63  }
0x93: {  	s20 =	simm.s32 $0xB00;
	s4 =	simm.s32 $0x1B00  }
0x94: {  	[tilespmem:s4], [sflag:$0x4] =	stream.indirect.gather [spmem:s2], $0x1, s20, s18, $0xb8;
	[tilespmem:$0x11750] =	vst v63  }
0x95: {  	s8 =	simm.s32 $0xB80;
	s11 =	simm.s32 $0x1B80  }
0x96: {  	[tilespmem:s11], [sflag:$0x4] =	stream.indirect.gather [spmem:s2], $0x1, s8, s18, $0xb8;
	[tilespmem:$0x11750] =	vst v63  }
0x97: {  	s14 =	simm.s32 $0xC00;
	s15 =	simm.s32 $0x1C00  }
0x98: {  	[tilespmem:s15], [sflag:$0x4] =	stream.indirect.gather [spmem:s2], $0x1, s14, s18, $0xb8;
	[tilespmem:$0x11750] =	vst v63  }
0x99: {  	s16 =	simm.s32 $0xC80;
	s4 =	simm.s32 $0x1C80  }
0x9a: {  	[tilespmem:s4], [sflag:$0x4] =	stream.indirect.gather [spmem:s2], $0x1, s16, s18, $0xb8;
	[tilespmem:$0x11750] =	vst v63  }
0x9b: {  	s8 =	simm.s32 $0xD00;
	s11 =	simm.s32 $0x1D00  }
0x9c: {  	[tilespmem:s11], [sflag:$0x4] =	stream.indirect.gather [spmem:s2], $0x1, s8, s18, $0xb8;
	[tilespmem:$0x11750] =	vst v63  }
0x9d: {  	s14 =	simm.s32 $0xD80;
	s15 =	simm.s32 $0x1D80  }
0x9e: {  	[tilespmem:s15], [sflag:$0x4] =	stream.indirect.gather [spmem:s2], $0x1, s14, s18, $0xb8;
	[tilespmem:$0x11750] =	vst v63  }
0x9f: {  	s16 =	simm.s32 $0xE00;
	s4 =	simm.s32 $0x1E00  }
0xa0: {  	[tilespmem:s4], [sflag:$0x4] =	stream.indirect.gather [spmem:s2], $0x1, s16, s18, $0xb8;
	[tilespmem:$0x11750] =	vst v63  }
0xa1: {  	s8 =	simm.s32 $0xE80;
	s11 =	simm.s32 $0x1E80  }
0xa2: {  	[tilespmem:s11], [sflag:$0x4] =	stream.indirect.gather [spmem:s2], $0x1, s8, s18, $0xb8;
	[tilespmem:$0x11750] =	vst v63  }
0xa3: {  	s14 =	simm.s32 $0xF00;
	s15 =	simm.s32 $0x1F00  }
0xa4: {  	[tilespmem:s15], [sflag:$0x4] =	stream.indirect.gather [spmem:s2], $0x1, s14, s18, $0xb8;
	[tilespmem:$0x11750] =	vst v63  }
0xa5: {  	s16 =	simm.s32 $0xF80;
	s4 =	simm.s32 $0x1F80  }
0xa6: {  	[tilespmem:s4], [sflag:$0x4] =	stream.indirect.gather [spmem:s2], $0x1, s16, s18, $0xb8;
	[tilespmem:$0x11750] =	vst v63  }
0xa7: {  	s6 =	simm.s32 $0x1000;
	s11 =	simm.s32 $0x2000  }
0xa8: {  	[tilespmem:s11], [sflag:$0x4] =	stream.indirect.gather [spmem:s2], $0x1, s6, s18, $0xb8;
	[tilespmem:$0x11750] =	vst v63  }
0xa9: {  	s14 =	simm.s32 $0x1080;
	s15 =	simm.s32 $0x2080  }
0xaa: {  	[tilespmem:s15], [sflag:$0x4] =	stream.indirect.gather [spmem:s2], $0x1, s14, s18, $0xb8;
	[tilespmem:$0x11750] =	vst v63  }
0xab: {  	s16 =	simm.s32 $0x1100;
	s4 =	simm.s32 $0x2100  }
0xac: {  	[tilespmem:s4], [sflag:$0x4] =	stream.indirect.gather [spmem:s2], $0x1, s16, s18, $0xb8;
	[tilespmem:$0x11750] =	vst v63  }
0xad: {  	s6 =	simm.s32 $0x1180;
	s11 =	simm.s32 $0x2180  }
0xae: {  	[tilespmem:s11], [sflag:$0x4] =	stream.indirect.gather [spmem:s2], $0x1, s6, s18, $0xb8;
	[tilespmem:$0x11750] =	vst v63  }
0xaf: {  	s14 =	simm.s32 $0x1200;
	s15 =	simm.s32 $0x2200  }
0xb0: {  	[tilespmem:s15], [sflag:$0x4] =	stream.indirect.gather [spmem:s2], $0x1, s14, s18, $0xb8;
	[tilespmem:$0x11750] =	vst v63  }
0xb1: {  	s16 =	simm.s32 $0x1280;
	s4 =	simm.s32 $0x2280  }
0xb2: {  	[tilespmem:s4], [sflag:$0x4] =	stream.indirect.gather [spmem:s2], $0x1, s16, s18, $0xb8;
	[tilespmem:$0x11750] =	vst v63  }
0xb3: {  	s11 =	simm.s32 $0x1300;
	s14 =	simm.s32 $0x2300  }
0xb4: {  	[tilespmem:s14], [sflag:$0x4] =	stream.indirect.gather [spmem:s2], $0x1, s11, s18, $0xb8;
	[tilespmem:$0x11750] =	vst v63  }
0xb5: {  	s15 =	simm.s32 $0x1380;
	s16 =	simm.s32 $0x2380  }
0xb6: {  	[tilespmem:s16], [sflag:$0x4] =	stream.indirect.gather [spmem:s2], $0x1, s15, s18, $0xb8;
	[tilespmem:$0x11750] =	vst v63  }
0xb7: {  	_ =	swait.ge [sflag:s31], $0x80  }
0xb8: {  	[sflag:s31] =	ssyncset.done $0x0  }
0xb9: {  	[sflag:s31] =	ssyncadd.s32 $0xFFFFFF80  }
0xba: {  	_ =	swait.ge [sflag:s31], $0x80  }
0xbb: {  	[sflag:s31] =	ssyncset.done $0x0  }
0xbc: {  	[sflag:s31] =	ssyncadd.s32 $0xFFFFFF80  }
0xbd: {  	_ =	swait.ge [sflag:s31], $0x80  }
0xbe: {  	[sflag:s31] =	ssyncset.done $0x0  }
0xbf: {  	[sflag:s31] =	ssyncadd.s32 $0xFFFFFF80  }
0xc0: {  	_ =	swait.ge [sflag:s31], $0x80  }
0xc1: {  	[sflag:s31] =	ssyncset.done $0x0  }
0xc2: {  	[sflag:s31] =	ssyncadd.s32 $0xFFFFFF80  }
0xc3: {  	_ =	swait.ge [sflag:s31], $0x80  }
0xc4: {  	[sflag:s31] =	ssyncset.done $0x0  }
0xc5: {  	[sflag:s31] =	ssyncadd.s32 $0xFFFFFF80  }
0xc6: {  	_ =	swait.ge [sflag:s31], $0x80  }
0xc7: {  	[sflag:s31] =	ssyncset.done $0x0  }
0xc8: {  	[sflag:s31] =	ssyncadd.s32 $0xFFFFFF80  }
0xc9: {  	_ =	swait.ge [sflag:s31], $0x80  }
0xca: {  	[sflag:s31] =	ssyncset.done $0x0  }
0xcb: {  	[sflag:s31] =	ssyncadd.s32 $0xFFFFFF80  }
0xcc: {  	_ =	swait.ge [sflag:s31], $0x80  }
0xcd: {  	[sflag:s31] =	ssyncset.done $0x0  }
0xce: {  	[sflag:s31] =	ssyncadd.s32 $0xFFFFFF80  }
0xcf: {  	_ =	swait.ge [sflag:s31], $0x80  }
0xd0: {  	[sflag:s31] =	ssyncset.done $0x0  }
0xd1: {  	[sflag:s31] =	ssyncadd.s32 $0xFFFFFF80  }
0xd2: {  	_ =	swait.ge [sflag:s31], $0x80  }
0xd3: {  	[sflag:s31] =	ssyncset.done $0x0  }
0xd4: {  	[sflag:s31] =	ssyncadd.s32 $0xFFFFFF80  }
0xd5: {  	_ =	swait.ge [sflag:s31], $0x80  }
0xd6: {  	[sflag:s31] =	ssyncset.done $0x0  }
0xd7: {  	[sflag:s31] =	ssyncadd.s32 $0xFFFFFF80  }
0xd8: {  	_ =	swait.ge [sflag:s31], $0x80  }
0xd9: {  	[sflag:s31] =	ssyncset.done $0x0  }
0xda: {  	[sflag:s31] =	ssyncadd.s32 $0xFFFFFF80  }
0xdb: {  	_ =	swait.ge [sflag:s31], $0x80  }
0xdc: {  	[sflag:s31] =	ssyncset.done $0x0  }
0xdd: {  	[sflag:s31] =	ssyncadd.s32 $0xFFFFFF80  }
0xde: {  	_ =	swait.ge [sflag:s31], $0x80  }
0xdf: {  	[sflag:s31] =	ssyncset.done $0x0  }
0xe0: {  	[sflag:s31] =	ssyncadd.s32 $0xFFFFFF80  }
0xe1: {  	_ =	swait.ge [sflag:s31], $0x80  }
0xe2: {  	[sflag:s31] =	ssyncset.done $0x0  }
0xe3: {  	[sflag:s31] =	ssyncadd.s32 $0xFFFFFF80  }
0xe4: {  	_ =	swait.ge [sflag:s31], $0x80  }
0xe5: {  	[sflag:s31] =	ssyncset.done $0x0  }
0xe6: {  	[sflag:s31] =	ssyncadd.s32 $0xFFFFFF80  }
0xe7: {  	_ =	swait.ge [sflag:s31], $0x80  }
0xe8: {  	[sflag:s31] =	ssyncset.done $0x0  }
0xe9: {  	[sflag:s31] =	ssyncadd.s32 $0xFFFFFF80  }
0xea: {  	_ =	swait.ge [sflag:s31], $0x80  }
0xeb: {  	[sflag:s31] =	ssyncset.done $0x0  }
0xec: {  	[sflag:s31] =	ssyncadd.s32 $0xFFFFFF80  }
0xed: {  	_ =	swait.ge [sflag:s31], $0x80  }
0xee: {  	[sflag:s31] =	ssyncset.done $0x0  }
0xef: {  	[sflag:s31] =	ssyncadd.s32 $0xFFFFFF80  }
0xf0: {  	_ =	swait.ge [sflag:s31], $0x80  }
0xf1: {  	[sflag:s31] =	ssyncset.done $0x0  }
0xf2: {  	[sflag:s31] =	ssyncadd.s32 $0xFFFFFF80  }
0xf3: {  	_ =	swait.ge [sflag:s31], $0x80  }
0xf4: {  	[sflag:s31] =	ssyncset.done $0x0  }
0xf5: {  	[sflag:s31] =	ssyncadd.s32 $0xFFFFFF80  }
0xf6: {  	_ =	swait.ge [sflag:s31], $0x80  }
0xf7: {  	[sflag:s31] =	ssyncset.done $0x0  }
0xf8: {  	[sflag:s31] =	ssyncadd.s32 $0xFFFFFF80  }
0xf9: {  	_ =	swait.ge [sflag:s31], $0x80  }
0xfa: {  	[sflag:s31] =	ssyncset.done $0x0  }
0xfb: {  	[sflag:s31] =	ssyncadd.s32 $0xFFFFFF80  }
0xfc: {  	_ =	swait.ge [sflag:s31], $0x80  }
0xfd: {  	[sflag:s31] =	ssyncset.done $0x0  }
0xfe: {  	[sflag:s31] =	ssyncadd.s32 $0xFFFFFF80  }
0xff: {  	_ =	swait.ge [sflag:s31], $0x80  }
0x100: {  	[sflag:s31] =	ssyncset.done $0x0  }
0x101: {  	[sflag:s31] =	ssyncadd.s32 $0xFFFFFF80  }
0x102: {  	_ =	swait.ge [sflag:s31], $0x80  }
0x103: {  	[sflag:s31] =	ssyncset.done $0x0  }
0x104: {  	[sflag:s31] =	ssyncadd.s32 $0xFFFFFF80  }
0x105: {  	_ =	swait.ge [sflag:s31], $0x80  }
0x106: {  	[sflag:s31] =	ssyncset.done $0x0  }
0x107: {  	[sflag:s31] =	ssyncadd.s32 $0xFFFFFF80  }
0x108: {  	_ =	swait.ge [sflag:s31], $0x80  }
0x109: {  	[sflag:s31] =	ssyncset.done $0x0  }
0x10a: {  	[sflag:s31] =	ssyncadd.s32 $0xFFFFFF80  }
0x10b: {  	_ =	swait.ge [sflag:s31], $0x80  }
0x10c: {  	[sflag:s31] =	ssyncset.done $0x0  }
0x10d: {  	[sflag:s31] =	ssyncadd.s32 $0xFFFFFF80  }
0x10e: {  	_ =	swait.ge [sflag:s31], $0x80  }
0x10f: {  	[sflag:s31] =	ssyncset.done $0x0  }
0x110: {  	[sflag:s31] =	ssyncadd.s32 $0xFFFFFF80  }
0x111: {  	_ =	swait.ge [sflag:s31], $0x80  }
0x112: {  	[sflag:s31] =	ssyncset.done $0x0  }
0x113: {  	[sflag:s31] =	ssyncadd.s32 $0xFFFFFF80  }
0x114: {  	_ =	swait.ge [sflag:s31], $0x80  }
0x115: {  	s0 =	smul.u32 $0x186A00, s5;
	[sflag:s31] =	ssyncset.done $0x0  }
0x116: {  	s14 =	rddreg [dreg:$0x7];
	[sflag:s31] =	ssyncadd.s32 $0xFFFFFF80  }
0x117: {  	s11 =	rddreg [dreg:$0x6];
	s15 =	sadd.s32 s14, s0;
	[bflag:$0x0] =	sbarrier.arrive $0xFFFF  }
0x118: {  	s15 =	sshrl.u32 s15, $0x3;
	s0 =	sld [smem:$0x7F5]  }
0x119: {  	s15 =	sadd.s32 s11, s15  }
0x11a: {  	s4 =	sadd.s32 $0x186A0, s15  }
0x11b: {  	[spmem:s0], [sflag:s1] =	dma.local [hbm:s4], $0x30E  }
0x11c: {  	s4 =	sld [smem:$0x7F6];
	_ =	sdelay $0x1  }
0x11d: {  	s5 =	sadd.s32 $0x1B774, s15  }
0x11e: {  	[spmem:s4], [sflag:s1] =	dma.local [hbm:s5], $0x30E  }
0x11f: {  	s5 =	sld [smem:$0x7F7];
	_ =	sdelay $0x1  }
0x120: {  	s6 =	sadd.s32 $0x1E848, s15  }
0x121: {  	[spmem:s5], [sflag:s1] =	dma.local [hbm:s6], $0x30E  }
0x122: {  	s6 =	sld [smem:$0x7F8];
	_ =	sdelay $0x1  }
0x123: {  	s16 =	sadd.s32 $0x2191C, s15  }
0x124: {  	[spmem:s6], [sflag:s1] =	dma.local [hbm:s16], $0x30E  }
0x125: {  	_ =	swait.ge [sflag:s13], $0x30E  }
0x126: {  	[sflag:s13] =	ssyncset.done $0x0  }
0x127: {  	[sflag:s13] =	ssyncadd.s32 $0xFFFFFCF2  }
0x128: {  	_ =	swait.ge [sflag:s13], $0x30E  }
0x129: {  	[sflag:s13] =	ssyncset.done $0x0  }
0x12a: {  	[sflag:s13] =	ssyncadd.s32 $0xFFFFFCF2  }
0x12b: {  	_ =	swait.ge [sflag:s13], $0x30E  }
0x12c: {  	[sflag:s13] =	ssyncset.done $0x0  }
0x12d: {  	[sflag:s13] =	ssyncadd.s32 $0xFFFFFCF2  }
0x12e: {  	_ =	swait.ge [sflag:s13], $0x30E  }
0x12f: {  	[sflag:s13] =	ssyncset.done $0x0  }
0x130: {  	[sflag:s13] =	ssyncadd.s32 $0xFFFFFCF2  }
0x131: {  	s7 =	simm.s32 $0x400;
	s16 =	simm.s32 $0x2400;
	[bflag:$0x0] =	sbarrier.arrive $0xFFFF  }
0x132: {  	[tilespmem:s16], [sflag:$0x4] =	stream.indirect.gather [spmem:s3], $0x1, s7, s18, $0xb8;
	[tilespmem:$0x11750] =	vst v63  }
0x133: {  	s19 =	simm.s32 $0x480;
	s7 =	simm.s32 $0x2480  }
0x134: {  	[tilespmem:s7], [sflag:$0x4] =	stream.indirect.gather [spmem:s3], $0x1, s19, s18, $0xb8;
	[tilespmem:$0x11750] =	vst v63  }
0x135: {  	s21 =	simm.s32 $0x500;
	s7 =	simm.s32 $0x2500  }
0x136: {  	[tilespmem:s7], [sflag:$0x4] =	stream.indirect.gather [spmem:s3], $0x1, s21, s18, $0xb8;
	[tilespmem:$0x11750] =	vst v63  }
0x137: {  	s24 =	simm.s32 $0x580;
	s19 =	simm.s32 $0x2580  }
0x138: {  	[tilespmem:s19], [sflag:$0x4] =	stream.indirect.gather [spmem:s3], $0x1, s24, s18, $0xb8;
	[tilespmem:$0x11750] =	vst v63  }
0x139: {  	s26 =	simm.s32 $0x600;
	s21 =	simm.s32 $0x2600  }
0x13a: {  	[tilespmem:s21], [sflag:$0x4] =	stream.indirect.gather [spmem:s3], $0x1, s26, s18, $0xb8;
	[tilespmem:$0x11750] =	vst v63  }
0x13b: {  	s29 =	simm.s32 $0x680;
	s24 =	simm.s32 $0x2680  }
0x13c: {  	[tilespmem:s24], [sflag:$0x4] =	stream.indirect.gather [spmem:s3], $0x1, s29, s18, $0xb8;
	[tilespmem:$0x11750] =	vst v63  }
0x13d: {  	s9 =	simm.s32 $0x700;
	s26 =	simm.s32 $0x2700  }
0x13e: {  	[tilespmem:s26], [sflag:$0x4] =	stream.indirect.gather [spmem:s3], $0x1, s9, s18, $0xb8;
	[tilespmem:$0x11750] =	vst v63  }
0x13f: {  	s10 =	simm.s32 $0x780;
	s29 =	simm.s32 $0x2780  }
0x140: {  	[tilespmem:s29], [sflag:$0x4] =	stream.indirect.gather [spmem:s3], $0x1, s10, s18, $0xb8;
	[tilespmem:$0x11750] =	vst v63  }
0x141: {  	s25 =	simm.s32 $0x800;
	s7 =	simm.s32 $0x2800  }
0x142: {  	[tilespmem:s7], [sflag:$0x4] =	stream.indirect.gather [spmem:s3], $0x1, s25, s18, $0xb8;
	[tilespmem:$0x11750] =	vst v63  }
0x143: {  	s30 =	simm.s32 $0x880;
	s9 =	simm.s32 $0x2880  }
0x144: {  	[tilespmem:s9], [sflag:$0x4] =	stream.indirect.gather [spmem:s3], $0x1, s30, s18, $0xb8;
	[tilespmem:$0x11750] =	vst v63  }
0x145: {  	s19 =	simm.s32 $0x900;
	s10 =	simm.s32 $0x2900  }
0x146: {  	[tilespmem:s10], [sflag:$0x4] =	stream.indirect.gather [spmem:s3], $0x1, s19, s18, $0xb8;
	[tilespmem:$0x11750] =	vst v63  }
0x147: {  	s21 =	simm.s32 $0x2980;
	s24 =	simm.s32 $0x980  }
0x148: {  	[tilespmem:s21], [sflag:$0x4] =	stream.indirect.gather [spmem:s3], $0x1, s24, s18, $0xb8;
	[tilespmem:$0x11750] =	vst v63  }
0x149: {  	s28 =	simm.s32 $0xA00;
	s25 =	simm.s32 $0x2A00  }
0x14a: {  	[tilespmem:s25], [sflag:$0x4] =	stream.indirect.gather [spmem:s3], $0x1, s28, s18, $0xb8;
	[tilespmem:$0x11750] =	vst v63  }
0x14b: {  	s26 =	simm.s32 $0x2A80;
	s28 =	simm.s32 $0xA80  }
0x14c: {  	[tilespmem:s26], [sflag:$0x4] =	stream.indirect.gather [spmem:s3], $0x1, s28, s18, $0xb8;
	[tilespmem:$0x11750] =	vst v63  }
0x14d: {  	s29 =	simm.s32 $0x2B00;
	s30 =	simm.s32 $0xB00  }
0x14e: {  	[tilespmem:s29], [sflag:$0x4] =	stream.indirect.gather [spmem:s3], $0x1, s30, s18, $0xb8;
	[tilespmem:$0x11750] =	vst v63  }
0x14f: {  	s7 =	simm.s32 $0x2B80;
	s9 =	simm.s32 $0xB80  }
0x150: {  	[tilespmem:s7], [sflag:$0x4] =	stream.indirect.gather [spmem:s3], $0x1, s9, s18, $0xb8;
	[tilespmem:$0x11750] =	vst v63  }
0x151: {  	s20 =	simm.s32 $0xC00;
	s10 =	simm.s32 $0x2C00  }
0x152: {  	[tilespmem:s10], [sflag:$0x4] =	stream.indirect.gather [spmem:s3], $0x1, s20, s18, $0xb8;
	[tilespmem:$0x11750] =	vst v63  }
0x153: {  	s19 =	simm.s32 $0x2C80;
	s20 =	simm.s32 $0xC80  }
0x154: {  	[tilespmem:s19], [sflag:$0x4] =	stream.indirect.gather [spmem:s3], $0x1, s20, s18, $0xb8;
	[tilespmem:$0x11750] =	vst v63  }
0x155: {  	s21 =	simm.s32 $0x2D00;
	s24 =	simm.s32 $0xD00  }
0x156: {  	[tilespmem:s21], [sflag:$0x4] =	stream.indirect.gather [spmem:s3], $0x1, s24, s18, $0xb8;
	[tilespmem:$0x11750] =	vst v63  }
0x157: {  	s25 =	simm.s32 $0x2D80;
	s26 =	simm.s32 $0xD80  }
0x158: {  	[tilespmem:s25], [sflag:$0x4] =	stream.indirect.gather [spmem:s3], $0x1, s26, s18, $0xb8;
	[tilespmem:$0x11750] =	vst v63  }
0x159: {  	s28 =	simm.s32 $0x2E00;
	s19 =	simm.s32 $0xE00  }
0x15a: {  	[tilespmem:s28], [sflag:$0x4] =	stream.indirect.gather [spmem:s3], $0x1, s19, s18, $0xb8;
	[tilespmem:$0x11750] =	vst v63  }
0x15b: {  	s29 =	simm.s32 $0x2E80;
	s30 =	simm.s32 $0xE80  }
0x15c: {  	[tilespmem:s29], [sflag:$0x4] =	stream.indirect.gather [spmem:s3], $0x1, s30, s18, $0xb8;
	[tilespmem:$0x11750] =	vst v63  }
0x15d: {  	s9 =	simm.s32 $0x2F00;
	s10 =	simm.s32 $0xF00  }
0x15e: {  	[tilespmem:s9], [sflag:$0x4] =	stream.indirect.gather [spmem:s3], $0x1, s10, s18, $0xb8;
	[tilespmem:$0x11750] =	vst v63  }
0x15f: {  	s8 =	simm.s32 $0xF80;
	s20 =	simm.s32 $0x2F80  }
0x160: {  	[tilespmem:s20], [sflag:$0x4] =	stream.indirect.gather [spmem:s3], $0x1, s8, s18, $0xb8;
	[tilespmem:$0x11750] =	vst v63  }
0x161: {  	s21 =	simm.s32 $0x3000;
	s20 =	simm.s32 $0x1000  }
0x162: {  	[tilespmem:s21], [sflag:$0x4] =	stream.indirect.gather [spmem:s3], $0x1, s20, s18, $0xb8;
	[tilespmem:$0x11750] =	vst v63  }
0x163: {  	s24 =	simm.s32 $0x3080;
	s21 =	simm.s32 $0x1080  }
0x164: {  	[tilespmem:s24], [sflag:$0x4] =	stream.indirect.gather [spmem:s3], $0x1, s21, s18, $0xb8;
	[tilespmem:$0x11750] =	vst v63  }
0x165: {  	s25 =	simm.s32 $0x3100;
	s24 =	simm.s32 $0x1100  }
0x166: {  	[tilespmem:s25], [sflag:$0x4] =	stream.indirect.gather [spmem:s3], $0x1, s24, s18, $0xb8;
	[tilespmem:$0x11750] =	vst v63  }
0x167: {  	s26 =	simm.s32 $0x3180;
	s25 =	simm.s32 $0x1180  }
0x168: {  	[tilespmem:s26], [sflag:$0x4] =	stream.indirect.gather [spmem:s3], $0x1, s25, s18, $0xb8;
	[tilespmem:$0x11750] =	vst v63  }
0x169: {  	s28 =	simm.s32 $0x3200;
	s26 =	simm.s32 $0x1200  }
0x16a: {  	[tilespmem:s28], [sflag:$0x4] =	stream.indirect.gather [spmem:s3], $0x1, s26, s18, $0xb8;
	[tilespmem:$0x11750] =	vst v63  }
0x16b: {  	s29 =	simm.s32 $0x3280;
	s28 =	simm.s32 $0x1280  }
0x16c: {  	[tilespmem:s29], [sflag:$0x4] =	stream.indirect.gather [spmem:s3], $0x1, s28, s18, $0xb8;
	[tilespmem:$0x11750] =	vst v63  }
0x16d: {  	s30 =	simm.s32 $0x3300;
	s29 =	simm.s32 $0x1300  }
0x16e: {  	[tilespmem:s30], [sflag:$0x4] =	stream.indirect.gather [spmem:s3], $0x1, s29, s18, $0xb8;
	[tilespmem:$0x11750] =	vst v63  }
0x16f: {  	s7 =	simm.s32 $0x3380;
	s30 =	simm.s32 $0x1380  }
0x170: {  	[tilespmem:s7], [sflag:$0x4] =	stream.indirect.gather [spmem:s3], $0x1, s30, s18, $0xb8;
	[tilespmem:$0x11750] =	vst v63  }
0x171: {  	_ =	swait.ge [sflag:s31], $0x80  }
0x172: {  	[sflag:s31] =	ssyncset.done $0x0  }
0x173: {  	[sflag:s31] =	ssyncadd.s32 $0xFFFFFF80  }
0x174: {  	_ =	swait.ge [sflag:s31], $0x80  }
0x175: {  	[sflag:s31] =	ssyncset.done $0x0  }
0x176: {  	[sflag:s31] =	ssyncadd.s32 $0xFFFFFF80  }
0x177: {  	_ =	swait.ge [sflag:s31], $0x80  }
0x178: {  	[sflag:s31] =	ssyncset.done $0x0  }
0x179: {  	[sflag:s31] =	ssyncadd.s32 $0xFFFFFF80  }
0x17a: {  	_ =	swait.ge [sflag:s31], $0x80  }
0x17b: {  	[sflag:s31] =	ssyncset.done $0x0  }
0x17c: {  	[sflag:s31] =	ssyncadd.s32 $0xFFFFFF80  }
0x17d: {  	_ =	swait.ge [sflag:s31], $0x80  }
0x17e: {  	[sflag:s31] =	ssyncset.done $0x0  }
0x17f: {  	[sflag:s31] =	ssyncadd.s32 $0xFFFFFF80  }
0x180: {  	_ =	swait.ge [sflag:s31], $0x80  }
0x181: {  	[sflag:s31] =	ssyncset.done $0x0  }
0x182: {  	[sflag:s31] =	ssyncadd.s32 $0xFFFFFF80  }
0x183: {  	_ =	swait.ge [sflag:s31], $0x80  }
0x184: {  	[sflag:s31] =	ssyncset.done $0x0  }
0x185: {  	[sflag:s31] =	ssyncadd.s32 $0xFFFFFF80  }
0x186: {  	_ =	swait.ge [sflag:s31], $0x80  }
0x187: {  	[sflag:s31] =	ssyncset.done $0x0  }
0x188: {  	[sflag:s31] =	ssyncadd.s32 $0xFFFFFF80  }
0x189: {  	_ =	swait.ge [sflag:s31], $0x80  }
0x18a: {  	[sflag:s31] =	ssyncset.done $0x0  }
0x18b: {  	[sflag:s31] =	ssyncadd.s32 $0xFFFFFF80  }
0x18c: {  	_ =	swait.ge [sflag:s31], $0x80  }
0x18d: {  	[sflag:s31] =	ssyncset.done $0x0  }
0x18e: {  	[sflag:s31] =	ssyncadd.s32 $0xFFFFFF80  }
0x18f: {  	_ =	swait.ge [sflag:s31], $0x80  }
0x190: {  	[sflag:s31] =	ssyncset.done $0x0  }
0x191: {  	[sflag:s31] =	ssyncadd.s32 $0xFFFFFF80  }
0x192: {  	_ =	swait.ge [sflag:s31], $0x80  }
0x193: {  	[sflag:s31] =	ssyncset.done $0x0  }
0x194: {  	[sflag:s31] =	ssyncadd.s32 $0xFFFFFF80  }
0x195: {  	_ =	swait.ge [sflag:s31], $0x80  }
0x196: {  	[sflag:s31] =	ssyncset.done $0x0  }
0x197: {  	[sflag:s31] =	ssyncadd.s32 $0xFFFFFF80  }
0x198: {  	_ =	swait.ge [sflag:s31], $0x80  }
0x199: {  	[sflag:s31] =	ssyncset.done $0x0  }
0x19a: {  	[sflag:s31] =	ssyncadd.s32 $0xFFFFFF80  }
0x19b: {  	_ =	swait.ge [sflag:s31], $0x80  }
0x19c: {  	[sflag:s31] =	ssyncset.done $0x0  }
0x19d: {  	[sflag:s31] =	ssyncadd.s32 $0xFFFFFF80  }
0x19e: {  	_ =	swait.ge [sflag:s31], $0x80  }
0x19f: {  	[sflag:s31] =	ssyncset.done $0x0  }
0x1a0: {  	[sflag:s31] =	ssyncadd.s32 $0xFFFFFF80  }
0x1a1: {  	_ =	swait.ge [sflag:s31], $0x80  }
0x1a2: {  	[sflag:s31] =	ssyncset.done $0x0  }
0x1a3: {  	[sflag:s31] =	ssyncadd.s32 $0xFFFFFF80  }
0x1a4: {  	_ =	swait.ge [sflag:s31], $0x80  }
0x1a5: {  	[sflag:s31] =	ssyncset.done $0x0  }
0x1a6: {  	[sflag:s31] =	ssyncadd.s32 $0xFFFFFF80  }
0x1a7: {  	_ =	swait.ge [sflag:s31], $0x80  }
0x1a8: {  	[sflag:s31] =	ssyncset.done $0x0  }
0x1a9: {  	[sflag:s31] =	ssyncadd.s32 $0xFFFFFF80  }
0x1aa: {  	_ =	swait.ge [sflag:s31], $0x80  }
0x1ab: {  	[sflag:s31] =	ssyncset.done $0x0  }
0x1ac: {  	[sflag:s31] =	ssyncadd.s32 $0xFFFFFF80  }
0x1ad: {  	_ =	swait.ge [sflag:s31], $0x80  }
0x1ae: {  	[sflag:s31] =	ssyncset.done $0x0  }
0x1af: {  	[sflag:s31] =	ssyncadd.s32 $0xFFFFFF80  }
0x1b0: {  	_ =	swait.ge [sflag:s31], $0x80  }
0x1b1: {  	[sflag:s31] =	ssyncset.done $0x0  }
0x1b2: {  	[sflag:s31] =	ssyncadd.s32 $0xFFFFFF80  }
0x1b3: {  	_ =	swait.ge [sflag:s31], $0x80  }
0x1b4: {  	[sflag:s31] =	ssyncset.done $0x0  }
0x1b5: {  	[sflag:s31] =	ssyncadd.s32 $0xFFFFFF80  }
0x1b6: {  	_ =	swait.ge [sflag:s31], $0x80  }
0x1b7: {  	[sflag:s31] =	ssyncset.done $0x0  }
0x1b8: {  	[sflag:s31] =	ssyncadd.s32 $0xFFFFFF80  }
0x1b9: {  	_ =	swait.ge [sflag:s31], $0x80  }
0x1ba: {  	[sflag:s31] =	ssyncset.done $0x0  }
0x1bb: {  	[sflag:s31] =	ssyncadd.s32 $0xFFFFFF80  }
0x1bc: {  	_ =	swait.ge [sflag:s31], $0x80  }
0x1bd: {  	[sflag:s31] =	ssyncset.done $0x0  }
0x1be: {  	[sflag:s31] =	ssyncadd.s32 $0xFFFFFF80  }
0x1bf: {  	_ =	swait.ge [sflag:s31], $0x80  }
0x1c0: {  	[sflag:s31] =	ssyncset.done $0x0  }
0x1c1: {  	[sflag:s31] =	ssyncadd.s32 $0xFFFFFF80  }
0x1c2: {  	_ =	swait.ge [sflag:s31], $0x80  }
0x1c3: {  	[sflag:s31] =	ssyncset.done $0x0  }
0x1c4: {  	[sflag:s31] =	ssyncadd.s32 $0xFFFFFF80  }
0x1c5: {  	_ =	swait.ge [sflag:s31], $0x80  }
0x1c6: {  	[sflag:s31] =	ssyncset.done $0x0  }
0x1c7: {  	[sflag:s31] =	ssyncadd.s32 $0xFFFFFF80  }
0x1c8: {  	_ =	swait.ge [sflag:s31], $0x80  }
0x1c9: {  	[sflag:s31] =	ssyncset.done $0x0  }
0x1ca: {  	[sflag:s31] =	ssyncadd.s32 $0xFFFFFF80  }
0x1cb: {  	_ =	swait.ge [sflag:s31], $0x80  }
0x1cc: {  	[sflag:s31] =	ssyncset.done $0x0  }
0x1cd: {  	[sflag:s31] =	ssyncadd.s32 $0xFFFFFF80  }
0x1ce: {  	_ =	swait.ge [sflag:s31], $0x80  }
0x1cf: {  	[sflag:s31] =	ssyncset.done $0x0  }
0x1d0: {  	[sflag:s31] =	ssyncadd.s32 $0xFFFFFF80  }
0x1d1: {  	[bflag:$0x0] =	sbarrier.arrive $0xFFFF  }
0x1d2: {  	s7 =	sld [smem:$0x7F9];
	_ =	sdelay $0x1  }
0x1d3: {  	s8 =	sadd.s32 $0x249F0, s15  }
0x1d4: {  	[spmem:s7], [sflag:s22] =	dma.local [hbm:s8], $0x30E  }
0x1d5: {  	s8 =	sld [smem:$0x7FA];
	_ =	sdelay $0x1  }
0x1d6: {  	s9 =	sadd.s32 $0x27AC4, s15  }
0x1d7: {  	[spmem:s8], [sflag:s22] =	dma.local [hbm:s9], $0x30E  }
0x1d8: {  	s9 =	sld [smem:$0x7FB];
	_ =	sdelay $0x1  }
0x1d9: {  	s10 =	sadd.s32 $0x2AB98, s15  }
0x1da: {  	[spmem:s9], [sflag:s22] =	dma.local [hbm:s10], $0x30E  }
0x1db: {  	s10 =	sld [smem:$0x7FC];
	_ =	sdelay $0x1  }
0x1dc: {  	s15 =	sadd.s32 $0x2DC6C, s15  }
0x1dd: {  	[spmem:s10], [sflag:s22] =	dma.local [hbm:s15], $0x30E  }
0x1de: {  	_ =	swait.ge [sflag:s17], $0x30E  }
0x1df: {  	[sflag:s17] =	ssyncset.done $0x0  }
0x1e0: {  	[sflag:s17] =	ssyncadd.s32 $0xFFFFFCF2  }
0x1e1: {  	_ =	swait.ge [sflag:s17], $0x30E  }
0x1e2: {  	[sflag:s17] =	ssyncset.done $0x0  }
0x1e3: {  	[sflag:s17] =	ssyncadd.s32 $0xFFFFFCF2  }
0x1e4: {  	_ =	swait.ge [sflag:s17], $0x30E  }
0x1e5: {  	[sflag:s17] =	ssyncset.done $0x0  }
0x1e6: {  	[sflag:s17] =	ssyncadd.s32 $0xFFFFFCF2  }
0x1e7: {  	_ =	swait.ge [sflag:s17], $0x30E  }
0x1e8: {  	[sflag:s17] =	ssyncset.done $0x0  }
0x1e9: {  	[sflag:s17] =	ssyncadd.s32 $0xFFFFFCF2  }
0x1ea: {  	s16 =	simm.s32 $0x400;
	s15 =	simm.s32 $0x3400;
	[bflag:$0x0] =	sbarrier.arrive $0xFFFF  }
0x1eb: {  	[tilespmem:s15], [sflag:$0x4] =	stream.indirect.gather [spmem:s2], $0x1, s16, s18, $0xb8;
	[tilespmem:$0x11750] =	vst v63  }
0x1ec: {  	s15 =	simm.s32 $0x3480;
	s16 =	simm.s32 $0x480  }
0x1ed: {  	[tilespmem:s15], [sflag:$0x4] =	stream.indirect.gather [spmem:s2], $0x1, s16, s18, $0xb8;
	[tilespmem:$0x11750] =	vst v63  }
0x1ee: {  	s15 =	simm.s32 $0x3500;
	s16 =	simm.s32 $0x500  }
0x1ef: {  	[tilespmem:s15], [sflag:$0x4] =	stream.indirect.gather [spmem:s2], $0x1, s16, s18, $0xb8;
	[tilespmem:$0x11750] =	vst v63  }
0x1f0: {  	s15 =	simm.s32 $0x3580;
	s16 =	simm.s32 $0x580  }
0x1f1: {  	[tilespmem:s15], [sflag:$0x4] =	stream.indirect.gather [spmem:s2], $0x1, s16, s18, $0xb8;
	[tilespmem:$0x11750] =	vst v63  }
0x1f2: {  	s15 =	simm.s32 $0x3600;
	s16 =	simm.s32 $0x600  }
0x1f3: {  	[tilespmem:s15], [sflag:$0x4] =	stream.indirect.gather [spmem:s2], $0x1, s16, s18, $0xb8;
	[tilespmem:$0x11750] =	vst v63  }
0x1f4: {  	s15 =	simm.s32 $0x3680;
	s16 =	simm.s32 $0x680  }
0x1f5: {  	[tilespmem:s15], [sflag:$0x4] =	stream.indirect.gather [spmem:s2], $0x1, s16, s18, $0xb8;
	[tilespmem:$0x11750] =	vst v63  }
0x1f6: {  	s15 =	simm.s32 $0x3700;
	s16 =	simm.s32 $0x700  }
0x1f7: {  	[tilespmem:s15], [sflag:$0x4] =	stream.indirect.gather [spmem:s2], $0x1, s16, s18, $0xb8;
	[tilespmem:$0x11750] =	vst v63  }
0x1f8: {  	s15 =	simm.s32 $0x3780;
	s16 =	simm.s32 $0x780  }
0x1f9: {  	[tilespmem:s15], [sflag:$0x4] =	stream.indirect.gather [spmem:s2], $0x1, s16, s18, $0xb8;
	[tilespmem:$0x11750] =	vst v63  }
0x1fa: {  	s15 =	simm.s32 $0x3800;
	s16 =	simm.s32 $0x800  }
0x1fb: {  	[tilespmem:s15], [sflag:$0x4] =	stream.indirect.gather [spmem:s2], $0x1, s16, s18, $0xb8;
	[tilespmem:$0x11750] =	vst v63  }
0x1fc: {  	s15 =	simm.s32 $0x3880;
	s16 =	simm.s32 $0x880  }
0x1fd: {  	[tilespmem:s15], [sflag:$0x4] =	stream.indirect.gather [spmem:s2], $0x1, s16, s18, $0xb8;
	[tilespmem:$0x11750] =	vst v63  }
0x1fe: {  	s15 =	simm.s32 $0x3900;
	s16 =	simm.s32 $0x900  }
0x1ff: {  	[tilespmem:s15], [sflag:$0x4] =	stream.indirect.gather [spmem:s2], $0x1, s16, s18, $0xb8;
	[tilespmem:$0x11750] =	vst v63  }
0x200: {  	s15 =	simm.s32 $0x3980;
	s16 =	simm.s32 $0x980  }
0x201: {  	[tilespmem:s15], [sflag:$0x4] =	stream.indirect.gather [spmem:s2], $0x1, s16, s18, $0xb8;
	[tilespmem:$0x11750] =	vst v63  }
0x202: {  	s15 =	simm.s32 $0x3A00;
	s16 =	simm.s32 $0xA00  }
0x203: {  	[tilespmem:s15], [sflag:$0x4] =	stream.indirect.gather [spmem:s2], $0x1, s16, s18, $0xb8;
	[tilespmem:$0x11750] =	vst v63  }
0x204: {  	s15 =	simm.s32 $0x3A80;
	s16 =	simm.s32 $0xA80  }
0x205: {  	[tilespmem:s15], [sflag:$0x4] =	stream.indirect.gather [spmem:s2], $0x1, s16, s18, $0xb8;
	[tilespmem:$0x11750] =	vst v63  }
0x206: {  	s15 =	simm.s32 $0x3B00;
	s16 =	simm.s32 $0xB00  }
0x207: {  	[tilespmem:s15], [sflag:$0x4] =	stream.indirect.gather [spmem:s2], $0x1, s16, s18, $0xb8;
	[tilespmem:$0x11750] =	vst v63  }
0x208: {  	s15 =	simm.s32 $0x3B80;
	s16 =	simm.s32 $0xB80  }
0x209: {  	[tilespmem:s15], [sflag:$0x4] =	stream.indirect.gather [spmem:s2], $0x1, s16, s18, $0xb8;
	[tilespmem:$0x11750] =	vst v63  }
0x20a: {  	s15 =	simm.s32 $0x3C00;
	s16 =	simm.s32 $0xC00  }
0x20b: {  	[tilespmem:s15], [sflag:$0x4] =	stream.indirect.gather [spmem:s2], $0x1, s16, s18, $0xb8;
	[tilespmem:$0x11750] =	vst v63  }
0x20c: {  	s15 =	simm.s32 $0x3C80;
	s16 =	simm.s32 $0xC80  }
0x20d: {  	[tilespmem:s15], [sflag:$0x4] =	stream.indirect.gather [spmem:s2], $0x1, s16, s18, $0xb8;
	[tilespmem:$0x11750] =	vst v63  }
0x20e: {  	s15 =	simm.s32 $0x3D00;
	s16 =	simm.s32 $0xD00  }
0x20f: {  	[tilespmem:s15], [sflag:$0x4] =	stream.indirect.gather [spmem:s2], $0x1, s16, s18, $0xb8;
	[tilespmem:$0x11750] =	vst v63  }
0x210: {  	s15 =	simm.s32 $0x3D80;
	s16 =	simm.s32 $0xD80  }
0x211: {  	[tilespmem:s15], [sflag:$0x4] =	stream.indirect.gather [spmem:s2], $0x1, s16, s18, $0xb8;
	[tilespmem:$0x11750] =	vst v63  }
0x212: {  	s16 =	simm.s32 $0x3E00  }
0x213: {  	[tilespmem:s16], [sflag:$0x4] =	stream.indirect.gather [spmem:s2], $0x1, s19, s18, $0xb8;
	[tilespmem:$0x11750] =	vst v63  }
0x214: {  	s19 =	simm.s32 $0x3E80;
	s16 =	simm.s32 $0xE80  }
0x215: {  	[tilespmem:s19], [sflag:$0x4] =	stream.indirect.gather [spmem:s2], $0x1, s16, s18, $0xb8;
	[tilespmem:$0x11750] =	vst v63  }
0x216: {  	s15 =	simm.s32 $0x3F00;
	s16 =	simm.s32 $0xF00  }
0x217: {  	[tilespmem:s15], [sflag:$0x4] =	stream.indirect.gather [spmem:s2], $0x1, s16, s18, $0xb8;
	[tilespmem:$0x11750] =	vst v63  }
0x218: {  	s15 =	simm.s32 $0x3F80;
	s16 =	simm.s32 $0xF80  }
0x219: {  	[tilespmem:s15], [sflag:$0x4] =	stream.indirect.gather [spmem:s2], $0x1, s16, s18, $0xb8;
	[tilespmem:$0x11750] =	vst v63  }
0x21a: {  	s15 =	simm.s32 $0x4000  }
0x21b: {  	[tilespmem:s15], [sflag:$0x4] =	stream.indirect.gather [spmem:s2], $0x1, s20, s18, $0xb8;
	[tilespmem:$0x11750] =	vst v63  }
0x21c: {  	s15 =	simm.s32 $0x4080  }
0x21d: {  	[tilespmem:s15], [sflag:$0x4] =	stream.indirect.gather [spmem:s2], $0x1, s21, s18, $0xb8;
	[tilespmem:$0x11750] =	vst v63  }
0x21e: {  	s15 =	simm.s32 $0x4100  }
0x21f: {  	[tilespmem:s15], [sflag:$0x4] =	stream.indirect.gather [spmem:s2], $0x1, s24, s18, $0xb8;
	[tilespmem:$0x11750] =	vst v63  }
0x220: {  	s15 =	simm.s32 $0x4180  }
0x221: {  	[tilespmem:s15], [sflag:$0x4] =	stream.indirect.gather [spmem:s2], $0x1, s25, s18, $0xb8;
	[tilespmem:$0x11750] =	vst v63  }
0x222: {  	s15 =	simm.s32 $0x4200  }
0x223: {  	[tilespmem:s15], [sflag:$0x4] =	stream.indirect.gather [spmem:s2], $0x1, s26, s18, $0xb8;
	[tilespmem:$0x11750] =	vst v63  }
0x224: {  	s15 =	simm.s32 $0x4280  }
0x225: {  	[tilespmem:s15], [sflag:$0x4] =	stream.indirect.gather [spmem:s2], $0x1, s28, s18, $0xb8;
	[tilespmem:$0x11750] =	vst v63  }
0x226: {  	s15 =	simm.s32 $0x4300  }
0x227: {  	[tilespmem:s15], [sflag:$0x4] =	stream.indirect.gather [spmem:s2], $0x1, s29, s18, $0xb8;
	[tilespmem:$0x11750] =	vst v63  }
0x228: {  	s15 =	simm.s32 $0x4380  }
0x229: {  	[tilespmem:s15], [sflag:$0x4] =	stream.indirect.gather [spmem:s2], $0x1, s30, s18, $0xb8;
	[tilespmem:$0x11750] =	vst v63  }
0x22a: {  	_ =	swait.ge [sflag:s31], $0x80  }
0x22b: {  	[sflag:s31] =	ssyncset.done $0x0  }
0x22c: {  	[sflag:s31] =	ssyncadd.s32 $0xFFFFFF80  }
0x22d: {  	_ =	swait.ge [sflag:s31], $0x80  }
0x22e: {  	[sflag:s31] =	ssyncset.done $0x0  }
0x22f: {  	[sflag:s31] =	ssyncadd.s32 $0xFFFFFF80  }
0x230: {  	_ =	swait.ge [sflag:s31], $0x80  }
0x231: {  	[sflag:s31] =	ssyncset.done $0x0  }
0x232: {  	[sflag:s31] =	ssyncadd.s32 $0xFFFFFF80  }
0x233: {  	_ =	swait.ge [sflag:s31], $0x80  }
0x234: {  	[sflag:s31] =	ssyncset.done $0x0  }
0x235: {  	[sflag:s31] =	ssyncadd.s32 $0xFFFFFF80  }
0x236: {  	_ =	swait.ge [sflag:s31], $0x80  }
0x237: {  	[sflag:s31] =	ssyncset.done $0x0  }
0x238: {  	[sflag:s31] =	ssyncadd.s32 $0xFFFFFF80  }
0x239: {  	_ =	swait.ge [sflag:s31], $0x80  }
0x23a: {  	[sflag:s31] =	ssyncset.done $0x0  }
0x23b: {  	[sflag:s31] =	ssyncadd.s32 $0xFFFFFF80  }
0x23c: {  	_ =	swait.ge [sflag:s31], $0x80  }
0x23d: {  	[sflag:s31] =	ssyncset.done $0x0  }
0x23e: {  	[sflag:s31] =	ssyncadd.s32 $0xFFFFFF80  }
0x23f: {  	_ =	swait.ge [sflag:s31], $0x80  }
0x240: {  	[sflag:s31] =	ssyncset.done $0x0  }
0x241: {  	[sflag:s31] =	ssyncadd.s32 $0xFFFFFF80  }
0x242: {  	_ =	swait.ge [sflag:s31], $0x80  }
0x243: {  	[sflag:s31] =	ssyncset.done $0x0  }
0x244: {  	[sflag:s31] =	ssyncadd.s32 $0xFFFFFF80  }
0x245: {  	_ =	swait.ge [sflag:s31], $0x80  }
0x246: {  	[sflag:s31] =	ssyncset.done $0x0  }
0x247: {  	[sflag:s31] =	ssyncadd.s32 $0xFFFFFF80  }
0x248: {  	_ =	swait.ge [sflag:s31], $0x80  }
0x249: {  	[sflag:s31] =	ssyncset.done $0x0  }
0x24a: {  	[sflag:s31] =	ssyncadd.s32 $0xFFFFFF80  }
0x24b: {  	_ =	swait.ge [sflag:s31], $0x80  }
0x24c: {  	[sflag:s31] =	ssyncset.done $0x0  }
0x24d: {  	[sflag:s31] =	ssyncadd.s32 $0xFFFFFF80  }
0x24e: {  	_ =	swait.ge [sflag:s31], $0x80  }
0x24f: {  	[sflag:s31] =	ssyncset.done $0x0  }
0x250: {  	[sflag:s31] =	ssyncadd.s32 $0xFFFFFF80  }
0x251: {  	_ =	swait.ge [sflag:s31], $0x80  }
0x252: {  	[sflag:s31] =	ssyncset.done $0x0  }
0x253: {  	[sflag:s31] =	ssyncadd.s32 $0xFFFFFF80  }
0x254: {  	_ =	swait.ge [sflag:s31], $0x80  }
0x255: {  	[sflag:s31] =	ssyncset.done $0x0  }
0x256: {  	[sflag:s31] =	ssyncadd.s32 $0xFFFFFF80  }
0x257: {  	_ =	swait.ge [sflag:s31], $0x80  }
0x258: {  	[sflag:s31] =	ssyncset.done $0x0  }
0x259: {  	[sflag:s31] =	ssyncadd.s32 $0xFFFFFF80  }
0x25a: {  	_ =	swait.ge [sflag:s31], $0x80  }
0x25b: {  	[sflag:s31] =	ssyncset.done $0x0  }
0x25c: {  	[sflag:s31] =	ssyncadd.s32 $0xFFFFFF80  }
0x25d: {  	_ =	swait.ge [sflag:s31], $0x80  }
0x25e: {  	[sflag:s31] =	ssyncset.done $0x0  }
0x25f: {  	[sflag:s31] =	ssyncadd.s32 $0xFFFFFF80  }
0x260: {  	_ =	swait.ge [sflag:s31], $0x80  }
0x261: {  	[sflag:s31] =	ssyncset.done $0x0  }
0x262: {  	[sflag:s31] =	ssyncadd.s32 $0xFFFFFF80  }
0x263: {  	_ =	swait.ge [sflag:s31], $0x80  }
0x264: {  	[sflag:s31] =	ssyncset.done $0x0  }
0x265: {  	[sflag:s31] =	ssyncadd.s32 $0xFFFFFF80  }
0x266: {  	_ =	swait.ge [sflag:s31], $0x80  }
0x267: {  	[sflag:s31] =	ssyncset.done $0x0  }
0x268: {  	[sflag:s31] =	ssyncadd.s32 $0xFFFFFF80  }
0x269: {  	_ =	swait.ge [sflag:s31], $0x80  }
0x26a: {  	[sflag:s31] =	ssyncset.done $0x0  }
0x26b: {  	[sflag:s31] =	ssyncadd.s32 $0xFFFFFF80  }
0x26c: {  	_ =	swait.ge [sflag:s31], $0x80  }
0x26d: {  	[sflag:s31] =	ssyncset.done $0x0  }
0x26e: {  	[sflag:s31] =	ssyncadd.s32 $0xFFFFFF80  }
0x26f: {  	_ =	swait.ge [sflag:s31], $0x80  }
0x270: {  	[sflag:s31] =	ssyncset.done $0x0  }
0x271: {  	[sflag:s31] =	ssyncadd.s32 $0xFFFFFF80  }
0x272: {  	_ =	swait.ge [sflag:s31], $0x80  }
0x273: {  	[sflag:s31] =	ssyncset.done $0x0  }
0x274: {  	[sflag:s31] =	ssyncadd.s32 $0xFFFFFF80  }
0x275: {  	_ =	swait.ge [sflag:s31], $0x80  }
0x276: {  	[sflag:s31] =	ssyncset.done $0x0  }
0x277: {  	[sflag:s31] =	ssyncadd.s32 $0xFFFFFF80  }
0x278: {  	_ =	swait.ge [sflag:s31], $0x80  }
0x279: {  	[sflag:s31] =	ssyncset.done $0x0  }
0x27a: {  	[sflag:s31] =	ssyncadd.s32 $0xFFFFFF80  }
0x27b: {  	_ =	swait.ge [sflag:s31], $0x80  }
0x27c: {  	[sflag:s31] =	ssyncset.done $0x0  }
0x27d: {  	[sflag:s31] =	ssyncadd.s32 $0xFFFFFF80  }
0x27e: {  	_ =	swait.ge [sflag:s31], $0x80  }
0x27f: {  	[sflag:s31] =	ssyncset.done $0x0  }
0x280: {  	[sflag:s31] =	ssyncadd.s32 $0xFFFFFF80  }
0x281: {  	_ =	swait.ge [sflag:s31], $0x80  }
0x282: {  	[sflag:s31] =	ssyncset.done $0x0  }
0x283: {  	[sflag:s31] =	ssyncadd.s32 $0xFFFFFF80  }
0x284: {  	_ =	swait.ge [sflag:s31], $0x80  }
0x285: {  	[sflag:s31] =	ssyncset.done $0x0  }
0x286: {  	s12 =	smul.u32 $0x186A00, s12;
	[sflag:s31] =	ssyncadd.s32 $0xFFFFFF80  }
0x287: {  	_ =	swait.ge [sflag:s31], $0x80  }
0x288: {  	s12 =	sadd.s32 s14, s12;
	[sflag:s31] =	ssyncset.done $0x0  }
0x289: {  	s12 =	sshrl.u32 s12, $0x3;
	[sflag:s31] =	ssyncadd.s32 $0xFFFFFF80  }
0x28a: {  	s12 =	sadd.s32 s11, s12;
	[bflag:$0x0] =	sbarrier.arrive $0xFFFF  }
0x28b: {  	[spmem:s0], [sflag:s1] =	dma.local [hbm:s12], $0x30E  }
0x28c: {  	s0 =	sadd.s32 $0x30D4, s12  }
0x28d: {  	[spmem:s4], [sflag:s1] =	dma.local [hbm:s0], $0x30E  }
0x28e: {  	s11 =	sadd.s32 $0x927C, s12;
	s4 =	sadd.s32 $0x61A8, s12  }
0x28f: {  	[spmem:s5], [sflag:s1] =	dma.local [hbm:s4], $0x30E  }
0x290: {  	[spmem:s6], [sflag:s1] =	dma.local [hbm:s11], $0x30E  }
0x291: {  	_ =	swait.ge [sflag:s13], $0x30E  }
0x292: {  	[sflag:s13] =	ssyncset.done $0x0  }
0x293: {  	[sflag:s13] =	ssyncadd.s32 $0xFFFFFCF2  }
0x294: {  	_ =	swait.ge [sflag:s13], $0x30E  }
0x295: {  	[sflag:s13] =	ssyncset.done $0x0  }
0x296: {  	[sflag:s13] =	ssyncadd.s32 $0xFFFFFCF2  }
0x297: {  	_ =	swait.ge [sflag:s13], $0x30E  }
0x298: {  	[sflag:s13] =	ssyncset.done $0x0  }
0x299: {  	[sflag:s13] =	ssyncadd.s32 $0xFFFFFCF2  }
0x29a: {  	_ =	swait.ge [sflag:s13], $0x30E  }
0x29b: {  	[sflag:s13] =	ssyncset.done $0x0  }
0x29c: {  	[sflag:s13] =	ssyncadd.s32 $0xFFFFFCF2  }
0x29d: {  	s14 =	simm.s32 $0x4400;
	s15 =	simm.s32 $0x400;
	[bflag:$0x0] =	sbarrier.arrive $0xFFFF  }
0x29e: {  	[tilespmem:s14], [sflag:$0x4] =	stream.indirect.gather [spmem:s3], $0x1, s15, s18, $0xb8;
	[tilespmem:$0x11750] =	vst v63  }
0x29f: {  	s4 =	simm.s32 $0x4480;
	s11 =	simm.s32 $0x480  }
0x2a0: {  	[tilespmem:s4], [sflag:$0x4] =	stream.indirect.gather [spmem:s3], $0x1, s11, s18, $0xb8;
	[tilespmem:$0x11750] =	vst v63  }
0x2a1: {  	s14 =	simm.s32 $0x4500;
	s15 =	simm.s32 $0x500  }
0x2a2: {  	[tilespmem:s14], [sflag:$0x4] =	stream.indirect.gather [spmem:s3], $0x1, s15, s18, $0xb8;
	[tilespmem:$0x11750] =	vst v63  }
0x2a3: {  	s6 =	simm.s32 $0x4580;
	s11 =	simm.s32 $0x580  }
0x2a4: {  	[tilespmem:s6], [sflag:$0x4] =	stream.indirect.gather [spmem:s3], $0x1, s11, s18, $0xb8;
	[tilespmem:$0x11750] =	vst v63  }
0x2a5: {  	s14 =	simm.s32 $0x4600;
	s15 =	simm.s32 $0x600  }
0x2a6: {  	[tilespmem:s14], [sflag:$0x4] =	stream.indirect.gather [spmem:s3], $0x1, s15, s18, $0xb8;
	[tilespmem:$0x11750] =	vst v63  }
0x2a7: {  	s6 =	simm.s32 $0x4680;
	s11 =	simm.s32 $0x680  }
0x2a8: {  	[tilespmem:s6], [sflag:$0x4] =	stream.indirect.gather [spmem:s3], $0x1, s11, s18, $0xb8;
	[tilespmem:$0x11750] =	vst v63  }
0x2a9: {  	s14 =	simm.s32 $0x4700;
	s15 =	simm.s32 $0x700  }
0x2aa: {  	[tilespmem:s14], [sflag:$0x4] =	stream.indirect.gather [spmem:s3], $0x1, s15, s18, $0xb8;
	[tilespmem:$0x11750] =	vst v63  }
0x2ab: {  	s6 =	simm.s32 $0x4780;
	s11 =	simm.s32 $0x780  }
0x2ac: {  	[tilespmem:s6], [sflag:$0x4] =	stream.indirect.gather [spmem:s3], $0x1, s11, s18, $0xb8;
	[tilespmem:$0x11750] =	vst v63  }
0x2ad: {  	s14 =	simm.s32 $0x4800;
	s15 =	simm.s32 $0x800  }
0x2ae: {  	[tilespmem:s14], [sflag:$0x4] =	stream.indirect.gather [spmem:s3], $0x1, s15, s18, $0xb8;
	[tilespmem:$0x11750] =	vst v63  }
0x2af: {  	s6 =	simm.s32 $0x4880;
	s11 =	simm.s32 $0x880  }
0x2b0: {  	[tilespmem:s6], [sflag:$0x4] =	stream.indirect.gather [spmem:s3], $0x1, s11, s18, $0xb8;
	[tilespmem:$0x11750] =	vst v63  }
0x2b1: {  	s14 =	simm.s32 $0x4900;
	s15 =	simm.s32 $0x900  }
0x2b2: {  	[tilespmem:s14], [sflag:$0x4] =	stream.indirect.gather [spmem:s3], $0x1, s15, s18, $0xb8;
	[tilespmem:$0x11750] =	vst v63  }
0x2b3: {  	s6 =	simm.s32 $0x4980;
	s11 =	simm.s32 $0x980  }
0x2b4: {  	[tilespmem:s6], [sflag:$0x4] =	stream.indirect.gather [spmem:s3], $0x1, s11, s18, $0xb8;
	[tilespmem:$0x11750] =	vst v63  }
0x2b5: {  	s14 =	simm.s32 $0x4A00;
	s15 =	simm.s32 $0xA00  }
0x2b6: {  	[tilespmem:s14], [sflag:$0x4] =	stream.indirect.gather [spmem:s3], $0x1, s15, s18, $0xb8;
	[tilespmem:$0x11750] =	vst v63  }
0x2b7: {  	s6 =	simm.s32 $0x4A80;
	s11 =	simm.s32 $0xA80  }
0x2b8: {  	[tilespmem:s6], [sflag:$0x4] =	stream.indirect.gather [spmem:s3], $0x1, s11, s18, $0xb8;
	[tilespmem:$0x11750] =	vst v63  }
0x2b9: {  	s14 =	simm.s32 $0x4B00;
	s15 =	simm.s32 $0xB00  }
0x2ba: {  	[tilespmem:s14], [sflag:$0x4] =	stream.indirect.gather [spmem:s3], $0x1, s15, s18, $0xb8;
	[tilespmem:$0x11750] =	vst v63  }
0x2bb: {  	s6 =	simm.s32 $0x4B80;
	s11 =	simm.s32 $0xB80  }
0x2bc: {  	[tilespmem:s6], [sflag:$0x4] =	stream.indirect.gather [spmem:s3], $0x1, s11, s18, $0xb8;
	[tilespmem:$0x11750] =	vst v63  }
0x2bd: {  	s14 =	simm.s32 $0x4C00;
	s15 =	simm.s32 $0xC00  }
0x2be: {  	[tilespmem:s14], [sflag:$0x4] =	stream.indirect.gather [spmem:s3], $0x1, s15, s18, $0xb8;
	[tilespmem:$0x11750] =	vst v63  }
0x2bf: {  	s6 =	simm.s32 $0x4C80;
	s11 =	simm.s32 $0xC80  }
0x2c0: {  	[tilespmem:s6], [sflag:$0x4] =	stream.indirect.gather [spmem:s3], $0x1, s11, s18, $0xb8;
	[tilespmem:$0x11750] =	vst v63  }
0x2c1: {  	s14 =	simm.s32 $0x4D00;
	s15 =	simm.s32 $0xD00  }
0x2c2: {  	[tilespmem:s14], [sflag:$0x4] =	stream.indirect.gather [spmem:s3], $0x1, s15, s18, $0xb8;
	[tilespmem:$0x11750] =	vst v63  }
0x2c3: {  	s6 =	simm.s32 $0x4D80;
	s11 =	simm.s32 $0xD80  }
0x2c4: {  	[tilespmem:s6], [sflag:$0x4] =	stream.indirect.gather [spmem:s3], $0x1, s11, s18, $0xb8;
	[tilespmem:$0x11750] =	vst v63  }
0x2c5: {  	s14 =	simm.s32 $0x4E00;
	s15 =	simm.s32 $0xE00  }
0x2c6: {  	[tilespmem:s14], [sflag:$0x4] =	stream.indirect.gather [spmem:s3], $0x1, s15, s18, $0xb8;
	[tilespmem:$0x11750] =	vst v63  }
0x2c7: {  	s19 =	simm.s32 $0xE80;
	s6 =	simm.s32 $0x4E80  }
0x2c8: {  	[tilespmem:s6], [sflag:$0x4] =	stream.indirect.gather [spmem:s3], $0x1, s19, s18, $0xb8;
	[tilespmem:$0x11750] =	vst v63  }
0x2c9: {  	s11 =	simm.s32 $0x4F00;
	s14 =	simm.s32 $0xF00  }
0x2ca: {  	[tilespmem:s11], [sflag:$0x4] =	stream.indirect.gather [spmem:s3], $0x1, s14, s18, $0xb8;
	[tilespmem:$0x11750] =	vst v63  }
0x2cb: {  	s15 =	simm.s32 $0x4F80  }
0x2cc: {  	[tilespmem:s15], [sflag:$0x4] =	stream.indirect.gather [spmem:s3], $0x1, s16, s18, $0xb8;
	[tilespmem:$0x11750] =	vst v63  }
0x2cd: {  	s20 =	simm.s32 $0x1000;
	s19 =	simm.s32 $0x5000  }
0x2ce: {  	[tilespmem:s19], [sflag:$0x4] =	stream.indirect.gather [spmem:s3], $0x1, s20, s18, $0xb8;
	[tilespmem:$0x11750] =	vst v63  }
0x2cf: {  	s21 =	simm.s32 $0x1080;
	s20 =	simm.s32 $0x5080  }
0x2d0: {  	[tilespmem:s20], [sflag:$0x4] =	stream.indirect.gather [spmem:s3], $0x1, s21, s18, $0xb8;
	[tilespmem:$0x11750] =	vst v63  }
0x2d1: {  	s24 =	simm.s32 $0x1100;
	s4 =	simm.s32 $0x5100  }
0x2d2: {  	[tilespmem:s4], [sflag:$0x4] =	stream.indirect.gather [spmem:s3], $0x1, s24, s18, $0xb8;
	[tilespmem:$0x11750] =	vst v63  }
0x2d3: {  	s25 =	simm.s32 $0x1180;
	s6 =	simm.s32 $0x5180  }
0x2d4: {  	[tilespmem:s6], [sflag:$0x4] =	stream.indirect.gather [spmem:s3], $0x1, s25, s18, $0xb8;
	[tilespmem:$0x11750] =	vst v63  }
0x2d5: {  	s26 =	simm.s32 $0x1200;
	s11 =	simm.s32 $0x5200  }
0x2d6: {  	[tilespmem:s11], [sflag:$0x4] =	stream.indirect.gather [spmem:s3], $0x1, s26, s18, $0xb8;
	[tilespmem:$0x11750] =	vst v63  }
0x2d7: {  	s28 =	simm.s32 $0x1280;
	s14 =	simm.s32 $0x5280  }
0x2d8: {  	[tilespmem:s14], [sflag:$0x4] =	stream.indirect.gather [spmem:s3], $0x1, s28, s18, $0xb8;
	[tilespmem:$0x11750] =	vst v63  }
0x2d9: {  	s29 =	simm.s32 $0x1300;
	s15 =	simm.s32 $0x5300  }
0x2da: {  	[tilespmem:s15], [sflag:$0x4] =	stream.indirect.gather [spmem:s3], $0x1, s29, s18, $0xb8;
	[tilespmem:$0x11750] =	vst v63  }
0x2db: {  	s30 =	simm.s32 $0x1380;
	s16 =	simm.s32 $0x5380  }
0x2dc: {  	[tilespmem:s16], [sflag:$0x4] =	stream.indirect.gather [spmem:s3], $0x1, s30, s18, $0xb8;
	[tilespmem:$0x11750] =	vst v63  }
0x2dd: {  	_ =	swait.ge [sflag:s31], $0x80  }
0x2de: {  	[sflag:s31] =	ssyncset.done $0x0  }
0x2df: {  	[sflag:s31] =	ssyncadd.s32 $0xFFFFFF80  }
0x2e0: {  	_ =	swait.ge [sflag:s31], $0x80  }
0x2e1: {  	[sflag:s31] =	ssyncset.done $0x0  }
0x2e2: {  	[sflag:s31] =	ssyncadd.s32 $0xFFFFFF80  }
0x2e3: {  	_ =	swait.ge [sflag:s31], $0x80  }
0x2e4: {  	[sflag:s31] =	ssyncset.done $0x0  }
0x2e5: {  	[sflag:s31] =	ssyncadd.s32 $0xFFFFFF80  }
0x2e6: {  	_ =	swait.ge [sflag:s31], $0x80  }
0x2e7: {  	[sflag:s31] =	ssyncset.done $0x0  }
0x2e8: {  	[sflag:s31] =	ssyncadd.s32 $0xFFFFFF80  }
0x2e9: {  	_ =	swait.ge [sflag:s31], $0x80  }
0x2ea: {  	[sflag:s31] =	ssyncset.done $0x0  }
0x2eb: {  	[sflag:s31] =	ssyncadd.s32 $0xFFFFFF80  }
0x2ec: {  	_ =	swait.ge [sflag:s31], $0x80  }
0x2ed: {  	[sflag:s31] =	ssyncset.done $0x0  }
0x2ee: {  	[sflag:s31] =	ssyncadd.s32 $0xFFFFFF80  }
0x2ef: {  	_ =	swait.ge [sflag:s31], $0x80  }
0x2f0: {  	[sflag:s31] =	ssyncset.done $0x0  }
0x2f1: {  	[sflag:s31] =	ssyncadd.s32 $0xFFFFFF80  }
0x2f2: {  	_ =	swait.ge [sflag:s31], $0x80  }
0x2f3: {  	[sflag:s31] =	ssyncset.done $0x0  }
0x2f4: {  	[sflag:s31] =	ssyncadd.s32 $0xFFFFFF80  }
0x2f5: {  	_ =	swait.ge [sflag:s31], $0x80  }
0x2f6: {  	[sflag:s31] =	ssyncset.done $0x0  }
0x2f7: {  	[sflag:s31] =	ssyncadd.s32 $0xFFFFFF80  }
0x2f8: {  	_ =	swait.ge [sflag:s31], $0x80  }
0x2f9: {  	[sflag:s31] =	ssyncset.done $0x0  }
0x2fa: {  	[sflag:s31] =	ssyncadd.s32 $0xFFFFFF80  }
0x2fb: {  	_ =	swait.ge [sflag:s31], $0x80  }
0x2fc: {  	[sflag:s31] =	ssyncset.done $0x0  }
0x2fd: {  	[sflag:s31] =	ssyncadd.s32 $0xFFFFFF80  }
0x2fe: {  	_ =	swait.ge [sflag:s31], $0x80  }
0x2ff: {  	[sflag:s31] =	ssyncset.done $0x0  }
0x300: {  	[sflag:s31] =	ssyncadd.s32 $0xFFFFFF80  }
0x301: {  	_ =	swait.ge [sflag:s31], $0x80  }
0x302: {  	[sflag:s31] =	ssyncset.done $0x0  }
0x303: {  	[sflag:s31] =	ssyncadd.s32 $0xFFFFFF80  }
0x304: {  	_ =	swait.ge [sflag:s31], $0x80  }
0x305: {  	[sflag:s31] =	ssyncset.done $0x0  }
0x306: {  	[sflag:s31] =	ssyncadd.s32 $0xFFFFFF80  }
0x307: {  	_ =	swait.ge [sflag:s31], $0x80  }
0x308: {  	[sflag:s31] =	ssyncset.done $0x0  }
0x309: {  	[sflag:s31] =	ssyncadd.s32 $0xFFFFFF80  }
0x30a: {  	_ =	swait.ge [sflag:s31], $0x80  }
0x30b: {  	[sflag:s31] =	ssyncset.done $0x0  }
0x30c: {  	[sflag:s31] =	ssyncadd.s32 $0xFFFFFF80  }
0x30d: {  	_ =	swait.ge [sflag:s31], $0x80  }
0x30e: {  	[sflag:s31] =	ssyncset.done $0x0  }
0x30f: {  	[sflag:s31] =	ssyncadd.s32 $0xFFFFFF80  }
0x310: {  	_ =	swait.ge [sflag:s31], $0x80  }
0x311: {  	[sflag:s31] =	ssyncset.done $0x0  }
0x312: {  	[sflag:s31] =	ssyncadd.s32 $0xFFFFFF80  }
0x313: {  	_ =	swait.ge [sflag:s31], $0x80  }
0x314: {  	[sflag:s31] =	ssyncset.done $0x0  }
0x315: {  	[sflag:s31] =	ssyncadd.s32 $0xFFFFFF80  }
0x316: {  	_ =	swait.ge [sflag:s31], $0x80  }
0x317: {  	[sflag:s31] =	ssyncset.done $0x0  }
0x318: {  	[sflag:s31] =	ssyncadd.s32 $0xFFFFFF80  }
0x319: {  	_ =	swait.ge [sflag:s31], $0x80  }
0x31a: {  	[sflag:s31] =	ssyncset.done $0x0  }
0x31b: {  	[sflag:s31] =	ssyncadd.s32 $0xFFFFFF80  }
0x31c: {  	_ =	swait.ge [sflag:s31], $0x80  }
0x31d: {  	[sflag:s31] =	ssyncset.done $0x0  }
0x31e: {  	[sflag:s31] =	ssyncadd.s32 $0xFFFFFF80  }
0x31f: {  	_ =	swait.ge [sflag:s31], $0x80  }
0x320: {  	[sflag:s31] =	ssyncset.done $0x0  }
0x321: {  	[sflag:s31] =	ssyncadd.s32 $0xFFFFFF80  }
0x322: {  	_ =	swait.ge [sflag:s31], $0x80  }
0x323: {  	[sflag:s31] =	ssyncset.done $0x0  }
0x324: {  	[sflag:s31] =	ssyncadd.s32 $0xFFFFFF80  }
0x325: {  	_ =	swait.ge [sflag:s31], $0x80  }
0x326: {  	[sflag:s31] =	ssyncset.done $0x0  }
0x327: {  	[sflag:s31] =	ssyncadd.s32 $0xFFFFFF80  }
0x328: {  	_ =	swait.ge [sflag:s31], $0x80  }
0x329: {  	[sflag:s31] =	ssyncset.done $0x0  }
0x32a: {  	[sflag:s31] =	ssyncadd.s32 $0xFFFFFF80  }
0x32b: {  	_ =	swait.ge [sflag:s31], $0x80  }
0x32c: {  	[sflag:s31] =	ssyncset.done $0x0  }
0x32d: {  	[sflag:s31] =	ssyncadd.s32 $0xFFFFFF80  }
0x32e: {  	_ =	swait.ge [sflag:s31], $0x80  }
0x32f: {  	[sflag:s31] =	ssyncset.done $0x0  }
0x330: {  	[sflag:s31] =	ssyncadd.s32 $0xFFFFFF80  }
0x331: {  	_ =	swait.ge [sflag:s31], $0x80  }
0x332: {  	[sflag:s31] =	ssyncset.done $0x0  }
0x333: {  	[sflag:s31] =	ssyncadd.s32 $0xFFFFFF80  }
0x334: {  	_ =	swait.ge [sflag:s31], $0x80  }
0x335: {  	[sflag:s31] =	ssyncset.done $0x0  }
0x336: {  	[sflag:s31] =	ssyncadd.s32 $0xFFFFFF80  }
0x337: {  	_ =	swait.ge [sflag:s31], $0x80  }
0x338: {  	[sflag:s31] =	ssyncset.done $0x0  }
0x339: {  	[sflag:s31] =	ssyncadd.s32 $0xFFFFFF80  }
0x33a: {  	_ =	swait.ge [sflag:s31], $0x80  }
0x33b: {  	[sflag:s31] =	ssyncset.done $0x0  }
0x33c: {  	s19 =	sadd.s32 $0xC350, s12;
	s20 =	sadd.s32 $0xF424, s12;
	[sflag:s31] =	ssyncadd.s32 $0xFFFFFF80  }
0x33d: {  	s21 =	sadd.s32 $0x124F8, s12;
	s12 =	sadd.s32 $0x155CC, s12;
	[bflag:$0x0] =	sbarrier.arrive $0xFFFF  }
0x33e: {  	[spmem:s7], [sflag:s22] =	dma.local [hbm:s19], $0x30E  }
0x33f: {  	[spmem:s8], [sflag:s22] =	dma.local [hbm:s20], $0x30E  }
0x340: {  	[spmem:s9], [sflag:s22] =	dma.local [hbm:s21], $0x30E  }
0x341: {  	[spmem:s10], [sflag:s22] =	dma.local [hbm:s12], $0x30E  }
0x342: {  	s24 =	sld [smem:$0x7F3]  }
0x343: {  	s23 =	sadd.s32 $0x1, s23  }
0x344: {  	p0 =	sne.s32 s23, $0xD  }
.Ltmp1:
0x345: {  	s26 =	rddreg [dreg:$0x8];
	s25 =	sshll.u32 s24, $0x12;
	(pc) =	sbr.rel @p0 .LBB2_2-.Ltmp1, $4  }
0x346: {  	s11 =	sor.u32 s26, s25  }
0x347: {  	s5 =	simm.s32 $0x400;
	s28 =	rddreg [dreg:$0x17];
	s11 =	sshrl.u32 s11, $0x3  }
0x348: {  	s29 =	simm.s32 $0x1400;
	s30 =	simm.s32 $0x4000;
	s11 =	sadd.s32 s11, s28  }
0x349: {  	[hbm4b:s11+s5] =	stream.strided.scatter [tilespmem:s29], [sflag:$0x5], $0x4000, s30, s5, $0x38;
	[tilespmem:$0x11750] =	vst v63  }
0x34a: {  	s0 =	simm.s32 $0x5  }
0x34b: {  	_ =	swait.ge [sflag:s0], $0x4000  }
0x34c: {  	[sflag:s0] =	ssyncset.done $0x0  }
0x34d: {  	s29 =	simm.s32 $0x3;
	[sflag:s0] =	ssyncadd.s32 $0xFFFFC000  }
0x34e: {  	_ =	swait.ge [sflag:s29], $0x400  }
0x34f: {  	[sflag:s29] =	ssyncset.done $0x0  }
0x350: {  	[sflag:s29] =	ssyncadd.s32 $0xFFFFFC00  }
0x351: {  	_ =	swait.ge [sflag:s17], $0x30E  }
0x352: {  	[sflag:s17] =	ssyncset.done $0x0  }
0x353: {  	[sflag:s17] =	ssyncadd.s32 $0xFFFFFCF2  }
0x354: {  	_ =	swait.ge [sflag:s17], $0x30E  }
0x355: {  	[sflag:s17] =	ssyncset.done $0x0  }
0x356: {  	[sflag:s17] =	ssyncadd.s32 $0xFFFFFCF2  }
0x357: {  	_ =	swait.ge [sflag:s17], $0x30E  }
0x358: {  	[sflag:s17] =	ssyncset.done $0x0  }
0x359: {  	[sflag:s17] =	ssyncadd.s32 $0xFFFFFCF2  }
0x35a: {  	_ =	swait.ge [sflag:s17], $0x30E  }
0x35b: {  	[sflag:s17] =	ssyncset.done $0x0  }
0x35c: {  	[sflag:s17] =	ssyncadd.s32 $0xFFFFFCF2  }
0x35d: {  	_ =	swait.ge [sflag:s13], $0x30E  }
0x35e: {  	[sflag:s13] =	ssyncset.done $0x0  }
0x35f: {  	[sflag:s13] =	ssyncadd.s32 $0xFFFFFCF2  }
0x360: {  	_ =	swait.ge [sflag:s13], $0x30E  }
0x361: {  	[sflag:s13] =	ssyncset.done $0x0  }
0x362: {  	[sflag:s13] =	ssyncadd.s32 $0xFFFFFCF2  }
0x363: {  	_ =	swait.ge [sflag:s13], $0x30E  }
0x364: {  	[sflag:s13] =	ssyncset.done $0x0  }
0x365: {  	[sflag:s13] =	ssyncadd.s32 $0xFFFFFCF2  }
0x366: {  	_ =	swait.ge [sflag:s13], $0x30E  }
0x367: {  	s1 =	sld [smem:$0x7F4];
	_ =	sdelay $0x2  }
0x368: {  	s30 =	rddreg [dreg:$0x19];
	s1 =	sadd.s32 $0x1, s1  }
0x369: {  	p0 =	sne.s32 s1, s30  }
.Ltmp2:
0x36a: {  	_ = 	snop;
	(pc) =	sbr.rel @p0 .LBB2_1-.Ltmp2, $3  }
0x36b: {  	_ =	sdelay $0x1  }
0x36c: {  	[sflag:s13] =	ssyncset.done $0x0  }
0x36d: {  	[sflag:s13] =	ssyncadd.s32 $0xFFFFFCF2  }
0x36e: {  	_ =	sfence.sel $0x180000  }
0x36f: {  	[bflag:$0x0] =	sbarrier.arrive $0xFFFF  }
0x370: {  	_ =	strace $0x90000047  }
0x371: {  	s0 =	stileid.u32;
	[bflag:$0x2] =	sbarrier.arrive $0xFFFF  }
0x372: {  	p0 =	sne.s32 s0, $0x0;
	s0 =	rddreg [dreg:$0x5]  }
0x373: {  	s0 =	sadd.s32 @!p0 $0x100000, s0  }
0x374: {  	[sflag:s0] =	ssyncadd.tile.s32 @!p0 $0x1;
	_ =	shalt  }
.Lfunc_end2:
_tile_overlayer_lowered:
.L_overlay_start_2:
0x375: {  	(tag) =	ssettag $0x2  }
0x376: {  	s0 =	rddreg [dreg:$0x0];
	s2 =	stileid.u32  }
0x377: {  	s1 =	rddreg [dreg:$0x1];
	p0 =	sne.s32 s2, $0x0  }
0x378: {  	s3 =	rddreg [dreg:$0x2];
	[bflag:$0x3] =	sbarrier.arrive $0xFFFF;
	s2 =	simm.s32 @!p0 $0x1C06  }
0x379: {  	[timem:s3], [sflag:s2] =	dma.local @!p0 [hbm:s0], s1  }
0x37a: {  	s0 =	simm.s32 @!p0 $0x6  }
0x37b: {  	_ =	swait.ge @!p0 [sflag:s0], s1  }
0x37c: {  	s1 =	ssub.s32 @!p0 $0x0, s1;
	[sflag:s0] =	ssyncset.done @!p0 $0x0  }
0x37d: {  	[sflag:s0] =	ssyncadd.s32 @!p0 s1  }
0x37e: {  	[bflag:$0x3] =	sbarrier.arrive $0xFFFF  }
0x37f: {  	_ =	shalt  }

</sc_bundles>
